<compile_context>
chip_gen: v7x
topology: tpu7x:2x2x1
jax: 0.10.2.dev20260603
libtpu: 0.0.44.dev20260713+nightly
codegen_flags: <defaults>
</compile_context>

<pallas_src>
import functools

import jax
import jax.numpy as jnp
from jax import lax
from jax.experimental import pallas as pl
from jax.experimental.pallas import tpu as pltpu
from jax.experimental.pallas import tpu_sc as plsc

A = 4
NB = 56
IMW = 224
C = 96
N = 3136
DS = 384
D = 1536
BM = 784
BN = 448
MI = BM // NB
MJ = BN // NB
NI = N // BM
NJ = N // BN
NEG = -3.0e38


def _assemble_normalize(ref, s_ref, rows, out_ref):
    g = rows // NB
    val2 = ref[0].reshape(g, A, C, IMW)
    parts = []
    for u in range(A):
        vu = val2[:, u].reshape(g * C, IMW)
        qu = lax.dot_general(vu, s_ref[...], (((1,), (0,)), ((), ())),
                             precision=lax.Precision.HIGHEST,
                             preferred_element_type=jnp.float32)
        qt = jnp.transpose(qu.reshape(g, C, IMW), (0, 2, 1))
        qt = qt.reshape(g, A, NB, C)
        parts += [qt[:, v].reshape(rows, C) for v in range(A)]
    mean = None
    for p in parts:
        ps = jnp.sum(p, axis=1, keepdims=True)
        mean = ps if mean is None else mean + ps
    mean = mean * (1.0 / D)
    sq = None
    for p in parts:
        c = p - mean
        ps = jnp.sum(c * c, axis=1, keepdims=True)
        sq = ps if sq is None else sq + ps
    inv = 1.0 / (jnp.sqrt(sq) + 1e-5)
    out_ref[...] = jnp.concatenate([(p - mean) * inv for p in parts],
                                   axis=1)


def _ynorm_body(y_ref, s_ref, yn_ref):
    _assemble_normalize(y_ref, s_ref, BN, yn_ref)


def _normalize_y(y4, s):
    return pl.pallas_call(
        _ynorm_body,
        grid=(NJ,),
        in_specs=[
            pl.BlockSpec((1, A * MJ, C, IMW), lambda j: (j, 0, 0, 0)),
            pl.BlockSpec((IMW, IMW), lambda j: (0, 0)),
        ],
        out_specs=pl.BlockSpec((BN, D), lambda j: (j, 0)),
        out_shape=jax.ShapeDtypeStruct((N, D), jnp.float32),
    )(y4, s)


def _sim_body(x_ref, s_ref, yn_ref, idx_ref, loss_ref,
              xn_s, rmax_s, ridx_s, acc_s):
    i = pl.program_id(0)
    j = pl.program_id(1)

    @pl.when(j == 0)
    def _():
        _assemble_normalize(x_ref, s_ref, BM, xn_s)
        rmax_s[...] = jnp.full((BM, 1), NEG, jnp.float32)
        ridx_s[...] = jnp.zeros((BM, 1), jnp.int32)

    s = lax.dot_general(
        xn_s[...], yn_ref[...], (((1,), (1,)), ((), ())),
        preferred_element_type=jnp.float32,
    )
    col = j * BN + lax.broadcasted_iota(jnp.int32, (BM, BN), 1)
    bmax = jnp.max(s, axis=1, keepdims=True)
    cand = jnp.where(s == bmax, col, 2**31 - 1)
    bidx = jnp.min(cand, axis=1, keepdims=True)
    upd = bmax > rmax_s[...]
    ridx_s[...] = jnp.where(upd, bidx, ridx_s[...])
    rmax_s[...] = jnp.where(upd, bmax, rmax_s[...])

    @pl.when(j == NJ - 1)
    def _():
        idx_ref[...] = ridx_s[...]

        @pl.when(i == 0)
        def _():
            acc_s[0, 0] = 0.0

        acc_s[0, 0] += jnp.sum(1.0 - rmax_s[...])

        @pl.when(i == NI - 1)
        def _():
            loss_ref[...] = jnp.full((1, 1), acc_s[0, 0] / N, jnp.float32)


def _sim_argmax(x4, s, yn):
    return pl.pallas_call(
        _sim_body,
        grid=(NI, NJ),
        in_specs=[
            pl.BlockSpec((1, A * MI, C, IMW), lambda i, j: (i, 0, 0, 0)),
            pl.BlockSpec((IMW, IMW), lambda i, j: (0, 0)),
            pl.BlockSpec((BN, D), lambda i, j: (j, 0)),
        ],
        out_specs=[
            pl.BlockSpec((BM, 1), lambda i, j: (i, 0)),
            pl.BlockSpec((1, 1), lambda i, j: (0, 0)),
        ],
        out_shape=[
            jax.ShapeDtypeStruct((N, 1), jnp.int32),
            jax.ShapeDtypeStruct((1, 1), jnp.float32),
        ],
        scratch_shapes=[
            pltpu.VMEM((BM, D), jnp.float32),
            pltpu.VMEM((BM, 1), jnp.float32),
            pltpu.VMEM((BM, 1), jnp.int32),
            pltpu.SMEM((1, 1), jnp.float32),
        ],
        compiler_params=pltpu.CompilerParams(
            dimension_semantics=("arbitrary", "arbitrary"),
        ),
    )(x4, s, yn)


def _gather_rows(yn, idxp):
    info = plsc.get_sparse_core_info()
    nw = 28
    bpw = N // nw
    ch = 8
    nch = bpw // ch
    mesh = plsc.VectorSubcoreMesh(core_axis_name="c", subcore_axis_name="s")

    @functools.partial(
        pl.kernel, mesh=mesh,
        out_type=jax.ShapeDtypeStruct((NB, A, NB, DS), jnp.float32),
        scratch_types=[
            pltpu.VMEM((bpw,), jnp.int32),
            pltpu.VMEM((ch, D), jnp.float32),
            pltpu.VMEM((ch, D), jnp.float32),
            pltpu.SemaphoreType.DMA,
            pltpu.SemaphoreType.DMA,
            pltpu.SemaphoreType.DMA,
        ],
    )
    def k(yn_hbm, idx_hbm, out_hbm, idx_v, buf0, buf1, gsem0, gsem1, wsem):
        wid = lax.axis_index("s") * info.num_cores + lax.axis_index("c")

        @pl.when(wid < nw)
        def _():
            base = wid * bpw
            pltpu.sync_copy(idx_hbm.at[pl.ds(base, bpw)], idx_v)
            bufs = (buf0, buf1)
            gsems = (gsem0, gsem1)
            gathers = [None] * nch
            writes = [[] for _ in range(nch)]
            gathers[0] = pltpu.async_copy(
                yn_hbm.at[idx_v.at[pl.ds(0, ch)]], bufs[0], gsems[0])
            for c in range(nch):
                cur = bufs[c % 2]
                gathers[c].wait()
                if c + 1 < nch:
                    if c >= 1:
                        for h in writes[c - 1]:
                            h.wait()
                    gathers[c + 1] = pltpu.async_copy(
                        yn_hbm.at[idx_v.at[pl.ds((c + 1) * ch, ch)]],
                        bufs[(c + 1) % 2], gsems[(c + 1) % 2])
                bi = 2 * wid + (c // 7)
                bj = ch * (c % 7)
                for u in range(A):
                    writes[c].append(pltpu.make_async_copy(
                        cur.at[:, pl.ds(u * DS, DS)],
                        out_hbm.at[bi, u, pl.ds(bj, ch)],
                        wsem))
                    writes[c][-1].start()
            for c in (nch - 2, nch - 1):
                for h in writes[c]:
                    h.wait()

    return k(yn, idxp)


def kernel(x, y):
    shape = x.shape
    xt = jnp.transpose(x, (0, 1, 3, 2)).reshape(NI, A * MI, C, IMW)
    yt = jnp.transpose(y, (0, 1, 3, 2)).reshape(NJ, A * MJ, C, IMW)
    w = jnp.arange(IMW, dtype=jnp.int32)
    s = (w[:, None] == (A * (w % NB) + w // NB)[None, :]).astype(jnp.float32)
    yn = _normalize_y(yt, s)
    idx2, loss = _sim_argmax(xt, s, yn)
    new_x = _gather_rows(yn, idx2.reshape(N)).reshape(shape)
    return (loss[0, 0], new_x)

# --- scband reference (transcript-rebuilt; emitter-appended) ---
"""Pipeline reference for scband-cos-loss-7241314861436 (READ-ONLY COPY).

The authoritative reference and input builder live on the scoring server;
editing this copy changes nothing except your own understanding.
"""

import jax, jax.numpy as jnp
import numpy as np

BLOCKSIZE = 4

def _block(x, a, b):
    w, h, d = x.shape[-3:]
    x = jnp.reshape(x, x.shape[:-3] + (w // a, a, h // b, b, d))
    x = jnp.moveaxis(x, -4, -3)
    return x

def _combine(x, blocksize):
    x = _block(x, blocksize, blocksize)
    x = jnp.reshape(x, x.shape[:-3] + (-1,))
    return x

def _normalize(x):
    x = x - jnp.mean(x, axis=-1)[..., None]
    x = x / (jnp.linalg.norm(x, axis=-1)[..., None] + 1e-05)
    return x

def setup_inputs(seed: int = 0):
    key = jax.random.key(seed)
    k1, k2 = jax.random.split(key)
    x = jax.random.normal(k1, (1, 224, 224, 96), dtype=jnp.float32)
    y = jax.random.normal(k2, (1, 224, 224, 96), dtype=jnp.float32)
    return {"x": x, "y": y}

def reference(x, y):
    blocksize = BLOCKSIZE
    shape = x.shape
    xc = _normalize(_combine(x, blocksize))
    yc = _normalize(_combine(y, blocksize))
    yf = jnp.reshape(yc, (-1, yc.shape[-1]))
    sim = jnp.inner(xc, yf)
    piclosses = jnp.min(1 - sim, axis=-1)
    cosloss = jnp.mean(piclosses)
    I = (jnp.argmax(sim, axis=-1)[..., None] - jnp.arange(yf.shape[0])) == 0
    new_x = jnp.dot(I.astype(yf.dtype), yf)
    new_x = jnp.reshape(new_x, new_x.shape[:-1] + (blocksize, blocksize, -1))
    new_x = jnp.swapaxes(new_x, -4, -3)
    new_x = jnp.reshape(new_x, shape)
    return (cosloss, new_x)

if __name__ == "__main__":
    import jax
    _d = setup_inputs()
    print(jax.jit(kernel)(*tuple(_d.values())))

</pallas_src>

<mosaic_0001>
#map = affine_map<(d0, d1) -> (0, 0)>
#map1 = affine_map<(d0, d1) -> (0)>
#map2 = affine_map<(d0, d1) -> (0, 0, 0, 0)>
module attributes {stable_mosaic.version = 14 : i64} {
  func.func @k(%arg0: i32, %arg1: i32, %arg2: memref<3136x1536xf32, #tpu.memory_space<hbm>>, %arg3: memref<3136xi32, #tpu.memory_space<hbm>>, %arg4: memref<56x4x56x384xf32, #tpu.memory_space<hbm>>, %arg5: memref<112xi32, #tpu.memory_space<vmem>>, %arg6: memref<8x1536xf32, #tpu.memory_space<vmem>>, %arg7: memref<8x1536xf32, #tpu.memory_space<vmem>>, %arg8: memref<!tpu.dma_semaphore, #tpu.memory_space<semaphore_mem>>, %arg9: memref<!tpu.dma_semaphore, #tpu.memory_space<semaphore_mem>>, %arg10: memref<!tpu.dma_semaphore, #tpu.memory_space<semaphore_mem>>) attributes {dimension_semantics = [#tpu.dimension_semantics<core_parallel>, #tpu.dimension_semantics<subcore_parallel>], iteration_bounds = array<i64: 2, 16>, scalar_prefetch = 0 : i64, scratch_operands = 6 : i64, tpu.core_type = #tpu.core_type<sc_vector_subcore>, window_params = [{transform_indices = #map}, {transform_indices = #map1}, {transform_indices = #map2}]} {
    %mul3A = arith.constant 2 : i32
    %mul3A_0 = arith.muli %arg1, %mul3A : i32
    %add3A = arith.addi %mul3A_0, %arg0 : i32
    %lt3A = arith.constant 28 : i32
    %lt3A_1 = arith.cmpi slt, %add3A, %lt3A : i32
    %convert_element_type3A = arith.extui %lt3A_1 : i1 to i32
    %cond3A = arith.constant 0 : i32
    %cond3A_2 = arith.cmpi ne, %convert_element_type3A, %cond3A : i32
    scf.if %cond3A_2 {
      %mul3A_3 = arith.constant 112 : i32
      %mul3A_4 = arith.muli %add3A, %mul3A_3 : i32
      "tpu.region"() ({
        %run_scoped3A = tpu.sem_alloc : memref<!tpu.dma_semaphore, #tpu.memory_space<semaphore_mem>>
        %dma_start3A_1879 = tpu.memref_slice %arg3[%mul3A_4] : memref<3136xi32, #tpu.memory_space<hbm>> -> memref<112xi32, #tpu.memory_space<hbm>>
        %dma_start3A_1880 = tpu.memref_slice %arg3[%mul3A_4] : memref<3136xi32, #tpu.memory_space<hbm>> -> memref<112xi32, #tpu.memory_space<hbm>>
        tpu.enqueue_dma source(%dma_start3A_1880 : memref<112xi32, #tpu.memory_space<hbm>>) target(%arg5 : memref<112xi32, #tpu.memory_space<vmem>>) target_semaphore(%run_scoped3A : memref<!tpu.dma_semaphore, #tpu.memory_space<semaphore_mem>>)
        %dma_wait3A_1881 = tpu.memref_slice %arg3[%mul3A_4] : memref<3136xi32, #tpu.memory_space<hbm>> -> memref<112xi32, #tpu.memory_space<hbm>>
        %dma_wait3A_1882 = tpu.memref_slice %arg3[%mul3A_4] : memref<3136xi32, #tpu.memory_space<hbm>> -> memref<112xi32, #tpu.memory_space<hbm>>
        tpu.wait_dma2 semaphore(%run_scoped3A : memref<!tpu.dma_semaphore, #tpu.memory_space<semaphore_mem>>) src(%dma_wait3A_1882 : memref<112xi32, #tpu.memory_space<hbm>>) dst(%arg5 : memref<112xi32, #tpu.memory_space<vmem>>)
        tpu.yield
      }) : () -> ()
      %dma_start3A = arith.constant 0 : i32
      %dma_start3A_5 = tpu.memref_slice %arg5[%dma_start3A] : memref<112xi32, #tpu.memory_space<vmem>> -> memref<8xi32, #tpu.memory_space<vmem>>
      %dma_start3A_6 = arith.constant 0 : i32
      %dma_start3A_7 = arith.constant 0 : i32
      %dma_start3A_8 = tpu.memref_slice %arg2[%dma_start3A_6, %dma_start3A_7] : memref<3136x1536xf32, #tpu.memory_space<hbm>> -> memref<3136x1536xf32, #tpu.memory_space<hbm>>
      tpu.enqueue_indirect_dma source(%dma_start3A_8 : memref<3136x1536xf32, #tpu.memory_space<hbm>>) target(%arg6 : memref<8x1536xf32, #tpu.memory_space<vmem>>) offsets(%dma_start3A_5 : memref<8xi32, #tpu.memory_space<vmem>>) semaphore(%arg8 : memref<!tpu.dma_semaphore, #tpu.memory_space<semaphore_mem>>)
      %dma_wait3A = arith.constant 0 : i32
      %dma_wait3A_9 = tpu.memref_slice %arg5[%dma_wait3A] : memref<112xi32, #tpu.memory_space<vmem>> -> memref<8xi32, #tpu.memory_space<vmem>>
      %dma_wait3A_10 = arith.constant 0 : i32
      %dma_wait3A_11 = arith.constant 0 : i32
      %dma_wait3A_12 = tpu.memref_slice %arg2[%dma_wait3A_10, %dma_wait3A_11] : memref<3136x1536xf32, #tpu.memory_space<hbm>> -> memref<3136x1536xf32, #tpu.memory_space<hbm>>
      tpu.wait_indirect_dma semaphore(%arg8 : memref<!tpu.dma_semaphore, #tpu.memory_space<semaphore_mem>>) src(%dma_wait3A_12 : memref<3136x1536xf32, #tpu.memory_space<hbm>>) dst(%arg6 : memref<8x1536xf32, #tpu.memory_space<vmem>>)
      %dma_start3A_13 = arith.constant 8 : i32
      %dma_start3A_14 = tpu.memref_slice %arg5[%dma_start3A_13] : memref<112xi32, #tpu.memory_space<vmem>> -> memref<8xi32, #tpu.memory_space<vmem>>
      %dma_start3A_15 = arith.constant 0 : i32
      %dma_start3A_16 = arith.constant 0 : i32
      %dma_start3A_17 = tpu.memref_slice %arg2[%dma_start3A_15, %dma_start3A_16] : memref<3136x1536xf32, #tpu.memory_space<hbm>> -> memref<3136x1536xf32, #tpu.memory_space<hbm>>
      tpu.enqueue_indirect_dma source(%dma_start3A_17 : memref<3136x1536xf32, #tpu.memory_space<hbm>>) target(%arg7 : memref<8x1536xf32, #tpu.memory_space<vmem>>) offsets(%dma_start3A_14 : memref<8xi32, #tpu.memory_space<vmem>>) semaphore(%arg9 : memref<!tpu.dma_semaphore, #tpu.memory_space<semaphore_mem>>)
      %mul3A_18 = arith.constant 2 : i32
      %mul3A_19 = arith.muli %mul3A_18, %add3A : i32
      %add3A_20 = arith.constant 0 : i32
      %add3A_21 = arith.addi %mul3A_19, %add3A_20 : i32
      %dma_start3A_22 = arith.constant 0 : i32
      %dma_start3A_23 = arith.constant 0 : i32
      %dma_start3A_24 = arith.constant 0 : i32
      %dma_start3A_25 = tpu.memref_slice %arg6[%dma_start3A_23, %dma_start3A_24] : memref<8x1536xf32, #tpu.memory_space<vmem>> -> memref<8x384xf32, #tpu.memory_space<vmem>>
      %dma_start3A_26 = arith.constant 0 : i32
      %dma_start3A_27 = arith.constant 0 : i32
      %dma_start3A_28 = tpu.memref_slice %arg4[%add3A_21, %dma_start3A_22, %dma_start3A_26, %dma_start3A_27] : memref<56x4x56x384xf32, #tpu.memory_space<hbm>> -> memref<1x1x8x384xf32, #tpu.memory_space<hbm>>
      %dma_start3A_29 = tpu.memref_squeeze %dma_start3A_28 : memref<1x1x8x384xf32, #tpu.memory_space<hbm>> -> memref<8x384xf32, #tpu.memory_space<hbm>>
      %dma_start3A_30 = arith.constant 0 : i32
      %dma_start3A_31 = arith.constant 0 : i32
      %dma_start3A_32 = tpu.memref_slice %arg4[%add3A_21, %dma_start3A_22, %dma_start3A_30, %dma_start3A_31] : memref<56x4x56x384xf32, #tpu.memory_space<hbm>> -> memref<1x1x8x384xf32, #tpu.memory_space<hbm>>
      %dma_start3A_33 = tpu.memref_squeeze %dma_start3A_32 : memref<1x1x8x384xf32, #tpu.memory_space<hbm>> -> memref<8x384xf32, #tpu.memory_space<hbm>>
      %dma_start3A_34 = arith.constant 0 : i32
      %dma_start3A_35 = arith.constant 0 : i32
      %dma_start3A_36 = tpu.memref_slice %arg6[%dma_start3A_34, %dma_start3A_35] : memref<8x1536xf32, #tpu.memory_space<vmem>> -> memref<8x384xf32, #tpu.memory_space<vmem>>
      tpu.enqueue_dma source(%dma_start3A_36 : memref<8x384xf32, #tpu.memory_space<vmem>>) target(%dma_start3A_33 : memref<8x384xf32, #tpu.memory_space<hbm>>) target_semaphore(%arg10 : memref<!tpu.dma_semaphore, #tpu.memory_space<semaphore_mem>>)
      %dma_start3A_37 = arith.constant 1 : i32
      %dma_start3A_38 = arith.constant 0 : i32
      %dma_start3A_39 = arith.constant 384 : i32
      %dma_start3A_40 = tpu.memref_slice %arg6[%dma_start3A_38, %dma_start3A_39] : memref<8x1536xf32, #tpu.memory_space<vmem>> -> memref<8x384xf32, #tpu.memory_space<vmem>>
      %dma_start3A_41 = arith.constant 0 : i32
      %dma_start3A_42 = arith.constant 0 : i32
      %dma_start3A_43 = tpu.memref_slice %arg4[%add3A_21, %dma_start3A_37, %dma_start3A_41, %dma_start3A_42] : memref<56x4x56x384xf32, #tpu.memory_space<hbm>> -> memref<1x1x8x384xf32, #tpu.memory_space<hbm>>
      %dma_start3A_44 = tpu.memref_squeeze %dma_start3A_43 : memref<1x1x8x384xf32, #tpu.memory_space<hbm>> -> memref<8x384xf32, #tpu.memory_space<hbm>>
      %dma_start3A_45 = arith.constant 0 : i32
      %dma_start3A_46 = arith.constant 0 : i32
      %dma_start3A_47 = tpu.memref_slice %arg4[%add3A_21, %dma_start3A_37, %dma_start3A_45, %dma_start3A_46] : memref<56x4x56x384xf32, #tpu.memory_space<hbm>> -> memref<1x1x8x384xf32, #tpu.memory_space<hbm>>
      %dma_start3A_48 = tpu.memref_squeeze %dma_start3A_47 : memref<1x1x8x384xf32, #tpu.memory_space<hbm>> -> memref<8x384xf32, #tpu.memory_space<hbm>>
      %dma_start3A_49 = arith.constant 0 : i32
      %dma_start3A_50 = arith.constant 384 : i32
      %dma_start3A_51 = tpu.memref_slice %arg6[%dma_start3A_49, %dma_start3A_50] : memref<8x1536xf32, #tpu.memory_space<vmem>> -> memref<8x384xf32, #tpu.memory_space<vmem>>
      tpu.enqueue_dma source(%dma_start3A_51 : memref<8x384xf32, #tpu.memory_space<vmem>>) target(%dma_start3A_48 : memref<8x384xf32, #tpu.memory_space<hbm>>) target_semaphore(%arg10 : memref<!tpu.dma_semaphore, #tpu.memory_space<semaphore_mem>>)
      %dma_start3A_52 = arith.constant 2 : i32
      %dma_start3A_53 = arith.constant 0 : i32
      %dma_start3A_54 = arith.constant 768 : i32
      %dma_start3A_55 = tpu.memref_slice %arg6[%dma_start3A_53, %dma_start3A_54] : memref<8x1536xf32, #tpu.memory_space<vmem>> -> memref<8x384xf32, #tpu.memory_space<vmem>>
      %dma_start3A_56 = arith.constant 0 : i32
      %dma_start3A_57 = arith.constant 0 : i32
      %dma_start3A_58 = tpu.memref_slice %arg4[%add3A_21, %dma_start3A_52, %dma_start3A_56, %dma_start3A_57] : memref<56x4x56x384xf32, #tpu.memory_space<hbm>> -> memref<1x1x8x384xf32, #tpu.memory_space<hbm>>
      %dma_start3A_59 = tpu.memref_squeeze %dma_start3A_58 : memref<1x1x8x384xf32, #tpu.memory_space<hbm>> -> memref<8x384xf32, #tpu.memory_space<hbm>>
      %dma_start3A_60 = arith.constant 0 : i32
      %dma_start3A_61 = arith.constant 0 : i32
      %dma_start3A_62 = tpu.memref_slice %arg4[%add3A_21, %dma_start3A_52, %dma_start3A_60, %dma_start3A_61] : memref<56x4x56x384xf32, #tpu.memory_space<hbm>> -> memref<1x1x8x384xf32, #tpu.memory_space<hbm>>
      %dma_start3A_63 = tpu.memref_squeeze %dma_start3A_62 : memref<1x1x8x384xf32, #tpu.memory_space<hbm>> -> memref<8x384xf32, #tpu.memory_space<hbm>>
      %dma_start3A_64 = arith.constant 0 : i32
      %dma_start3A_65 = arith.constant 768 : i32
      %dma_start3A_66 = tpu.memref_slice %arg6[%dma_start3A_64, %dma_start3A_65] : memref<8x1536xf32, #tpu.memory_space<vmem>> -> memref<8x384xf32, #tpu.memory_space<vmem>>
      tpu.enqueue_dma source(%dma_start3A_66 : memref<8x384xf32, #tpu.memory_space<vmem>>) target(%dma_start3A_63 : memref<8x384xf32, #tpu.memory_space<hbm>>) target_semaphore(%arg10 : memref<!tpu.dma_semaphore, #tpu.memory_space<semaphore_mem>>)
      %dma_start3A_67 = arith.constant 3 : i32
      %dma_start3A_68 = arith.constant 0 : i32
      %dma_start3A_69 = arith.constant 1152 : i32
      %dma_start3A_70 = tpu.memref_slice %arg6[%dma_start3A_68, %dma_start3A_69] : memref<8x1536xf32, #tpu.memory_space<vmem>> -> memref<8x384xf32, #tpu.memory_space<vmem>>
      %dma_start3A_71 = arith.constant 0 : i32
      %dma_start3A_72 = arith.constant 0 : i32
      %dma_start3A_73 = tpu.memref_slice %arg4[%add3A_21, %dma_start3A_67, %dma_start3A_71, %dma_start3A_72] : memref<56x4x56x384xf32, #tpu.memory_space<hbm>> -> memref<1x1x8x384xf32, #tpu.memory_space<hbm>>
      %dma_start3A_74 = tpu.memref_squeeze %dma_start3A_73 : memref<1x1x8x384xf32, #tpu.memory_space<hbm>> -> memref<8x384xf32, #tpu.memory_space<hbm>>
      %dma_start3A_75 = arith.constant 0 : i32
      %dma_start3A_76 = arith.constant 0 : i32
      %dma_start3A_77 = tpu.memref_slice %arg4[%add3A_21, %dma_start3A_67, %dma_start3A_75, %dma_start3A_76] : memref<56x4x56x384xf32, #tpu.memory_space<hbm>> -> memref<1x1x8x384xf32, #tpu.memory_space<hbm>>
      %dma_start3A_78 = tpu.memref_squeeze %dma_start3A_77 : memref<1x1x8x384xf32, #tpu.memory_space<hbm>> -> memref<8x384xf32, #tpu.memory_space<hbm>>
      %dma_start3A_79 = arith.constant 0 : i32
      %dma_start3A_80 = arith.constant 1152 : i32
      %dma_start3A_81 = tpu.memref_slice %arg6[%dma_start3A_79, %dma_start3A_80] : memref<8x1536xf32, #tpu.memory_space<vmem>> -> memref<8x384xf32, #tpu.memory_space<vmem>>
      tpu.enqueue_dma source(%dma_start3A_81 : memref<8x384xf32, #tpu.memory_space<vmem>>) target(%dma_start3A_78 : memref<8x384xf32, #tpu.memory_space<hbm>>) target_semaphore(%arg10 : memref<!tpu.dma_semaphore, #tpu.memory_space<semaphore_mem>>)
      %dma_wait3A_82 = arith.constant 8 : i32
      %dma_wait3A_83 = tpu.memref_slice %arg5[%dma_wait3A_82] : memref<112xi32, #tpu.memory_space<vmem>> -> memref<8xi32, #tpu.memory_space<vmem>>
      %dma_wait3A_84 = arith.constant 0 : i32
      %dma_wait3A_85 = arith.constant 0 : i32
      %dma_wait3A_86 = tpu.memref_slice %arg2[%dma_wait3A_84, %dma_wait3A_85] : memref<3136x1536xf32, #tpu.memory_space<hbm>> -> memref<3136x1536xf32, #tpu.memory_space<hbm>>
      tpu.wait_indirect_dma semaphore(%arg9 : memref<!tpu.dma_semaphore, #tpu.memory_space<semaphore_mem>>) src(%dma_wait3A_86 : memref<3136x1536xf32, #tpu.memory_space<hbm>>) dst(%arg7 : memref<8x1536xf32, #tpu.memory_space<vmem>>)
      %dma_wait3A_87 = arith.constant 0 : i32
      %dma_wait3A_88 = arith.constant 0 : i32
      %dma_wait3A_89 = arith.constant 0 : i32
      %dma_wait3A_90 = tpu.memref_slice %arg6[%dma_wait3A_88, %dma_wait3A_89] : memref<8x1536xf32, #tpu.memory_space<vmem>> -> memref<8x384xf32, #tpu.memory_space<vmem>>
      %dma_wait3A_91 = arith.constant 0 : i32
      %dma_wait3A_92 = arith.constant 0 : i32
      %dma_wait3A_93 = tpu.memref_slice %arg4[%add3A_21, %dma_wait3A_87, %dma_wait3A_91, %dma_wait3A_92] : memref<56x4x56x384xf32, #tpu.memory_space<hbm>> -> memref<1x1x8x384xf32, #tpu.memory_space<hbm>>
      %dma_wait3A_94 = tpu.memref_squeeze %dma_wait3A_93 : memref<1x1x8x384xf32, #tpu.memory_space<hbm>> -> memref<8x384xf32, #tpu.memory_space<hbm>>
      %dma_wait3A_95 = arith.constant 0 : i32
      %dma_wait3A_96 = arith.constant 0 : i32
      %dma_wait3A_97 = tpu.memref_slice %arg4[%add3A_21, %dma_wait3A_87, %dma_wait3A_95, %dma_wait3A_96] : memref<56x4x56x384xf32, #tpu.memory_space<hbm>> -> memref<1x1x8x384xf32, #tpu.memory_space<hbm>>
      %dma_wait3A_98 = tpu.memref_squeeze %dma_wait3A_97 : memref<1x1x8x384xf32, #tpu.memory_space<hbm>> -> memref<8x384xf32, #tpu.memory_space<hbm>>
      %dma_wait3A_99 = arith.constant 0 : i32
      %dma_wait3A_100 = arith.constant 0 : i32
      %dma_wait3A_101 = tpu.memref_slice %arg6[%dma_wait3A_99, %dma_wait3A_100] : memref<8x1536xf32, #tpu.memory_space<vmem>> -> memref<8x384xf32, #tpu.memory_space<vmem>>
      tpu.wait_dma2 semaphore(%arg10 : memref<!tpu.dma_semaphore, #tpu.memory_space<semaphore_mem>>) src(%dma_wait3A_101 : memref<8x384xf32, #tpu.memory_space<vmem>>) dst(%dma_wait3A_98 : memref<8x384xf32, #tpu.memory_space<hbm>>)
      %dma_wait3A_102 = arith.constant 1 : i32
      %dma_wait3A_103 = arith.constant 0 : i32
      %dma_wait3A_104 = arith.constant 384 : i32
      %dma_wait3A_105 = tpu.memref_slice %arg6[%dma_wait3A_103, %dma_wait3A_104] : memref<8x1536xf32, #tpu.memory_space<vmem>> -> memref<8x384xf32, #tpu.memory_space<vmem>>
      %dma_wait3A_106 = arith.constant 0 : i32
      %dma_wait3A_107 = arith.constant 0 : i32
      %dma_wait3A_108 = tpu.memref_slice %arg4[%add3A_21, %dma_wait3A_102, %dma_wait3A_106, %dma_wait3A_107] : memref<56x4x56x384xf32, #tpu.memory_space<hbm>> -> memref<1x1x8x384xf32, #tpu.memory_space<hbm>>
      %dma_wait3A_109 = tpu.memref_squeeze %dma_wait3A_108 : memref<1x1x8x384xf32, #tpu.memory_space<hbm>> -> memref<8x384xf32, #tpu.memory_space<hbm>>
      %dma_wait3A_110 = arith.constant 0 : i32
      %dma_wait3A_111 = arith.constant 0 : i32
      %dma_wait3A_112 = tpu.memref_slice %arg4[%add3A_21, %dma_wait3A_102, %dma_wait3A_110, %dma_wait3A_111] : memref<56x4x56x384xf32, #tpu.memory_space<hbm>> -> memref<1x1x8x384xf32, #tpu.memory_space<hbm>>
      %dma_wait3A_113 = tpu.memref_squeeze %dma_wait3A_112 : memref<1x1x8x384xf32, #tpu.memory_space<hbm>> -> memref<8x384xf32, #tpu.memory_space<hbm>>
      %dma_wait3A_114 = arith.constant 0 : i32
      %dma_wait3A_115 = arith.constant 384 : i32
      %dma_wait3A_116 = tpu.memref_slice %arg6[%dma_wait3A_114, %dma_wait3A_115] : memref<8x1536xf32, #tpu.memory_space<vmem>> -> memref<8x384xf32, #tpu.memory_space<vmem>>
      tpu.wait_dma2 semaphore(%arg10 : memref<!tpu.dma_semaphore, #tpu.memory_space<semaphore_mem>>) src(%dma_wait3A_116 : memref<8x384xf32, #tpu.memory_space<vmem>>) dst(%dma_wait3A_113 : memref<8x384xf32, #tpu.memory_space<hbm>>)
      %dma_wait3A_117 = arith.constant 2 : i32
      %dma_wait3A_118 = arith.constant 0 : i32
      %dma_wait3A_119 = arith.constant 768 : i32
      %dma_wait3A_120 = tpu.memref_slice %arg6[%dma_wait3A_118, %dma_wait3A_119] : memref<8x1536xf32, #tpu.memory_space<vmem>> -> memref<8x384xf32, #tpu.memory_space<vmem>>
      %dma_wait3A_121 = arith.constant 0 : i32
      %dma_wait3A_122 = arith.constant 0 : i32
      %dma_wait3A_123 = tpu.memref_slice %arg4[%add3A_21, %dma_wait3A_117, %dma_wait3A_121, %dma_wait3A_122] : memref<56x4x56x384xf32, #tpu.memory_space<hbm>> -> memref<1x1x8x384xf32, #tpu.memory_space<hbm>>
      %dma_wait3A_124 = tpu.memref_squeeze %dma_wait3A_123 : memref<1x1x8x384xf32, #tpu.memory_space<hbm>> -> memref<8x384xf32, #tpu.memory_space<hbm>>
      %dma_wait3A_125 = arith.constant 0 : i32
      %dma_wait3A_126 = arith.constant 0 : i32
      %dma_wait3A_127 = tpu.memref_slice %arg4[%add3A_21, %dma_wait3A_117, %dma_wait3A_125, %dma_wait3A_126] : memref<56x4x56x384xf32, #tpu.memory_space<hbm>> -> memref<1x1x8x384xf32, #tpu.memory_space<hbm>>
      %dma_wait3A_128 = tpu.memref_squeeze %dma_wait3A_127 : memref<1x1x8x384xf32, #tpu.memory_space<hbm>> -> memref<8x384xf32, #tpu.memory_space<hbm>>
      %dma_wait3A_129 = arith.constant 0 : i32
      %dma_wait3A_130 = arith.constant 768 : i32
      %dma_wait3A_131 = tpu.memref_slice %arg6[%dma_wait3A_129, %dma_wait3A_130] : memref<8x1536xf32, #tpu.memory_space<vmem>> -> memref<8x384xf32, #tpu.memory_space<vmem>>
      tpu.wait_dma2 semaphore(%arg10 : memref<!tpu.dma_semaphore, #tpu.memory_space<semaphore_mem>>) src(%dma_wait3A_131 : memref<8x384xf32, #tpu.memory_space<vmem>>) dst(%dma_wait3A_128 : memref<8x384xf32, #tpu.memory_space<hbm>>)
      %dma_wait3A_132 = arith.constant 3 : i32
      %dma_wait3A_133 = arith.constant 0 : i32
      %dma_wait3A_134 = arith.constant 1152 : i32
      %dma_wait3A_135 = tpu.memref_slice %arg6[%dma_wait3A_133, %dma_wait3A_134] : memref<8x1536xf32, #tpu.memory_space<vmem>> -> memref<8x384xf32, #tpu.memory_space<vmem>>
      %dma_wait3A_136 = arith.constant 0 : i32
      %dma_wait3A_137 = arith.constant 0 : i32
      %dma_wait3A_138 = tpu.memref_slice %arg4[%add3A_21, %dma_wait3A_132, %dma_wait3A_136, %dma_wait3A_137] : memref<56x4x56x384xf32, #tpu.memory_space<hbm>> -> memref<1x1x8x384xf32, #tpu.memory_space<hbm>>
      %dma_wait3A_139 = tpu.memref_squeeze %dma_wait3A_138 : memref<1x1x8x384xf32, #tpu.memory_space<hbm>> -> memref<8x384xf32, #tpu.memory_space<hbm>>
      %dma_wait3A_140 = arith.constant 0 : i32
      %dma_wait3A_141 = arith.constant 0 : i32
      %dma_wait3A_142 = tpu.memref_slice %arg4[%add3A_21, %dma_wait3A_132, %dma_wait3A_140, %dma_wait3A_141] : memref<56x4x56x384xf32, #tpu.memory_space<hbm>> -> memref<1x1x8x384xf32, #tpu.memory_space<hbm>>
      %dma_wait3A_143 = tpu.memref_squeeze %dma_wait3A_142 : memref<1x1x8x384xf32, #tpu.memory_space<hbm>> -> memref<8x384xf32, #tpu.memory_space<hbm>>
      %dma_wait3A_144 = arith.constant 0 : i32
      %dma_wait3A_145 = arith.constant 1152 : i32
      %dma_wait3A_146 = tpu.memref_slice %arg6[%dma_wait3A_144, %dma_wait3A_145] : memref<8x1536xf32, #tpu.memory_space<vmem>> -> memref<8x384xf32, #tpu.memory_space<vmem>>
      tpu.wait_dma2 semaphore(%arg10 : memref<!tpu.dma_semaphore, #tpu.memory_space<semaphore_mem>>) src(%dma_wait3A_146 : memref<8x384xf32, #tpu.memory_space<vmem>>) dst(%dma_wait3A_143 : memref<8x384xf32, #tpu.memory_space<hbm>>)
      %dma_start3A_147 = arith.constant 16 : i32
      %dma_start3A_148 = tpu.memref_slice %arg5[%dma_start3A_147] : memref<112xi32, #tpu.memory_space<vmem>> -> memref<8xi32, #tpu.memory_space<vmem>>
      %dma_start3A_149 = arith.constant 0 : i32
      %dma_start3A_150 = arith.constant 0 : i32
      %dma_start3A_151 = tpu.memref_slice %arg2[%dma_start3A_149, %dma_start3A_150] : memref<3136x1536xf32, #tpu.memory_space<hbm>> -> memref<3136x1536xf32, #tpu.memory_space<hbm>>
      tpu.enqueue_indirect_dma source(%dma_start3A_151 : memref<3136x1536xf32, #tpu.memory_space<hbm>>) target(%arg6 : memref<8x1536xf32, #tpu.memory_space<vmem>>) offsets(%dma_start3A_148 : memref<8xi32, #tpu.memory_space<vmem>>) semaphore(%arg8 : memref<!tpu.dma_semaphore, #tpu.memory_space<semaphore_mem>>)
      %mul3A_152 = arith.constant 2 : i32
      %mul3A_153 = arith.muli %mul3A_152, %add3A : i32
      %add3A_154 = arith.constant 0 : i32
      %add3A_155 = arith.addi %mul3A_153, %add3A_154 : i32
      %dma_start3A_156 = arith.constant 0 : i32
      %dma_start3A_157 = arith.constant 0 : i32
      %dma_start3A_158 = arith.constant 0 : i32
      %dma_start3A_159 = tpu.memref_slice %arg7[%dma_start3A_157, %dma_start3A_158] : memref<8x1536xf32, #tpu.memory_space<vmem>> -> memref<8x384xf32, #tpu.memory_space<vmem>>
      %dma_start3A_160 = arith.constant 8 : i32
      %dma_start3A_161 = arith.constant 0 : i32
      %dma_start3A_162 = tpu.memref_slice %arg4[%add3A_155, %dma_start3A_156, %dma_start3A_160, %dma_start3A_161] : memref<56x4x56x384xf32, #tpu.memory_space<hbm>> -> memref<1x1x8x384xf32, #tpu.memory_space<hbm>>
      %dma_start3A_163 = tpu.memref_squeeze %dma_start3A_162 : memref<1x1x8x384xf32, #tpu.memory_space<hbm>> -> memref<8x384xf32, #tpu.memory_space<hbm>>
      %dma_start3A_164 = arith.constant 8 : i32
      %dma_start3A_165 = arith.constant 0 : i32
      %dma_start3A_166 = tpu.memref_slice %arg4[%add3A_155, %dma_start3A_156, %dma_start3A_164, %dma_start3A_165] : memref<56x4x56x384xf32, #tpu.memory_space<hbm>> -> memref<1x1x8x384xf32, #tpu.memory_space<hbm>>
      %dma_start3A_167 = tpu.memref_squeeze %dma_start3A_166 : memref<1x1x8x384xf32, #tpu.memory_space<hbm>> -> memref<8x384xf32, #tpu.memory_space<hbm>>
      %dma_start3A_168 = arith.constant 0 : i32
      %dma_start3A_169 = arith.constant 0 : i32
      %dma_start3A_170 = tpu.memref_slice %arg7[%dma_start3A_168, %dma_start3A_169] : memref<8x1536xf32, #tpu.memory_space<vmem>> -> memref<8x384xf32, #tpu.memory_space<vmem>>
      tpu.enqueue_dma source(%dma_start3A_170 : memref<8x384xf32, #tpu.memory_space<vmem>>) target(%dma_start3A_167 : memref<8x384xf32, #tpu.memory_space<hbm>>) target_semaphore(%arg10 : memref<!tpu.dma_semaphore, #tpu.memory_space<semaphore_mem>>)
      %dma_start3A_171 = arith.constant 1 : i32
      %dma_start3A_172 = arith.constant 0 : i32
      %dma_start3A_173 = arith.constant 384 : i32
      %dma_start3A_174 = tpu.memref_slice %arg7[%dma_start3A_172, %dma_start3A_173] : memref<8x1536xf32, #tpu.memory_space<vmem>> -> memref<8x384xf32, #tpu.memory_space<vmem>>
      %dma_start3A_175 = arith.constant 8 : i32
      %dma_start3A_176 = arith.constant 0 : i32
      %dma_start3A_177 = tpu.memref_slice %arg4[%add3A_155, %dma_start3A_171, %dma_start3A_175, %dma_start3A_176] : memref<56x4x56x384xf32, #tpu.memory_space<hbm>> -> memref<1x1x8x384xf32, #tpu.memory_space<hbm>>
      %dma_start3A_178 = tpu.memref_squeeze %dma_start3A_177 : memref<1x1x8x384xf32, #tpu.memory_space<hbm>> -> memref<8x384xf32, #tpu.memory_space<hbm>>
      %dma_start3A_179 = arith.constant 8 : i32
      %dma_start3A_180 = arith.constant 0 : i32
      %dma_start3A_181 = tpu.memref_slice %arg4[%add3A_155, %dma_start3A_171, %dma_start3A_179, %dma_start3A_180] : memref<56x4x56x384xf32, #tpu.memory_space<hbm>> -> memref<1x1x8x384xf32, #tpu.memory_space<hbm>>
      %dma_start3A_182 = tpu.memref_squeeze %dma_start3A_181 : memref<1x1x8x384xf32, #tpu.memory_space<hbm>> -> memref<8x384xf32, #tpu.memory_space<hbm>>
      %dma_start3A_183 = arith.constant 0 : i32
      %dma_start3A_184 = arith.constant 384 : i32
      %dma_start3A_185 = tpu.memref_slice %arg7[%dma_start3A_183, %dma_start3A_184] : memref<8x1536xf32, #tpu.memory_space<vmem>> -> memref<8x384xf32, #tpu.memory_space<vmem>>
      tpu.enqueue_dma source(%dma_start3A_185 : memref<8x384xf32, #tpu.memory_space<vmem>>) target(%dma_start3A_182 : memref<8x384xf32, #tpu.memory_space<hbm>>) target_semaphore(%arg10 : memref<!tpu.dma_semaphore, #tpu.memory_space<semaphore_mem>>)
      %dma_start3A_186 = arith.constant 2 : i32
      %dma_start3A_187 = arith.constant 0 : i32
      %dma_start3A_188 = arith.constant 768 : i32
      %dma_start3A_189 = tpu.memref_slice %arg7[%dma_start3A_187, %dma_start3A_188] : memref<8x1536xf32, #tpu.memory_space<vmem>> -> memref<8x384xf32, #tpu.memory_space<vmem>>
      %dma_start3A_190 = arith.constant 8 : i32
      %dma_start3A_191 = arith.constant 0 : i32
      %dma_start3A_192 = tpu.memref_slice %arg4[%add3A_155, %dma_start3A_186, %dma_start3A_190, %dma_start3A_191] : memref<56x4x56x384xf32, #tpu.memory_space<hbm>> -> memref<1x1x8x384xf32, #tpu.memory_space<hbm>>
      %dma_start3A_193 = tpu.memref_squeeze %dma_start3A_192 : memref<1x1x8x384xf32, #tpu.memory_space<hbm>> -> memref<8x384xf32, #tpu.memory_space<hbm>>
      %dma_start3A_194 = arith.constant 8 : i32
      %dma_start3A_195 = arith.constant 0 : i32
      %dma_start3A_196 = tpu.memref_slice %arg4[%add3A_155, %dma_start3A_186, %dma_start3A_194, %dma_start3A_195] : memref<56x4x56x384xf32, #tpu.memory_space<hbm>> -> memref<1x1x8x384xf32, #tpu.memory_space<hbm>>
      %dma_start3A_197 = tpu.memref_squeeze %dma_start3A_196 : memref<1x1x8x384xf32, #tpu.memory_space<hbm>> -> memref<8x384xf32, #tpu.memory_space<hbm>>
      %dma_start3A_198 = arith.constant 0 : i32
      %dma_start3A_199 = arith.constant 768 : i32
      %dma_start3A_200 = tpu.memref_slice %arg7[%dma_start3A_198, %dma_start3A_199] : memref<8x1536xf32, #tpu.memory_space<vmem>> -> memref<8x384xf32, #tpu.memory_space<vmem>>
      tpu.enqueue_dma source(%dma_start3A_200 : memref<8x384xf32, #tpu.memory_space<vmem>>) target(%dma_start3A_197 : memref<8x384xf32, #tpu.memory_space<hbm>>) target_semaphore(%arg10 : memref<!tpu.dma_semaphore, #tpu.memory_space<semaphore_mem>>)
      %dma_start3A_201 = arith.constant 3 : i32
      %dma_start3A_202 = arith.constant 0 : i32
      %dma_start3A_203 = arith.constant 1152 : i32
      %dma_start3A_204 = tpu.memref_slice %arg7[%dma_start3A_202, %dma_start3A_203] : memref<8x1536xf32, #tpu.memory_space<vmem>> -> memref<8x384xf32, #tpu.memory_space<vmem>>
      %dma_start3A_205 = arith.constant 8 : i32
      %dma_start3A_206 = arith.constant 0 : i32
      %dma_start3A_207 = tpu.memref_slice %arg4[%add3A_155, %dma_start3A_201, %dma_start3A_205, %dma_start3A_206] : memref<56x4x56x384xf32, #tpu.memory_space<hbm>> -> memref<1x1x8x384xf32, #tpu.memory_space<hbm>>
      %dma_start3A_208 = tpu.memref_squeeze %dma_start3A_207 : memref<1x1x8x384xf32, #tpu.memory_space<hbm>> -> memref<8x384xf32, #tpu.memory_space<hbm>>
      %dma_start3A_209 = arith.constant 8 : i32
      %dma_start3A_210 = arith.constant 0 : i32
      %dma_start3A_211 = tpu.memref_slice %arg4[%add3A_155, %dma_start3A_201, %dma_start3A_209, %dma_start3A_210] : memref<56x4x56x384xf32, #tpu.memory_space<hbm>> -> memref<1x1x8x384xf32, #tpu.memory_space<hbm>>
      %dma_start3A_212 = tpu.memref_squeeze %dma_start3A_211 : memref<1x1x8x384xf32, #tpu.memory_space<hbm>> -> memref<8x384xf32, #tpu.memory_space<hbm>>
      %dma_start3A_213 = arith.constant 0 : i32
      %dma_start3A_214 = arith.constant 1152 : i32
      %dma_start3A_215 = tpu.memref_slice %arg7[%dma_start3A_213, %dma_start3A_214] : memref<8x1536xf32, #tpu.memory_space<vmem>> -> memref<8x384xf32, #tpu.memory_space<vmem>>
      tpu.enqueue_dma source(%dma_start3A_215 : memref<8x384xf32, #tpu.memory_space<vmem>>) target(%dma_start3A_212 : memref<8x384xf32, #tpu.memory_space<hbm>>) target_semaphore(%arg10 : memref<!tpu.dma_semaphore, #tpu.memory_space<semaphore_mem>>)
      %dma_wait3A_216 = arith.constant 16 : i32
      %dma_wait3A_217 = tpu.memref_slice %arg5[%dma_wait3A_216] : memref<112xi32, #tpu.memory_space<vmem>> -> memref<8xi32, #tpu.memory_space<vmem>>
      %dma_wait3A_218 = arith.constant 0 : i32
      %dma_wait3A_219 = arith.constant 0 : i32
      %dma_wait3A_220 = tpu.memref_slice %arg2[%dma_wait3A_218, %dma_wait3A_219] : memref<3136x1536xf32, #tpu.memory_space<hbm>> -> memref<3136x1536xf32, #tpu.memory_space<hbm>>
      tpu.wait_indirect_dma semaphore(%arg8 : memref<!tpu.dma_semaphore, #tpu.memory_space<semaphore_mem>>) src(%dma_wait3A_220 : memref<3136x1536xf32, #tpu.memory_space<hbm>>) dst(%arg6 : memref<8x1536xf32, #tpu.memory_space<vmem>>)
      %dma_wait3A_221 = arith.constant 0 : i32
      %dma_wait3A_222 = arith.constant 0 : i32
      %dma_wait3A_223 = arith.constant 0 : i32
      %dma_wait3A_224 = tpu.memref_slice %arg7[%dma_wait3A_222, %dma_wait3A_223] : memref<8x1536xf32, #tpu.memory_space<vmem>> -> memref<8x384xf32, #tpu.memory_space<vmem>>
      %dma_wait3A_225 = arith.constant 8 : i32
      %dma_wait3A_226 = arith.constant 0 : i32
      %dma_wait3A_227 = tpu.memref_slice %arg4[%add3A_155, %dma_wait3A_221, %dma_wait3A_225, %dma_wait3A_226] : memref<56x4x56x384xf32, #tpu.memory_space<hbm>> -> memref<1x1x8x384xf32, #tpu.memory_space<hbm>>
      %dma_wait3A_228 = tpu.memref_squeeze %dma_wait3A_227 : memref<1x1x8x384xf32, #tpu.memory_space<hbm>> -> memref<8x384xf32, #tpu.memory_space<hbm>>
      %dma_wait3A_229 = arith.constant 8 : i32
      %dma_wait3A_230 = arith.constant 0 : i32
      %dma_wait3A_231 = tpu.memref_slice %arg4[%add3A_155, %dma_wait3A_221, %dma_wait3A_229, %dma_wait3A_230] : memref<56x4x56x384xf32, #tpu.memory_space<hbm>> -> memref<1x1x8x384xf32, #tpu.memory_space<hbm>>
      %dma_wait3A_232 = tpu.memref_squeeze %dma_wait3A_231 : memref<1x1x8x384xf32, #tpu.memory_space<hbm>> -> memref<8x384xf32, #tpu.memory_space<hbm>>
      %dma_wait3A_233 = arith.constant 0 : i32
      %dma_wait3A_234 = arith.constant 0 : i32
      %dma_wait3A_235 = tpu.memref_slice %arg7[%dma_wait3A_233, %dma_wait3A_234] : memref<8x1536xf32, #tpu.memory_space<vmem>> -> memref<8x384xf32, #tpu.memory_space<vmem>>
      tpu.wait_dma2 semaphore(%arg10 : memref<!tpu.dma_semaphore, #tpu.memory_space<semaphore_mem>>) src(%dma_wait3A_235 : memref<8x384xf32, #tpu.memory_space<vmem>>) dst(%dma_wait3A_232 : memref<8x384xf32, #tpu.memory_space<hbm>>)
      %dma_wait3A_236 = arith.constant 1 : i32
      %dma_wait3A_237 = arith.constant 0 : i32
      %dma_wait3A_238 = arith.constant 384 : i32
      %dma_wait3A_239 = tpu.memref_slice %arg7[%dma_wait3A_237, %dma_wait3A_238] : memref<8x1536xf32, #tpu.memory_space<vmem>> -> memref<8x384xf32, #tpu.memory_space<vmem>>
      %dma_wait3A_240 = arith.constant 8 : i32
      %dma_wait3A_241 = arith.constant 0 : i32
      %dma_wait3A_242 = tpu.memref_slice %arg4[%add3A_155, %dma_wait3A_236, %dma_wait3A_240, %dma_wait3A_241] : memref<56x4x56x384xf32, #tpu.memory_space<hbm>> -> memref<1x1x8x384xf32, #tpu.memory_space<hbm>>
      %dma_wait3A_243 = tpu.memref_squeeze %dma_wait3A_242 : memref<1x1x8x384xf32, #tpu.memory_space<hbm>> -> memref<8x384xf32, #tpu.memory_space<hbm>>
      %dma_wait3A_244 = arith.constant 8 : i32
      %dma_wait3A_245 = arith.constant 0 : i32
      %dma_wait3A_246 = tpu.memref_slice %arg4[%add3A_155, %dma_wait3A_236, %dma_wait3A_244, %dma_wait3A_245] : memref<56x4x56x384xf32, #tpu.memory_space<hbm>> -> memref<1x1x8x384xf32, #tpu.memory_space<hbm>>
      %dma_wait3A_247 = tpu.memref_squeeze %dma_wait3A_246 : memref<1x1x8x384xf32, #tpu.memory_space<hbm>> -> memref<8x384xf32, #tpu.memory_space<hbm>>
      %dma_wait3A_248 = arith.constant 0 : i32
      %dma_wait3A_249 = arith.constant 384 : i32
      %dma_wait3A_250 = tpu.memref_slice %arg7[%dma_wait3A_248, %dma_wait3A_249] : memref<8x1536xf32, #tpu.memory_space<vmem>> -> memref<8x384xf32, #tpu.memory_space<vmem>>
      tpu.wait_dma2 semaphore(%arg10 : memref<!tpu.dma_semaphore, #tpu.memory_space<semaphore_mem>>) src(%dma_wait3A_250 : memref<8x384xf32, #tpu.memory_space<vmem>>) dst(%dma_wait3A_247 : memref<8x384xf32, #tpu.memory_space<hbm>>)
      %dma_wait3A_251 = arith.constant 2 : i32
      %dma_wait3A_252 = arith.constant 0 : i32
      %dma_wait3A_253 = arith.constant 768 : i32
      %dma_wait3A_254 = tpu.memref_slice %arg7[%dma_wait3A_252, %dma_wait3A_253] : memref<8x1536xf32, #tpu.memory_space<vmem>> -> memref<8x384xf32, #tpu.memory_space<vmem>>
      %dma_wait3A_255 = arith.constant 8 : i32
      %dma_wait3A_256 = arith.constant 0 : i32
      %dma_wait3A_257 = tpu.memref_slice %arg4[%add3A_155, %dma_wait3A_251, %dma_wait3A_255, %dma_wait3A_256] : memref<56x4x56x384xf32, #tpu.memory_space<hbm>> -> memref<1x1x8x384xf32, #tpu.memory_space<hbm>>
      %dma_wait3A_258 = tpu.memref_squeeze %dma_wait3A_257 : memref<1x1x8x384xf32, #tpu.memory_space<hbm>> -> memref<8x384xf32, #tpu.memory_space<hbm>>
      %dma_wait3A_259 = arith.constant 8 : i32
      %dma_wait3A_260 = arith.constant 0 : i32
      %dma_wait3A_261 = tpu.memref_slice %arg4[%add3A_155, %dma_wait3A_251, %dma_wait3A_259, %dma_wait3A_260] : memref<56x4x56x384xf32, #tpu.memory_space<hbm>> -> memref<1x1x8x384xf32, #tpu.memory_space<hbm>>
      %dma_wait3A_262 = tpu.memref_squeeze %dma_wait3A_261 : memref<1x1x8x384xf32, #tpu.memory_space<hbm>> -> memref<8x384xf32, #tpu.memory_space<hbm>>
      %dma_wait3A_263 = arith.constant 0 : i32
      %dma_wait3A_264 = arith.constant 768 : i32
      %dma_wait3A_265 = tpu.memref_slice %arg7[%dma_wait3A_263, %dma_wait3A_264] : memref<8x1536xf32, #tpu.memory_space<vmem>> -> memref<8x384xf32, #tpu.memory_space<vmem>>
      tpu.wait_dma2 semaphore(%arg10 : memref<!tpu.dma_semaphore, #tpu.memory_space<semaphore_mem>>) src(%dma_wait3A_265 : memref<8x384xf32, #tpu.memory_space<vmem>>) dst(%dma_wait3A_262 : memref<8x384xf32, #tpu.memory_space<hbm>>)
      %dma_wait3A_266 = arith.constant 3 : i32
      %dma_wait3A_267 = arith.constant 0 : i32
      %dma_wait3A_268 = arith.constant 1152 : i32
      %dma_wait3A_269 = tpu.memref_slice %arg7[%dma_wait3A_267, %dma_wait3A_268] : memref<8x1536xf32, #tpu.memory_space<vmem>> -> memref<8x384xf32, #tpu.memory_space<vmem>>
      %dma_wait3A_270 = arith.constant 8 : i32
      %dma_wait3A_271 = arith.constant 0 : i32
      %dma_wait3A_272 = tpu.memref_slice %arg4[%add3A_155, %dma_wait3A_266, %dma_wait3A_270, %dma_wait3A_271] : memref<56x4x56x384xf32, #tpu.memory_space<hbm>> -> memref<1x1x8x384xf32, #tpu.memory_space<hbm>>
      %dma_wait3A_273 = tpu.memref_squeeze %dma_wait3A_272 : memref<1x1x8x384xf32, #tpu.memory_space<hbm>> -> memref<8x384xf32, #tpu.memory_space<hbm>>
      %dma_wait3A_274 = arith.constant 8 : i32
      %dma_wait3A_275 = arith.constant 0 : i32
      %dma_wait3A_276 = tpu.memref_slice %arg4[%add3A_155, %dma_wait3A_266, %dma_wait3A_274, %dma_wait3A_275] : memref<56x4x56x384xf32, #tpu.memory_space<hbm>> -> memref<1x1x8x384xf32, #tpu.memory_space<hbm>>
      %dma_wait3A_277 = tpu.memref_squeeze %dma_wait3A_276 : memref<1x1x8x384xf32, #tpu.memory_space<hbm>> -> memref<8x384xf32, #tpu.memory_space<hbm>>
      %dma_wait3A_278 = arith.constant 0 : i32
      %dma_wait3A_279 = arith.constant 1152 : i32
      %dma_wait3A_280 = tpu.memref_slice %arg7[%dma_wait3A_278, %dma_wait3A_279] : memref<8x1536xf32, #tpu.memory_space<vmem>> -> memref<8x384xf32, #tpu.memory_space<vmem>>
      tpu.wait_dma2 semaphore(%arg10 : memref<!tpu.dma_semaphore, #tpu.memory_space<semaphore_mem>>) src(%dma_wait3A_280 : memref<8x384xf32, #tpu.memory_space<vmem>>) dst(%dma_wait3A_277 : memref<8x384xf32, #tpu.memory_space<hbm>>)
      %dma_start3A_281 = arith.constant 24 : i32
      %dma_start3A_282 = tpu.memref_slice %arg5[%dma_start3A_281] : memref<112xi32, #tpu.memory_space<vmem>> -> memref<8xi32, #tpu.memory_space<vmem>>
      %dma_start3A_283 = arith.constant 0 : i32
      %dma_start3A_284 = arith.constant 0 : i32
      %dma_start3A_285 = tpu.memref_slice %arg2[%dma_start3A_283, %dma_start3A_284] : memref<3136x1536xf32, #tpu.memory_space<hbm>> -> memref<3136x1536xf32, #tpu.memory_space<hbm>>
      tpu.enqueue_indirect_dma source(%dma_start3A_285 : memref<3136x1536xf32, #tpu.memory_space<hbm>>) target(%arg7 : memref<8x1536xf32, #tpu.memory_space<vmem>>) offsets(%dma_start3A_282 : memref<8xi32, #tpu.memory_space<vmem>>) semaphore(%arg9 : memref<!tpu.dma_semaphore, #tpu.memory_space<semaphore_mem>>)
      %mul3A_286 = arith.constant 2 : i32
      %mul3A_287 = arith.muli %mul3A_286, %add3A : i32
      %add3A_288 = arith.constant 0 : i32
      %add3A_289 = arith.addi %mul3A_287, %add3A_288 : i32
      %dma_start3A_290 = arith.constant 0 : i32
      %dma_start3A_291 = arith.constant 0 : i32
      %dma_start3A_292 = arith.constant 0 : i32
      %dma_start3A_293 = tpu.memref_slice %arg6[%dma_start3A_291, %dma_start3A_292] : memref<8x1536xf32, #tpu.memory_space<vmem>> -> memref<8x384xf32, #tpu.memory_space<vmem>>
      %dma_start3A_294 = arith.constant 16 : i32
      %dma_start3A_295 = arith.constant 0 : i32
      %dma_start3A_296 = tpu.memref_slice %arg4[%add3A_289, %dma_start3A_290, %dma_start3A_294, %dma_start3A_295] : memref<56x4x56x384xf32, #tpu.memory_space<hbm>> -> memref<1x1x8x384xf32, #tpu.memory_space<hbm>>
      %dma_start3A_297 = tpu.memref_squeeze %dma_start3A_296 : memref<1x1x8x384xf32, #tpu.memory_space<hbm>> -> memref<8x384xf32, #tpu.memory_space<hbm>>
      %dma_start3A_298 = arith.constant 16 : i32
      %dma_start3A_299 = arith.constant 0 : i32
      %dma_start3A_300 = tpu.memref_slice %arg4[%add3A_289, %dma_start3A_290, %dma_start3A_298, %dma_start3A_299] : memref<56x4x56x384xf32, #tpu.memory_space<hbm>> -> memref<1x1x8x384xf32, #tpu.memory_space<hbm>>
      %dma_start3A_301 = tpu.memref_squeeze %dma_start3A_300 : memref<1x1x8x384xf32, #tpu.memory_space<hbm>> -> memref<8x384xf32, #tpu.memory_space<hbm>>
      %dma_start3A_302 = arith.constant 0 : i32
      %dma_start3A_303 = arith.constant 0 : i32
      %dma_start3A_304 = tpu.memref_slice %arg6[%dma_start3A_302, %dma_start3A_303] : memref<8x1536xf32, #tpu.memory_space<vmem>> -> memref<8x384xf32, #tpu.memory_space<vmem>>
      tpu.enqueue_dma source(%dma_start3A_304 : memref<8x384xf32, #tpu.memory_space<vmem>>) target(%dma_start3A_301 : memref<8x384xf32, #tpu.memory_space<hbm>>) target_semaphore(%arg10 : memref<!tpu.dma_semaphore, #tpu.memory_space<semaphore_mem>>)
      %dma_start3A_305 = arith.constant 1 : i32
      %dma_start3A_306 = arith.constant 0 : i32
      %dma_start3A_307 = arith.constant 384 : i32
      %dma_start3A_308 = tpu.memref_slice %arg6[%dma_start3A_306, %dma_start3A_307] : memref<8x1536xf32, #tpu.memory_space<vmem>> -> memref<8x384xf32, #tpu.memory_space<vmem>>
      %dma_start3A_309 = arith.constant 16 : i32
      %dma_start3A_310 = arith.constant 0 : i32
      %dma_start3A_311 = tpu.memref_slice %arg4[%add3A_289, %dma_start3A_305, %dma_start3A_309, %dma_start3A_310] : memref<56x4x56x384xf32, #tpu.memory_space<hbm>> -> memref<1x1x8x384xf32, #tpu.memory_space<hbm>>
      %dma_start3A_312 = tpu.memref_squeeze %dma_start3A_311 : memref<1x1x8x384xf32, #tpu.memory_space<hbm>> -> memref<8x384xf32, #tpu.memory_space<hbm>>
      %dma_start3A_313 = arith.constant 16 : i32
      %dma_start3A_314 = arith.constant 0 : i32
      %dma_start3A_315 = tpu.memref_slice %arg4[%add3A_289, %dma_start3A_305, %dma_start3A_313, %dma_start3A_314] : memref<56x4x56x384xf32, #tpu.memory_space<hbm>> -> memref<1x1x8x384xf32, #tpu.memory_space<hbm>>
      %dma_start3A_316 = tpu.memref_squeeze %dma_start3A_315 : memref<1x1x8x384xf32, #tpu.memory_space<hbm>> -> memref<8x384xf32, #tpu.memory_space<hbm>>
      %dma_start3A_317 = arith.constant 0 : i32
      %dma_start3A_318 = arith.constant 384 : i32
      %dma_start3A_319 = tpu.memref_slice %arg6[%dma_start3A_317, %dma_start3A_318] : memref<8x1536xf32, #tpu.memory_space<vmem>> -> memref<8x384xf32, #tpu.memory_space<vmem>>
      tpu.enqueue_dma source(%dma_start3A_319 : memref<8x384xf32, #tpu.memory_space<vmem>>) target(%dma_start3A_316 : memref<8x384xf32, #tpu.memory_space<hbm>>) target_semaphore(%arg10 : memref<!tpu.dma_semaphore, #tpu.memory_space<semaphore_mem>>)
      %dma_start3A_320 = arith.constant 2 : i32
      %dma_start3A_321 = arith.constant 0 : i32
      %dma_start3A_322 = arith.constant 768 : i32
      %dma_start3A_323 = tpu.memref_slice %arg6[%dma_start3A_321, %dma_start3A_322] : memref<8x1536xf32, #tpu.memory_space<vmem>> -> memref<8x384xf32, #tpu.memory_space<vmem>>
      %dma_start3A_324 = arith.constant 16 : i32
      %dma_start3A_325 = arith.constant 0 : i32
      %dma_start3A_326 = tpu.memref_slice %arg4[%add3A_289, %dma_start3A_320, %dma_start3A_324, %dma_start3A_325] : memref<56x4x56x384xf32, #tpu.memory_space<hbm>> -> memref<1x1x8x384xf32, #tpu.memory_space<hbm>>
      %dma_start3A_327 = tpu.memref_squeeze %dma_start3A_326 : memref<1x1x8x384xf32, #tpu.memory_space<hbm>> -> memref<8x384xf32, #tpu.memory_space<hbm>>
      %dma_start3A_328 = arith.constant 16 : i32
      %dma_start3A_329 = arith.constant 0 : i32
      %dma_start3A_330 = tpu.memref_slice %arg4[%add3A_289, %dma_start3A_320, %dma_start3A_328, %dma_start3A_329] : memref<56x4x56x384xf32, #tpu.memory_space<hbm>> -> memref<1x1x8x384xf32, #tpu.memory_space<hbm>>
      %dma_start3A_331 = tpu.memref_squeeze %dma_start3A_330 : memref<1x1x8x384xf32, #tpu.memory_space<hbm>> -> memref<8x384xf32, #tpu.memory_space<hbm>>
      %dma_start3A_332 = arith.constant 0 : i32
      %dma_start3A_333 = arith.constant 768 : i32
      %dma_start3A_334 = tpu.memref_slice %arg6[%dma_start3A_332, %dma_start3A_333] : memref<8x1536xf32, #tpu.memory_space<vmem>> -> memref<8x384xf32, #tpu.memory_space<vmem>>
      tpu.enqueue_dma source(%dma_start3A_334 : memref<8x384xf32, #tpu.memory_space<vmem>>) target(%dma_start3A_331 : memref<8x384xf32, #tpu.memory_space<hbm>>) target_semaphore(%arg10 : memref<!tpu.dma_semaphore, #tpu.memory_space<semaphore_mem>>)
      %dma_start3A_335 = arith.constant 3 : i32
      %dma_start3A_336 = arith.constant 0 : i32
      %dma_start3A_337 = arith.constant 1152 : i32
      %dma_start3A_338 = tpu.memref_slice %arg6[%dma_start3A_336, %dma_start3A_337] : memref<8x1536xf32, #tpu.memory_space<vmem>> -> memref<8x384xf32, #tpu.memory_space<vmem>>
      %dma_start3A_339 = arith.constant 16 : i32
      %dma_start3A_340 = arith.constant 0 : i32
      %dma_start3A_341 = tpu.memref_slice %arg4[%add3A_289, %dma_start3A_335, %dma_start3A_339, %dma_start3A_340] : memref<56x4x56x384xf32, #tpu.memory_space<hbm>> -> memref<1x1x8x384xf32, #tpu.memory_space<hbm>>
      %dma_start3A_342 = tpu.memref_squeeze %dma_start3A_341 : memref<1x1x8x384xf32, #tpu.memory_space<hbm>> -> memref<8x384xf32, #tpu.memory_space<hbm>>
      %dma_start3A_343 = arith.constant 16 : i32
      %dma_start3A_344 = arith.constant 0 : i32
      %dma_start3A_345 = tpu.memref_slice %arg4[%add3A_289, %dma_start3A_335, %dma_start3A_343, %dma_start3A_344] : memref<56x4x56x384xf32, #tpu.memory_space<hbm>> -> memref<1x1x8x384xf32, #tpu.memory_space<hbm>>
      %dma_start3A_346 = tpu.memref_squeeze %dma_start3A_345 : memref<1x1x8x384xf32, #tpu.memory_space<hbm>> -> memref<8x384xf32, #tpu.memory_space<hbm>>
      %dma_start3A_347 = arith.constant 0 : i32
      %dma_start3A_348 = arith.constant 1152 : i32
      %dma_start3A_349 = tpu.memref_slice %arg6[%dma_start3A_347, %dma_start3A_348] : memref<8x1536xf32, #tpu.memory_space<vmem>> -> memref<8x384xf32, #tpu.memory_space<vmem>>
      tpu.enqueue_dma source(%dma_start3A_349 : memref<8x384xf32, #tpu.memory_space<vmem>>) target(%dma_start3A_346 : memref<8x384xf32, #tpu.memory_space<hbm>>) target_semaphore(%arg10 : memref<!tpu.dma_semaphore, #tpu.memory_space<semaphore_mem>>)
      %dma_wait3A_350 = arith.constant 24 : i32
      %dma_wait3A_351 = tpu.memref_slice %arg5[%dma_wait3A_350] : memref<112xi32, #tpu.memory_space<vmem>> -> memref<8xi32, #tpu.memory_space<vmem>>
      %dma_wait3A_352 = arith.constant 0 : i32
      %dma_wait3A_353 = arith.constant 0 : i32
      %dma_wait3A_354 = tpu.memref_slice %arg2[%dma_wait3A_352, %dma_wait3A_353] : memref<3136x1536xf32, #tpu.memory_space<hbm>> -> memref<3136x1536xf32, #tpu.memory_space<hbm>>
      tpu.wait_indirect_dma semaphore(%arg9 : memref<!tpu.dma_semaphore, #tpu.memory_space<semaphore_mem>>) src(%dma_wait3A_354 : memref<3136x1536xf32, #tpu.memory_space<hbm>>) dst(%arg7 : memref<8x1536xf32, #tpu.memory_space<vmem>>)
      %dma_wait3A_355 = arith.constant 0 : i32
      %dma_wait3A_356 = arith.constant 0 : i32
      %dma_wait3A_357 = arith.constant 0 : i32
      %dma_wait3A_358 = tpu.memref_slice %arg6[%dma_wait3A_356, %dma_wait3A_357] : memref<8x1536xf32, #tpu.memory_space<vmem>> -> memref<8x384xf32, #tpu.memory_space<vmem>>
      %dma_wait3A_359 = arith.constant 16 : i32
      %dma_wait3A_360 = arith.constant 0 : i32
      %dma_wait3A_361 = tpu.memref_slice %arg4[%add3A_289, %dma_wait3A_355, %dma_wait3A_359, %dma_wait3A_360] : memref<56x4x56x384xf32, #tpu.memory_space<hbm>> -> memref<1x1x8x384xf32, #tpu.memory_space<hbm>>
      %dma_wait3A_362 = tpu.memref_squeeze %dma_wait3A_361 : memref<1x1x8x384xf32, #tpu.memory_space<hbm>> -> memref<8x384xf32, #tpu.memory_space<hbm>>
      %dma_wait3A_363 = arith.constant 16 : i32
      %dma_wait3A_364 = arith.constant 0 : i32
      %dma_wait3A_365 = tpu.memref_slice %arg4[%add3A_289, %dma_wait3A_355, %dma_wait3A_363, %dma_wait3A_364] : memref<56x4x56x384xf32, #tpu.memory_space<hbm>> -> memref<1x1x8x384xf32, #tpu.memory_space<hbm>>
      %dma_wait3A_366 = tpu.memref_squeeze %dma_wait3A_365 : memref<1x1x8x384xf32, #tpu.memory_space<hbm>> -> memref<8x384xf32, #tpu.memory_space<hbm>>
      %dma_wait3A_367 = arith.constant 0 : i32
      %dma_wait3A_368 = arith.constant 0 : i32
      %dma_wait3A_369 = tpu.memref_slice %arg6[%dma_wait3A_367, %dma_wait3A_368] : memref<8x1536xf32, #tpu.memory_space<vmem>> -> memref<8x384xf32, #tpu.memory_space<vmem>>
      tpu.wait_dma2 semaphore(%arg10 : memref<!tpu.dma_semaphore, #tpu.memory_space<semaphore_mem>>) src(%dma_wait3A_369 : memref<8x384xf32, #tpu.memory_space<vmem>>) dst(%dma_wait3A_366 : memref<8x384xf32, #tpu.memory_space<hbm>>)
      %dma_wait3A_370 = arith.constant 1 : i32
      %dma_wait3A_371 = arith.constant 0 : i32
      %dma_wait3A_372 = arith.constant 384 : i32
      %dma_wait3A_373 = tpu.memref_slice %arg6[%dma_wait3A_371, %dma_wait3A_372] : memref<8x1536xf32, #tpu.memory_space<vmem>> -> memref<8x384xf32, #tpu.memory_space<vmem>>
      %dma_wait3A_374 = arith.constant 16 : i32
      %dma_wait3A_375 = arith.constant 0 : i32
      %dma_wait3A_376 = tpu.memref_slice %arg4[%add3A_289, %dma_wait3A_370, %dma_wait3A_374, %dma_wait3A_375] : memref<56x4x56x384xf32, #tpu.memory_space<hbm>> -> memref<1x1x8x384xf32, #tpu.memory_space<hbm>>
      %dma_wait3A_377 = tpu.memref_squeeze %dma_wait3A_376 : memref<1x1x8x384xf32, #tpu.memory_space<hbm>> -> memref<8x384xf32, #tpu.memory_space<hbm>>
      %dma_wait3A_378 = arith.constant 16 : i32
      %dma_wait3A_379 = arith.constant 0 : i32
      %dma_wait3A_380 = tpu.memref_slice %arg4[%add3A_289, %dma_wait3A_370, %dma_wait3A_378, %dma_wait3A_379] : memref<56x4x56x384xf32, #tpu.memory_space<hbm>> -> memref<1x1x8x384xf32, #tpu.memory_space<hbm>>
      %dma_wait3A_381 = tpu.memref_squeeze %dma_wait3A_380 : memref<1x1x8x384xf32, #tpu.memory_space<hbm>> -> memref<8x384xf32, #tpu.memory_space<hbm>>
      %dma_wait3A_382 = arith.constant 0 : i32
      %dma_wait3A_383 = arith.constant 384 : i32
      %dma_wait3A_384 = tpu.memref_slice %arg6[%dma_wait3A_382, %dma_wait3A_383] : memref<8x1536xf32, #tpu.memory_space<vmem>> -> memref<8x384xf32, #tpu.memory_space<vmem>>
      tpu.wait_dma2 semaphore(%arg10 : memref<!tpu.dma_semaphore, #tpu.memory_space<semaphore_mem>>) src(%dma_wait3A_384 : memref<8x384xf32, #tpu.memory_space<vmem>>) dst(%dma_wait3A_381 : memref<8x384xf32, #tpu.memory_space<hbm>>)
      %dma_wait3A_385 = arith.constant 2 : i32
      %dma_wait3A_386 = arith.constant 0 : i32
      %dma_wait3A_387 = arith.constant 768 : i32
      %dma_wait3A_388 = tpu.memref_slice %arg6[%dma_wait3A_386, %dma_wait3A_387] : memref<8x1536xf32, #tpu.memory_space<vmem>> -> memref<8x384xf32, #tpu.memory_space<vmem>>
      %dma_wait3A_389 = arith.constant 16 : i32
      %dma_wait3A_390 = arith.constant 0 : i32
      %dma_wait3A_391 = tpu.memref_slice %arg4[%add3A_289, %dma_wait3A_385, %dma_wait3A_389, %dma_wait3A_390] : memref<56x4x56x384xf32, #tpu.memory_space<hbm>> -> memref<1x1x8x384xf32, #tpu.memory_space<hbm>>
      %dma_wait3A_392 = tpu.memref_squeeze %dma_wait3A_391 : memref<1x1x8x384xf32, #tpu.memory_space<hbm>> -> memref<8x384xf32, #tpu.memory_space<hbm>>
      %dma_wait3A_393 = arith.constant 16 : i32
      %dma_wait3A_394 = arith.constant 0 : i32
      %dma_wait3A_395 = tpu.memref_slice %arg4[%add3A_289, %dma_wait3A_385, %dma_wait3A_393, %dma_wait3A_394] : memref<56x4x56x384xf32, #tpu.memory_space<hbm>> -> memref<1x1x8x384xf32, #tpu.memory_space<hbm>>
      %dma_wait3A_396 = tpu.memref_squeeze %dma_wait3A_395 : memref<1x1x8x384xf32, #tpu.memory_space<hbm>> -> memref<8x384xf32, #tpu.memory_space<hbm>>
      %dma_wait3A_397 = arith.constant 0 : i32
      %dma_wait3A_398 = arith.constant 768 : i32
      %dma_wait3A_399 = tpu.memref_slice %arg6[%dma_wait3A_397, %dma_wait3A_398] : memref<8x1536xf32, #tpu.memory_space<vmem>> -> memref<8x384xf32, #tpu.memory_space<vmem>>
      tpu.wait_dma2 semaphore(%arg10 : memref<!tpu.dma_semaphore, #tpu.memory_space<semaphore_mem>>) src(%dma_wait3A_399 : memref<8x384xf32, #tpu.memory_space<vmem>>) dst(%dma_wait3A_396 : memref<8x384xf32, #tpu.memory_space<hbm>>)
      %dma_wait3A_400 = arith.constant 3 : i32
      %dma_wait3A_401 = arith.constant 0 : i32
      %dma_wait3A_402 = arith.constant 1152 : i32
      %dma_wait3A_403 = tpu.memref_slice %arg6[%dma_wait3A_401, %dma_wait3A_402] : memref<8x1536xf32, #tpu.memory_space<vmem>> -> memref<8x384xf32, #tpu.memory_space<vmem>>
      %dma_wait3A_404 = arith.constant 16 : i32
      %dma_wait3A_405 = arith.constant 0 : i32
      %dma_wait3A_406 = tpu.memref_slice %arg4[%add3A_289, %dma_wait3A_400, %dma_wait3A_404, %dma_wait3A_405] : memref<56x4x56x384xf32, #tpu.memory_space<hbm>> -> memref<1x1x8x384xf32, #tpu.memory_space<hbm>>
      %dma_wait3A_407 = tpu.memref_squeeze %dma_wait3A_406 : memref<1x1x8x384xf32, #tpu.memory_space<hbm>> -> memref<8x384xf32, #tpu.memory_space<hbm>>
      %dma_wait3A_408 = arith.constant 16 : i32
      %dma_wait3A_409 = arith.constant 0 : i32
      %dma_wait3A_410 = tpu.memref_slice %arg4[%add3A_289, %dma_wait3A_400, %dma_wait3A_408, %dma_wait3A_409] : memref<56x4x56x384xf32, #tpu.memory_space<hbm>> -> memref<1x1x8x384xf32, #tpu.memory_space<hbm>>
      %dma_wait3A_411 = tpu.memref_squeeze %dma_wait3A_410 : memref<1x1x8x384xf32, #tpu.memory_space<hbm>> -> memref<8x384xf32, #tpu.memory_space<hbm>>
      %dma_wait3A_412 = arith.constant 0 : i32
      %dma_wait3A_413 = arith.constant 1152 : i32
      %dma_wait3A_414 = tpu.memref_slice %arg6[%dma_wait3A_412, %dma_wait3A_413] : memref<8x1536xf32, #tpu.memory_space<vmem>> -> memref<8x384xf32, #tpu.memory_space<vmem>>
      tpu.wait_dma2 semaphore(%arg10 : memref<!tpu.dma_semaphore, #tpu.memory_space<semaphore_mem>>) src(%dma_wait3A_414 : memref<8x384xf32, #tpu.memory_space<vmem>>) dst(%dma_wait3A_411 : memref<8x384xf32, #tpu.memory_space<hbm>>)
      %dma_start3A_415 = arith.constant 32 : i32
      %dma_start3A_416 = tpu.memref_slice %arg5[%dma_start3A_415] : memref<112xi32, #tpu.memory_space<vmem>> -> memref<8xi32, #tpu.memory_space<vmem>>
      %dma_start3A_417 = arith.constant 0 : i32
      %dma_start3A_418 = arith.constant 0 : i32
      %dma_start3A_419 = tpu.memref_slice %arg2[%dma_start3A_417, %dma_start3A_418] : memref<3136x1536xf32, #tpu.memory_space<hbm>> -> memref<3136x1536xf32, #tpu.memory_space<hbm>>
      tpu.enqueue_indirect_dma source(%dma_start3A_419 : memref<3136x1536xf32, #tpu.memory_space<hbm>>) target(%arg6 : memref<8x1536xf32, #tpu.memory_space<vmem>>) offsets(%dma_start3A_416 : memref<8xi32, #tpu.memory_space<vmem>>) semaphore(%arg8 : memref<!tpu.dma_semaphore, #tpu.memory_space<semaphore_mem>>)
      %mul3A_420 = arith.constant 2 : i32
      %mul3A_421 = arith.muli %mul3A_420, %add3A : i32
      %add3A_422 = arith.constant 0 : i32
      %add3A_423 = arith.addi %mul3A_421, %add3A_422 : i32
      %dma_start3A_424 = arith.constant 0 : i32
      %dma_start3A_425 = arith.constant 0 : i32
      %dma_start3A_426 = arith.constant 0 : i32
      %dma_start3A_427 = tpu.memref_slice %arg7[%dma_start3A_425, %dma_start3A_426] : memref<8x1536xf32, #tpu.memory_space<vmem>> -> memref<8x384xf32, #tpu.memory_space<vmem>>
      %dma_start3A_428 = arith.constant 24 : i32
      %dma_start3A_429 = arith.constant 0 : i32
      %dma_start3A_430 = tpu.memref_slice %arg4[%add3A_423, %dma_start3A_424, %dma_start3A_428, %dma_start3A_429] : memref<56x4x56x384xf32, #tpu.memory_space<hbm>> -> memref<1x1x8x384xf32, #tpu.memory_space<hbm>>
      %dma_start3A_431 = tpu.memref_squeeze %dma_start3A_430 : memref<1x1x8x384xf32, #tpu.memory_space<hbm>> -> memref<8x384xf32, #tpu.memory_space<hbm>>
      %dma_start3A_432 = arith.constant 24 : i32
      %dma_start3A_433 = arith.constant 0 : i32
      %dma_start3A_434 = tpu.memref_slice %arg4[%add3A_423, %dma_start3A_424, %dma_start3A_432, %dma_start3A_433] : memref<56x4x56x384xf32, #tpu.memory_space<hbm>> -> memref<1x1x8x384xf32, #tpu.memory_space<hbm>>
      %dma_start3A_435 = tpu.memref_squeeze %dma_start3A_434 : memref<1x1x8x384xf32, #tpu.memory_space<hbm>> -> memref<8x384xf32, #tpu.memory_space<hbm>>
      %dma_start3A_436 = arith.constant 0 : i32
      %dma_start3A_437 = arith.constant 0 : i32
      %dma_start3A_438 = tpu.memref_slice %arg7[%dma_start3A_436, %dma_start3A_437] : memref<8x1536xf32, #tpu.memory_space<vmem>> -> memref<8x384xf32, #tpu.memory_space<vmem>>
      tpu.enqueue_dma source(%dma_start3A_438 : memref<8x384xf32, #tpu.memory_space<vmem>>) target(%dma_start3A_435 : memref<8x384xf32, #tpu.memory_space<hbm>>) target_semaphore(%arg10 : memref<!tpu.dma_semaphore, #tpu.memory_space<semaphore_mem>>)
      %dma_start3A_439 = arith.constant 1 : i32
      %dma_start3A_440 = arith.constant 0 : i32
      %dma_start3A_441 = arith.constant 384 : i32
      %dma_start3A_442 = tpu.memref_slice %arg7[%dma_start3A_440, %dma_start3A_441] : memref<8x1536xf32, #tpu.memory_space<vmem>> -> memref<8x384xf32, #tpu.memory_space<vmem>>
      %dma_start3A_443 = arith.constant 24 : i32
      %dma_start3A_444 = arith.constant 0 : i32
      %dma_start3A_445 = tpu.memref_slice %arg4[%add3A_423, %dma_start3A_439, %dma_start3A_443, %dma_start3A_444] : memref<56x4x56x384xf32, #tpu.memory_space<hbm>> -> memref<1x1x8x384xf32, #tpu.memory_space<hbm>>
      %dma_start3A_446 = tpu.memref_squeeze %dma_start3A_445 : memref<1x1x8x384xf32, #tpu.memory_space<hbm>> -> memref<8x384xf32, #tpu.memory_space<hbm>>
      %dma_start3A_447 = arith.constant 24 : i32
      %dma_start3A_448 = arith.constant 0 : i32
      %dma_start3A_449 = tpu.memref_slice %arg4[%add3A_423, %dma_start3A_439, %dma_start3A_447, %dma_start3A_448] : memref<56x4x56x384xf32, #tpu.memory_space<hbm>> -> memref<1x1x8x384xf32, #tpu.memory_space<hbm>>
      %dma_start3A_450 = tpu.memref_squeeze %dma_start3A_449 : memref<1x1x8x384xf32, #tpu.memory_space<hbm>> -> memref<8x384xf32, #tpu.memory_space<hbm>>
      %dma_start3A_451 = arith.constant 0 : i32
      %dma_start3A_452 = arith.constant 384 : i32
      %dma_start3A_453 = tpu.memref_slice %arg7[%dma_start3A_451, %dma_start3A_452] : memref<8x1536xf32, #tpu.memory_space<vmem>> -> memref<8x384xf32, #tpu.memory_space<vmem>>
      tpu.enqueue_dma source(%dma_start3A_453 : memref<8x384xf32, #tpu.memory_space<vmem>>) target(%dma_start3A_450 : memref<8x384xf32, #tpu.memory_space<hbm>>) target_semaphore(%arg10 : memref<!tpu.dma_semaphore, #tpu.memory_space<semaphore_mem>>)
      %dma_start3A_454 = arith.constant 2 : i32
      %dma_start3A_455 = arith.constant 0 : i32
      %dma_start3A_456 = arith.constant 768 : i32
      %dma_start3A_457 = tpu.memref_slice %arg7[%dma_start3A_455, %dma_start3A_456] : memref<8x1536xf32, #tpu.memory_space<vmem>> -> memref<8x384xf32, #tpu.memory_space<vmem>>
      %dma_start3A_458 = arith.constant 24 : i32
      %dma_start3A_459 = arith.constant 0 : i32
      %dma_start3A_460 = tpu.memref_slice %arg4[%add3A_423, %dma_start3A_454, %dma_start3A_458, %dma_start3A_459] : memref<56x4x56x384xf32, #tpu.memory_space<hbm>> -> memref<1x1x8x384xf32, #tpu.memory_space<hbm>>
      %dma_start3A_461 = tpu.memref_squeeze %dma_start3A_460 : memref<1x1x8x384xf32, #tpu.memory_space<hbm>> -> memref<8x384xf32, #tpu.memory_space<hbm>>
      %dma_start3A_462 = arith.constant 24 : i32
      %dma_start3A_463 = arith.constant 0 : i32
      %dma_start3A_464 = tpu.memref_slice %arg4[%add3A_423, %dma_start3A_454, %dma_start3A_462, %dma_start3A_463] : memref<56x4x56x384xf32, #tpu.memory_space<hbm>> -> memref<1x1x8x384xf32, #tpu.memory_space<hbm>>
      %dma_start3A_465 = tpu.memref_squeeze %dma_start3A_464 : memref<1x1x8x384xf32, #tpu.memory_space<hbm>> -> memref<8x384xf32, #tpu.memory_space<hbm>>
      %dma_start3A_466 = arith.constant 0 : i32
      %dma_start3A_467 = arith.constant 768 : i32
      %dma_start3A_468 = tpu.memref_slice %arg7[%dma_start3A_466, %dma_start3A_467] : memref<8x1536xf32, #tpu.memory_space<vmem>> -> memref<8x384xf32, #tpu.memory_space<vmem>>
      tpu.enqueue_dma source(%dma_start3A_468 : memref<8x384xf32, #tpu.memory_space<vmem>>) target(%dma_start3A_465 : memref<8x384xf32, #tpu.memory_space<hbm>>) target_semaphore(%arg10 : memref<!tpu.dma_semaphore, #tpu.memory_space<semaphore_mem>>)
      %dma_start3A_469 = arith.constant 3 : i32
      %dma_start3A_470 = arith.constant 0 : i32
      %dma_start3A_471 = arith.constant 1152 : i32
      %dma_start3A_472 = tpu.memref_slice %arg7[%dma_start3A_470, %dma_start3A_471] : memref<8x1536xf32, #tpu.memory_space<vmem>> -> memref<8x384xf32, #tpu.memory_space<vmem>>
      %dma_start3A_473 = arith.constant 24 : i32
      %dma_start3A_474 = arith.constant 0 : i32
      %dma_start3A_475 = tpu.memref_slice %arg4[%add3A_423, %dma_start3A_469, %dma_start3A_473, %dma_start3A_474] : memref<56x4x56x384xf32, #tpu.memory_space<hbm>> -> memref<1x1x8x384xf32, #tpu.memory_space<hbm>>
      %dma_start3A_476 = tpu.memref_squeeze %dma_start3A_475 : memref<1x1x8x384xf32, #tpu.memory_space<hbm>> -> memref<8x384xf32, #tpu.memory_space<hbm>>
      %dma_start3A_477 = arith.constant 24 : i32
      %dma_start3A_478 = arith.constant 0 : i32
      %dma_start3A_479 = tpu.memref_slice %arg4[%add3A_423, %dma_start3A_469, %dma_start3A_477, %dma_start3A_478] : memref<56x4x56x384xf32, #tpu.memory_space<hbm>> -> memref<1x1x8x384xf32, #tpu.memory_space<hbm>>
      %dma_start3A_480 = tpu.memref_squeeze %dma_start3A_479 : memref<1x1x8x384xf32, #tpu.memory_space<hbm>> -> memref<8x384xf32, #tpu.memory_space<hbm>>
      %dma_start3A_481 = arith.constant 0 : i32
      %dma_start3A_482 = arith.constant 1152 : i32
      %dma_start3A_483 = tpu.memref_slice %arg7[%dma_start3A_481, %dma_start3A_482] : memref<8x1536xf32, #tpu.memory_space<vmem>> -> memref<8x384xf32, #tpu.memory_space<vmem>>
      tpu.enqueue_dma source(%dma_start3A_483 : memref<8x384xf32, #tpu.memory_space<vmem>>) target(%dma_start3A_480 : memref<8x384xf32, #tpu.memory_space<hbm>>) target_semaphore(%arg10 : memref<!tpu.dma_semaphore, #tpu.memory_space<semaphore_mem>>)
      %dma_wait3A_484 = arith.constant 32 : i32
      %dma_wait3A_485 = tpu.memref_slice %arg5[%dma_wait3A_484] : memref<112xi32, #tpu.memory_space<vmem>> -> memref<8xi32, #tpu.memory_space<vmem>>
      %dma_wait3A_486 = arith.constant 0 : i32
      %dma_wait3A_487 = arith.constant 0 : i32
      %dma_wait3A_488 = tpu.memref_slice %arg2[%dma_wait3A_486, %dma_wait3A_487] : memref<3136x1536xf32, #tpu.memory_space<hbm>> -> memref<3136x1536xf32, #tpu.memory_space<hbm>>
      tpu.wait_indirect_dma semaphore(%arg8 : memref<!tpu.dma_semaphore, #tpu.memory_space<semaphore_mem>>) src(%dma_wait3A_488 : memref<3136x1536xf32, #tpu.memory_space<hbm>>) dst(%arg6 : memref<8x1536xf32, #tpu.memory_space<vmem>>)
      %dma_wait3A_489 = arith.constant 0 : i32
      %dma_wait3A_490 = arith.constant 0 : i32
      %dma_wait3A_491 = arith.constant 0 : i32
      %dma_wait3A_492 = tpu.memref_slice %arg7[%dma_wait3A_490, %dma_wait3A_491] : memref<8x1536xf32, #tpu.memory_space<vmem>> -> memref<8x384xf32, #tpu.memory_space<vmem>>
      %dma_wait3A_493 = arith.constant 24 : i32
      %dma_wait3A_494 = arith.constant 0 : i32
      %dma_wait3A_495 = tpu.memref_slice %arg4[%add3A_423, %dma_wait3A_489, %dma_wait3A_493, %dma_wait3A_494] : memref<56x4x56x384xf32, #tpu.memory_space<hbm>> -> memref<1x1x8x384xf32, #tpu.memory_space<hbm>>
      %dma_wait3A_496 = tpu.memref_squeeze %dma_wait3A_495 : memref<1x1x8x384xf32, #tpu.memory_space<hbm>> -> memref<8x384xf32, #tpu.memory_space<hbm>>
      %dma_wait3A_497 = arith.constant 24 : i32
      %dma_wait3A_498 = arith.constant 0 : i32
      %dma_wait3A_499 = tpu.memref_slice %arg4[%add3A_423, %dma_wait3A_489, %dma_wait3A_497, %dma_wait3A_498] : memref<56x4x56x384xf32, #tpu.memory_space<hbm>> -> memref<1x1x8x384xf32, #tpu.memory_space<hbm>>
      %dma_wait3A_500 = tpu.memref_squeeze %dma_wait3A_499 : memref<1x1x8x384xf32, #tpu.memory_space<hbm>> -> memref<8x384xf32, #tpu.memory_space<hbm>>
      %dma_wait3A_501 = arith.constant 0 : i32
      %dma_wait3A_502 = arith.constant 0 : i32
      %dma_wait3A_503 = tpu.memref_slice %arg7[%dma_wait3A_501, %dma_wait3A_502] : memref<8x1536xf32, #tpu.memory_space<vmem>> -> memref<8x384xf32, #tpu.memory_space<vmem>>
      tpu.wait_dma2 semaphore(%arg10 : memref<!tpu.dma_semaphore, #tpu.memory_space<semaphore_mem>>) src(%dma_wait3A_503 : memref<8x384xf32, #tpu.memory_space<vmem>>) dst(%dma_wait3A_500 : memref<8x384xf32, #tpu.memory_space<hbm>>)
      %dma_wait3A_504 = arith.constant 1 : i32
      %dma_wait3A_505 = arith.constant 0 : i32
      %dma_wait3A_506 = arith.constant 384 : i32
      %dma_wait3A_507 = tpu.memref_slice %arg7[%dma_wait3A_505, %dma_wait3A_506] : memref<8x1536xf32, #tpu.memory_space<vmem>> -> memref<8x384xf32, #tpu.memory_space<vmem>>
      %dma_wait3A_508 = arith.constant 24 : i32
      %dma_wait3A_509 = arith.constant 0 : i32
      %dma_wait3A_510 = tpu.memref_slice %arg4[%add3A_423, %dma_wait3A_504, %dma_wait3A_508, %dma_wait3A_509] : memref<56x4x56x384xf32, #tpu.memory_space<hbm>> -> memref<1x1x8x384xf32, #tpu.memory_space<hbm>>
      %dma_wait3A_511 = tpu.memref_squeeze %dma_wait3A_510 : memref<1x1x8x384xf32, #tpu.memory_space<hbm>> -> memref<8x384xf32, #tpu.memory_space<hbm>>
      %dma_wait3A_512 = arith.constant 24 : i32
      %dma_wait3A_513 = arith.constant 0 : i32
      %dma_wait3A_514 = tpu.memref_slice %arg4[%add3A_423, %dma_wait3A_504, %dma_wait3A_512, %dma_wait3A_513] : memref<56x4x56x384xf32, #tpu.memory_space<hbm>> -> memref<1x1x8x384xf32, #tpu.memory_space<hbm>>
      %dma_wait3A_515 = tpu.memref_squeeze %dma_wait3A_514 : memref<1x1x8x384xf32, #tpu.memory_space<hbm>> -> memref<8x384xf32, #tpu.memory_space<hbm>>
      %dma_wait3A_516 = arith.constant 0 : i32
      %dma_wait3A_517 = arith.constant 384 : i32
      %dma_wait3A_518 = tpu.memref_slice %arg7[%dma_wait3A_516, %dma_wait3A_517] : memref<8x1536xf32, #tpu.memory_space<vmem>> -> memref<8x384xf32, #tpu.memory_space<vmem>>
      tpu.wait_dma2 semaphore(%arg10 : memref<!tpu.dma_semaphore, #tpu.memory_space<semaphore_mem>>) src(%dma_wait3A_518 : memref<8x384xf32, #tpu.memory_space<vmem>>) dst(%dma_wait3A_515 : memref<8x384xf32, #tpu.memory_space<hbm>>)
      %dma_wait3A_519 = arith.constant 2 : i32
      %dma_wait3A_520 = arith.constant 0 : i32
      %dma_wait3A_521 = arith.constant 768 : i32
      %dma_wait3A_522 = tpu.memref_slice %arg7[%dma_wait3A_520, %dma_wait3A_521] : memref<8x1536xf32, #tpu.memory_space<vmem>> -> memref<8x384xf32, #tpu.memory_space<vmem>>
      %dma_wait3A_523 = arith.constant 24 : i32
      %dma_wait3A_524 = arith.constant 0 : i32
      %dma_wait3A_525 = tpu.memref_slice %arg4[%add3A_423, %dma_wait3A_519, %dma_wait3A_523, %dma_wait3A_524] : memref<56x4x56x384xf32, #tpu.memory_space<hbm>> -> memref<1x1x8x384xf32, #tpu.memory_space<hbm>>
      %dma_wait3A_526 = tpu.memref_squeeze %dma_wait3A_525 : memref<1x1x8x384xf32, #tpu.memory_space<hbm>> -> memref<8x384xf32, #tpu.memory_space<hbm>>
      %dma_wait3A_527 = arith.constant 24 : i32
      %dma_wait3A_528 = arith.constant 0 : i32
      %dma_wait3A_529 = tpu.memref_slice %arg4[%add3A_423, %dma_wait3A_519, %dma_wait3A_527, %dma_wait3A_528] : memref<56x4x56x384xf32, #tpu.memory_space<hbm>> -> memref<1x1x8x384xf32, #tpu.memory_space<hbm>>
      %dma_wait3A_530 = tpu.memref_squeeze %dma_wait3A_529 : memref<1x1x8x384xf32, #tpu.memory_space<hbm>> -> memref<8x384xf32, #tpu.memory_space<hbm>>
      %dma_wait3A_531 = arith.constant 0 : i32
      %dma_wait3A_532 = arith.constant 768 : i32
      %dma_wait3A_533 = tpu.memref_slice %arg7[%dma_wait3A_531, %dma_wait3A_532] : memref<8x1536xf32, #tpu.memory_space<vmem>> -> memref<8x384xf32, #tpu.memory_space<vmem>>
      tpu.wait_dma2 semaphore(%arg10 : memref<!tpu.dma_semaphore, #tpu.memory_space<semaphore_mem>>) src(%dma_wait3A_533 : memref<8x384xf32, #tpu.memory_space<vmem>>) dst(%dma_wait3A_530 : memref<8x384xf32, #tpu.memory_space<hbm>>)
      %dma_wait3A_534 = arith.constant 3 : i32
      %dma_wait3A_535 = arith.constant 0 : i32
      %dma_wait3A_536 = arith.constant 1152 : i32
      %dma_wait3A_537 = tpu.memref_slice %arg7[%dma_wait3A_535, %dma_wait3A_536] : memref<8x1536xf32, #tpu.memory_space<vmem>> -> memref<8x384xf32, #tpu.memory_space<vmem>>
      %dma_wait3A_538 = arith.constant 24 : i32
      %dma_wait3A_539 = arith.constant 0 : i32
      %dma_wait3A_540 = tpu.memref_slice %arg4[%add3A_423, %dma_wait3A_534, %dma_wait3A_538, %dma_wait3A_539] : memref<56x4x56x384xf32, #tpu.memory_space<hbm>> -> memref<1x1x8x384xf32, #tpu.memory_space<hbm>>
      %dma_wait3A_541 = tpu.memref_squeeze %dma_wait3A_540 : memref<1x1x8x384xf32, #tpu.memory_space<hbm>> -> memref<8x384xf32, #tpu.memory_space<hbm>>
      %dma_wait3A_542 = arith.constant 24 : i32
      %dma_wait3A_543 = arith.constant 0 : i32
      %dma_wait3A_544 = tpu.memref_slice %arg4[%add3A_423, %dma_wait3A_534, %dma_wait3A_542, %dma_wait3A_543] : memref<56x4x56x384xf32, #tpu.memory_space<hbm>> -> memref<1x1x8x384xf32, #tpu.memory_space<hbm>>
      %dma_wait3A_545 = tpu.memref_squeeze %dma_wait3A_544 : memref<1x1x8x384xf32, #tpu.memory_space<hbm>> -> memref<8x384xf32, #tpu.memory_space<hbm>>
      %dma_wait3A_546 = arith.constant 0 : i32
      %dma_wait3A_547 = arith.constant 1152 : i32
      %dma_wait3A_548 = tpu.memref_slice %arg7[%dma_wait3A_546, %dma_wait3A_547] : memref<8x1536xf32, #tpu.memory_space<vmem>> -> memref<8x384xf32, #tpu.memory_space<vmem>>
      tpu.wait_dma2 semaphore(%arg10 : memref<!tpu.dma_semaphore, #tpu.memory_space<semaphore_mem>>) src(%dma_wait3A_548 : memref<8x384xf32, #tpu.memory_space<vmem>>) dst(%dma_wait3A_545 : memref<8x384xf32, #tpu.memory_space<hbm>>)
      %dma_start3A_549 = arith.constant 40 : i32
      %dma_start3A_550 = tpu.memref_slice %arg5[%dma_start3A_549] : memref<112xi32, #tpu.memory_space<vmem>> -> memref<8xi32, #tpu.memory_space<vmem>>
      %dma_start3A_551 = arith.constant 0 : i32
      %dma_start3A_552 = arith.constant 0 : i32
      %dma_start3A_553 = tpu.memref_slice %arg2[%dma_start3A_551, %dma_start3A_552] : memref<3136x1536xf32, #tpu.memory_space<hbm>> -> memref<3136x1536xf32, #tpu.memory_space<hbm>>
      tpu.enqueue_indirect_dma source(%dma_start3A_553 : memref<3136x1536xf32, #tpu.memory_space<hbm>>) target(%arg7 : memref<8x1536xf32, #tpu.memory_space<vmem>>) offsets(%dma_start3A_550 : memref<8xi32, #tpu.memory_space<vmem>>) semaphore(%arg9 : memref<!tpu.dma_semaphore, #tpu.memory_space<semaphore_mem>>)
      %mul3A_554 = arith.constant 2 : i32
      %mul3A_555 = arith.muli %mul3A_554, %add3A : i32
      %add3A_556 = arith.constant 0 : i32
      %add3A_557 = arith.addi %mul3A_555, %add3A_556 : i32
      %dma_start3A_558 = arith.constant 0 : i32
      %dma_start3A_559 = arith.constant 0 : i32
      %dma_start3A_560 = arith.constant 0 : i32
      %dma_start3A_561 = tpu.memref_slice %arg6[%dma_start3A_559, %dma_start3A_560] : memref<8x1536xf32, #tpu.memory_space<vmem>> -> memref<8x384xf32, #tpu.memory_space<vmem>>
      %dma_start3A_562 = arith.constant 32 : i32
      %dma_start3A_563 = arith.constant 0 : i32
      %dma_start3A_564 = tpu.memref_slice %arg4[%add3A_557, %dma_start3A_558, %dma_start3A_562, %dma_start3A_563] : memref<56x4x56x384xf32, #tpu.memory_space<hbm>> -> memref<1x1x8x384xf32, #tpu.memory_space<hbm>>
      %dma_start3A_565 = tpu.memref_squeeze %dma_start3A_564 : memref<1x1x8x384xf32, #tpu.memory_space<hbm>> -> memref<8x384xf32, #tpu.memory_space<hbm>>
      %dma_start3A_566 = arith.constant 32 : i32
      %dma_start3A_567 = arith.constant 0 : i32
      %dma_start3A_568 = tpu.memref_slice %arg4[%add3A_557, %dma_start3A_558, %dma_start3A_566, %dma_start3A_567] : memref<56x4x56x384xf32, #tpu.memory_space<hbm>> -> memref<1x1x8x384xf32, #tpu.memory_space<hbm>>
      %dma_start3A_569 = tpu.memref_squeeze %dma_start3A_568 : memref<1x1x8x384xf32, #tpu.memory_space<hbm>> -> memref<8x384xf32, #tpu.memory_space<hbm>>
      %dma_start3A_570 = arith.constant 0 : i32
      %dma_start3A_571 = arith.constant 0 : i32
      %dma_start3A_572 = tpu.memref_slice %arg6[%dma_start3A_570, %dma_start3A_571] : memref<8x1536xf32, #tpu.memory_space<vmem>> -> memref<8x384xf32, #tpu.memory_space<vmem>>
      tpu.enqueue_dma source(%dma_start3A_572 : memref<8x384xf32, #tpu.memory_space<vmem>>) target(%dma_start3A_569 : memref<8x384xf32, #tpu.memory_space<hbm>>) target_semaphore(%arg10 : memref<!tpu.dma_semaphore, #tpu.memory_space<semaphore_mem>>)
      %dma_start3A_573 = arith.constant 1 : i32
      %dma_start3A_574 = arith.constant 0 : i32
      %dma_start3A_575 = arith.constant 384 : i32
      %dma_start3A_576 = tpu.memref_slice %arg6[%dma_start3A_574, %dma_start3A_575] : memref<8x1536xf32, #tpu.memory_space<vmem>> -> memref<8x384xf32, #tpu.memory_space<vmem>>
      %dma_start3A_577 = arith.constant 32 : i32
      %dma_start3A_578 = arith.constant 0 : i32
      %dma_start3A_579 = tpu.memref_slice %arg4[%add3A_557, %dma_start3A_573, %dma_start3A_577, %dma_start3A_578] : memref<56x4x56x384xf32, #tpu.memory_space<hbm>> -> memref<1x1x8x384xf32, #tpu.memory_space<hbm>>
      %dma_start3A_580 = tpu.memref_squeeze %dma_start3A_579 : memref<1x1x8x384xf32, #tpu.memory_space<hbm>> -> memref<8x384xf32, #tpu.memory_space<hbm>>
      %dma_start3A_581 = arith.constant 32 : i32
      %dma_start3A_582 = arith.constant 0 : i32
      %dma_start3A_583 = tpu.memref_slice %arg4[%add3A_557, %dma_start3A_573, %dma_start3A_581, %dma_start3A_582] : memref<56x4x56x384xf32, #tpu.memory_space<hbm>> -> memref<1x1x8x384xf32, #tpu.memory_space<hbm>>
      %dma_start3A_584 = tpu.memref_squeeze %dma_start3A_583 : memref<1x1x8x384xf32, #tpu.memory_space<hbm>> -> memref<8x384xf32, #tpu.memory_space<hbm>>
      %dma_start3A_585 = arith.constant 0 : i32
      %dma_start3A_586 = arith.constant 384 : i32
      %dma_start3A_587 = tpu.memref_slice %arg6[%dma_start3A_585, %dma_start3A_586] : memref<8x1536xf32, #tpu.memory_space<vmem>> -> memref<8x384xf32, #tpu.memory_space<vmem>>
      tpu.enqueue_dma source(%dma_start3A_587 : memref<8x384xf32, #tpu.memory_space<vmem>>) target(%dma_start3A_584 : memref<8x384xf32, #tpu.memory_space<hbm>>) target_semaphore(%arg10 : memref<!tpu.dma_semaphore, #tpu.memory_space<semaphore_mem>>)
      %dma_start3A_588 = arith.constant 2 : i32
      %dma_start3A_589 = arith.constant 0 : i32
      %dma_start3A_590 = arith.constant 768 : i32
      %dma_start3A_591 = tpu.memref_slice %arg6[%dma_start3A_589, %dma_start3A_590] : memref<8x1536xf32, #tpu.memory_space<vmem>> -> memref<8x384xf32, #tpu.memory_space<vmem>>
      %dma_start3A_592 = arith.constant 32 : i32
      %dma_start3A_593 = arith.constant 0 : i32
      %dma_start3A_594 = tpu.memref_slice %arg4[%add3A_557, %dma_start3A_588, %dma_start3A_592, %dma_start3A_593] : memref<56x4x56x384xf32, #tpu.memory_space<hbm>> -> memref<1x1x8x384xf32, #tpu.memory_space<hbm>>
      %dma_start3A_595 = tpu.memref_squeeze %dma_start3A_594 : memref<1x1x8x384xf32, #tpu.memory_space<hbm>> -> memref<8x384xf32, #tpu.memory_space<hbm>>
      %dma_start3A_596 = arith.constant 32 : i32
      %dma_start3A_597 = arith.constant 0 : i32
      %dma_start3A_598 = tpu.memref_slice %arg4[%add3A_557, %dma_start3A_588, %dma_start3A_596, %dma_start3A_597] : memref<56x4x56x384xf32, #tpu.memory_space<hbm>> -> memref<1x1x8x384xf32, #tpu.memory_space<hbm>>
      %dma_start3A_599 = tpu.memref_squeeze %dma_start3A_598 : memref<1x1x8x384xf32, #tpu.memory_space<hbm>> -> memref<8x384xf32, #tpu.memory_space<hbm>>
      %dma_start3A_600 = arith.constant 0 : i32
      %dma_start3A_601 = arith.constant 768 : i32
      %dma_start3A_602 = tpu.memref_slice %arg6[%dma_start3A_600, %dma_start3A_601] : memref<8x1536xf32, #tpu.memory_space<vmem>> -> memref<8x384xf32, #tpu.memory_space<vmem>>
      tpu.enqueue_dma source(%dma_start3A_602 : memref<8x384xf32, #tpu.memory_space<vmem>>) target(%dma_start3A_599 : memref<8x384xf32, #tpu.memory_space<hbm>>) target_semaphore(%arg10 : memref<!tpu.dma_semaphore, #tpu.memory_space<semaphore_mem>>)
      %dma_start3A_603 = arith.constant 3 : i32
      %dma_start3A_604 = arith.constant 0 : i32
      %dma_start3A_605 = arith.constant 1152 : i32
      %dma_start3A_606 = tpu.memref_slice %arg6[%dma_start3A_604, %dma_start3A_605] : memref<8x1536xf32, #tpu.memory_space<vmem>> -> memref<8x384xf32, #tpu.memory_space<vmem>>
      %dma_start3A_607 = arith.constant 32 : i32
      %dma_start3A_608 = arith.constant 0 : i32
      %dma_start3A_609 = tpu.memref_slice %arg4[%add3A_557, %dma_start3A_603, %dma_start3A_607, %dma_start3A_608] : memref<56x4x56x384xf32, #tpu.memory_space<hbm>> -> memref<1x1x8x384xf32, #tpu.memory_space<hbm>>
      %dma_start3A_610 = tpu.memref_squeeze %dma_start3A_609 : memref<1x1x8x384xf32, #tpu.memory_space<hbm>> -> memref<8x384xf32, #tpu.memory_space<hbm>>
      %dma_start3A_611 = arith.constant 32 : i32
      %dma_start3A_612 = arith.constant 0 : i32
      %dma_start3A_613 = tpu.memref_slice %arg4[%add3A_557, %dma_start3A_603, %dma_start3A_611, %dma_start3A_612] : memref<56x4x56x384xf32, #tpu.memory_space<hbm>> -> memref<1x1x8x384xf32, #tpu.memory_space<hbm>>
      %dma_start3A_614 = tpu.memref_squeeze %dma_start3A_613 : memref<1x1x8x384xf32, #tpu.memory_space<hbm>> -> memref<8x384xf32, #tpu.memory_space<hbm>>
      %dma_start3A_615 = arith.constant 0 : i32
      %dma_start3A_616 = arith.constant 1152 : i32
      %dma_start3A_617 = tpu.memref_slice %arg6[%dma_start3A_615, %dma_start3A_616] : memref<8x1536xf32, #tpu.memory_space<vmem>> -> memref<8x384xf32, #tpu.memory_space<vmem>>
      tpu.enqueue_dma source(%dma_start3A_617 : memref<8x384xf32, #tpu.memory_space<vmem>>) target(%dma_start3A_614 : memref<8x384xf32, #tpu.memory_space<hbm>>) target_semaphore(%arg10 : memref<!tpu.dma_semaphore, #tpu.memory_space<semaphore_mem>>)
      %dma_wait3A_618 = arith.constant 40 : i32
      %dma_wait3A_619 = tpu.memref_slice %arg5[%dma_wait3A_618] : memref<112xi32, #tpu.memory_space<vmem>> -> memref<8xi32, #tpu.memory_space<vmem>>
      %dma_wait3A_620 = arith.constant 0 : i32
      %dma_wait3A_621 = arith.constant 0 : i32
      %dma_wait3A_622 = tpu.memref_slice %arg2[%dma_wait3A_620, %dma_wait3A_621] : memref<3136x1536xf32, #tpu.memory_space<hbm>> -> memref<3136x1536xf32, #tpu.memory_space<hbm>>
      tpu.wait_indirect_dma semaphore(%arg9 : memref<!tpu.dma_semaphore, #tpu.memory_space<semaphore_mem>>) src(%dma_wait3A_622 : memref<3136x1536xf32, #tpu.memory_space<hbm>>) dst(%arg7 : memref<8x1536xf32, #tpu.memory_space<vmem>>)
      %dma_wait3A_623 = arith.constant 0 : i32
      %dma_wait3A_624 = arith.constant 0 : i32
      %dma_wait3A_625 = arith.constant 0 : i32
      %dma_wait3A_626 = tpu.memref_slice %arg6[%dma_wait3A_624, %dma_wait3A_625] : memref<8x1536xf32, #tpu.memory_space<vmem>> -> memref<8x384xf32, #tpu.memory_space<vmem>>
      %dma_wait3A_627 = arith.constant 32 : i32
      %dma_wait3A_628 = arith.constant 0 : i32
      %dma_wait3A_629 = tpu.memref_slice %arg4[%add3A_557, %dma_wait3A_623, %dma_wait3A_627, %dma_wait3A_628] : memref<56x4x56x384xf32, #tpu.memory_space<hbm>> -> memref<1x1x8x384xf32, #tpu.memory_space<hbm>>
      %dma_wait3A_630 = tpu.memref_squeeze %dma_wait3A_629 : memref<1x1x8x384xf32, #tpu.memory_space<hbm>> -> memref<8x384xf32, #tpu.memory_space<hbm>>
      %dma_wait3A_631 = arith.constant 32 : i32
      %dma_wait3A_632 = arith.constant 0 : i32
      %dma_wait3A_633 = tpu.memref_slice %arg4[%add3A_557, %dma_wait3A_623, %dma_wait3A_631, %dma_wait3A_632] : memref<56x4x56x384xf32, #tpu.memory_space<hbm>> -> memref<1x1x8x384xf32, #tpu.memory_space<hbm>>
      %dma_wait3A_634 = tpu.memref_squeeze %dma_wait3A_633 : memref<1x1x8x384xf32, #tpu.memory_space<hbm>> -> memref<8x384xf32, #tpu.memory_space<hbm>>
      %dma_wait3A_635 = arith.constant 0 : i32
      %dma_wait3A_636 = arith.constant 0 : i32
      %dma_wait3A_637 = tpu.memref_slice %arg6[%dma_wait3A_635, %dma_wait3A_636] : memref<8x1536xf32, #tpu.memory_space<vmem>> -> memref<8x384xf32, #tpu.memory_space<vmem>>
      tpu.wait_dma2 semaphore(%arg10 : memref<!tpu.dma_semaphore, #tpu.memory_space<semaphore_mem>>) src(%dma_wait3A_637 : memref<8x384xf32, #tpu.memory_space<vmem>>) dst(%dma_wait3A_634 : memref<8x384xf32, #tpu.memory_space<hbm>>)
      %dma_wait3A_638 = arith.constant 1 : i32
      %dma_wait3A_639 = arith.constant 0 : i32
      %dma_wait3A_640 = arith.constant 384 : i32
      %dma_wait3A_641 = tpu.memref_slice %arg6[%dma_wait3A_639, %dma_wait3A_640] : memref<8x1536xf32, #tpu.memory_space<vmem>> -> memref<8x384xf32, #tpu.memory_space<vmem>>
      %dma_wait3A_642 = arith.constant 32 : i32
      %dma_wait3A_643 = arith.constant 0 : i32
      %dma_wait3A_644 = tpu.memref_slice %arg4[%add3A_557, %dma_wait3A_638, %dma_wait3A_642, %dma_wait3A_643] : memref<56x4x56x384xf32, #tpu.memory_space<hbm>> -> memref<1x1x8x384xf32, #tpu.memory_space<hbm>>
      %dma_wait3A_645 = tpu.memref_squeeze %dma_wait3A_644 : memref<1x1x8x384xf32, #tpu.memory_space<hbm>> -> memref<8x384xf32, #tpu.memory_space<hbm>>
      %dma_wait3A_646 = arith.constant 32 : i32
      %dma_wait3A_647 = arith.constant 0 : i32
      %dma_wait3A_648 = tpu.memref_slice %arg4[%add3A_557, %dma_wait3A_638, %dma_wait3A_646, %dma_wait3A_647] : memref<56x4x56x384xf32, #tpu.memory_space<hbm>> -> memref<1x1x8x384xf32, #tpu.memory_space<hbm>>
      %dma_wait3A_649 = tpu.memref_squeeze %dma_wait3A_648 : memref<1x1x8x384xf32, #tpu.memory_space<hbm>> -> memref<8x384xf32, #tpu.memory_space<hbm>>
      %dma_wait3A_650 = arith.constant 0 : i32
      %dma_wait3A_651 = arith.constant 384 : i32
      %dma_wait3A_652 = tpu.memref_slice %arg6[%dma_wait3A_650, %dma_wait3A_651] : memref<8x1536xf32, #tpu.memory_space<vmem>> -> memref<8x384xf32, #tpu.memory_space<vmem>>
      tpu.wait_dma2 semaphore(%arg10 : memref<!tpu.dma_semaphore, #tpu.memory_space<semaphore_mem>>) src(%dma_wait3A_652 : memref<8x384xf32, #tpu.memory_space<vmem>>) dst(%dma_wait3A_649 : memref<8x384xf32, #tpu.memory_space<hbm>>)
      %dma_wait3A_653 = arith.constant 2 : i32
      %dma_wait3A_654 = arith.constant 0 : i32
      %dma_wait3A_655 = arith.constant 768 : i32
      %dma_wait3A_656 = tpu.memref_slice %arg6[%dma_wait3A_654, %dma_wait3A_655] : memref<8x1536xf32, #tpu.memory_space<vmem>> -> memref<8x384xf32, #tpu.memory_space<vmem>>
      %dma_wait3A_657 = arith.constant 32 : i32
      %dma_wait3A_658 = arith.constant 0 : i32
      %dma_wait3A_659 = tpu.memref_slice %arg4[%add3A_557, %dma_wait3A_653, %dma_wait3A_657, %dma_wait3A_658] : memref<56x4x56x384xf32, #tpu.memory_space<hbm>> -> memref<1x1x8x384xf32, #tpu.memory_space<hbm>>
      %dma_wait3A_660 = tpu.memref_squeeze %dma_wait3A_659 : memref<1x1x8x384xf32, #tpu.memory_space<hbm>> -> memref<8x384xf32, #tpu.memory_space<hbm>>
      %dma_wait3A_661 = arith.constant 32 : i32
      %dma_wait3A_662 = arith.constant 0 : i32
      %dma_wait3A_663 = tpu.memref_slice %arg4[%add3A_557, %dma_wait3A_653, %dma_wait3A_661, %dma_wait3A_662] : memref<56x4x56x384xf32, #tpu.memory_space<hbm>> -> memref<1x1x8x384xf32, #tpu.memory_space<hbm>>
      %dma_wait3A_664 = tpu.memref_squeeze %dma_wait3A_663 : memref<1x1x8x384xf32, #tpu.memory_space<hbm>> -> memref<8x384xf32, #tpu.memory_space<hbm>>
      %dma_wait3A_665 = arith.constant 0 : i32
      %dma_wait3A_666 = arith.constant 768 : i32
      %dma_wait3A_667 = tpu.memref_slice %arg6[%dma_wait3A_665, %dma_wait3A_666] : memref<8x1536xf32, #tpu.memory_space<vmem>> -> memref<8x384xf32, #tpu.memory_space<vmem>>
      tpu.wait_dma2 semaphore(%arg10 : memref<!tpu.dma_semaphore, #tpu.memory_space<semaphore_mem>>) src(%dma_wait3A_667 : memref<8x384xf32, #tpu.memory_space<vmem>>) dst(%dma_wait3A_664 : memref<8x384xf32, #tpu.memory_space<hbm>>)
      %dma_wait3A_668 = arith.constant 3 : i32
      %dma_wait3A_669 = arith.constant 0 : i32
      %dma_wait3A_670 = arith.constant 1152 : i32
      %dma_wait3A_671 = tpu.memref_slice %arg6[%dma_wait3A_669, %dma_wait3A_670] : memref<8x1536xf32, #tpu.memory_space<vmem>> -> memref<8x384xf32, #tpu.memory_space<vmem>>
      %dma_wait3A_672 = arith.constant 32 : i32
      %dma_wait3A_673 = arith.constant 0 : i32
      %dma_wait3A_674 = tpu.memref_slice %arg4[%add3A_557, %dma_wait3A_668, %dma_wait3A_672, %dma_wait3A_673] : memref<56x4x56x384xf32, #tpu.memory_space<hbm>> -> memref<1x1x8x384xf32, #tpu.memory_space<hbm>>
      %dma_wait3A_675 = tpu.memref_squeeze %dma_wait3A_674 : memref<1x1x8x384xf32, #tpu.memory_space<hbm>> -> memref<8x384xf32, #tpu.memory_space<hbm>>
      %dma_wait3A_676 = arith.constant 32 : i32
      %dma_wait3A_677 = arith.constant 0 : i32
      %dma_wait3A_678 = tpu.memref_slice %arg4[%add3A_557, %dma_wait3A_668, %dma_wait3A_676, %dma_wait3A_677] : memref<56x4x56x384xf32, #tpu.memory_space<hbm>> -> memref<1x1x8x384xf32, #tpu.memory_space<hbm>>
      %dma_wait3A_679 = tpu.memref_squeeze %dma_wait3A_678 : memref<1x1x8x384xf32, #tpu.memory_space<hbm>> -> memref<8x384xf32, #tpu.memory_space<hbm>>
      %dma_wait3A_680 = arith.constant 0 : i32
      %dma_wait3A_681 = arith.constant 1152 : i32
      %dma_wait3A_682 = tpu.memref_slice %arg6[%dma_wait3A_680, %dma_wait3A_681] : memref<8x1536xf32, #tpu.memory_space<vmem>> -> memref<8x384xf32, #tpu.memory_space<vmem>>
      tpu.wait_dma2 semaphore(%arg10 : memref<!tpu.dma_semaphore, #tpu.memory_space<semaphore_mem>>) src(%dma_wait3A_682 : memref<8x384xf32, #tpu.memory_space<vmem>>) dst(%dma_wait3A_679 : memref<8x384xf32, #tpu.memory_space<hbm>>)
      %dma_start3A_683 = arith.constant 48 : i32
      %dma_start3A_684 = tpu.memref_slice %arg5[%dma_start3A_683] : memref<112xi32, #tpu.memory_space<vmem>> -> memref<8xi32, #tpu.memory_space<vmem>>
      %dma_start3A_685 = arith.constant 0 : i32
      %dma_start3A_686 = arith.constant 0 : i32
      %dma_start3A_687 = tpu.memref_slice %arg2[%dma_start3A_685, %dma_start3A_686] : memref<3136x1536xf32, #tpu.memory_space<hbm>> -> memref<3136x1536xf32, #tpu.memory_space<hbm>>
      tpu.enqueue_indirect_dma source(%dma_start3A_687 : memref<3136x1536xf32, #tpu.memory_space<hbm>>) target(%arg6 : memref<8x1536xf32, #tpu.memory_space<vmem>>) offsets(%dma_start3A_684 : memref<8xi32, #tpu.memory_space<vmem>>) semaphore(%arg8 : memref<!tpu.dma_semaphore, #tpu.memory_space<semaphore_mem>>)
      %mul3A_688 = arith.constant 2 : i32
      %mul3A_689 = arith.muli %mul3A_688, %add3A : i32
      %add3A_690 = arith.constant 0 : i32
      %add3A_691 = arith.addi %mul3A_689, %add3A_690 : i32
      %dma_start3A_692 = arith.constant 0 : i32
      %dma_start3A_693 = arith.constant 0 : i32
      %dma_start3A_694 = arith.constant 0 : i32
      %dma_start3A_695 = tpu.memref_slice %arg7[%dma_start3A_693, %dma_start3A_694] : memref<8x1536xf32, #tpu.memory_space<vmem>> -> memref<8x384xf32, #tpu.memory_space<vmem>>
      %dma_start3A_696 = arith.constant 40 : i32
      %dma_start3A_697 = arith.constant 0 : i32
      %dma_start3A_698 = tpu.memref_slice %arg4[%add3A_691, %dma_start3A_692, %dma_start3A_696, %dma_start3A_697] : memref<56x4x56x384xf32, #tpu.memory_space<hbm>> -> memref<1x1x8x384xf32, #tpu.memory_space<hbm>>
      %dma_start3A_699 = tpu.memref_squeeze %dma_start3A_698 : memref<1x1x8x384xf32, #tpu.memory_space<hbm>> -> memref<8x384xf32, #tpu.memory_space<hbm>>
      %dma_start3A_700 = arith.constant 40 : i32
      %dma_start3A_701 = arith.constant 0 : i32
      %dma_start3A_702 = tpu.memref_slice %arg4[%add3A_691, %dma_start3A_692, %dma_start3A_700, %dma_start3A_701] : memref<56x4x56x384xf32, #tpu.memory_space<hbm>> -> memref<1x1x8x384xf32, #tpu.memory_space<hbm>>
      %dma_start3A_703 = tpu.memref_squeeze %dma_start3A_702 : memref<1x1x8x384xf32, #tpu.memory_space<hbm>> -> memref<8x384xf32, #tpu.memory_space<hbm>>
      %dma_start3A_704 = arith.constant 0 : i32
      %dma_start3A_705 = arith.constant 0 : i32
      %dma_start3A_706 = tpu.memref_slice %arg7[%dma_start3A_704, %dma_start3A_705] : memref<8x1536xf32, #tpu.memory_space<vmem>> -> memref<8x384xf32, #tpu.memory_space<vmem>>
      tpu.enqueue_dma source(%dma_start3A_706 : memref<8x384xf32, #tpu.memory_space<vmem>>) target(%dma_start3A_703 : memref<8x384xf32, #tpu.memory_space<hbm>>) target_semaphore(%arg10 : memref<!tpu.dma_semaphore, #tpu.memory_space<semaphore_mem>>)
      %dma_start3A_707 = arith.constant 1 : i32
      %dma_start3A_708 = arith.constant 0 : i32
      %dma_start3A_709 = arith.constant 384 : i32
      %dma_start3A_710 = tpu.memref_slice %arg7[%dma_start3A_708, %dma_start3A_709] : memref<8x1536xf32, #tpu.memory_space<vmem>> -> memref<8x384xf32, #tpu.memory_space<vmem>>
      %dma_start3A_711 = arith.constant 40 : i32
      %dma_start3A_712 = arith.constant 0 : i32
      %dma_start3A_713 = tpu.memref_slice %arg4[%add3A_691, %dma_start3A_707, %dma_start3A_711, %dma_start3A_712] : memref<56x4x56x384xf32, #tpu.memory_space<hbm>> -> memref<1x1x8x384xf32, #tpu.memory_space<hbm>>
      %dma_start3A_714 = tpu.memref_squeeze %dma_start3A_713 : memref<1x1x8x384xf32, #tpu.memory_space<hbm>> -> memref<8x384xf32, #tpu.memory_space<hbm>>
      %dma_start3A_715 = arith.constant 40 : i32
      %dma_start3A_716 = arith.constant 0 : i32
      %dma_start3A_717 = tpu.memref_slice %arg4[%add3A_691, %dma_start3A_707, %dma_start3A_715, %dma_start3A_716] : memref<56x4x56x384xf32, #tpu.memory_space<hbm>> -> memref<1x1x8x384xf32, #tpu.memory_space<hbm>>
      %dma_start3A_718 = tpu.memref_squeeze %dma_start3A_717 : memref<1x1x8x384xf32, #tpu.memory_space<hbm>> -> memref<8x384xf32, #tpu.memory_space<hbm>>
      %dma_start3A_719 = arith.constant 0 : i32
      %dma_start3A_720 = arith.constant 384 : i32
      %dma_start3A_721 = tpu.memref_slice %arg7[%dma_start3A_719, %dma_start3A_720] : memref<8x1536xf32, #tpu.memory_space<vmem>> -> memref<8x384xf32, #tpu.memory_space<vmem>>
      tpu.enqueue_dma source(%dma_start3A_721 : memref<8x384xf32, #tpu.memory_space<vmem>>) target(%dma_start3A_718 : memref<8x384xf32, #tpu.memory_space<hbm>>) target_semaphore(%arg10 : memref<!tpu.dma_semaphore, #tpu.memory_space<semaphore_mem>>)
      %dma_start3A_722 = arith.constant 2 : i32
      %dma_start3A_723 = arith.constant 0 : i32
      %dma_start3A_724 = arith.constant 768 : i32
      %dma_start3A_725 = tpu.memref_slice %arg7[%dma_start3A_723, %dma_start3A_724] : memref<8x1536xf32, #tpu.memory_space<vmem>> -> memref<8x384xf32, #tpu.memory_space<vmem>>
      %dma_start3A_726 = arith.constant 40 : i32
      %dma_start3A_727 = arith.constant 0 : i32
      %dma_start3A_728 = tpu.memref_slice %arg4[%add3A_691, %dma_start3A_722, %dma_start3A_726, %dma_start3A_727] : memref<56x4x56x384xf32, #tpu.memory_space<hbm>> -> memref<1x1x8x384xf32, #tpu.memory_space<hbm>>
      %dma_start3A_729 = tpu.memref_squeeze %dma_start3A_728 : memref<1x1x8x384xf32, #tpu.memory_space<hbm>> -> memref<8x384xf32, #tpu.memory_space<hbm>>
      %dma_start3A_730 = arith.constant 40 : i32
      %dma_start3A_731 = arith.constant 0 : i32
      %dma_start3A_732 = tpu.memref_slice %arg4[%add3A_691, %dma_start3A_722, %dma_start3A_730, %dma_start3A_731] : memref<56x4x56x384xf32, #tpu.memory_space<hbm>> -> memref<1x1x8x384xf32, #tpu.memory_space<hbm>>
      %dma_start3A_733 = tpu.memref_squeeze %dma_start3A_732 : memref<1x1x8x384xf32, #tpu.memory_space<hbm>> -> memref<8x384xf32, #tpu.memory_space<hbm>>
      %dma_start3A_734 = arith.constant 0 : i32
      %dma_start3A_735 = arith.constant 768 : i32
      %dma_start3A_736 = tpu.memref_slice %arg7[%dma_start3A_734, %dma_start3A_735] : memref<8x1536xf32, #tpu.memory_space<vmem>> -> memref<8x384xf32, #tpu.memory_space<vmem>>
      tpu.enqueue_dma source(%dma_start3A_736 : memref<8x384xf32, #tpu.memory_space<vmem>>) target(%dma_start3A_733 : memref<8x384xf32, #tpu.memory_space<hbm>>) target_semaphore(%arg10 : memref<!tpu.dma_semaphore, #tpu.memory_space<semaphore_mem>>)
      %dma_start3A_737 = arith.constant 3 : i32
      %dma_start3A_738 = arith.constant 0 : i32
      %dma_start3A_739 = arith.constant 1152 : i32
      %dma_start3A_740 = tpu.memref_slice %arg7[%dma_start3A_738, %dma_start3A_739] : memref<8x1536xf32, #tpu.memory_space<vmem>> -> memref<8x384xf32, #tpu.memory_space<vmem>>
      %dma_start3A_741 = arith.constant 40 : i32
      %dma_start3A_742 = arith.constant 0 : i32
      %dma_start3A_743 = tpu.memref_slice %arg4[%add3A_691, %dma_start3A_737, %dma_start3A_741, %dma_start3A_742] : memref<56x4x56x384xf32, #tpu.memory_space<hbm>> -> memref<1x1x8x384xf32, #tpu.memory_space<hbm>>
      %dma_start3A_744 = tpu.memref_squeeze %dma_start3A_743 : memref<1x1x8x384xf32, #tpu.memory_space<hbm>> -> memref<8x384xf32, #tpu.memory_space<hbm>>
      %dma_start3A_745 = arith.constant 40 : i32
      %dma_start3A_746 = arith.constant 0 : i32
      %dma_start3A_747 = tpu.memref_slice %arg4[%add3A_691, %dma_start3A_737, %dma_start3A_745, %dma_start3A_746] : memref<56x4x56x384xf32, #tpu.memory_space<hbm>> -> memref<1x1x8x384xf32, #tpu.memory_space<hbm>>
      %dma_start3A_748 = tpu.memref_squeeze %dma_start3A_747 : memref<1x1x8x384xf32, #tpu.memory_space<hbm>> -> memref<8x384xf32, #tpu.memory_space<hbm>>
      %dma_start3A_749 = arith.constant 0 : i32
      %dma_start3A_750 = arith.constant 1152 : i32
      %dma_start3A_751 = tpu.memref_slice %arg7[%dma_start3A_749, %dma_start3A_750] : memref<8x1536xf32, #tpu.memory_space<vmem>> -> memref<8x384xf32, #tpu.memory_space<vmem>>
      tpu.enqueue_dma source(%dma_start3A_751 : memref<8x384xf32, #tpu.memory_space<vmem>>) target(%dma_start3A_748 : memref<8x384xf32, #tpu.memory_space<hbm>>) target_semaphore(%arg10 : memref<!tpu.dma_semaphore, #tpu.memory_space<semaphore_mem>>)
      %dma_wait3A_752 = arith.constant 48 : i32
      %dma_wait3A_753 = tpu.memref_slice %arg5[%dma_wait3A_752] : memref<112xi32, #tpu.memory_space<vmem>> -> memref<8xi32, #tpu.memory_space<vmem>>
      %dma_wait3A_754 = arith.constant 0 : i32
      %dma_wait3A_755 = arith.constant 0 : i32
      %dma_wait3A_756 = tpu.memref_slice %arg2[%dma_wait3A_754, %dma_wait3A_755] : memref<3136x1536xf32, #tpu.memory_space<hbm>> -> memref<3136x1536xf32, #tpu.memory_space<hbm>>
      tpu.wait_indirect_dma semaphore(%arg8 : memref<!tpu.dma_semaphore, #tpu.memory_space<semaphore_mem>>) src(%dma_wait3A_756 : memref<3136x1536xf32, #tpu.memory_space<hbm>>) dst(%arg6 : memref<8x1536xf32, #tpu.memory_space<vmem>>)
      %dma_wait3A_757 = arith.constant 0 : i32
      %dma_wait3A_758 = arith.constant 0 : i32
      %dma_wait3A_759 = arith.constant 0 : i32
      %dma_wait3A_760 = tpu.memref_slice %arg7[%dma_wait3A_758, %dma_wait3A_759] : memref<8x1536xf32, #tpu.memory_space<vmem>> -> memref<8x384xf32, #tpu.memory_space<vmem>>
      %dma_wait3A_761 = arith.constant 40 : i32
      %dma_wait3A_762 = arith.constant 0 : i32
      %dma_wait3A_763 = tpu.memref_slice %arg4[%add3A_691, %dma_wait3A_757, %dma_wait3A_761, %dma_wait3A_762] : memref<56x4x56x384xf32, #tpu.memory_space<hbm>> -> memref<1x1x8x384xf32, #tpu.memory_space<hbm>>
      %dma_wait3A_764 = tpu.memref_squeeze %dma_wait3A_763 : memref<1x1x8x384xf32, #tpu.memory_space<hbm>> -> memref<8x384xf32, #tpu.memory_space<hbm>>
      %dma_wait3A_765 = arith.constant 40 : i32
      %dma_wait3A_766 = arith.constant 0 : i32
      %dma_wait3A_767 = tpu.memref_slice %arg4[%add3A_691, %dma_wait3A_757, %dma_wait3A_765, %dma_wait3A_766] : memref<56x4x56x384xf32, #tpu.memory_space<hbm>> -> memref<1x1x8x384xf32, #tpu.memory_space<hbm>>
      %dma_wait3A_768 = tpu.memref_squeeze %dma_wait3A_767 : memref<1x1x8x384xf32, #tpu.memory_space<hbm>> -> memref<8x384xf32, #tpu.memory_space<hbm>>
      %dma_wait3A_769 = arith.constant 0 : i32
      %dma_wait3A_770 = arith.constant 0 : i32
      %dma_wait3A_771 = tpu.memref_slice %arg7[%dma_wait3A_769, %dma_wait3A_770] : memref<8x1536xf32, #tpu.memory_space<vmem>> -> memref<8x384xf32, #tpu.memory_space<vmem>>
      tpu.wait_dma2 semaphore(%arg10 : memref<!tpu.dma_semaphore, #tpu.memory_space<semaphore_mem>>) src(%dma_wait3A_771 : memref<8x384xf32, #tpu.memory_space<vmem>>) dst(%dma_wait3A_768 : memref<8x384xf32, #tpu.memory_space<hbm>>)
      %dma_wait3A_772 = arith.constant 1 : i32
      %dma_wait3A_773 = arith.constant 0 : i32
      %dma_wait3A_774 = arith.constant 384 : i32
      %dma_wait3A_775 = tpu.memref_slice %arg7[%dma_wait3A_773, %dma_wait3A_774] : memref<8x1536xf32, #tpu.memory_space<vmem>> -> memref<8x384xf32, #tpu.memory_space<vmem>>
      %dma_wait3A_776 = arith.constant 40 : i32
      %dma_wait3A_777 = arith.constant 0 : i32
      %dma_wait3A_778 = tpu.memref_slice %arg4[%add3A_691, %dma_wait3A_772, %dma_wait3A_776, %dma_wait3A_777] : memref<56x4x56x384xf32, #tpu.memory_space<hbm>> -> memref<1x1x8x384xf32, #tpu.memory_space<hbm>>
      %dma_wait3A_779 = tpu.memref_squeeze %dma_wait3A_778 : memref<1x1x8x384xf32, #tpu.memory_space<hbm>> -> memref<8x384xf32, #tpu.memory_space<hbm>>
      %dma_wait3A_780 = arith.constant 40 : i32
      %dma_wait3A_781 = arith.constant 0 : i32
      %dma_wait3A_782 = tpu.memref_slice %arg4[%add3A_691, %dma_wait3A_772, %dma_wait3A_780, %dma_wait3A_781] : memref<56x4x56x384xf32, #tpu.memory_space<hbm>> -> memref<1x1x8x384xf32, #tpu.memory_space<hbm>>
      %dma_wait3A_783 = tpu.memref_squeeze %dma_wait3A_782 : memref<1x1x8x384xf32, #tpu.memory_space<hbm>> -> memref<8x384xf32, #tpu.memory_space<hbm>>
      %dma_wait3A_784 = arith.constant 0 : i32
      %dma_wait3A_785 = arith.constant 384 : i32
      %dma_wait3A_786 = tpu.memref_slice %arg7[%dma_wait3A_784, %dma_wait3A_785] : memref<8x1536xf32, #tpu.memory_space<vmem>> -> memref<8x384xf32, #tpu.memory_space<vmem>>
      tpu.wait_dma2 semaphore(%arg10 : memref<!tpu.dma_semaphore, #tpu.memory_space<semaphore_mem>>) src(%dma_wait3A_786 : memref<8x384xf32, #tpu.memory_space<vmem>>) dst(%dma_wait3A_783 : memref<8x384xf32, #tpu.memory_space<hbm>>)
      %dma_wait3A_787 = arith.constant 2 : i32
      %dma_wait3A_788 = arith.constant 0 : i32
      %dma_wait3A_789 = arith.constant 768 : i32
      %dma_wait3A_790 = tpu.memref_slice %arg7[%dma_wait3A_788, %dma_wait3A_789] : memref<8x1536xf32, #tpu.memory_space<vmem>> -> memref<8x384xf32, #tpu.memory_space<vmem>>
      %dma_wait3A_791 = arith.constant 40 : i32
      %dma_wait3A_792 = arith.constant 0 : i32
      %dma_wait3A_793 = tpu.memref_slice %arg4[%add3A_691, %dma_wait3A_787, %dma_wait3A_791, %dma_wait3A_792] : memref<56x4x56x384xf32, #tpu.memory_space<hbm>> -> memref<1x1x8x384xf32, #tpu.memory_space<hbm>>
      %dma_wait3A_794 = tpu.memref_squeeze %dma_wait3A_793 : memref<1x1x8x384xf32, #tpu.memory_space<hbm>> -> memref<8x384xf32, #tpu.memory_space<hbm>>
      %dma_wait3A_795 = arith.constant 40 : i32
      %dma_wait3A_796 = arith.constant 0 : i32
      %dma_wait3A_797 = tpu.memref_slice %arg4[%add3A_691, %dma_wait3A_787, %dma_wait3A_795, %dma_wait3A_796] : memref<56x4x56x384xf32, #tpu.memory_space<hbm>> -> memref<1x1x8x384xf32, #tpu.memory_space<hbm>>
      %dma_wait3A_798 = tpu.memref_squeeze %dma_wait3A_797 : memref<1x1x8x384xf32, #tpu.memory_space<hbm>> -> memref<8x384xf32, #tpu.memory_space<hbm>>
      %dma_wait3A_799 = arith.constant 0 : i32
      %dma_wait3A_800 = arith.constant 768 : i32
      %dma_wait3A_801 = tpu.memref_slice %arg7[%dma_wait3A_799, %dma_wait3A_800] : memref<8x1536xf32, #tpu.memory_space<vmem>> -> memref<8x384xf32, #tpu.memory_space<vmem>>
      tpu.wait_dma2 semaphore(%arg10 : memref<!tpu.dma_semaphore, #tpu.memory_space<semaphore_mem>>) src(%dma_wait3A_801 : memref<8x384xf32, #tpu.memory_space<vmem>>) dst(%dma_wait3A_798 : memref<8x384xf32, #tpu.memory_space<hbm>>)
      %dma_wait3A_802 = arith.constant 3 : i32
      %dma_wait3A_803 = arith.constant 0 : i32
      %dma_wait3A_804 = arith.constant 1152 : i32
      %dma_wait3A_805 = tpu.memref_slice %arg7[%dma_wait3A_803, %dma_wait3A_804] : memref<8x1536xf32, #tpu.memory_space<vmem>> -> memref<8x384xf32, #tpu.memory_space<vmem>>
      %dma_wait3A_806 = arith.constant 40 : i32
      %dma_wait3A_807 = arith.constant 0 : i32
      %dma_wait3A_808 = tpu.memref_slice %arg4[%add3A_691, %dma_wait3A_802, %dma_wait3A_806, %dma_wait3A_807] : memref<56x4x56x384xf32, #tpu.memory_space<hbm>> -> memref<1x1x8x384xf32, #tpu.memory_space<hbm>>
      %dma_wait3A_809 = tpu.memref_squeeze %dma_wait3A_808 : memref<1x1x8x384xf32, #tpu.memory_space<hbm>> -> memref<8x384xf32, #tpu.memory_space<hbm>>
      %dma_wait3A_810 = arith.constant 40 : i32
      %dma_wait3A_811 = arith.constant 0 : i32
      %dma_wait3A_812 = tpu.memref_slice %arg4[%add3A_691, %dma_wait3A_802, %dma_wait3A_810, %dma_wait3A_811] : memref<56x4x56x384xf32, #tpu.memory_space<hbm>> -> memref<1x1x8x384xf32, #tpu.memory_space<hbm>>
      %dma_wait3A_813 = tpu.memref_squeeze %dma_wait3A_812 : memref<1x1x8x384xf32, #tpu.memory_space<hbm>> -> memref<8x384xf32, #tpu.memory_space<hbm>>
      %dma_wait3A_814 = arith.constant 0 : i32
      %dma_wait3A_815 = arith.constant 1152 : i32
      %dma_wait3A_816 = tpu.memref_slice %arg7[%dma_wait3A_814, %dma_wait3A_815] : memref<8x1536xf32, #tpu.memory_space<vmem>> -> memref<8x384xf32, #tpu.memory_space<vmem>>
      tpu.wait_dma2 semaphore(%arg10 : memref<!tpu.dma_semaphore, #tpu.memory_space<semaphore_mem>>) src(%dma_wait3A_816 : memref<8x384xf32, #tpu.memory_space<vmem>>) dst(%dma_wait3A_813 : memref<8x384xf32, #tpu.memory_space<hbm>>)
      %dma_start3A_817 = arith.constant 56 : i32
      %dma_start3A_818 = tpu.memref_slice %arg5[%dma_start3A_817] : memref<112xi32, #tpu.memory_space<vmem>> -> memref<8xi32, #tpu.memory_space<vmem>>
      %dma_start3A_819 = arith.constant 0 : i32
      %dma_start3A_820 = arith.constant 0 : i32
      %dma_start3A_821 = tpu.memref_slice %arg2[%dma_start3A_819, %dma_start3A_820] : memref<3136x1536xf32, #tpu.memory_space<hbm>> -> memref<3136x1536xf32, #tpu.memory_space<hbm>>
      tpu.enqueue_indirect_dma source(%dma_start3A_821 : memref<3136x1536xf32, #tpu.memory_space<hbm>>) target(%arg7 : memref<8x1536xf32, #tpu.memory_space<vmem>>) offsets(%dma_start3A_818 : memref<8xi32, #tpu.memory_space<vmem>>) semaphore(%arg9 : memref<!tpu.dma_semaphore, #tpu.memory_space<semaphore_mem>>)
      %mul3A_822 = arith.constant 2 : i32
      %mul3A_823 = arith.muli %mul3A_822, %add3A : i32
      %add3A_824 = arith.constant 0 : i32
      %add3A_825 = arith.addi %mul3A_823, %add3A_824 : i32
      %dma_start3A_826 = arith.constant 0 : i32
      %dma_start3A_827 = arith.constant 0 : i32
      %dma_start3A_828 = arith.constant 0 : i32
      %dma_start3A_829 = tpu.memref_slice %arg6[%dma_start3A_827, %dma_start3A_828] : memref<8x1536xf32, #tpu.memory_space<vmem>> -> memref<8x384xf32, #tpu.memory_space<vmem>>
      %dma_start3A_830 = arith.constant 48 : i32
      %dma_start3A_831 = arith.constant 0 : i32
      %dma_start3A_832 = tpu.memref_slice %arg4[%add3A_825, %dma_start3A_826, %dma_start3A_830, %dma_start3A_831] : memref<56x4x56x384xf32, #tpu.memory_space<hbm>> -> memref<1x1x8x384xf32, #tpu.memory_space<hbm>>
      %dma_start3A_833 = tpu.memref_squeeze %dma_start3A_832 : memref<1x1x8x384xf32, #tpu.memory_space<hbm>> -> memref<8x384xf32, #tpu.memory_space<hbm>>
      %dma_start3A_834 = arith.constant 48 : i32
      %dma_start3A_835 = arith.constant 0 : i32
      %dma_start3A_836 = tpu.memref_slice %arg4[%add3A_825, %dma_start3A_826, %dma_start3A_834, %dma_start3A_835] : memref<56x4x56x384xf32, #tpu.memory_space<hbm>> -> memref<1x1x8x384xf32, #tpu.memory_space<hbm>>
      %dma_start3A_837 = tpu.memref_squeeze %dma_start3A_836 : memref<1x1x8x384xf32, #tpu.memory_space<hbm>> -> memref<8x384xf32, #tpu.memory_space<hbm>>
      %dma_start3A_838 = arith.constant 0 : i32
      %dma_start3A_839 = arith.constant 0 : i32
      %dma_start3A_840 = tpu.memref_slice %arg6[%dma_start3A_838, %dma_start3A_839] : memref<8x1536xf32, #tpu.memory_space<vmem>> -> memref<8x384xf32, #tpu.memory_space<vmem>>
      tpu.enqueue_dma source(%dma_start3A_840 : memref<8x384xf32, #tpu.memory_space<vmem>>) target(%dma_start3A_837 : memref<8x384xf32, #tpu.memory_space<hbm>>) target_semaphore(%arg10 : memref<!tpu.dma_semaphore, #tpu.memory_space<semaphore_mem>>)
      %dma_start3A_841 = arith.constant 1 : i32
      %dma_start3A_842 = arith.constant 0 : i32
      %dma_start3A_843 = arith.constant 384 : i32
      %dma_start3A_844 = tpu.memref_slice %arg6[%dma_start3A_842, %dma_start3A_843] : memref<8x1536xf32, #tpu.memory_space<vmem>> -> memref<8x384xf32, #tpu.memory_space<vmem>>
      %dma_start3A_845 = arith.constant 48 : i32
      %dma_start3A_846 = arith.constant 0 : i32
      %dma_start3A_847 = tpu.memref_slice %arg4[%add3A_825, %dma_start3A_841, %dma_start3A_845, %dma_start3A_846] : memref<56x4x56x384xf32, #tpu.memory_space<hbm>> -> memref<1x1x8x384xf32, #tpu.memory_space<hbm>>
      %dma_start3A_848 = tpu.memref_squeeze %dma_start3A_847 : memref<1x1x8x384xf32, #tpu.memory_space<hbm>> -> memref<8x384xf32, #tpu.memory_space<hbm>>
      %dma_start3A_849 = arith.constant 48 : i32
      %dma_start3A_850 = arith.constant 0 : i32
      %dma_start3A_851 = tpu.memref_slice %arg4[%add3A_825, %dma_start3A_841, %dma_start3A_849, %dma_start3A_850] : memref<56x4x56x384xf32, #tpu.memory_space<hbm>> -> memref<1x1x8x384xf32, #tpu.memory_space<hbm>>
      %dma_start3A_852 = tpu.memref_squeeze %dma_start3A_851 : memref<1x1x8x384xf32, #tpu.memory_space<hbm>> -> memref<8x384xf32, #tpu.memory_space<hbm>>
      %dma_start3A_853 = arith.constant 0 : i32
      %dma_start3A_854 = arith.constant 384 : i32
      %dma_start3A_855 = tpu.memref_slice %arg6[%dma_start3A_853, %dma_start3A_854] : memref<8x1536xf32, #tpu.memory_space<vmem>> -> memref<8x384xf32, #tpu.memory_space<vmem>>
      tpu.enqueue_dma source(%dma_start3A_855 : memref<8x384xf32, #tpu.memory_space<vmem>>) target(%dma_start3A_852 : memref<8x384xf32, #tpu.memory_space<hbm>>) target_semaphore(%arg10 : memref<!tpu.dma_semaphore, #tpu.memory_space<semaphore_mem>>)
      %dma_start3A_856 = arith.constant 2 : i32
      %dma_start3A_857 = arith.constant 0 : i32
      %dma_start3A_858 = arith.constant 768 : i32
      %dma_start3A_859 = tpu.memref_slice %arg6[%dma_start3A_857, %dma_start3A_858] : memref<8x1536xf32, #tpu.memory_space<vmem>> -> memref<8x384xf32, #tpu.memory_space<vmem>>
      %dma_start3A_860 = arith.constant 48 : i32
      %dma_start3A_861 = arith.constant 0 : i32
      %dma_start3A_862 = tpu.memref_slice %arg4[%add3A_825, %dma_start3A_856, %dma_start3A_860, %dma_start3A_861] : memref<56x4x56x384xf32, #tpu.memory_space<hbm>> -> memref<1x1x8x384xf32, #tpu.memory_space<hbm>>
      %dma_start3A_863 = tpu.memref_squeeze %dma_start3A_862 : memref<1x1x8x384xf32, #tpu.memory_space<hbm>> -> memref<8x384xf32, #tpu.memory_space<hbm>>
      %dma_start3A_864 = arith.constant 48 : i32
      %dma_start3A_865 = arith.constant 0 : i32
      %dma_start3A_866 = tpu.memref_slice %arg4[%add3A_825, %dma_start3A_856, %dma_start3A_864, %dma_start3A_865] : memref<56x4x56x384xf32, #tpu.memory_space<hbm>> -> memref<1x1x8x384xf32, #tpu.memory_space<hbm>>
      %dma_start3A_867 = tpu.memref_squeeze %dma_start3A_866 : memref<1x1x8x384xf32, #tpu.memory_space<hbm>> -> memref<8x384xf32, #tpu.memory_space<hbm>>
      %dma_start3A_868 = arith.constant 0 : i32
      %dma_start3A_869 = arith.constant 768 : i32
      %dma_start3A_870 = tpu.memref_slice %arg6[%dma_start3A_868, %dma_start3A_869] : memref<8x1536xf32, #tpu.memory_space<vmem>> -> memref<8x384xf32, #tpu.memory_space<vmem>>
      tpu.enqueue_dma source(%dma_start3A_870 : memref<8x384xf32, #tpu.memory_space<vmem>>) target(%dma_start3A_867 : memref<8x384xf32, #tpu.memory_space<hbm>>) target_semaphore(%arg10 : memref<!tpu.dma_semaphore, #tpu.memory_space<semaphore_mem>>)
      %dma_start3A_871 = arith.constant 3 : i32
      %dma_start3A_872 = arith.constant 0 : i32
      %dma_start3A_873 = arith.constant 1152 : i32
      %dma_start3A_874 = tpu.memref_slice %arg6[%dma_start3A_872, %dma_start3A_873] : memref<8x1536xf32, #tpu.memory_space<vmem>> -> memref<8x384xf32, #tpu.memory_space<vmem>>
      %dma_start3A_875 = arith.constant 48 : i32
      %dma_start3A_876 = arith.constant 0 : i32
      %dma_start3A_877 = tpu.memref_slice %arg4[%add3A_825, %dma_start3A_871, %dma_start3A_875, %dma_start3A_876] : memref<56x4x56x384xf32, #tpu.memory_space<hbm>> -> memref<1x1x8x384xf32, #tpu.memory_space<hbm>>
      %dma_start3A_878 = tpu.memref_squeeze %dma_start3A_877 : memref<1x1x8x384xf32, #tpu.memory_space<hbm>> -> memref<8x384xf32, #tpu.memory_space<hbm>>
      %dma_start3A_879 = arith.constant 48 : i32
      %dma_start3A_880 = arith.constant 0 : i32
      %dma_start3A_881 = tpu.memref_slice %arg4[%add3A_825, %dma_start3A_871, %dma_start3A_879, %dma_start3A_880] : memref<56x4x56x384xf32, #tpu.memory_space<hbm>> -> memref<1x1x8x384xf32, #tpu.memory_space<hbm>>
      %dma_start3A_882 = tpu.memref_squeeze %dma_start3A_881 : memref<1x1x8x384xf32, #tpu.memory_space<hbm>> -> memref<8x384xf32, #tpu.memory_space<hbm>>
      %dma_start3A_883 = arith.constant 0 : i32
      %dma_start3A_884 = arith.constant 1152 : i32
      %dma_start3A_885 = tpu.memref_slice %arg6[%dma_start3A_883, %dma_start3A_884] : memref<8x1536xf32, #tpu.memory_space<vmem>> -> memref<8x384xf32, #tpu.memory_space<vmem>>
      tpu.enqueue_dma source(%dma_start3A_885 : memref<8x384xf32, #tpu.memory_space<vmem>>) target(%dma_start3A_882 : memref<8x384xf32, #tpu.memory_space<hbm>>) target_semaphore(%arg10 : memref<!tpu.dma_semaphore, #tpu.memory_space<semaphore_mem>>)
      %dma_wait3A_886 = arith.constant 56 : i32
      %dma_wait3A_887 = tpu.memref_slice %arg5[%dma_wait3A_886] : memref<112xi32, #tpu.memory_space<vmem>> -> memref<8xi32, #tpu.memory_space<vmem>>
      %dma_wait3A_888 = arith.constant 0 : i32
      %dma_wait3A_889 = arith.constant 0 : i32
      %dma_wait3A_890 = tpu.memref_slice %arg2[%dma_wait3A_888, %dma_wait3A_889] : memref<3136x1536xf32, #tpu.memory_space<hbm>> -> memref<3136x1536xf32, #tpu.memory_space<hbm>>
      tpu.wait_indirect_dma semaphore(%arg9 : memref<!tpu.dma_semaphore, #tpu.memory_space<semaphore_mem>>) src(%dma_wait3A_890 : memref<3136x1536xf32, #tpu.memory_space<hbm>>) dst(%arg7 : memref<8x1536xf32, #tpu.memory_space<vmem>>)
      %dma_wait3A_891 = arith.constant 0 : i32
      %dma_wait3A_892 = arith.constant 0 : i32
      %dma_wait3A_893 = arith.constant 0 : i32
      %dma_wait3A_894 = tpu.memref_slice %arg6[%dma_wait3A_892, %dma_wait3A_893] : memref<8x1536xf32, #tpu.memory_space<vmem>> -> memref<8x384xf32, #tpu.memory_space<vmem>>
      %dma_wait3A_895 = arith.constant 48 : i32
      %dma_wait3A_896 = arith.constant 0 : i32
      %dma_wait3A_897 = tpu.memref_slice %arg4[%add3A_825, %dma_wait3A_891, %dma_wait3A_895, %dma_wait3A_896] : memref<56x4x56x384xf32, #tpu.memory_space<hbm>> -> memref<1x1x8x384xf32, #tpu.memory_space<hbm>>
      %dma_wait3A_898 = tpu.memref_squeeze %dma_wait3A_897 : memref<1x1x8x384xf32, #tpu.memory_space<hbm>> -> memref<8x384xf32, #tpu.memory_space<hbm>>
      %dma_wait3A_899 = arith.constant 48 : i32
      %dma_wait3A_900 = arith.constant 0 : i32
      %dma_wait3A_901 = tpu.memref_slice %arg4[%add3A_825, %dma_wait3A_891, %dma_wait3A_899, %dma_wait3A_900] : memref<56x4x56x384xf32, #tpu.memory_space<hbm>> -> memref<1x1x8x384xf32, #tpu.memory_space<hbm>>
      %dma_wait3A_902 = tpu.memref_squeeze %dma_wait3A_901 : memref<1x1x8x384xf32, #tpu.memory_space<hbm>> -> memref<8x384xf32, #tpu.memory_space<hbm>>
      %dma_wait3A_903 = arith.constant 0 : i32
      %dma_wait3A_904 = arith.constant 0 : i32
      %dma_wait3A_905 = tpu.memref_slice %arg6[%dma_wait3A_903, %dma_wait3A_904] : memref<8x1536xf32, #tpu.memory_space<vmem>> -> memref<8x384xf32, #tpu.memory_space<vmem>>
      tpu.wait_dma2 semaphore(%arg10 : memref<!tpu.dma_semaphore, #tpu.memory_space<semaphore_mem>>) src(%dma_wait3A_905 : memref<8x384xf32, #tpu.memory_space<vmem>>) dst(%dma_wait3A_902 : memref<8x384xf32, #tpu.memory_space<hbm>>)
      %dma_wait3A_906 = arith.constant 1 : i32
      %dma_wait3A_907 = arith.constant 0 : i32
      %dma_wait3A_908 = arith.constant 384 : i32
      %dma_wait3A_909 = tpu.memref_slice %arg6[%dma_wait3A_907, %dma_wait3A_908] : memref<8x1536xf32, #tpu.memory_space<vmem>> -> memref<8x384xf32, #tpu.memory_space<vmem>>
      %dma_wait3A_910 = arith.constant 48 : i32
      %dma_wait3A_911 = arith.constant 0 : i32
      %dma_wait3A_912 = tpu.memref_slice %arg4[%add3A_825, %dma_wait3A_906, %dma_wait3A_910, %dma_wait3A_911] : memref<56x4x56x384xf32, #tpu.memory_space<hbm>> -> memref<1x1x8x384xf32, #tpu.memory_space<hbm>>
      %dma_wait3A_913 = tpu.memref_squeeze %dma_wait3A_912 : memref<1x1x8x384xf32, #tpu.memory_space<hbm>> -> memref<8x384xf32, #tpu.memory_space<hbm>>
      %dma_wait3A_914 = arith.constant 48 : i32
      %dma_wait3A_915 = arith.constant 0 : i32
      %dma_wait3A_916 = tpu.memref_slice %arg4[%add3A_825, %dma_wait3A_906, %dma_wait3A_914, %dma_wait3A_915] : memref<56x4x56x384xf32, #tpu.memory_space<hbm>> -> memref<1x1x8x384xf32, #tpu.memory_space<hbm>>
      %dma_wait3A_917 = tpu.memref_squeeze %dma_wait3A_916 : memref<1x1x8x384xf32, #tpu.memory_space<hbm>> -> memref<8x384xf32, #tpu.memory_space<hbm>>
      %dma_wait3A_918 = arith.constant 0 : i32
      %dma_wait3A_919 = arith.constant 384 : i32
      %dma_wait3A_920 = tpu.memref_slice %arg6[%dma_wait3A_918, %dma_wait3A_919] : memref<8x1536xf32, #tpu.memory_space<vmem>> -> memref<8x384xf32, #tpu.memory_space<vmem>>
      tpu.wait_dma2 semaphore(%arg10 : memref<!tpu.dma_semaphore, #tpu.memory_space<semaphore_mem>>) src(%dma_wait3A_920 : memref<8x384xf32, #tpu.memory_space<vmem>>) dst(%dma_wait3A_917 : memref<8x384xf32, #tpu.memory_space<hbm>>)
      %dma_wait3A_921 = arith.constant 2 : i32
      %dma_wait3A_922 = arith.constant 0 : i32
      %dma_wait3A_923 = arith.constant 768 : i32
      %dma_wait3A_924 = tpu.memref_slice %arg6[%dma_wait3A_922, %dma_wait3A_923] : memref<8x1536xf32, #tpu.memory_space<vmem>> -> memref<8x384xf32, #tpu.memory_space<vmem>>
      %dma_wait3A_925 = arith.constant 48 : i32
      %dma_wait3A_926 = arith.constant 0 : i32
      %dma_wait3A_927 = tpu.memref_slice %arg4[%add3A_825, %dma_wait3A_921, %dma_wait3A_925, %dma_wait3A_926] : memref<56x4x56x384xf32, #tpu.memory_space<hbm>> -> memref<1x1x8x384xf32, #tpu.memory_space<hbm>>
      %dma_wait3A_928 = tpu.memref_squeeze %dma_wait3A_927 : memref<1x1x8x384xf32, #tpu.memory_space<hbm>> -> memref<8x384xf32, #tpu.memory_space<hbm>>
      %dma_wait3A_929 = arith.constant 48 : i32
      %dma_wait3A_930 = arith.constant 0 : i32
      %dma_wait3A_931 = tpu.memref_slice %arg4[%add3A_825, %dma_wait3A_921, %dma_wait3A_929, %dma_wait3A_930] : memref<56x4x56x384xf32, #tpu.memory_space<hbm>> -> memref<1x1x8x384xf32, #tpu.memory_space<hbm>>
      %dma_wait3A_932 = tpu.memref_squeeze %dma_wait3A_931 : memref<1x1x8x384xf32, #tpu.memory_space<hbm>> -> memref<8x384xf32, #tpu.memory_space<hbm>>
      %dma_wait3A_933 = arith.constant 0 : i32
      %dma_wait3A_934 = arith.constant 768 : i32
      %dma_wait3A_935 = tpu.memref_slice %arg6[%dma_wait3A_933, %dma_wait3A_934] : memref<8x1536xf32, #tpu.memory_space<vmem>> -> memref<8x384xf32, #tpu.memory_space<vmem>>
      tpu.wait_dma2 semaphore(%arg10 : memref<!tpu.dma_semaphore, #tpu.memory_space<semaphore_mem>>) src(%dma_wait3A_935 : memref<8x384xf32, #tpu.memory_space<vmem>>) dst(%dma_wait3A_932 : memref<8x384xf32, #tpu.memory_space<hbm>>)
      %dma_wait3A_936 = arith.constant 3 : i32
      %dma_wait3A_937 = arith.constant 0 : i32
      %dma_wait3A_938 = arith.constant 1152 : i32
      %dma_wait3A_939 = tpu.memref_slice %arg6[%dma_wait3A_937, %dma_wait3A_938] : memref<8x1536xf32, #tpu.memory_space<vmem>> -> memref<8x384xf32, #tpu.memory_space<vmem>>
      %dma_wait3A_940 = arith.constant 48 : i32
      %dma_wait3A_941 = arith.constant 0 : i32
      %dma_wait3A_942 = tpu.memref_slice %arg4[%add3A_825, %dma_wait3A_936, %dma_wait3A_940, %dma_wait3A_941] : memref<56x4x56x384xf32, #tpu.memory_space<hbm>> -> memref<1x1x8x384xf32, #tpu.memory_space<hbm>>
      %dma_wait3A_943 = tpu.memref_squeeze %dma_wait3A_942 : memref<1x1x8x384xf32, #tpu.memory_space<hbm>> -> memref<8x384xf32, #tpu.memory_space<hbm>>
      %dma_wait3A_944 = arith.constant 48 : i32
      %dma_wait3A_945 = arith.constant 0 : i32
      %dma_wait3A_946 = tpu.memref_slice %arg4[%add3A_825, %dma_wait3A_936, %dma_wait3A_944, %dma_wait3A_945] : memref<56x4x56x384xf32, #tpu.memory_space<hbm>> -> memref<1x1x8x384xf32, #tpu.memory_space<hbm>>
      %dma_wait3A_947 = tpu.memref_squeeze %dma_wait3A_946 : memref<1x1x8x384xf32, #tpu.memory_space<hbm>> -> memref<8x384xf32, #tpu.memory_space<hbm>>
      %dma_wait3A_948 = arith.constant 0 : i32
      %dma_wait3A_949 = arith.constant 1152 : i32
      %dma_wait3A_950 = tpu.memref_slice %arg6[%dma_wait3A_948, %dma_wait3A_949] : memref<8x1536xf32, #tpu.memory_space<vmem>> -> memref<8x384xf32, #tpu.memory_space<vmem>>
      tpu.wait_dma2 semaphore(%arg10 : memref<!tpu.dma_semaphore, #tpu.memory_space<semaphore_mem>>) src(%dma_wait3A_950 : memref<8x384xf32, #tpu.memory_space<vmem>>) dst(%dma_wait3A_947 : memref<8x384xf32, #tpu.memory_space<hbm>>)
      %dma_start3A_951 = arith.constant 64 : i32
      %dma_start3A_952 = tpu.memref_slice %arg5[%dma_start3A_951] : memref<112xi32, #tpu.memory_space<vmem>> -> memref<8xi32, #tpu.memory_space<vmem>>
      %dma_start3A_953 = arith.constant 0 : i32
      %dma_start3A_954 = arith.constant 0 : i32
      %dma_start3A_955 = tpu.memref_slice %arg2[%dma_start3A_953, %dma_start3A_954] : memref<3136x1536xf32, #tpu.memory_space<hbm>> -> memref<3136x1536xf32, #tpu.memory_space<hbm>>
      tpu.enqueue_indirect_dma source(%dma_start3A_955 : memref<3136x1536xf32, #tpu.memory_space<hbm>>) target(%arg6 : memref<8x1536xf32, #tpu.memory_space<vmem>>) offsets(%dma_start3A_952 : memref<8xi32, #tpu.memory_space<vmem>>) semaphore(%arg8 : memref<!tpu.dma_semaphore, #tpu.memory_space<semaphore_mem>>)
      %mul3A_956 = arith.constant 2 : i32
      %mul3A_957 = arith.muli %mul3A_956, %add3A : i32
      %add3A_958 = arith.constant 1 : i32
      %add3A_959 = arith.addi %mul3A_957, %add3A_958 : i32
      %dma_start3A_960 = arith.constant 0 : i32
      %dma_start3A_961 = arith.constant 0 : i32
      %dma_start3A_962 = arith.constant 0 : i32
      %dma_start3A_963 = tpu.memref_slice %arg7[%dma_start3A_961, %dma_start3A_962] : memref<8x1536xf32, #tpu.memory_space<vmem>> -> memref<8x384xf32, #tpu.memory_space<vmem>>
      %dma_start3A_964 = arith.constant 0 : i32
      %dma_start3A_965 = arith.constant 0 : i32
      %dma_start3A_966 = tpu.memref_slice %arg4[%add3A_959, %dma_start3A_960, %dma_start3A_964, %dma_start3A_965] : memref<56x4x56x384xf32, #tpu.memory_space<hbm>> -> memref<1x1x8x384xf32, #tpu.memory_space<hbm>>
      %dma_start3A_967 = tpu.memref_squeeze %dma_start3A_966 : memref<1x1x8x384xf32, #tpu.memory_space<hbm>> -> memref<8x384xf32, #tpu.memory_space<hbm>>
      %dma_start3A_968 = arith.constant 0 : i32
      %dma_start3A_969 = arith.constant 0 : i32
      %dma_start3A_970 = tpu.memref_slice %arg4[%add3A_959, %dma_start3A_960, %dma_start3A_968, %dma_start3A_969] : memref<56x4x56x384xf32, #tpu.memory_space<hbm>> -> memref<1x1x8x384xf32, #tpu.memory_space<hbm>>
      %dma_start3A_971 = tpu.memref_squeeze %dma_start3A_970 : memref<1x1x8x384xf32, #tpu.memory_space<hbm>> -> memref<8x384xf32, #tpu.memory_space<hbm>>
      %dma_start3A_972 = arith.constant 0 : i32
      %dma_start3A_973 = arith.constant 0 : i32
      %dma_start3A_974 = tpu.memref_slice %arg7[%dma_start3A_972, %dma_start3A_973] : memref<8x1536xf32, #tpu.memory_space<vmem>> -> memref<8x384xf32, #tpu.memory_space<vmem>>
      tpu.enqueue_dma source(%dma_start3A_974 : memref<8x384xf32, #tpu.memory_space<vmem>>) target(%dma_start3A_971 : memref<8x384xf32, #tpu.memory_space<hbm>>) target_semaphore(%arg10 : memref<!tpu.dma_semaphore, #tpu.memory_space<semaphore_mem>>)
      %dma_start3A_975 = arith.constant 1 : i32
      %dma_start3A_976 = arith.constant 0 : i32
      %dma_start3A_977 = arith.constant 384 : i32
      %dma_start3A_978 = tpu.memref_slice %arg7[%dma_start3A_976, %dma_start3A_977] : memref<8x1536xf32, #tpu.memory_space<vmem>> -> memref<8x384xf32, #tpu.memory_space<vmem>>
      %dma_start3A_979 = arith.constant 0 : i32
      %dma_start3A_980 = arith.constant 0 : i32
      %dma_start3A_981 = tpu.memref_slice %arg4[%add3A_959, %dma_start3A_975, %dma_start3A_979, %dma_start3A_980] : memref<56x4x56x384xf32, #tpu.memory_space<hbm>> -> memref<1x1x8x384xf32, #tpu.memory_space<hbm>>
      %dma_start3A_982 = tpu.memref_squeeze %dma_start3A_981 : memref<1x1x8x384xf32, #tpu.memory_space<hbm>> -> memref<8x384xf32, #tpu.memory_space<hbm>>
      %dma_start3A_983 = arith.constant 0 : i32
      %dma_start3A_984 = arith.constant 0 : i32
      %dma_start3A_985 = tpu.memref_slice %arg4[%add3A_959, %dma_start3A_975, %dma_start3A_983, %dma_start3A_984] : memref<56x4x56x384xf32, #tpu.memory_space<hbm>> -> memref<1x1x8x384xf32, #tpu.memory_space<hbm>>
      %dma_start3A_986 = tpu.memref_squeeze %dma_start3A_985 : memref<1x1x8x384xf32, #tpu.memory_space<hbm>> -> memref<8x384xf32, #tpu.memory_space<hbm>>
      %dma_start3A_987 = arith.constant 0 : i32
      %dma_start3A_988 = arith.constant 384 : i32
      %dma_start3A_989 = tpu.memref_slice %arg7[%dma_start3A_987, %dma_start3A_988] : memref<8x1536xf32, #tpu.memory_space<vmem>> -> memref<8x384xf32, #tpu.memory_space<vmem>>
      tpu.enqueue_dma source(%dma_start3A_989 : memref<8x384xf32, #tpu.memory_space<vmem>>) target(%dma_start3A_986 : memref<8x384xf32, #tpu.memory_space<hbm>>) target_semaphore(%arg10 : memref<!tpu.dma_semaphore, #tpu.memory_space<semaphore_mem>>)
      %dma_start3A_990 = arith.constant 2 : i32
      %dma_start3A_991 = arith.constant 0 : i32
      %dma_start3A_992 = arith.constant 768 : i32
      %dma_start3A_993 = tpu.memref_slice %arg7[%dma_start3A_991, %dma_start3A_992] : memref<8x1536xf32, #tpu.memory_space<vmem>> -> memref<8x384xf32, #tpu.memory_space<vmem>>
      %dma_start3A_994 = arith.constant 0 : i32
      %dma_start3A_995 = arith.constant 0 : i32
      %dma_start3A_996 = tpu.memref_slice %arg4[%add3A_959, %dma_start3A_990, %dma_start3A_994, %dma_start3A_995] : memref<56x4x56x384xf32, #tpu.memory_space<hbm>> -> memref<1x1x8x384xf32, #tpu.memory_space<hbm>>
      %dma_start3A_997 = tpu.memref_squeeze %dma_start3A_996 : memref<1x1x8x384xf32, #tpu.memory_space<hbm>> -> memref<8x384xf32, #tpu.memory_space<hbm>>
      %dma_start3A_998 = arith.constant 0 : i32
      %dma_start3A_999 = arith.constant 0 : i32
      %dma_start3A_1000 = tpu.memref_slice %arg4[%add3A_959, %dma_start3A_990, %dma_start3A_998, %dma_start3A_999] : memref<56x4x56x384xf32, #tpu.memory_space<hbm>> -> memref<1x1x8x384xf32, #tpu.memory_space<hbm>>
      %dma_start3A_1001 = tpu.memref_squeeze %dma_start3A_1000 : memref<1x1x8x384xf32, #tpu.memory_space<hbm>> -> memref<8x384xf32, #tpu.memory_space<hbm>>
      %dma_start3A_1002 = arith.constant 0 : i32
      %dma_start3A_1003 = arith.constant 768 : i32
      %dma_start3A_1004 = tpu.memref_slice %arg7[%dma_start3A_1002, %dma_start3A_1003] : memref<8x1536xf32, #tpu.memory_space<vmem>> -> memref<8x384xf32, #tpu.memory_space<vmem>>
      tpu.enqueue_dma source(%dma_start3A_1004 : memref<8x384xf32, #tpu.memory_space<vmem>>) target(%dma_start3A_1001 : memref<8x384xf32, #tpu.memory_space<hbm>>) target_semaphore(%arg10 : memref<!tpu.dma_semaphore, #tpu.memory_space<semaphore_mem>>)
      %dma_start3A_1005 = arith.constant 3 : i32
      %dma_start3A_1006 = arith.constant 0 : i32
      %dma_start3A_1007 = arith.constant 1152 : i32
      %dma_start3A_1008 = tpu.memref_slice %arg7[%dma_start3A_1006, %dma_start3A_1007] : memref<8x1536xf32, #tpu.memory_space<vmem>> -> memref<8x384xf32, #tpu.memory_space<vmem>>
      %dma_start3A_1009 = arith.constant 0 : i32
      %dma_start3A_1010 = arith.constant 0 : i32
      %dma_start3A_1011 = tpu.memref_slice %arg4[%add3A_959, %dma_start3A_1005, %dma_start3A_1009, %dma_start3A_1010] : memref<56x4x56x384xf32, #tpu.memory_space<hbm>> -> memref<1x1x8x384xf32, #tpu.memory_space<hbm>>
      %dma_start3A_1012 = tpu.memref_squeeze %dma_start3A_1011 : memref<1x1x8x384xf32, #tpu.memory_space<hbm>> -> memref<8x384xf32, #tpu.memory_space<hbm>>
      %dma_start3A_1013 = arith.constant 0 : i32
      %dma_start3A_1014 = arith.constant 0 : i32
      %dma_start3A_1015 = tpu.memref_slice %arg4[%add3A_959, %dma_start3A_1005, %dma_start3A_1013, %dma_start3A_1014] : memref<56x4x56x384xf32, #tpu.memory_space<hbm>> -> memref<1x1x8x384xf32, #tpu.memory_space<hbm>>
      %dma_start3A_1016 = tpu.memref_squeeze %dma_start3A_1015 : memref<1x1x8x384xf32, #tpu.memory_space<hbm>> -> memref<8x384xf32, #tpu.memory_space<hbm>>
      %dma_start3A_1017 = arith.constant 0 : i32
      %dma_start3A_1018 = arith.constant 1152 : i32
      %dma_start3A_1019 = tpu.memref_slice %arg7[%dma_start3A_1017, %dma_start3A_1018] : memref<8x1536xf32, #tpu.memory_space<vmem>> -> memref<8x384xf32, #tpu.memory_space<vmem>>
      tpu.enqueue_dma source(%dma_start3A_1019 : memref<8x384xf32, #tpu.memory_space<vmem>>) target(%dma_start3A_1016 : memref<8x384xf32, #tpu.memory_space<hbm>>) target_semaphore(%arg10 : memref<!tpu.dma_semaphore, #tpu.memory_space<semaphore_mem>>)
      %dma_wait3A_1020 = arith.constant 64 : i32
      %dma_wait3A_1021 = tpu.memref_slice %arg5[%dma_wait3A_1020] : memref<112xi32, #tpu.memory_space<vmem>> -> memref<8xi32, #tpu.memory_space<vmem>>
      %dma_wait3A_1022 = arith.constant 0 : i32
      %dma_wait3A_1023 = arith.constant 0 : i32
      %dma_wait3A_1024 = tpu.memref_slice %arg2[%dma_wait3A_1022, %dma_wait3A_1023] : memref<3136x1536xf32, #tpu.memory_space<hbm>> -> memref<3136x1536xf32, #tpu.memory_space<hbm>>
      tpu.wait_indirect_dma semaphore(%arg8 : memref<!tpu.dma_semaphore, #tpu.memory_space<semaphore_mem>>) src(%dma_wait3A_1024 : memref<3136x1536xf32, #tpu.memory_space<hbm>>) dst(%arg6 : memref<8x1536xf32, #tpu.memory_space<vmem>>)
      %dma_wait3A_1025 = arith.constant 0 : i32
      %dma_wait3A_1026 = arith.constant 0 : i32
      %dma_wait3A_1027 = arith.constant 0 : i32
      %dma_wait3A_1028 = tpu.memref_slice %arg7[%dma_wait3A_1026, %dma_wait3A_1027] : memref<8x1536xf32, #tpu.memory_space<vmem>> -> memref<8x384xf32, #tpu.memory_space<vmem>>
      %dma_wait3A_1029 = arith.constant 0 : i32
      %dma_wait3A_1030 = arith.constant 0 : i32
      %dma_wait3A_1031 = tpu.memref_slice %arg4[%add3A_959, %dma_wait3A_1025, %dma_wait3A_1029, %dma_wait3A_1030] : memref<56x4x56x384xf32, #tpu.memory_space<hbm>> -> memref<1x1x8x384xf32, #tpu.memory_space<hbm>>
      %dma_wait3A_1032 = tpu.memref_squeeze %dma_wait3A_1031 : memref<1x1x8x384xf32, #tpu.memory_space<hbm>> -> memref<8x384xf32, #tpu.memory_space<hbm>>
      %dma_wait3A_1033 = arith.constant 0 : i32
      %dma_wait3A_1034 = arith.constant 0 : i32
      %dma_wait3A_1035 = tpu.memref_slice %arg4[%add3A_959, %dma_wait3A_1025, %dma_wait3A_1033, %dma_wait3A_1034] : memref<56x4x56x384xf32, #tpu.memory_space<hbm>> -> memref<1x1x8x384xf32, #tpu.memory_space<hbm>>
      %dma_wait3A_1036 = tpu.memref_squeeze %dma_wait3A_1035 : memref<1x1x8x384xf32, #tpu.memory_space<hbm>> -> memref<8x384xf32, #tpu.memory_space<hbm>>
      %dma_wait3A_1037 = arith.constant 0 : i32
      %dma_wait3A_1038 = arith.constant 0 : i32
      %dma_wait3A_1039 = tpu.memref_slice %arg7[%dma_wait3A_1037, %dma_wait3A_1038] : memref<8x1536xf32, #tpu.memory_space<vmem>> -> memref<8x384xf32, #tpu.memory_space<vmem>>
      tpu.wait_dma2 semaphore(%arg10 : memref<!tpu.dma_semaphore, #tpu.memory_space<semaphore_mem>>) src(%dma_wait3A_1039 : memref<8x384xf32, #tpu.memory_space<vmem>>) dst(%dma_wait3A_1036 : memref<8x384xf32, #tpu.memory_space<hbm>>)
      %dma_wait3A_1040 = arith.constant 1 : i32
      %dma_wait3A_1041 = arith.constant 0 : i32
      %dma_wait3A_1042 = arith.constant 384 : i32
      %dma_wait3A_1043 = tpu.memref_slice %arg7[%dma_wait3A_1041, %dma_wait3A_1042] : memref<8x1536xf32, #tpu.memory_space<vmem>> -> memref<8x384xf32, #tpu.memory_space<vmem>>
      %dma_wait3A_1044 = arith.constant 0 : i32
      %dma_wait3A_1045 = arith.constant 0 : i32
      %dma_wait3A_1046 = tpu.memref_slice %arg4[%add3A_959, %dma_wait3A_1040, %dma_wait3A_1044, %dma_wait3A_1045] : memref<56x4x56x384xf32, #tpu.memory_space<hbm>> -> memref<1x1x8x384xf32, #tpu.memory_space<hbm>>
      %dma_wait3A_1047 = tpu.memref_squeeze %dma_wait3A_1046 : memref<1x1x8x384xf32, #tpu.memory_space<hbm>> -> memref<8x384xf32, #tpu.memory_space<hbm>>
      %dma_wait3A_1048 = arith.constant 0 : i32
      %dma_wait3A_1049 = arith.constant 0 : i32
      %dma_wait3A_1050 = tpu.memref_slice %arg4[%add3A_959, %dma_wait3A_1040, %dma_wait3A_1048, %dma_wait3A_1049] : memref<56x4x56x384xf32, #tpu.memory_space<hbm>> -> memref<1x1x8x384xf32, #tpu.memory_space<hbm>>
      %dma_wait3A_1051 = tpu.memref_squeeze %dma_wait3A_1050 : memref<1x1x8x384xf32, #tpu.memory_space<hbm>> -> memref<8x384xf32, #tpu.memory_space<hbm>>
      %dma_wait3A_1052 = arith.constant 0 : i32
      %dma_wait3A_1053 = arith.constant 384 : i32
      %dma_wait3A_1054 = tpu.memref_slice %arg7[%dma_wait3A_1052, %dma_wait3A_1053] : memref<8x1536xf32, #tpu.memory_space<vmem>> -> memref<8x384xf32, #tpu.memory_space<vmem>>
      tpu.wait_dma2 semaphore(%arg10 : memref<!tpu.dma_semaphore, #tpu.memory_space<semaphore_mem>>) src(%dma_wait3A_1054 : memref<8x384xf32, #tpu.memory_space<vmem>>) dst(%dma_wait3A_1051 : memref<8x384xf32, #tpu.memory_space<hbm>>)
      %dma_wait3A_1055 = arith.constant 2 : i32
      %dma_wait3A_1056 = arith.constant 0 : i32
      %dma_wait3A_1057 = arith.constant 768 : i32
      %dma_wait3A_1058 = tpu.memref_slice %arg7[%dma_wait3A_1056, %dma_wait3A_1057] : memref<8x1536xf32, #tpu.memory_space<vmem>> -> memref<8x384xf32, #tpu.memory_space<vmem>>
      %dma_wait3A_1059 = arith.constant 0 : i32
      %dma_wait3A_1060 = arith.constant 0 : i32
      %dma_wait3A_1061 = tpu.memref_slice %arg4[%add3A_959, %dma_wait3A_1055, %dma_wait3A_1059, %dma_wait3A_1060] : memref<56x4x56x384xf32, #tpu.memory_space<hbm>> -> memref<1x1x8x384xf32, #tpu.memory_space<hbm>>
      %dma_wait3A_1062 = tpu.memref_squeeze %dma_wait3A_1061 : memref<1x1x8x384xf32, #tpu.memory_space<hbm>> -> memref<8x384xf32, #tpu.memory_space<hbm>>
      %dma_wait3A_1063 = arith.constant 0 : i32
      %dma_wait3A_1064 = arith.constant 0 : i32
      %dma_wait3A_1065 = tpu.memref_slice %arg4[%add3A_959, %dma_wait3A_1055, %dma_wait3A_1063, %dma_wait3A_1064] : memref<56x4x56x384xf32, #tpu.memory_space<hbm>> -> memref<1x1x8x384xf32, #tpu.memory_space<hbm>>
      %dma_wait3A_1066 = tpu.memref_squeeze %dma_wait3A_1065 : memref<1x1x8x384xf32, #tpu.memory_space<hbm>> -> memref<8x384xf32, #tpu.memory_space<hbm>>
      %dma_wait3A_1067 = arith.constant 0 : i32
      %dma_wait3A_1068 = arith.constant 768 : i32
      %dma_wait3A_1069 = tpu.memref_slice %arg7[%dma_wait3A_1067, %dma_wait3A_1068] : memref<8x1536xf32, #tpu.memory_space<vmem>> -> memref<8x384xf32, #tpu.memory_space<vmem>>
      tpu.wait_dma2 semaphore(%arg10 : memref<!tpu.dma_semaphore, #tpu.memory_space<semaphore_mem>>) src(%dma_wait3A_1069 : memref<8x384xf32, #tpu.memory_space<vmem>>) dst(%dma_wait3A_1066 : memref<8x384xf32, #tpu.memory_space<hbm>>)
      %dma_wait3A_1070 = arith.constant 3 : i32
      %dma_wait3A_1071 = arith.constant 0 : i32
      %dma_wait3A_1072 = arith.constant 1152 : i32
      %dma_wait3A_1073 = tpu.memref_slice %arg7[%dma_wait3A_1071, %dma_wait3A_1072] : memref<8x1536xf32, #tpu.memory_space<vmem>> -> memref<8x384xf32, #tpu.memory_space<vmem>>
      %dma_wait3A_1074 = arith.constant 0 : i32
      %dma_wait3A_1075 = arith.constant 0 : i32
      %dma_wait3A_1076 = tpu.memref_slice %arg4[%add3A_959, %dma_wait3A_1070, %dma_wait3A_1074, %dma_wait3A_1075] : memref<56x4x56x384xf32, #tpu.memory_space<hbm>> -> memref<1x1x8x384xf32, #tpu.memory_space<hbm>>
      %dma_wait3A_1077 = tpu.memref_squeeze %dma_wait3A_1076 : memref<1x1x8x384xf32, #tpu.memory_space<hbm>> -> memref<8x384xf32, #tpu.memory_space<hbm>>
      %dma_wait3A_1078 = arith.constant 0 : i32
      %dma_wait3A_1079 = arith.constant 0 : i32
      %dma_wait3A_1080 = tpu.memref_slice %arg4[%add3A_959, %dma_wait3A_1070, %dma_wait3A_1078, %dma_wait3A_1079] : memref<56x4x56x384xf32, #tpu.memory_space<hbm>> -> memref<1x1x8x384xf32, #tpu.memory_space<hbm>>
      %dma_wait3A_1081 = tpu.memref_squeeze %dma_wait3A_1080 : memref<1x1x8x384xf32, #tpu.memory_space<hbm>> -> memref<8x384xf32, #tpu.memory_space<hbm>>
      %dma_wait3A_1082 = arith.constant 0 : i32
      %dma_wait3A_1083 = arith.constant 1152 : i32
      %dma_wait3A_1084 = tpu.memref_slice %arg7[%dma_wait3A_1082, %dma_wait3A_1083] : memref<8x1536xf32, #tpu.memory_space<vmem>> -> memref<8x384xf32, #tpu.memory_space<vmem>>
      tpu.wait_dma2 semaphore(%arg10 : memref<!tpu.dma_semaphore, #tpu.memory_space<semaphore_mem>>) src(%dma_wait3A_1084 : memref<8x384xf32, #tpu.memory_space<vmem>>) dst(%dma_wait3A_1081 : memref<8x384xf32, #tpu.memory_space<hbm>>)
      %dma_start3A_1085 = arith.constant 72 : i32
      %dma_start3A_1086 = tpu.memref_slice %arg5[%dma_start3A_1085] : memref<112xi32, #tpu.memory_space<vmem>> -> memref<8xi32, #tpu.memory_space<vmem>>
      %dma_start3A_1087 = arith.constant 0 : i32
      %dma_start3A_1088 = arith.constant 0 : i32
      %dma_start3A_1089 = tpu.memref_slice %arg2[%dma_start3A_1087, %dma_start3A_1088] : memref<3136x1536xf32, #tpu.memory_space<hbm>> -> memref<3136x1536xf32, #tpu.memory_space<hbm>>
      tpu.enqueue_indirect_dma source(%dma_start3A_1089 : memref<3136x1536xf32, #tpu.memory_space<hbm>>) target(%arg7 : memref<8x1536xf32, #tpu.memory_space<vmem>>) offsets(%dma_start3A_1086 : memref<8xi32, #tpu.memory_space<vmem>>) semaphore(%arg9 : memref<!tpu.dma_semaphore, #tpu.memory_space<semaphore_mem>>)
      %mul3A_1090 = arith.constant 2 : i32
      %mul3A_1091 = arith.muli %mul3A_1090, %add3A : i32
      %add3A_1092 = arith.constant 1 : i32
      %add3A_1093 = arith.addi %mul3A_1091, %add3A_1092 : i32
      %dma_start3A_1094 = arith.constant 0 : i32
      %dma_start3A_1095 = arith.constant 0 : i32
      %dma_start3A_1096 = arith.constant 0 : i32
      %dma_start3A_1097 = tpu.memref_slice %arg6[%dma_start3A_1095, %dma_start3A_1096] : memref<8x1536xf32, #tpu.memory_space<vmem>> -> memref<8x384xf32, #tpu.memory_space<vmem>>
      %dma_start3A_1098 = arith.constant 8 : i32
      %dma_start3A_1099 = arith.constant 0 : i32
      %dma_start3A_1100 = tpu.memref_slice %arg4[%add3A_1093, %dma_start3A_1094, %dma_start3A_1098, %dma_start3A_1099] : memref<56x4x56x384xf32, #tpu.memory_space<hbm>> -> memref<1x1x8x384xf32, #tpu.memory_space<hbm>>
      %dma_start3A_1101 = tpu.memref_squeeze %dma_start3A_1100 : memref<1x1x8x384xf32, #tpu.memory_space<hbm>> -> memref<8x384xf32, #tpu.memory_space<hbm>>
      %dma_start3A_1102 = arith.constant 8 : i32
      %dma_start3A_1103 = arith.constant 0 : i32
      %dma_start3A_1104 = tpu.memref_slice %arg4[%add3A_1093, %dma_start3A_1094, %dma_start3A_1102, %dma_start3A_1103] : memref<56x4x56x384xf32, #tpu.memory_space<hbm>> -> memref<1x1x8x384xf32, #tpu.memory_space<hbm>>
      %dma_start3A_1105 = tpu.memref_squeeze %dma_start3A_1104 : memref<1x1x8x384xf32, #tpu.memory_space<hbm>> -> memref<8x384xf32, #tpu.memory_space<hbm>>
      %dma_start3A_1106 = arith.constant 0 : i32
      %dma_start3A_1107 = arith.constant 0 : i32
      %dma_start3A_1108 = tpu.memref_slice %arg6[%dma_start3A_1106, %dma_start3A_1107] : memref<8x1536xf32, #tpu.memory_space<vmem>> -> memref<8x384xf32, #tpu.memory_space<vmem>>
      tpu.enqueue_dma source(%dma_start3A_1108 : memref<8x384xf32, #tpu.memory_space<vmem>>) target(%dma_start3A_1105 : memref<8x384xf32, #tpu.memory_space<hbm>>) target_semaphore(%arg10 : memref<!tpu.dma_semaphore, #tpu.memory_space<semaphore_mem>>)
      %dma_start3A_1109 = arith.constant 1 : i32
      %dma_start3A_1110 = arith.constant 0 : i32
      %dma_start3A_1111 = arith.constant 384 : i32
      %dma_start3A_1112 = tpu.memref_slice %arg6[%dma_start3A_1110, %dma_start3A_1111] : memref<8x1536xf32, #tpu.memory_space<vmem>> -> memref<8x384xf32, #tpu.memory_space<vmem>>
      %dma_start3A_1113 = arith.constant 8 : i32
      %dma_start3A_1114 = arith.constant 0 : i32
      %dma_start3A_1115 = tpu.memref_slice %arg4[%add3A_1093, %dma_start3A_1109, %dma_start3A_1113, %dma_start3A_1114] : memref<56x4x56x384xf32, #tpu.memory_space<hbm>> -> memref<1x1x8x384xf32, #tpu.memory_space<hbm>>
      %dma_start3A_1116 = tpu.memref_squeeze %dma_start3A_1115 : memref<1x1x8x384xf32, #tpu.memory_space<hbm>> -> memref<8x384xf32, #tpu.memory_space<hbm>>
      %dma_start3A_1117 = arith.constant 8 : i32
      %dma_start3A_1118 = arith.constant 0 : i32
      %dma_start3A_1119 = tpu.memref_slice %arg4[%add3A_1093, %dma_start3A_1109, %dma_start3A_1117, %dma_start3A_1118] : memref<56x4x56x384xf32, #tpu.memory_space<hbm>> -> memref<1x1x8x384xf32, #tpu.memory_space<hbm>>
      %dma_start3A_1120 = tpu.memref_squeeze %dma_start3A_1119 : memref<1x1x8x384xf32, #tpu.memory_space<hbm>> -> memref<8x384xf32, #tpu.memory_space<hbm>>
      %dma_start3A_1121 = arith.constant 0 : i32
      %dma_start3A_1122 = arith.constant 384 : i32
      %dma_start3A_1123 = tpu.memref_slice %arg6[%dma_start3A_1121, %dma_start3A_1122] : memref<8x1536xf32, #tpu.memory_space<vmem>> -> memref<8x384xf32, #tpu.memory_space<vmem>>
      tpu.enqueue_dma source(%dma_start3A_1123 : memref<8x384xf32, #tpu.memory_space<vmem>>) target(%dma_start3A_1120 : memref<8x384xf32, #tpu.memory_space<hbm>>) target_semaphore(%arg10 : memref<!tpu.dma_semaphore, #tpu.memory_space<semaphore_mem>>)
      %dma_start3A_1124 = arith.constant 2 : i32
      %dma_start3A_1125 = arith.constant 0 : i32
      %dma_start3A_1126 = arith.constant 768 : i32
      %dma_start3A_1127 = tpu.memref_slice %arg6[%dma_start3A_1125, %dma_start3A_1126] : memref<8x1536xf32, #tpu.memory_space<vmem>> -> memref<8x384xf32, #tpu.memory_space<vmem>>
      %dma_start3A_1128 = arith.constant 8 : i32
      %dma_start3A_1129 = arith.constant 0 : i32
      %dma_start3A_1130 = tpu.memref_slice %arg4[%add3A_1093, %dma_start3A_1124, %dma_start3A_1128, %dma_start3A_1129] : memref<56x4x56x384xf32, #tpu.memory_space<hbm>> -> memref<1x1x8x384xf32, #tpu.memory_space<hbm>>
      %dma_start3A_1131 = tpu.memref_squeeze %dma_start3A_1130 : memref<1x1x8x384xf32, #tpu.memory_space<hbm>> -> memref<8x384xf32, #tpu.memory_space<hbm>>
      %dma_start3A_1132 = arith.constant 8 : i32
      %dma_start3A_1133 = arith.constant 0 : i32
      %dma_start3A_1134 = tpu.memref_slice %arg4[%add3A_1093, %dma_start3A_1124, %dma_start3A_1132, %dma_start3A_1133] : memref<56x4x56x384xf32, #tpu.memory_space<hbm>> -> memref<1x1x8x384xf32, #tpu.memory_space<hbm>>
      %dma_start3A_1135 = tpu.memref_squeeze %dma_start3A_1134 : memref<1x1x8x384xf32, #tpu.memory_space<hbm>> -> memref<8x384xf32, #tpu.memory_space<hbm>>
      %dma_start3A_1136 = arith.constant 0 : i32
      %dma_start3A_1137 = arith.constant 768 : i32
      %dma_start3A_1138 = tpu.memref_slice %arg6[%dma_start3A_1136, %dma_start3A_1137] : memref<8x1536xf32, #tpu.memory_space<vmem>> -> memref<8x384xf32, #tpu.memory_space<vmem>>
      tpu.enqueue_dma source(%dma_start3A_1138 : memref<8x384xf32, #tpu.memory_space<vmem>>) target(%dma_start3A_1135 : memref<8x384xf32, #tpu.memory_space<hbm>>) target_semaphore(%arg10 : memref<!tpu.dma_semaphore, #tpu.memory_space<semaphore_mem>>)
      %dma_start3A_1139 = arith.constant 3 : i32
      %dma_start3A_1140 = arith.constant 0 : i32
      %dma_start3A_1141 = arith.constant 1152 : i32
      %dma_start3A_1142 = tpu.memref_slice %arg6[%dma_start3A_1140, %dma_start3A_1141] : memref<8x1536xf32, #tpu.memory_space<vmem>> -> memref<8x384xf32, #tpu.memory_space<vmem>>
      %dma_start3A_1143 = arith.constant 8 : i32
      %dma_start3A_1144 = arith.constant 0 : i32
      %dma_start3A_1145 = tpu.memref_slice %arg4[%add3A_1093, %dma_start3A_1139, %dma_start3A_1143, %dma_start3A_1144] : memref<56x4x56x384xf32, #tpu.memory_space<hbm>> -> memref<1x1x8x384xf32, #tpu.memory_space<hbm>>
      %dma_start3A_1146 = tpu.memref_squeeze %dma_start3A_1145 : memref<1x1x8x384xf32, #tpu.memory_space<hbm>> -> memref<8x384xf32, #tpu.memory_space<hbm>>
      %dma_start3A_1147 = arith.constant 8 : i32
      %dma_start3A_1148 = arith.constant 0 : i32
      %dma_start3A_1149 = tpu.memref_slice %arg4[%add3A_1093, %dma_start3A_1139, %dma_start3A_1147, %dma_start3A_1148] : memref<56x4x56x384xf32, #tpu.memory_space<hbm>> -> memref<1x1x8x384xf32, #tpu.memory_space<hbm>>
      %dma_start3A_1150 = tpu.memref_squeeze %dma_start3A_1149 : memref<1x1x8x384xf32, #tpu.memory_space<hbm>> -> memref<8x384xf32, #tpu.memory_space<hbm>>
      %dma_start3A_1151 = arith.constant 0 : i32
      %dma_start3A_1152 = arith.constant 1152 : i32
      %dma_start3A_1153 = tpu.memref_slice %arg6[%dma_start3A_1151, %dma_start3A_1152] : memref<8x1536xf32, #tpu.memory_space<vmem>> -> memref<8x384xf32, #tpu.memory_space<vmem>>
      tpu.enqueue_dma source(%dma_start3A_1153 : memref<8x384xf32, #tpu.memory_space<vmem>>) target(%dma_start3A_1150 : memref<8x384xf32, #tpu.memory_space<hbm>>) target_semaphore(%arg10 : memref<!tpu.dma_semaphore, #tpu.memory_space<semaphore_mem>>)
      %dma_wait3A_1154 = arith.constant 72 : i32
      %dma_wait3A_1155 = tpu.memref_slice %arg5[%dma_wait3A_1154] : memref<112xi32, #tpu.memory_space<vmem>> -> memref<8xi32, #tpu.memory_space<vmem>>
      %dma_wait3A_1156 = arith.constant 0 : i32
      %dma_wait3A_1157 = arith.constant 0 : i32
      %dma_wait3A_1158 = tpu.memref_slice %arg2[%dma_wait3A_1156, %dma_wait3A_1157] : memref<3136x1536xf32, #tpu.memory_space<hbm>> -> memref<3136x1536xf32, #tpu.memory_space<hbm>>
      tpu.wait_indirect_dma semaphore(%arg9 : memref<!tpu.dma_semaphore, #tpu.memory_space<semaphore_mem>>) src(%dma_wait3A_1158 : memref<3136x1536xf32, #tpu.memory_space<hbm>>) dst(%arg7 : memref<8x1536xf32, #tpu.memory_space<vmem>>)
      %dma_wait3A_1159 = arith.constant 0 : i32
      %dma_wait3A_1160 = arith.constant 0 : i32
      %dma_wait3A_1161 = arith.constant 0 : i32
      %dma_wait3A_1162 = tpu.memref_slice %arg6[%dma_wait3A_1160, %dma_wait3A_1161] : memref<8x1536xf32, #tpu.memory_space<vmem>> -> memref<8x384xf32, #tpu.memory_space<vmem>>
      %dma_wait3A_1163 = arith.constant 8 : i32
      %dma_wait3A_1164 = arith.constant 0 : i32
      %dma_wait3A_1165 = tpu.memref_slice %arg4[%add3A_1093, %dma_wait3A_1159, %dma_wait3A_1163, %dma_wait3A_1164] : memref<56x4x56x384xf32, #tpu.memory_space<hbm>> -> memref<1x1x8x384xf32, #tpu.memory_space<hbm>>
      %dma_wait3A_1166 = tpu.memref_squeeze %dma_wait3A_1165 : memref<1x1x8x384xf32, #tpu.memory_space<hbm>> -> memref<8x384xf32, #tpu.memory_space<hbm>>
      %dma_wait3A_1167 = arith.constant 8 : i32
      %dma_wait3A_1168 = arith.constant 0 : i32
      %dma_wait3A_1169 = tpu.memref_slice %arg4[%add3A_1093, %dma_wait3A_1159, %dma_wait3A_1167, %dma_wait3A_1168] : memref<56x4x56x384xf32, #tpu.memory_space<hbm>> -> memref<1x1x8x384xf32, #tpu.memory_space<hbm>>
      %dma_wait3A_1170 = tpu.memref_squeeze %dma_wait3A_1169 : memref<1x1x8x384xf32, #tpu.memory_space<hbm>> -> memref<8x384xf32, #tpu.memory_space<hbm>>
      %dma_wait3A_1171 = arith.constant 0 : i32
      %dma_wait3A_1172 = arith.constant 0 : i32
      %dma_wait3A_1173 = tpu.memref_slice %arg6[%dma_wait3A_1171, %dma_wait3A_1172] : memref<8x1536xf32, #tpu.memory_space<vmem>> -> memref<8x384xf32, #tpu.memory_space<vmem>>
      tpu.wait_dma2 semaphore(%arg10 : memref<!tpu.dma_semaphore, #tpu.memory_space<semaphore_mem>>) src(%dma_wait3A_1173 : memref<8x384xf32, #tpu.memory_space<vmem>>) dst(%dma_wait3A_1170 : memref<8x384xf32, #tpu.memory_space<hbm>>)
      %dma_wait3A_1174 = arith.constant 1 : i32
      %dma_wait3A_1175 = arith.constant 0 : i32
      %dma_wait3A_1176 = arith.constant 384 : i32
      %dma_wait3A_1177 = tpu.memref_slice %arg6[%dma_wait3A_1175, %dma_wait3A_1176] : memref<8x1536xf32, #tpu.memory_space<vmem>> -> memref<8x384xf32, #tpu.memory_space<vmem>>
      %dma_wait3A_1178 = arith.constant 8 : i32
      %dma_wait3A_1179 = arith.constant 0 : i32
      %dma_wait3A_1180 = tpu.memref_slice %arg4[%add3A_1093, %dma_wait3A_1174, %dma_wait3A_1178, %dma_wait3A_1179] : memref<56x4x56x384xf32, #tpu.memory_space<hbm>> -> memref<1x1x8x384xf32, #tpu.memory_space<hbm>>
      %dma_wait3A_1181 = tpu.memref_squeeze %dma_wait3A_1180 : memref<1x1x8x384xf32, #tpu.memory_space<hbm>> -> memref<8x384xf32, #tpu.memory_space<hbm>>
      %dma_wait3A_1182 = arith.constant 8 : i32
      %dma_wait3A_1183 = arith.constant 0 : i32
      %dma_wait3A_1184 = tpu.memref_slice %arg4[%add3A_1093, %dma_wait3A_1174, %dma_wait3A_1182, %dma_wait3A_1183] : memref<56x4x56x384xf32, #tpu.memory_space<hbm>> -> memref<1x1x8x384xf32, #tpu.memory_space<hbm>>
      %dma_wait3A_1185 = tpu.memref_squeeze %dma_wait3A_1184 : memref<1x1x8x384xf32, #tpu.memory_space<hbm>> -> memref<8x384xf32, #tpu.memory_space<hbm>>
      %dma_wait3A_1186 = arith.constant 0 : i32
      %dma_wait3A_1187 = arith.constant 384 : i32
      %dma_wait3A_1188 = tpu.memref_slice %arg6[%dma_wait3A_1186, %dma_wait3A_1187] : memref<8x1536xf32, #tpu.memory_space<vmem>> -> memref<8x384xf32, #tpu.memory_space<vmem>>
      tpu.wait_dma2 semaphore(%arg10 : memref<!tpu.dma_semaphore, #tpu.memory_space<semaphore_mem>>) src(%dma_wait3A_1188 : memref<8x384xf32, #tpu.memory_space<vmem>>) dst(%dma_wait3A_1185 : memref<8x384xf32, #tpu.memory_space<hbm>>)
      %dma_wait3A_1189 = arith.constant 2 : i32
      %dma_wait3A_1190 = arith.constant 0 : i32
      %dma_wait3A_1191 = arith.constant 768 : i32
      %dma_wait3A_1192 = tpu.memref_slice %arg6[%dma_wait3A_1190, %dma_wait3A_1191] : memref<8x1536xf32, #tpu.memory_space<vmem>> -> memref<8x384xf32, #tpu.memory_space<vmem>>
      %dma_wait3A_1193 = arith.constant 8 : i32
      %dma_wait3A_1194 = arith.constant 0 : i32
      %dma_wait3A_1195 = tpu.memref_slice %arg4[%add3A_1093, %dma_wait3A_1189, %dma_wait3A_1193, %dma_wait3A_1194] : memref<56x4x56x384xf32, #tpu.memory_space<hbm>> -> memref<1x1x8x384xf32, #tpu.memory_space<hbm>>
      %dma_wait3A_1196 = tpu.memref_squeeze %dma_wait3A_1195 : memref<1x1x8x384xf32, #tpu.memory_space<hbm>> -> memref<8x384xf32, #tpu.memory_space<hbm>>
      %dma_wait3A_1197 = arith.constant 8 : i32
      %dma_wait3A_1198 = arith.constant 0 : i32
      %dma_wait3A_1199 = tpu.memref_slice %arg4[%add3A_1093, %dma_wait3A_1189, %dma_wait3A_1197, %dma_wait3A_1198] : memref<56x4x56x384xf32, #tpu.memory_space<hbm>> -> memref<1x1x8x384xf32, #tpu.memory_space<hbm>>
      %dma_wait3A_1200 = tpu.memref_squeeze %dma_wait3A_1199 : memref<1x1x8x384xf32, #tpu.memory_space<hbm>> -> memref<8x384xf32, #tpu.memory_space<hbm>>
      %dma_wait3A_1201 = arith.constant 0 : i32
      %dma_wait3A_1202 = arith.constant 768 : i32
      %dma_wait3A_1203 = tpu.memref_slice %arg6[%dma_wait3A_1201, %dma_wait3A_1202] : memref<8x1536xf32, #tpu.memory_space<vmem>> -> memref<8x384xf32, #tpu.memory_space<vmem>>
      tpu.wait_dma2 semaphore(%arg10 : memref<!tpu.dma_semaphore, #tpu.memory_space<semaphore_mem>>) src(%dma_wait3A_1203 : memref<8x384xf32, #tpu.memory_space<vmem>>) dst(%dma_wait3A_1200 : memref<8x384xf32, #tpu.memory_space<hbm>>)
      %dma_wait3A_1204 = arith.constant 3 : i32
      %dma_wait3A_1205 = arith.constant 0 : i32
      %dma_wait3A_1206 = arith.constant 1152 : i32
      %dma_wait3A_1207 = tpu.memref_slice %arg6[%dma_wait3A_1205, %dma_wait3A_1206] : memref<8x1536xf32, #tpu.memory_space<vmem>> -> memref<8x384xf32, #tpu.memory_space<vmem>>
      %dma_wait3A_1208 = arith.constant 8 : i32
      %dma_wait3A_1209 = arith.constant 0 : i32
      %dma_wait3A_1210 = tpu.memref_slice %arg4[%add3A_1093, %dma_wait3A_1204, %dma_wait3A_1208, %dma_wait3A_1209] : memref<56x4x56x384xf32, #tpu.memory_space<hbm>> -> memref<1x1x8x384xf32, #tpu.memory_space<hbm>>
      %dma_wait3A_1211 = tpu.memref_squeeze %dma_wait3A_1210 : memref<1x1x8x384xf32, #tpu.memory_space<hbm>> -> memref<8x384xf32, #tpu.memory_space<hbm>>
      %dma_wait3A_1212 = arith.constant 8 : i32
      %dma_wait3A_1213 = arith.constant 0 : i32
      %dma_wait3A_1214 = tpu.memref_slice %arg4[%add3A_1093, %dma_wait3A_1204, %dma_wait3A_1212, %dma_wait3A_1213] : memref<56x4x56x384xf32, #tpu.memory_space<hbm>> -> memref<1x1x8x384xf32, #tpu.memory_space<hbm>>
      %dma_wait3A_1215 = tpu.memref_squeeze %dma_wait3A_1214 : memref<1x1x8x384xf32, #tpu.memory_space<hbm>> -> memref<8x384xf32, #tpu.memory_space<hbm>>
      %dma_wait3A_1216 = arith.constant 0 : i32
      %dma_wait3A_1217 = arith.constant 1152 : i32
      %dma_wait3A_1218 = tpu.memref_slice %arg6[%dma_wait3A_1216, %dma_wait3A_1217] : memref<8x1536xf32, #tpu.memory_space<vmem>> -> memref<8x384xf32, #tpu.memory_space<vmem>>
      tpu.wait_dma2 semaphore(%arg10 : memref<!tpu.dma_semaphore, #tpu.memory_space<semaphore_mem>>) src(%dma_wait3A_1218 : memref<8x384xf32, #tpu.memory_space<vmem>>) dst(%dma_wait3A_1215 : memref<8x384xf32, #tpu.memory_space<hbm>>)
      %dma_start3A_1219 = arith.constant 80 : i32
      %dma_start3A_1220 = tpu.memref_slice %arg5[%dma_start3A_1219] : memref<112xi32, #tpu.memory_space<vmem>> -> memref<8xi32, #tpu.memory_space<vmem>>
      %dma_start3A_1221 = arith.constant 0 : i32
      %dma_start3A_1222 = arith.constant 0 : i32
      %dma_start3A_1223 = tpu.memref_slice %arg2[%dma_start3A_1221, %dma_start3A_1222] : memref<3136x1536xf32, #tpu.memory_space<hbm>> -> memref<3136x1536xf32, #tpu.memory_space<hbm>>
      tpu.enqueue_indirect_dma source(%dma_start3A_1223 : memref<3136x1536xf32, #tpu.memory_space<hbm>>) target(%arg6 : memref<8x1536xf32, #tpu.memory_space<vmem>>) offsets(%dma_start3A_1220 : memref<8xi32, #tpu.memory_space<vmem>>) semaphore(%arg8 : memref<!tpu.dma_semaphore, #tpu.memory_space<semaphore_mem>>)
      %mul3A_1224 = arith.constant 2 : i32
      %mul3A_1225 = arith.muli %mul3A_1224, %add3A : i32
      %add3A_1226 = arith.constant 1 : i32
      %add3A_1227 = arith.addi %mul3A_1225, %add3A_1226 : i32
      %dma_start3A_1228 = arith.constant 0 : i32
      %dma_start3A_1229 = arith.constant 0 : i32
      %dma_start3A_1230 = arith.constant 0 : i32
      %dma_start3A_1231 = tpu.memref_slice %arg7[%dma_start3A_1229, %dma_start3A_1230] : memref<8x1536xf32, #tpu.memory_space<vmem>> -> memref<8x384xf32, #tpu.memory_space<vmem>>
      %dma_start3A_1232 = arith.constant 16 : i32
      %dma_start3A_1233 = arith.constant 0 : i32
      %dma_start3A_1234 = tpu.memref_slice %arg4[%add3A_1227, %dma_start3A_1228, %dma_start3A_1232, %dma_start3A_1233] : memref<56x4x56x384xf32, #tpu.memory_space<hbm>> -> memref<1x1x8x384xf32, #tpu.memory_space<hbm>>
      %dma_start3A_1235 = tpu.memref_squeeze %dma_start3A_1234 : memref<1x1x8x384xf32, #tpu.memory_space<hbm>> -> memref<8x384xf32, #tpu.memory_space<hbm>>
      %dma_start3A_1236 = arith.constant 16 : i32
      %dma_start3A_1237 = arith.constant 0 : i32
      %dma_start3A_1238 = tpu.memref_slice %arg4[%add3A_1227, %dma_start3A_1228, %dma_start3A_1236, %dma_start3A_1237] : memref<56x4x56x384xf32, #tpu.memory_space<hbm>> -> memref<1x1x8x384xf32, #tpu.memory_space<hbm>>
      %dma_start3A_1239 = tpu.memref_squeeze %dma_start3A_1238 : memref<1x1x8x384xf32, #tpu.memory_space<hbm>> -> memref<8x384xf32, #tpu.memory_space<hbm>>
      %dma_start3A_1240 = arith.constant 0 : i32
      %dma_start3A_1241 = arith.constant 0 : i32
      %dma_start3A_1242 = tpu.memref_slice %arg7[%dma_start3A_1240, %dma_start3A_1241] : memref<8x1536xf32, #tpu.memory_space<vmem>> -> memref<8x384xf32, #tpu.memory_space<vmem>>
      tpu.enqueue_dma source(%dma_start3A_1242 : memref<8x384xf32, #tpu.memory_space<vmem>>) target(%dma_start3A_1239 : memref<8x384xf32, #tpu.memory_space<hbm>>) target_semaphore(%arg10 : memref<!tpu.dma_semaphore, #tpu.memory_space<semaphore_mem>>)
      %dma_start3A_1243 = arith.constant 1 : i32
      %dma_start3A_1244 = arith.constant 0 : i32
      %dma_start3A_1245 = arith.constant 384 : i32
      %dma_start3A_1246 = tpu.memref_slice %arg7[%dma_start3A_1244, %dma_start3A_1245] : memref<8x1536xf32, #tpu.memory_space<vmem>> -> memref<8x384xf32, #tpu.memory_space<vmem>>
      %dma_start3A_1247 = arith.constant 16 : i32
      %dma_start3A_1248 = arith.constant 0 : i32
      %dma_start3A_1249 = tpu.memref_slice %arg4[%add3A_1227, %dma_start3A_1243, %dma_start3A_1247, %dma_start3A_1248] : memref<56x4x56x384xf32, #tpu.memory_space<hbm>> -> memref<1x1x8x384xf32, #tpu.memory_space<hbm>>
      %dma_start3A_1250 = tpu.memref_squeeze %dma_start3A_1249 : memref<1x1x8x384xf32, #tpu.memory_space<hbm>> -> memref<8x384xf32, #tpu.memory_space<hbm>>
      %dma_start3A_1251 = arith.constant 16 : i32
      %dma_start3A_1252 = arith.constant 0 : i32
      %dma_start3A_1253 = tpu.memref_slice %arg4[%add3A_1227, %dma_start3A_1243, %dma_start3A_1251, %dma_start3A_1252] : memref<56x4x56x384xf32, #tpu.memory_space<hbm>> -> memref<1x1x8x384xf32, #tpu.memory_space<hbm>>
      %dma_start3A_1254 = tpu.memref_squeeze %dma_start3A_1253 : memref<1x1x8x384xf32, #tpu.memory_space<hbm>> -> memref<8x384xf32, #tpu.memory_space<hbm>>
      %dma_start3A_1255 = arith.constant 0 : i32
      %dma_start3A_1256 = arith.constant 384 : i32
      %dma_start3A_1257 = tpu.memref_slice %arg7[%dma_start3A_1255, %dma_start3A_1256] : memref<8x1536xf32, #tpu.memory_space<vmem>> -> memref<8x384xf32, #tpu.memory_space<vmem>>
      tpu.enqueue_dma source(%dma_start3A_1257 : memref<8x384xf32, #tpu.memory_space<vmem>>) target(%dma_start3A_1254 : memref<8x384xf32, #tpu.memory_space<hbm>>) target_semaphore(%arg10 : memref<!tpu.dma_semaphore, #tpu.memory_space<semaphore_mem>>)
      %dma_start3A_1258 = arith.constant 2 : i32
      %dma_start3A_1259 = arith.constant 0 : i32
      %dma_start3A_1260 = arith.constant 768 : i32
      %dma_start3A_1261 = tpu.memref_slice %arg7[%dma_start3A_1259, %dma_start3A_1260] : memref<8x1536xf32, #tpu.memory_space<vmem>> -> memref<8x384xf32, #tpu.memory_space<vmem>>
      %dma_start3A_1262 = arith.constant 16 : i32
      %dma_start3A_1263 = arith.constant 0 : i32
      %dma_start3A_1264 = tpu.memref_slice %arg4[%add3A_1227, %dma_start3A_1258, %dma_start3A_1262, %dma_start3A_1263] : memref<56x4x56x384xf32, #tpu.memory_space<hbm>> -> memref<1x1x8x384xf32, #tpu.memory_space<hbm>>
      %dma_start3A_1265 = tpu.memref_squeeze %dma_start3A_1264 : memref<1x1x8x384xf32, #tpu.memory_space<hbm>> -> memref<8x384xf32, #tpu.memory_space<hbm>>
      %dma_start3A_1266 = arith.constant 16 : i32
      %dma_start3A_1267 = arith.constant 0 : i32
      %dma_start3A_1268 = tpu.memref_slice %arg4[%add3A_1227, %dma_start3A_1258, %dma_start3A_1266, %dma_start3A_1267] : memref<56x4x56x384xf32, #tpu.memory_space<hbm>> -> memref<1x1x8x384xf32, #tpu.memory_space<hbm>>
      %dma_start3A_1269 = tpu.memref_squeeze %dma_start3A_1268 : memref<1x1x8x384xf32, #tpu.memory_space<hbm>> -> memref<8x384xf32, #tpu.memory_space<hbm>>
      %dma_start3A_1270 = arith.constant 0 : i32
      %dma_start3A_1271 = arith.constant 768 : i32
      %dma_start3A_1272 = tpu.memref_slice %arg7[%dma_start3A_1270, %dma_start3A_1271] : memref<8x1536xf32, #tpu.memory_space<vmem>> -> memref<8x384xf32, #tpu.memory_space<vmem>>
      tpu.enqueue_dma source(%dma_start3A_1272 : memref<8x384xf32, #tpu.memory_space<vmem>>) target(%dma_start3A_1269 : memref<8x384xf32, #tpu.memory_space<hbm>>) target_semaphore(%arg10 : memref<!tpu.dma_semaphore, #tpu.memory_space<semaphore_mem>>)
      %dma_start3A_1273 = arith.constant 3 : i32
      %dma_start3A_1274 = arith.constant 0 : i32
      %dma_start3A_1275 = arith.constant 1152 : i32
      %dma_start3A_1276 = tpu.memref_slice %arg7[%dma_start3A_1274, %dma_start3A_1275] : memref<8x1536xf32, #tpu.memory_space<vmem>> -> memref<8x384xf32, #tpu.memory_space<vmem>>
      %dma_start3A_1277 = arith.constant 16 : i32
      %dma_start3A_1278 = arith.constant 0 : i32
      %dma_start3A_1279 = tpu.memref_slice %arg4[%add3A_1227, %dma_start3A_1273, %dma_start3A_1277, %dma_start3A_1278] : memref<56x4x56x384xf32, #tpu.memory_space<hbm>> -> memref<1x1x8x384xf32, #tpu.memory_space<hbm>>
      %dma_start3A_1280 = tpu.memref_squeeze %dma_start3A_1279 : memref<1x1x8x384xf32, #tpu.memory_space<hbm>> -> memref<8x384xf32, #tpu.memory_space<hbm>>
      %dma_start3A_1281 = arith.constant 16 : i32
      %dma_start3A_1282 = arith.constant 0 : i32
      %dma_start3A_1283 = tpu.memref_slice %arg4[%add3A_1227, %dma_start3A_1273, %dma_start3A_1281, %dma_start3A_1282] : memref<56x4x56x384xf32, #tpu.memory_space<hbm>> -> memref<1x1x8x384xf32, #tpu.memory_space<hbm>>
      %dma_start3A_1284 = tpu.memref_squeeze %dma_start3A_1283 : memref<1x1x8x384xf32, #tpu.memory_space<hbm>> -> memref<8x384xf32, #tpu.memory_space<hbm>>
      %dma_start3A_1285 = arith.constant 0 : i32
      %dma_start3A_1286 = arith.constant 1152 : i32
      %dma_start3A_1287 = tpu.memref_slice %arg7[%dma_start3A_1285, %dma_start3A_1286] : memref<8x1536xf32, #tpu.memory_space<vmem>> -> memref<8x384xf32, #tpu.memory_space<vmem>>
      tpu.enqueue_dma source(%dma_start3A_1287 : memref<8x384xf32, #tpu.memory_space<vmem>>) target(%dma_start3A_1284 : memref<8x384xf32, #tpu.memory_space<hbm>>) target_semaphore(%arg10 : memref<!tpu.dma_semaphore, #tpu.memory_space<semaphore_mem>>)
      %dma_wait3A_1288 = arith.constant 80 : i32
      %dma_wait3A_1289 = tpu.memref_slice %arg5[%dma_wait3A_1288] : memref<112xi32, #tpu.memory_space<vmem>> -> memref<8xi32, #tpu.memory_space<vmem>>
      %dma_wait3A_1290 = arith.constant 0 : i32
      %dma_wait3A_1291 = arith.constant 0 : i32
      %dma_wait3A_1292 = tpu.memref_slice %arg2[%dma_wait3A_1290, %dma_wait3A_1291] : memref<3136x1536xf32, #tpu.memory_space<hbm>> -> memref<3136x1536xf32, #tpu.memory_space<hbm>>
      tpu.wait_indirect_dma semaphore(%arg8 : memref<!tpu.dma_semaphore, #tpu.memory_space<semaphore_mem>>) src(%dma_wait3A_1292 : memref<3136x1536xf32, #tpu.memory_space<hbm>>) dst(%arg6 : memref<8x1536xf32, #tpu.memory_space<vmem>>)
      %dma_wait3A_1293 = arith.constant 0 : i32
      %dma_wait3A_1294 = arith.constant 0 : i32
      %dma_wait3A_1295 = arith.constant 0 : i32
      %dma_wait3A_1296 = tpu.memref_slice %arg7[%dma_wait3A_1294, %dma_wait3A_1295] : memref<8x1536xf32, #tpu.memory_space<vmem>> -> memref<8x384xf32, #tpu.memory_space<vmem>>
      %dma_wait3A_1297 = arith.constant 16 : i32
      %dma_wait3A_1298 = arith.constant 0 : i32
      %dma_wait3A_1299 = tpu.memref_slice %arg4[%add3A_1227, %dma_wait3A_1293, %dma_wait3A_1297, %dma_wait3A_1298] : memref<56x4x56x384xf32, #tpu.memory_space<hbm>> -> memref<1x1x8x384xf32, #tpu.memory_space<hbm>>
      %dma_wait3A_1300 = tpu.memref_squeeze %dma_wait3A_1299 : memref<1x1x8x384xf32, #tpu.memory_space<hbm>> -> memref<8x384xf32, #tpu.memory_space<hbm>>
      %dma_wait3A_1301 = arith.constant 16 : i32
      %dma_wait3A_1302 = arith.constant 0 : i32
      %dma_wait3A_1303 = tpu.memref_slice %arg4[%add3A_1227, %dma_wait3A_1293, %dma_wait3A_1301, %dma_wait3A_1302] : memref<56x4x56x384xf32, #tpu.memory_space<hbm>> -> memref<1x1x8x384xf32, #tpu.memory_space<hbm>>
      %dma_wait3A_1304 = tpu.memref_squeeze %dma_wait3A_1303 : memref<1x1x8x384xf32, #tpu.memory_space<hbm>> -> memref<8x384xf32, #tpu.memory_space<hbm>>
      %dma_wait3A_1305 = arith.constant 0 : i32
      %dma_wait3A_1306 = arith.constant 0 : i32
      %dma_wait3A_1307 = tpu.memref_slice %arg7[%dma_wait3A_1305, %dma_wait3A_1306] : memref<8x1536xf32, #tpu.memory_space<vmem>> -> memref<8x384xf32, #tpu.memory_space<vmem>>
      tpu.wait_dma2 semaphore(%arg10 : memref<!tpu.dma_semaphore, #tpu.memory_space<semaphore_mem>>) src(%dma_wait3A_1307 : memref<8x384xf32, #tpu.memory_space<vmem>>) dst(%dma_wait3A_1304 : memref<8x384xf32, #tpu.memory_space<hbm>>)
      %dma_wait3A_1308 = arith.constant 1 : i32
      %dma_wait3A_1309 = arith.constant 0 : i32
      %dma_wait3A_1310 = arith.constant 384 : i32
      %dma_wait3A_1311 = tpu.memref_slice %arg7[%dma_wait3A_1309, %dma_wait3A_1310] : memref<8x1536xf32, #tpu.memory_space<vmem>> -> memref<8x384xf32, #tpu.memory_space<vmem>>
      %dma_wait3A_1312 = arith.constant 16 : i32
      %dma_wait3A_1313 = arith.constant 0 : i32
      %dma_wait3A_1314 = tpu.memref_slice %arg4[%add3A_1227, %dma_wait3A_1308, %dma_wait3A_1312, %dma_wait3A_1313] : memref<56x4x56x384xf32, #tpu.memory_space<hbm>> -> memref<1x1x8x384xf32, #tpu.memory_space<hbm>>
      %dma_wait3A_1315 = tpu.memref_squeeze %dma_wait3A_1314 : memref<1x1x8x384xf32, #tpu.memory_space<hbm>> -> memref<8x384xf32, #tpu.memory_space<hbm>>
      %dma_wait3A_1316 = arith.constant 16 : i32
      %dma_wait3A_1317 = arith.constant 0 : i32
      %dma_wait3A_1318 = tpu.memref_slice %arg4[%add3A_1227, %dma_wait3A_1308, %dma_wait3A_1316, %dma_wait3A_1317] : memref<56x4x56x384xf32, #tpu.memory_space<hbm>> -> memref<1x1x8x384xf32, #tpu.memory_space<hbm>>
      %dma_wait3A_1319 = tpu.memref_squeeze %dma_wait3A_1318 : memref<1x1x8x384xf32, #tpu.memory_space<hbm>> -> memref<8x384xf32, #tpu.memory_space<hbm>>
      %dma_wait3A_1320 = arith.constant 0 : i32
      %dma_wait3A_1321 = arith.constant 384 : i32
      %dma_wait3A_1322 = tpu.memref_slice %arg7[%dma_wait3A_1320, %dma_wait3A_1321] : memref<8x1536xf32, #tpu.memory_space<vmem>> -> memref<8x384xf32, #tpu.memory_space<vmem>>
      tpu.wait_dma2 semaphore(%arg10 : memref<!tpu.dma_semaphore, #tpu.memory_space<semaphore_mem>>) src(%dma_wait3A_1322 : memref<8x384xf32, #tpu.memory_space<vmem>>) dst(%dma_wait3A_1319 : memref<8x384xf32, #tpu.memory_space<hbm>>)
      %dma_wait3A_1323 = arith.constant 2 : i32
      %dma_wait3A_1324 = arith.constant 0 : i32
      %dma_wait3A_1325 = arith.constant 768 : i32
      %dma_wait3A_1326 = tpu.memref_slice %arg7[%dma_wait3A_1324, %dma_wait3A_1325] : memref<8x1536xf32, #tpu.memory_space<vmem>> -> memref<8x384xf32, #tpu.memory_space<vmem>>
      %dma_wait3A_1327 = arith.constant 16 : i32
      %dma_wait3A_1328 = arith.constant 0 : i32
      %dma_wait3A_1329 = tpu.memref_slice %arg4[%add3A_1227, %dma_wait3A_1323, %dma_wait3A_1327, %dma_wait3A_1328] : memref<56x4x56x384xf32, #tpu.memory_space<hbm>> -> memref<1x1x8x384xf32, #tpu.memory_space<hbm>>
      %dma_wait3A_1330 = tpu.memref_squeeze %dma_wait3A_1329 : memref<1x1x8x384xf32, #tpu.memory_space<hbm>> -> memref<8x384xf32, #tpu.memory_space<hbm>>
      %dma_wait3A_1331 = arith.constant 16 : i32
      %dma_wait3A_1332 = arith.constant 0 : i32
      %dma_wait3A_1333 = tpu.memref_slice %arg4[%add3A_1227, %dma_wait3A_1323, %dma_wait3A_1331, %dma_wait3A_1332] : memref<56x4x56x384xf32, #tpu.memory_space<hbm>> -> memref<1x1x8x384xf32, #tpu.memory_space<hbm>>
      %dma_wait3A_1334 = tpu.memref_squeeze %dma_wait3A_1333 : memref<1x1x8x384xf32, #tpu.memory_space<hbm>> -> memref<8x384xf32, #tpu.memory_space<hbm>>
      %dma_wait3A_1335 = arith.constant 0 : i32
      %dma_wait3A_1336 = arith.constant 768 : i32
      %dma_wait3A_1337 = tpu.memref_slice %arg7[%dma_wait3A_1335, %dma_wait3A_1336] : memref<8x1536xf32, #tpu.memory_space<vmem>> -> memref<8x384xf32, #tpu.memory_space<vmem>>
      tpu.wait_dma2 semaphore(%arg10 : memref<!tpu.dma_semaphore, #tpu.memory_space<semaphore_mem>>) src(%dma_wait3A_1337 : memref<8x384xf32, #tpu.memory_space<vmem>>) dst(%dma_wait3A_1334 : memref<8x384xf32, #tpu.memory_space<hbm>>)
      %dma_wait3A_1338 = arith.constant 3 : i32
      %dma_wait3A_1339 = arith.constant 0 : i32
      %dma_wait3A_1340 = arith.constant 1152 : i32
      %dma_wait3A_1341 = tpu.memref_slice %arg7[%dma_wait3A_1339, %dma_wait3A_1340] : memref<8x1536xf32, #tpu.memory_space<vmem>> -> memref<8x384xf32, #tpu.memory_space<vmem>>
      %dma_wait3A_1342 = arith.constant 16 : i32
      %dma_wait3A_1343 = arith.constant 0 : i32
      %dma_wait3A_1344 = tpu.memref_slice %arg4[%add3A_1227, %dma_wait3A_1338, %dma_wait3A_1342, %dma_wait3A_1343] : memref<56x4x56x384xf32, #tpu.memory_space<hbm>> -> memref<1x1x8x384xf32, #tpu.memory_space<hbm>>
      %dma_wait3A_1345 = tpu.memref_squeeze %dma_wait3A_1344 : memref<1x1x8x384xf32, #tpu.memory_space<hbm>> -> memref<8x384xf32, #tpu.memory_space<hbm>>
      %dma_wait3A_1346 = arith.constant 16 : i32
      %dma_wait3A_1347 = arith.constant 0 : i32
      %dma_wait3A_1348 = tpu.memref_slice %arg4[%add3A_1227, %dma_wait3A_1338, %dma_wait3A_1346, %dma_wait3A_1347] : memref<56x4x56x384xf32, #tpu.memory_space<hbm>> -> memref<1x1x8x384xf32, #tpu.memory_space<hbm>>
      %dma_wait3A_1349 = tpu.memref_squeeze %dma_wait3A_1348 : memref<1x1x8x384xf32, #tpu.memory_space<hbm>> -> memref<8x384xf32, #tpu.memory_space<hbm>>
      %dma_wait3A_1350 = arith.constant 0 : i32
      %dma_wait3A_1351 = arith.constant 1152 : i32
      %dma_wait3A_1352 = tpu.memref_slice %arg7[%dma_wait3A_1350, %dma_wait3A_1351] : memref<8x1536xf32, #tpu.memory_space<vmem>> -> memref<8x384xf32, #tpu.memory_space<vmem>>
      tpu.wait_dma2 semaphore(%arg10 : memref<!tpu.dma_semaphore, #tpu.memory_space<semaphore_mem>>) src(%dma_wait3A_1352 : memref<8x384xf32, #tpu.memory_space<vmem>>) dst(%dma_wait3A_1349 : memref<8x384xf32, #tpu.memory_space<hbm>>)
      %dma_start3A_1353 = arith.constant 88 : i32
      %dma_start3A_1354 = tpu.memref_slice %arg5[%dma_start3A_1353] : memref<112xi32, #tpu.memory_space<vmem>> -> memref<8xi32, #tpu.memory_space<vmem>>
      %dma_start3A_1355 = arith.constant 0 : i32
      %dma_start3A_1356 = arith.constant 0 : i32
      %dma_start3A_1357 = tpu.memref_slice %arg2[%dma_start3A_1355, %dma_start3A_1356] : memref<3136x1536xf32, #tpu.memory_space<hbm>> -> memref<3136x1536xf32, #tpu.memory_space<hbm>>
      tpu.enqueue_indirect_dma source(%dma_start3A_1357 : memref<3136x1536xf32, #tpu.memory_space<hbm>>) target(%arg7 : memref<8x1536xf32, #tpu.memory_space<vmem>>) offsets(%dma_start3A_1354 : memref<8xi32, #tpu.memory_space<vmem>>) semaphore(%arg9 : memref<!tpu.dma_semaphore, #tpu.memory_space<semaphore_mem>>)
      %mul3A_1358 = arith.constant 2 : i32
      %mul3A_1359 = arith.muli %mul3A_1358, %add3A : i32
      %add3A_1360 = arith.constant 1 : i32
      %add3A_1361 = arith.addi %mul3A_1359, %add3A_1360 : i32
      %dma_start3A_1362 = arith.constant 0 : i32
      %dma_start3A_1363 = arith.constant 0 : i32
      %dma_start3A_1364 = arith.constant 0 : i32
      %dma_start3A_1365 = tpu.memref_slice %arg6[%dma_start3A_1363, %dma_start3A_1364] : memref<8x1536xf32, #tpu.memory_space<vmem>> -> memref<8x384xf32, #tpu.memory_space<vmem>>
      %dma_start3A_1366 = arith.constant 24 : i32
      %dma_start3A_1367 = arith.constant 0 : i32
      %dma_start3A_1368 = tpu.memref_slice %arg4[%add3A_1361, %dma_start3A_1362, %dma_start3A_1366, %dma_start3A_1367] : memref<56x4x56x384xf32, #tpu.memory_space<hbm>> -> memref<1x1x8x384xf32, #tpu.memory_space<hbm>>
      %dma_start3A_1369 = tpu.memref_squeeze %dma_start3A_1368 : memref<1x1x8x384xf32, #tpu.memory_space<hbm>> -> memref<8x384xf32, #tpu.memory_space<hbm>>
      %dma_start3A_1370 = arith.constant 24 : i32
      %dma_start3A_1371 = arith.constant 0 : i32
      %dma_start3A_1372 = tpu.memref_slice %arg4[%add3A_1361, %dma_start3A_1362, %dma_start3A_1370, %dma_start3A_1371] : memref<56x4x56x384xf32, #tpu.memory_space<hbm>> -> memref<1x1x8x384xf32, #tpu.memory_space<hbm>>
      %dma_start3A_1373 = tpu.memref_squeeze %dma_start3A_1372 : memref<1x1x8x384xf32, #tpu.memory_space<hbm>> -> memref<8x384xf32, #tpu.memory_space<hbm>>
      %dma_start3A_1374 = arith.constant 0 : i32
      %dma_start3A_1375 = arith.constant 0 : i32
      %dma_start3A_1376 = tpu.memref_slice %arg6[%dma_start3A_1374, %dma_start3A_1375] : memref<8x1536xf32, #tpu.memory_space<vmem>> -> memref<8x384xf32, #tpu.memory_space<vmem>>
      tpu.enqueue_dma source(%dma_start3A_1376 : memref<8x384xf32, #tpu.memory_space<vmem>>) target(%dma_start3A_1373 : memref<8x384xf32, #tpu.memory_space<hbm>>) target_semaphore(%arg10 : memref<!tpu.dma_semaphore, #tpu.memory_space<semaphore_mem>>)
      %dma_start3A_1377 = arith.constant 1 : i32
      %dma_start3A_1378 = arith.constant 0 : i32
      %dma_start3A_1379 = arith.constant 384 : i32
      %dma_start3A_1380 = tpu.memref_slice %arg6[%dma_start3A_1378, %dma_start3A_1379] : memref<8x1536xf32, #tpu.memory_space<vmem>> -> memref<8x384xf32, #tpu.memory_space<vmem>>
      %dma_start3A_1381 = arith.constant 24 : i32
      %dma_start3A_1382 = arith.constant 0 : i32
      %dma_start3A_1383 = tpu.memref_slice %arg4[%add3A_1361, %dma_start3A_1377, %dma_start3A_1381, %dma_start3A_1382] : memref<56x4x56x384xf32, #tpu.memory_space<hbm>> -> memref<1x1x8x384xf32, #tpu.memory_space<hbm>>
      %dma_start3A_1384 = tpu.memref_squeeze %dma_start3A_1383 : memref<1x1x8x384xf32, #tpu.memory_space<hbm>> -> memref<8x384xf32, #tpu.memory_space<hbm>>
      %dma_start3A_1385 = arith.constant 24 : i32
      %dma_start3A_1386 = arith.constant 0 : i32
      %dma_start3A_1387 = tpu.memref_slice %arg4[%add3A_1361, %dma_start3A_1377, %dma_start3A_1385, %dma_start3A_1386] : memref<56x4x56x384xf32, #tpu.memory_space<hbm>> -> memref<1x1x8x384xf32, #tpu.memory_space<hbm>>
      %dma_start3A_1388 = tpu.memref_squeeze %dma_start3A_1387 : memref<1x1x8x384xf32, #tpu.memory_space<hbm>> -> memref<8x384xf32, #tpu.memory_space<hbm>>
      %dma_start3A_1389 = arith.constant 0 : i32
      %dma_start3A_1390 = arith.constant 384 : i32
      %dma_start3A_1391 = tpu.memref_slice %arg6[%dma_start3A_1389, %dma_start3A_1390] : memref<8x1536xf32, #tpu.memory_space<vmem>> -> memref<8x384xf32, #tpu.memory_space<vmem>>
      tpu.enqueue_dma source(%dma_start3A_1391 : memref<8x384xf32, #tpu.memory_space<vmem>>) target(%dma_start3A_1388 : memref<8x384xf32, #tpu.memory_space<hbm>>) target_semaphore(%arg10 : memref<!tpu.dma_semaphore, #tpu.memory_space<semaphore_mem>>)
      %dma_start3A_1392 = arith.constant 2 : i32
      %dma_start3A_1393 = arith.constant 0 : i32
      %dma_start3A_1394 = arith.constant 768 : i32
      %dma_start3A_1395 = tpu.memref_slice %arg6[%dma_start3A_1393, %dma_start3A_1394] : memref<8x1536xf32, #tpu.memory_space<vmem>> -> memref<8x384xf32, #tpu.memory_space<vmem>>
      %dma_start3A_1396 = arith.constant 24 : i32
      %dma_start3A_1397 = arith.constant 0 : i32
      %dma_start3A_1398 = tpu.memref_slice %arg4[%add3A_1361, %dma_start3A_1392, %dma_start3A_1396, %dma_start3A_1397] : memref<56x4x56x384xf32, #tpu.memory_space<hbm>> -> memref<1x1x8x384xf32, #tpu.memory_space<hbm>>
      %dma_start3A_1399 = tpu.memref_squeeze %dma_start3A_1398 : memref<1x1x8x384xf32, #tpu.memory_space<hbm>> -> memref<8x384xf32, #tpu.memory_space<hbm>>
      %dma_start3A_1400 = arith.constant 24 : i32
      %dma_start3A_1401 = arith.constant 0 : i32
      %dma_start3A_1402 = tpu.memref_slice %arg4[%add3A_1361, %dma_start3A_1392, %dma_start3A_1400, %dma_start3A_1401] : memref<56x4x56x384xf32, #tpu.memory_space<hbm>> -> memref<1x1x8x384xf32, #tpu.memory_space<hbm>>
      %dma_start3A_1403 = tpu.memref_squeeze %dma_start3A_1402 : memref<1x1x8x384xf32, #tpu.memory_space<hbm>> -> memref<8x384xf32, #tpu.memory_space<hbm>>
      %dma_start3A_1404 = arith.constant 0 : i32
      %dma_start3A_1405 = arith.constant 768 : i32
      %dma_start3A_1406 = tpu.memref_slice %arg6[%dma_start3A_1404, %dma_start3A_1405] : memref<8x1536xf32, #tpu.memory_space<vmem>> -> memref<8x384xf32, #tpu.memory_space<vmem>>
      tpu.enqueue_dma source(%dma_start3A_1406 : memref<8x384xf32, #tpu.memory_space<vmem>>) target(%dma_start3A_1403 : memref<8x384xf32, #tpu.memory_space<hbm>>) target_semaphore(%arg10 : memref<!tpu.dma_semaphore, #tpu.memory_space<semaphore_mem>>)
      %dma_start3A_1407 = arith.constant 3 : i32
      %dma_start3A_1408 = arith.constant 0 : i32
      %dma_start3A_1409 = arith.constant 1152 : i32
      %dma_start3A_1410 = tpu.memref_slice %arg6[%dma_start3A_1408, %dma_start3A_1409] : memref<8x1536xf32, #tpu.memory_space<vmem>> -> memref<8x384xf32, #tpu.memory_space<vmem>>
      %dma_start3A_1411 = arith.constant 24 : i32
      %dma_start3A_1412 = arith.constant 0 : i32
      %dma_start3A_1413 = tpu.memref_slice %arg4[%add3A_1361, %dma_start3A_1407, %dma_start3A_1411, %dma_start3A_1412] : memref<56x4x56x384xf32, #tpu.memory_space<hbm>> -> memref<1x1x8x384xf32, #tpu.memory_space<hbm>>
      %dma_start3A_1414 = tpu.memref_squeeze %dma_start3A_1413 : memref<1x1x8x384xf32, #tpu.memory_space<hbm>> -> memref<8x384xf32, #tpu.memory_space<hbm>>
      %dma_start3A_1415 = arith.constant 24 : i32
      %dma_start3A_1416 = arith.constant 0 : i32
      %dma_start3A_1417 = tpu.memref_slice %arg4[%add3A_1361, %dma_start3A_1407, %dma_start3A_1415, %dma_start3A_1416] : memref<56x4x56x384xf32, #tpu.memory_space<hbm>> -> memref<1x1x8x384xf32, #tpu.memory_space<hbm>>
      %dma_start3A_1418 = tpu.memref_squeeze %dma_start3A_1417 : memref<1x1x8x384xf32, #tpu.memory_space<hbm>> -> memref<8x384xf32, #tpu.memory_space<hbm>>
      %dma_start3A_1419 = arith.constant 0 : i32
      %dma_start3A_1420 = arith.constant 1152 : i32
      %dma_start3A_1421 = tpu.memref_slice %arg6[%dma_start3A_1419, %dma_start3A_1420] : memref<8x1536xf32, #tpu.memory_space<vmem>> -> memref<8x384xf32, #tpu.memory_space<vmem>>
      tpu.enqueue_dma source(%dma_start3A_1421 : memref<8x384xf32, #tpu.memory_space<vmem>>) target(%dma_start3A_1418 : memref<8x384xf32, #tpu.memory_space<hbm>>) target_semaphore(%arg10 : memref<!tpu.dma_semaphore, #tpu.memory_space<semaphore_mem>>)
      %dma_wait3A_1422 = arith.constant 88 : i32
      %dma_wait3A_1423 = tpu.memref_slice %arg5[%dma_wait3A_1422] : memref<112xi32, #tpu.memory_space<vmem>> -> memref<8xi32, #tpu.memory_space<vmem>>
      %dma_wait3A_1424 = arith.constant 0 : i32
      %dma_wait3A_1425 = arith.constant 0 : i32
      %dma_wait3A_1426 = tpu.memref_slice %arg2[%dma_wait3A_1424, %dma_wait3A_1425] : memref<3136x1536xf32, #tpu.memory_space<hbm>> -> memref<3136x1536xf32, #tpu.memory_space<hbm>>
      tpu.wait_indirect_dma semaphore(%arg9 : memref<!tpu.dma_semaphore, #tpu.memory_space<semaphore_mem>>) src(%dma_wait3A_1426 : memref<3136x1536xf32, #tpu.memory_space<hbm>>) dst(%arg7 : memref<8x1536xf32, #tpu.memory_space<vmem>>)
      %dma_wait3A_1427 = arith.constant 0 : i32
      %dma_wait3A_1428 = arith.constant 0 : i32
      %dma_wait3A_1429 = arith.constant 0 : i32
      %dma_wait3A_1430 = tpu.memref_slice %arg6[%dma_wait3A_1428, %dma_wait3A_1429] : memref<8x1536xf32, #tpu.memory_space<vmem>> -> memref<8x384xf32, #tpu.memory_space<vmem>>
      %dma_wait3A_1431 = arith.constant 24 : i32
      %dma_wait3A_1432 = arith.constant 0 : i32
      %dma_wait3A_1433 = tpu.memref_slice %arg4[%add3A_1361, %dma_wait3A_1427, %dma_wait3A_1431, %dma_wait3A_1432] : memref<56x4x56x384xf32, #tpu.memory_space<hbm>> -> memref<1x1x8x384xf32, #tpu.memory_space<hbm>>
      %dma_wait3A_1434 = tpu.memref_squeeze %dma_wait3A_1433 : memref<1x1x8x384xf32, #tpu.memory_space<hbm>> -> memref<8x384xf32, #tpu.memory_space<hbm>>
      %dma_wait3A_1435 = arith.constant 24 : i32
      %dma_wait3A_1436 = arith.constant 0 : i32
      %dma_wait3A_1437 = tpu.memref_slice %arg4[%add3A_1361, %dma_wait3A_1427, %dma_wait3A_1435, %dma_wait3A_1436] : memref<56x4x56x384xf32, #tpu.memory_space<hbm>> -> memref<1x1x8x384xf32, #tpu.memory_space<hbm>>
      %dma_wait3A_1438 = tpu.memref_squeeze %dma_wait3A_1437 : memref<1x1x8x384xf32, #tpu.memory_space<hbm>> -> memref<8x384xf32, #tpu.memory_space<hbm>>
      %dma_wait3A_1439 = arith.constant 0 : i32
      %dma_wait3A_1440 = arith.constant 0 : i32
      %dma_wait3A_1441 = tpu.memref_slice %arg6[%dma_wait3A_1439, %dma_wait3A_1440] : memref<8x1536xf32, #tpu.memory_space<vmem>> -> memref<8x384xf32, #tpu.memory_space<vmem>>
      tpu.wait_dma2 semaphore(%arg10 : memref<!tpu.dma_semaphore, #tpu.memory_space<semaphore_mem>>) src(%dma_wait3A_1441 : memref<8x384xf32, #tpu.memory_space<vmem>>) dst(%dma_wait3A_1438 : memref<8x384xf32, #tpu.memory_space<hbm>>)
      %dma_wait3A_1442 = arith.constant 1 : i32
      %dma_wait3A_1443 = arith.constant 0 : i32
      %dma_wait3A_1444 = arith.constant 384 : i32
      %dma_wait3A_1445 = tpu.memref_slice %arg6[%dma_wait3A_1443, %dma_wait3A_1444] : memref<8x1536xf32, #tpu.memory_space<vmem>> -> memref<8x384xf32, #tpu.memory_space<vmem>>
      %dma_wait3A_1446 = arith.constant 24 : i32
      %dma_wait3A_1447 = arith.constant 0 : i32
      %dma_wait3A_1448 = tpu.memref_slice %arg4[%add3A_1361, %dma_wait3A_1442, %dma_wait3A_1446, %dma_wait3A_1447] : memref<56x4x56x384xf32, #tpu.memory_space<hbm>> -> memref<1x1x8x384xf32, #tpu.memory_space<hbm>>
      %dma_wait3A_1449 = tpu.memref_squeeze %dma_wait3A_1448 : memref<1x1x8x384xf32, #tpu.memory_space<hbm>> -> memref<8x384xf32, #tpu.memory_space<hbm>>
      %dma_wait3A_1450 = arith.constant 24 : i32
      %dma_wait3A_1451 = arith.constant 0 : i32
      %dma_wait3A_1452 = tpu.memref_slice %arg4[%add3A_1361, %dma_wait3A_1442, %dma_wait3A_1450, %dma_wait3A_1451] : memref<56x4x56x384xf32, #tpu.memory_space<hbm>> -> memref<1x1x8x384xf32, #tpu.memory_space<hbm>>
      %dma_wait3A_1453 = tpu.memref_squeeze %dma_wait3A_1452 : memref<1x1x8x384xf32, #tpu.memory_space<hbm>> -> memref<8x384xf32, #tpu.memory_space<hbm>>
      %dma_wait3A_1454 = arith.constant 0 : i32
      %dma_wait3A_1455 = arith.constant 384 : i32
      %dma_wait3A_1456 = tpu.memref_slice %arg6[%dma_wait3A_1454, %dma_wait3A_1455] : memref<8x1536xf32, #tpu.memory_space<vmem>> -> memref<8x384xf32, #tpu.memory_space<vmem>>
      tpu.wait_dma2 semaphore(%arg10 : memref<!tpu.dma_semaphore, #tpu.memory_space<semaphore_mem>>) src(%dma_wait3A_1456 : memref<8x384xf32, #tpu.memory_space<vmem>>) dst(%dma_wait3A_1453 : memref<8x384xf32, #tpu.memory_space<hbm>>)
      %dma_wait3A_1457 = arith.constant 2 : i32
      %dma_wait3A_1458 = arith.constant 0 : i32
      %dma_wait3A_1459 = arith.constant 768 : i32
      %dma_wait3A_1460 = tpu.memref_slice %arg6[%dma_wait3A_1458, %dma_wait3A_1459] : memref<8x1536xf32, #tpu.memory_space<vmem>> -> memref<8x384xf32, #tpu.memory_space<vmem>>
      %dma_wait3A_1461 = arith.constant 24 : i32
      %dma_wait3A_1462 = arith.constant 0 : i32
      %dma_wait3A_1463 = tpu.memref_slice %arg4[%add3A_1361, %dma_wait3A_1457, %dma_wait3A_1461, %dma_wait3A_1462] : memref<56x4x56x384xf32, #tpu.memory_space<hbm>> -> memref<1x1x8x384xf32, #tpu.memory_space<hbm>>
      %dma_wait3A_1464 = tpu.memref_squeeze %dma_wait3A_1463 : memref<1x1x8x384xf32, #tpu.memory_space<hbm>> -> memref<8x384xf32, #tpu.memory_space<hbm>>
      %dma_wait3A_1465 = arith.constant 24 : i32
      %dma_wait3A_1466 = arith.constant 0 : i32
      %dma_wait3A_1467 = tpu.memref_slice %arg4[%add3A_1361, %dma_wait3A_1457, %dma_wait3A_1465, %dma_wait3A_1466] : memref<56x4x56x384xf32, #tpu.memory_space<hbm>> -> memref<1x1x8x384xf32, #tpu.memory_space<hbm>>
      %dma_wait3A_1468 = tpu.memref_squeeze %dma_wait3A_1467 : memref<1x1x8x384xf32, #tpu.memory_space<hbm>> -> memref<8x384xf32, #tpu.memory_space<hbm>>
      %dma_wait3A_1469 = arith.constant 0 : i32
      %dma_wait3A_1470 = arith.constant 768 : i32
      %dma_wait3A_1471 = tpu.memref_slice %arg6[%dma_wait3A_1469, %dma_wait3A_1470] : memref<8x1536xf32, #tpu.memory_space<vmem>> -> memref<8x384xf32, #tpu.memory_space<vmem>>
      tpu.wait_dma2 semaphore(%arg10 : memref<!tpu.dma_semaphore, #tpu.memory_space<semaphore_mem>>) src(%dma_wait3A_1471 : memref<8x384xf32, #tpu.memory_space<vmem>>) dst(%dma_wait3A_1468 : memref<8x384xf32, #tpu.memory_space<hbm>>)
      %dma_wait3A_1472 = arith.constant 3 : i32
      %dma_wait3A_1473 = arith.constant 0 : i32
      %dma_wait3A_1474 = arith.constant 1152 : i32
      %dma_wait3A_1475 = tpu.memref_slice %arg6[%dma_wait3A_1473, %dma_wait3A_1474] : memref<8x1536xf32, #tpu.memory_space<vmem>> -> memref<8x384xf32, #tpu.memory_space<vmem>>
      %dma_wait3A_1476 = arith.constant 24 : i32
      %dma_wait3A_1477 = arith.constant 0 : i32
      %dma_wait3A_1478 = tpu.memref_slice %arg4[%add3A_1361, %dma_wait3A_1472, %dma_wait3A_1476, %dma_wait3A_1477] : memref<56x4x56x384xf32, #tpu.memory_space<hbm>> -> memref<1x1x8x384xf32, #tpu.memory_space<hbm>>
      %dma_wait3A_1479 = tpu.memref_squeeze %dma_wait3A_1478 : memref<1x1x8x384xf32, #tpu.memory_space<hbm>> -> memref<8x384xf32, #tpu.memory_space<hbm>>
      %dma_wait3A_1480 = arith.constant 24 : i32
      %dma_wait3A_1481 = arith.constant 0 : i32
      %dma_wait3A_1482 = tpu.memref_slice %arg4[%add3A_1361, %dma_wait3A_1472, %dma_wait3A_1480, %dma_wait3A_1481] : memref<56x4x56x384xf32, #tpu.memory_space<hbm>> -> memref<1x1x8x384xf32, #tpu.memory_space<hbm>>
      %dma_wait3A_1483 = tpu.memref_squeeze %dma_wait3A_1482 : memref<1x1x8x384xf32, #tpu.memory_space<hbm>> -> memref<8x384xf32, #tpu.memory_space<hbm>>
      %dma_wait3A_1484 = arith.constant 0 : i32
      %dma_wait3A_1485 = arith.constant 1152 : i32
      %dma_wait3A_1486 = tpu.memref_slice %arg6[%dma_wait3A_1484, %dma_wait3A_1485] : memref<8x1536xf32, #tpu.memory_space<vmem>> -> memref<8x384xf32, #tpu.memory_space<vmem>>
      tpu.wait_dma2 semaphore(%arg10 : memref<!tpu.dma_semaphore, #tpu.memory_space<semaphore_mem>>) src(%dma_wait3A_1486 : memref<8x384xf32, #tpu.memory_space<vmem>>) dst(%dma_wait3A_1483 : memref<8x384xf32, #tpu.memory_space<hbm>>)
      %dma_start3A_1487 = arith.constant 96 : i32
      %dma_start3A_1488 = tpu.memref_slice %arg5[%dma_start3A_1487] : memref<112xi32, #tpu.memory_space<vmem>> -> memref<8xi32, #tpu.memory_space<vmem>>
      %dma_start3A_1489 = arith.constant 0 : i32
      %dma_start3A_1490 = arith.constant 0 : i32
      %dma_start3A_1491 = tpu.memref_slice %arg2[%dma_start3A_1489, %dma_start3A_1490] : memref<3136x1536xf32, #tpu.memory_space<hbm>> -> memref<3136x1536xf32, #tpu.memory_space<hbm>>
      tpu.enqueue_indirect_dma source(%dma_start3A_1491 : memref<3136x1536xf32, #tpu.memory_space<hbm>>) target(%arg6 : memref<8x1536xf32, #tpu.memory_space<vmem>>) offsets(%dma_start3A_1488 : memref<8xi32, #tpu.memory_space<vmem>>) semaphore(%arg8 : memref<!tpu.dma_semaphore, #tpu.memory_space<semaphore_mem>>)
      %mul3A_1492 = arith.constant 2 : i32
      %mul3A_1493 = arith.muli %mul3A_1492, %add3A : i32
      %add3A_1494 = arith.constant 1 : i32
      %add3A_1495 = arith.addi %mul3A_1493, %add3A_1494 : i32
      %dma_start3A_1496 = arith.constant 0 : i32
      %dma_start3A_1497 = arith.constant 0 : i32
      %dma_start3A_1498 = arith.constant 0 : i32
      %dma_start3A_1499 = tpu.memref_slice %arg7[%dma_start3A_1497, %dma_start3A_1498] : memref<8x1536xf32, #tpu.memory_space<vmem>> -> memref<8x384xf32, #tpu.memory_space<vmem>>
      %dma_start3A_1500 = arith.constant 32 : i32
      %dma_start3A_1501 = arith.constant 0 : i32
      %dma_start3A_1502 = tpu.memref_slice %arg4[%add3A_1495, %dma_start3A_1496, %dma_start3A_1500, %dma_start3A_1501] : memref<56x4x56x384xf32, #tpu.memory_space<hbm>> -> memref<1x1x8x384xf32, #tpu.memory_space<hbm>>
      %dma_start3A_1503 = tpu.memref_squeeze %dma_start3A_1502 : memref<1x1x8x384xf32, #tpu.memory_space<hbm>> -> memref<8x384xf32, #tpu.memory_space<hbm>>
      %dma_start3A_1504 = arith.constant 32 : i32
      %dma_start3A_1505 = arith.constant 0 : i32
      %dma_start3A_1506 = tpu.memref_slice %arg4[%add3A_1495, %dma_start3A_1496, %dma_start3A_1504, %dma_start3A_1505] : memref<56x4x56x384xf32, #tpu.memory_space<hbm>> -> memref<1x1x8x384xf32, #tpu.memory_space<hbm>>
      %dma_start3A_1507 = tpu.memref_squeeze %dma_start3A_1506 : memref<1x1x8x384xf32, #tpu.memory_space<hbm>> -> memref<8x384xf32, #tpu.memory_space<hbm>>
      %dma_start3A_1508 = arith.constant 0 : i32
      %dma_start3A_1509 = arith.constant 0 : i32
      %dma_start3A_1510 = tpu.memref_slice %arg7[%dma_start3A_1508, %dma_start3A_1509] : memref<8x1536xf32, #tpu.memory_space<vmem>> -> memref<8x384xf32, #tpu.memory_space<vmem>>
      tpu.enqueue_dma source(%dma_start3A_1510 : memref<8x384xf32, #tpu.memory_space<vmem>>) target(%dma_start3A_1507 : memref<8x384xf32, #tpu.memory_space<hbm>>) target_semaphore(%arg10 : memref<!tpu.dma_semaphore, #tpu.memory_space<semaphore_mem>>)
      %dma_start3A_1511 = arith.constant 1 : i32
      %dma_start3A_1512 = arith.constant 0 : i32
      %dma_start3A_1513 = arith.constant 384 : i32
      %dma_start3A_1514 = tpu.memref_slice %arg7[%dma_start3A_1512, %dma_start3A_1513] : memref<8x1536xf32, #tpu.memory_space<vmem>> -> memref<8x384xf32, #tpu.memory_space<vmem>>
      %dma_start3A_1515 = arith.constant 32 : i32
      %dma_start3A_1516 = arith.constant 0 : i32
      %dma_start3A_1517 = tpu.memref_slice %arg4[%add3A_1495, %dma_start3A_1511, %dma_start3A_1515, %dma_start3A_1516] : memref<56x4x56x384xf32, #tpu.memory_space<hbm>> -> memref<1x1x8x384xf32, #tpu.memory_space<hbm>>
      %dma_start3A_1518 = tpu.memref_squeeze %dma_start3A_1517 : memref<1x1x8x384xf32, #tpu.memory_space<hbm>> -> memref<8x384xf32, #tpu.memory_space<hbm>>
      %dma_start3A_1519 = arith.constant 32 : i32
      %dma_start3A_1520 = arith.constant 0 : i32
      %dma_start3A_1521 = tpu.memref_slice %arg4[%add3A_1495, %dma_start3A_1511, %dma_start3A_1519, %dma_start3A_1520] : memref<56x4x56x384xf32, #tpu.memory_space<hbm>> -> memref<1x1x8x384xf32, #tpu.memory_space<hbm>>
      %dma_start3A_1522 = tpu.memref_squeeze %dma_start3A_1521 : memref<1x1x8x384xf32, #tpu.memory_space<hbm>> -> memref<8x384xf32, #tpu.memory_space<hbm>>
      %dma_start3A_1523 = arith.constant 0 : i32
      %dma_start3A_1524 = arith.constant 384 : i32
      %dma_start3A_1525 = tpu.memref_slice %arg7[%dma_start3A_1523, %dma_start3A_1524] : memref<8x1536xf32, #tpu.memory_space<vmem>> -> memref<8x384xf32, #tpu.memory_space<vmem>>
      tpu.enqueue_dma source(%dma_start3A_1525 : memref<8x384xf32, #tpu.memory_space<vmem>>) target(%dma_start3A_1522 : memref<8x384xf32, #tpu.memory_space<hbm>>) target_semaphore(%arg10 : memref<!tpu.dma_semaphore, #tpu.memory_space<semaphore_mem>>)
      %dma_start3A_1526 = arith.constant 2 : i32
      %dma_start3A_1527 = arith.constant 0 : i32
      %dma_start3A_1528 = arith.constant 768 : i32
      %dma_start3A_1529 = tpu.memref_slice %arg7[%dma_start3A_1527, %dma_start3A_1528] : memref<8x1536xf32, #tpu.memory_space<vmem>> -> memref<8x384xf32, #tpu.memory_space<vmem>>
      %dma_start3A_1530 = arith.constant 32 : i32
      %dma_start3A_1531 = arith.constant 0 : i32
      %dma_start3A_1532 = tpu.memref_slice %arg4[%add3A_1495, %dma_start3A_1526, %dma_start3A_1530, %dma_start3A_1531] : memref<56x4x56x384xf32, #tpu.memory_space<hbm>> -> memref<1x1x8x384xf32, #tpu.memory_space<hbm>>
      %dma_start3A_1533 = tpu.memref_squeeze %dma_start3A_1532 : memref<1x1x8x384xf32, #tpu.memory_space<hbm>> -> memref<8x384xf32, #tpu.memory_space<hbm>>
      %dma_start3A_1534 = arith.constant 32 : i32
      %dma_start3A_1535 = arith.constant 0 : i32
      %dma_start3A_1536 = tpu.memref_slice %arg4[%add3A_1495, %dma_start3A_1526, %dma_start3A_1534, %dma_start3A_1535] : memref<56x4x56x384xf32, #tpu.memory_space<hbm>> -> memref<1x1x8x384xf32, #tpu.memory_space<hbm>>
      %dma_start3A_1537 = tpu.memref_squeeze %dma_start3A_1536 : memref<1x1x8x384xf32, #tpu.memory_space<hbm>> -> memref<8x384xf32, #tpu.memory_space<hbm>>
      %dma_start3A_1538 = arith.constant 0 : i32
      %dma_start3A_1539 = arith.constant 768 : i32
      %dma_start3A_1540 = tpu.memref_slice %arg7[%dma_start3A_1538, %dma_start3A_1539] : memref<8x1536xf32, #tpu.memory_space<vmem>> -> memref<8x384xf32, #tpu.memory_space<vmem>>
      tpu.enqueue_dma source(%dma_start3A_1540 : memref<8x384xf32, #tpu.memory_space<vmem>>) target(%dma_start3A_1537 : memref<8x384xf32, #tpu.memory_space<hbm>>) target_semaphore(%arg10 : memref<!tpu.dma_semaphore, #tpu.memory_space<semaphore_mem>>)
      %dma_start3A_1541 = arith.constant 3 : i32
      %dma_start3A_1542 = arith.constant 0 : i32
      %dma_start3A_1543 = arith.constant 1152 : i32
      %dma_start3A_1544 = tpu.memref_slice %arg7[%dma_start3A_1542, %dma_start3A_1543] : memref<8x1536xf32, #tpu.memory_space<vmem>> -> memref<8x384xf32, #tpu.memory_space<vmem>>
      %dma_start3A_1545 = arith.constant 32 : i32
      %dma_start3A_1546 = arith.constant 0 : i32
      %dma_start3A_1547 = tpu.memref_slice %arg4[%add3A_1495, %dma_start3A_1541, %dma_start3A_1545, %dma_start3A_1546] : memref<56x4x56x384xf32, #tpu.memory_space<hbm>> -> memref<1x1x8x384xf32, #tpu.memory_space<hbm>>
      %dma_start3A_1548 = tpu.memref_squeeze %dma_start3A_1547 : memref<1x1x8x384xf32, #tpu.memory_space<hbm>> -> memref<8x384xf32, #tpu.memory_space<hbm>>
      %dma_start3A_1549 = arith.constant 32 : i32
      %dma_start3A_1550 = arith.constant 0 : i32
      %dma_start3A_1551 = tpu.memref_slice %arg4[%add3A_1495, %dma_start3A_1541, %dma_start3A_1549, %dma_start3A_1550] : memref<56x4x56x384xf32, #tpu.memory_space<hbm>> -> memref<1x1x8x384xf32, #tpu.memory_space<hbm>>
      %dma_start3A_1552 = tpu.memref_squeeze %dma_start3A_1551 : memref<1x1x8x384xf32, #tpu.memory_space<hbm>> -> memref<8x384xf32, #tpu.memory_space<hbm>>
      %dma_start3A_1553 = arith.constant 0 : i32
      %dma_start3A_1554 = arith.constant 1152 : i32
      %dma_start3A_1555 = tpu.memref_slice %arg7[%dma_start3A_1553, %dma_start3A_1554] : memref<8x1536xf32, #tpu.memory_space<vmem>> -> memref<8x384xf32, #tpu.memory_space<vmem>>
      tpu.enqueue_dma source(%dma_start3A_1555 : memref<8x384xf32, #tpu.memory_space<vmem>>) target(%dma_start3A_1552 : memref<8x384xf32, #tpu.memory_space<hbm>>) target_semaphore(%arg10 : memref<!tpu.dma_semaphore, #tpu.memory_space<semaphore_mem>>)
      %dma_wait3A_1556 = arith.constant 96 : i32
      %dma_wait3A_1557 = tpu.memref_slice %arg5[%dma_wait3A_1556] : memref<112xi32, #tpu.memory_space<vmem>> -> memref<8xi32, #tpu.memory_space<vmem>>
      %dma_wait3A_1558 = arith.constant 0 : i32
      %dma_wait3A_1559 = arith.constant 0 : i32
      %dma_wait3A_1560 = tpu.memref_slice %arg2[%dma_wait3A_1558, %dma_wait3A_1559] : memref<3136x1536xf32, #tpu.memory_space<hbm>> -> memref<3136x1536xf32, #tpu.memory_space<hbm>>
      tpu.wait_indirect_dma semaphore(%arg8 : memref<!tpu.dma_semaphore, #tpu.memory_space<semaphore_mem>>) src(%dma_wait3A_1560 : memref<3136x1536xf32, #tpu.memory_space<hbm>>) dst(%arg6 : memref<8x1536xf32, #tpu.memory_space<vmem>>)
      %dma_wait3A_1561 = arith.constant 0 : i32
      %dma_wait3A_1562 = arith.constant 0 : i32
      %dma_wait3A_1563 = arith.constant 0 : i32
      %dma_wait3A_1564 = tpu.memref_slice %arg7[%dma_wait3A_1562, %dma_wait3A_1563] : memref<8x1536xf32, #tpu.memory_space<vmem>> -> memref<8x384xf32, #tpu.memory_space<vmem>>
      %dma_wait3A_1565 = arith.constant 32 : i32
      %dma_wait3A_1566 = arith.constant 0 : i32
      %dma_wait3A_1567 = tpu.memref_slice %arg4[%add3A_1495, %dma_wait3A_1561, %dma_wait3A_1565, %dma_wait3A_1566] : memref<56x4x56x384xf32, #tpu.memory_space<hbm>> -> memref<1x1x8x384xf32, #tpu.memory_space<hbm>>
      %dma_wait3A_1568 = tpu.memref_squeeze %dma_wait3A_1567 : memref<1x1x8x384xf32, #tpu.memory_space<hbm>> -> memref<8x384xf32, #tpu.memory_space<hbm>>
      %dma_wait3A_1569 = arith.constant 32 : i32
      %dma_wait3A_1570 = arith.constant 0 : i32
      %dma_wait3A_1571 = tpu.memref_slice %arg4[%add3A_1495, %dma_wait3A_1561, %dma_wait3A_1569, %dma_wait3A_1570] : memref<56x4x56x384xf32, #tpu.memory_space<hbm>> -> memref<1x1x8x384xf32, #tpu.memory_space<hbm>>
      %dma_wait3A_1572 = tpu.memref_squeeze %dma_wait3A_1571 : memref<1x1x8x384xf32, #tpu.memory_space<hbm>> -> memref<8x384xf32, #tpu.memory_space<hbm>>
      %dma_wait3A_1573 = arith.constant 0 : i32
      %dma_wait3A_1574 = arith.constant 0 : i32
      %dma_wait3A_1575 = tpu.memref_slice %arg7[%dma_wait3A_1573, %dma_wait3A_1574] : memref<8x1536xf32, #tpu.memory_space<vmem>> -> memref<8x384xf32, #tpu.memory_space<vmem>>
      tpu.wait_dma2 semaphore(%arg10 : memref<!tpu.dma_semaphore, #tpu.memory_space<semaphore_mem>>) src(%dma_wait3A_1575 : memref<8x384xf32, #tpu.memory_space<vmem>>) dst(%dma_wait3A_1572 : memref<8x384xf32, #tpu.memory_space<hbm>>)
      %dma_wait3A_1576 = arith.constant 1 : i32
      %dma_wait3A_1577 = arith.constant 0 : i32
      %dma_wait3A_1578 = arith.constant 384 : i32
      %dma_wait3A_1579 = tpu.memref_slice %arg7[%dma_wait3A_1577, %dma_wait3A_1578] : memref<8x1536xf32, #tpu.memory_space<vmem>> -> memref<8x384xf32, #tpu.memory_space<vmem>>
      %dma_wait3A_1580 = arith.constant 32 : i32
      %dma_wait3A_1581 = arith.constant 0 : i32
      %dma_wait3A_1582 = tpu.memref_slice %arg4[%add3A_1495, %dma_wait3A_1576, %dma_wait3A_1580, %dma_wait3A_1581] : memref<56x4x56x384xf32, #tpu.memory_space<hbm>> -> memref<1x1x8x384xf32, #tpu.memory_space<hbm>>
      %dma_wait3A_1583 = tpu.memref_squeeze %dma_wait3A_1582 : memref<1x1x8x384xf32, #tpu.memory_space<hbm>> -> memref<8x384xf32, #tpu.memory_space<hbm>>
      %dma_wait3A_1584 = arith.constant 32 : i32
      %dma_wait3A_1585 = arith.constant 0 : i32
      %dma_wait3A_1586 = tpu.memref_slice %arg4[%add3A_1495, %dma_wait3A_1576, %dma_wait3A_1584, %dma_wait3A_1585] : memref<56x4x56x384xf32, #tpu.memory_space<hbm>> -> memref<1x1x8x384xf32, #tpu.memory_space<hbm>>
      %dma_wait3A_1587 = tpu.memref_squeeze %dma_wait3A_1586 : memref<1x1x8x384xf32, #tpu.memory_space<hbm>> -> memref<8x384xf32, #tpu.memory_space<hbm>>
      %dma_wait3A_1588 = arith.constant 0 : i32
      %dma_wait3A_1589 = arith.constant 384 : i32
      %dma_wait3A_1590 = tpu.memref_slice %arg7[%dma_wait3A_1588, %dma_wait3A_1589] : memref<8x1536xf32, #tpu.memory_space<vmem>> -> memref<8x384xf32, #tpu.memory_space<vmem>>
      tpu.wait_dma2 semaphore(%arg10 : memref<!tpu.dma_semaphore, #tpu.memory_space<semaphore_mem>>) src(%dma_wait3A_1590 : memref<8x384xf32, #tpu.memory_space<vmem>>) dst(%dma_wait3A_1587 : memref<8x384xf32, #tpu.memory_space<hbm>>)
      %dma_wait3A_1591 = arith.constant 2 : i32
      %dma_wait3A_1592 = arith.constant 0 : i32
      %dma_wait3A_1593 = arith.constant 768 : i32
      %dma_wait3A_1594 = tpu.memref_slice %arg7[%dma_wait3A_1592, %dma_wait3A_1593] : memref<8x1536xf32, #tpu.memory_space<vmem>> -> memref<8x384xf32, #tpu.memory_space<vmem>>
      %dma_wait3A_1595 = arith.constant 32 : i32
      %dma_wait3A_1596 = arith.constant 0 : i32
      %dma_wait3A_1597 = tpu.memref_slice %arg4[%add3A_1495, %dma_wait3A_1591, %dma_wait3A_1595, %dma_wait3A_1596] : memref<56x4x56x384xf32, #tpu.memory_space<hbm>> -> memref<1x1x8x384xf32, #tpu.memory_space<hbm>>
      %dma_wait3A_1598 = tpu.memref_squeeze %dma_wait3A_1597 : memref<1x1x8x384xf32, #tpu.memory_space<hbm>> -> memref<8x384xf32, #tpu.memory_space<hbm>>
      %dma_wait3A_1599 = arith.constant 32 : i32
      %dma_wait3A_1600 = arith.constant 0 : i32
      %dma_wait3A_1601 = tpu.memref_slice %arg4[%add3A_1495, %dma_wait3A_1591, %dma_wait3A_1599, %dma_wait3A_1600] : memref<56x4x56x384xf32, #tpu.memory_space<hbm>> -> memref<1x1x8x384xf32, #tpu.memory_space<hbm>>
      %dma_wait3A_1602 = tpu.memref_squeeze %dma_wait3A_1601 : memref<1x1x8x384xf32, #tpu.memory_space<hbm>> -> memref<8x384xf32, #tpu.memory_space<hbm>>
      %dma_wait3A_1603 = arith.constant 0 : i32
      %dma_wait3A_1604 = arith.constant 768 : i32
      %dma_wait3A_1605 = tpu.memref_slice %arg7[%dma_wait3A_1603, %dma_wait3A_1604] : memref<8x1536xf32, #tpu.memory_space<vmem>> -> memref<8x384xf32, #tpu.memory_space<vmem>>
      tpu.wait_dma2 semaphore(%arg10 : memref<!tpu.dma_semaphore, #tpu.memory_space<semaphore_mem>>) src(%dma_wait3A_1605 : memref<8x384xf32, #tpu.memory_space<vmem>>) dst(%dma_wait3A_1602 : memref<8x384xf32, #tpu.memory_space<hbm>>)
      %dma_wait3A_1606 = arith.constant 3 : i32
      %dma_wait3A_1607 = arith.constant 0 : i32
      %dma_wait3A_1608 = arith.constant 1152 : i32
      %dma_wait3A_1609 = tpu.memref_slice %arg7[%dma_wait3A_1607, %dma_wait3A_1608] : memref<8x1536xf32, #tpu.memory_space<vmem>> -> memref<8x384xf32, #tpu.memory_space<vmem>>
      %dma_wait3A_1610 = arith.constant 32 : i32
      %dma_wait3A_1611 = arith.constant 0 : i32
      %dma_wait3A_1612 = tpu.memref_slice %arg4[%add3A_1495, %dma_wait3A_1606, %dma_wait3A_1610, %dma_wait3A_1611] : memref<56x4x56x384xf32, #tpu.memory_space<hbm>> -> memref<1x1x8x384xf32, #tpu.memory_space<hbm>>
      %dma_wait3A_1613 = tpu.memref_squeeze %dma_wait3A_1612 : memref<1x1x8x384xf32, #tpu.memory_space<hbm>> -> memref<8x384xf32, #tpu.memory_space<hbm>>
      %dma_wait3A_1614 = arith.constant 32 : i32
      %dma_wait3A_1615 = arith.constant 0 : i32
      %dma_wait3A_1616 = tpu.memref_slice %arg4[%add3A_1495, %dma_wait3A_1606, %dma_wait3A_1614, %dma_wait3A_1615] : memref<56x4x56x384xf32, #tpu.memory_space<hbm>> -> memref<1x1x8x384xf32, #tpu.memory_space<hbm>>
      %dma_wait3A_1617 = tpu.memref_squeeze %dma_wait3A_1616 : memref<1x1x8x384xf32, #tpu.memory_space<hbm>> -> memref<8x384xf32, #tpu.memory_space<hbm>>
      %dma_wait3A_1618 = arith.constant 0 : i32
      %dma_wait3A_1619 = arith.constant 1152 : i32
      %dma_wait3A_1620 = tpu.memref_slice %arg7[%dma_wait3A_1618, %dma_wait3A_1619] : memref<8x1536xf32, #tpu.memory_space<vmem>> -> memref<8x384xf32, #tpu.memory_space<vmem>>
      tpu.wait_dma2 semaphore(%arg10 : memref<!tpu.dma_semaphore, #tpu.memory_space<semaphore_mem>>) src(%dma_wait3A_1620 : memref<8x384xf32, #tpu.memory_space<vmem>>) dst(%dma_wait3A_1617 : memref<8x384xf32, #tpu.memory_space<hbm>>)
      %dma_start3A_1621 = arith.constant 104 : i32
      %dma_start3A_1622 = tpu.memref_slice %arg5[%dma_start3A_1621] : memref<112xi32, #tpu.memory_space<vmem>> -> memref<8xi32, #tpu.memory_space<vmem>>
      %dma_start3A_1623 = arith.constant 0 : i32
      %dma_start3A_1624 = arith.constant 0 : i32
      %dma_start3A_1625 = tpu.memref_slice %arg2[%dma_start3A_1623, %dma_start3A_1624] : memref<3136x1536xf32, #tpu.memory_space<hbm>> -> memref<3136x1536xf32, #tpu.memory_space<hbm>>
      tpu.enqueue_indirect_dma source(%dma_start3A_1625 : memref<3136x1536xf32, #tpu.memory_space<hbm>>) target(%arg7 : memref<8x1536xf32, #tpu.memory_space<vmem>>) offsets(%dma_start3A_1622 : memref<8xi32, #tpu.memory_space<vmem>>) semaphore(%arg9 : memref<!tpu.dma_semaphore, #tpu.memory_space<semaphore_mem>>)
      %mul3A_1626 = arith.constant 2 : i32
      %mul3A_1627 = arith.muli %mul3A_1626, %add3A : i32
      %add3A_1628 = arith.constant 1 : i32
      %add3A_1629 = arith.addi %mul3A_1627, %add3A_1628 : i32
      %dma_start3A_1630 = arith.constant 0 : i32
      %dma_start3A_1631 = arith.constant 0 : i32
      %dma_start3A_1632 = arith.constant 0 : i32
      %dma_start3A_1633 = tpu.memref_slice %arg6[%dma_start3A_1631, %dma_start3A_1632] : memref<8x1536xf32, #tpu.memory_space<vmem>> -> memref<8x384xf32, #tpu.memory_space<vmem>>
      %dma_start3A_1634 = arith.constant 40 : i32
      %dma_start3A_1635 = arith.constant 0 : i32
      %dma_start3A_1636 = tpu.memref_slice %arg4[%add3A_1629, %dma_start3A_1630, %dma_start3A_1634, %dma_start3A_1635] : memref<56x4x56x384xf32, #tpu.memory_space<hbm>> -> memref<1x1x8x384xf32, #tpu.memory_space<hbm>>
      %dma_start3A_1637 = tpu.memref_squeeze %dma_start3A_1636 : memref<1x1x8x384xf32, #tpu.memory_space<hbm>> -> memref<8x384xf32, #tpu.memory_space<hbm>>
      %dma_start3A_1638 = arith.constant 40 : i32
      %dma_start3A_1639 = arith.constant 0 : i32
      %dma_start3A_1640 = tpu.memref_slice %arg4[%add3A_1629, %dma_start3A_1630, %dma_start3A_1638, %dma_start3A_1639] : memref<56x4x56x384xf32, #tpu.memory_space<hbm>> -> memref<1x1x8x384xf32, #tpu.memory_space<hbm>>
      %dma_start3A_1641 = tpu.memref_squeeze %dma_start3A_1640 : memref<1x1x8x384xf32, #tpu.memory_space<hbm>> -> memref<8x384xf32, #tpu.memory_space<hbm>>
      %dma_start3A_1642 = arith.constant 0 : i32
      %dma_start3A_1643 = arith.constant 0 : i32
      %dma_start3A_1644 = tpu.memref_slice %arg6[%dma_start3A_1642, %dma_start3A_1643] : memref<8x1536xf32, #tpu.memory_space<vmem>> -> memref<8x384xf32, #tpu.memory_space<vmem>>
      tpu.enqueue_dma source(%dma_start3A_1644 : memref<8x384xf32, #tpu.memory_space<vmem>>) target(%dma_start3A_1641 : memref<8x384xf32, #tpu.memory_space<hbm>>) target_semaphore(%arg10 : memref<!tpu.dma_semaphore, #tpu.memory_space<semaphore_mem>>)
      %dma_start3A_1645 = arith.constant 1 : i32
      %dma_start3A_1646 = arith.constant 0 : i32
      %dma_start3A_1647 = arith.constant 384 : i32
      %dma_start3A_1648 = tpu.memref_slice %arg6[%dma_start3A_1646, %dma_start3A_1647] : memref<8x1536xf32, #tpu.memory_space<vmem>> -> memref<8x384xf32, #tpu.memory_space<vmem>>
      %dma_start3A_1649 = arith.constant 40 : i32
      %dma_start3A_1650 = arith.constant 0 : i32
      %dma_start3A_1651 = tpu.memref_slice %arg4[%add3A_1629, %dma_start3A_1645, %dma_start3A_1649, %dma_start3A_1650] : memref<56x4x56x384xf32, #tpu.memory_space<hbm>> -> memref<1x1x8x384xf32, #tpu.memory_space<hbm>>
      %dma_start3A_1652 = tpu.memref_squeeze %dma_start3A_1651 : memref<1x1x8x384xf32, #tpu.memory_space<hbm>> -> memref<8x384xf32, #tpu.memory_space<hbm>>
      %dma_start3A_1653 = arith.constant 40 : i32
      %dma_start3A_1654 = arith.constant 0 : i32
      %dma_start3A_1655 = tpu.memref_slice %arg4[%add3A_1629, %dma_start3A_1645, %dma_start3A_1653, %dma_start3A_1654] : memref<56x4x56x384xf32, #tpu.memory_space<hbm>> -> memref<1x1x8x384xf32, #tpu.memory_space<hbm>>
      %dma_start3A_1656 = tpu.memref_squeeze %dma_start3A_1655 : memref<1x1x8x384xf32, #tpu.memory_space<hbm>> -> memref<8x384xf32, #tpu.memory_space<hbm>>
      %dma_start3A_1657 = arith.constant 0 : i32
      %dma_start3A_1658 = arith.constant 384 : i32
      %dma_start3A_1659 = tpu.memref_slice %arg6[%dma_start3A_1657, %dma_start3A_1658] : memref<8x1536xf32, #tpu.memory_space<vmem>> -> memref<8x384xf32, #tpu.memory_space<vmem>>
      tpu.enqueue_dma source(%dma_start3A_1659 : memref<8x384xf32, #tpu.memory_space<vmem>>) target(%dma_start3A_1656 : memref<8x384xf32, #tpu.memory_space<hbm>>) target_semaphore(%arg10 : memref<!tpu.dma_semaphore, #tpu.memory_space<semaphore_mem>>)
      %dma_start3A_1660 = arith.constant 2 : i32
      %dma_start3A_1661 = arith.constant 0 : i32
      %dma_start3A_1662 = arith.constant 768 : i32
      %dma_start3A_1663 = tpu.memref_slice %arg6[%dma_start3A_1661, %dma_start3A_1662] : memref<8x1536xf32, #tpu.memory_space<vmem>> -> memref<8x384xf32, #tpu.memory_space<vmem>>
      %dma_start3A_1664 = arith.constant 40 : i32
      %dma_start3A_1665 = arith.constant 0 : i32
      %dma_start3A_1666 = tpu.memref_slice %arg4[%add3A_1629, %dma_start3A_1660, %dma_start3A_1664, %dma_start3A_1665] : memref<56x4x56x384xf32, #tpu.memory_space<hbm>> -> memref<1x1x8x384xf32, #tpu.memory_space<hbm>>
      %dma_start3A_1667 = tpu.memref_squeeze %dma_start3A_1666 : memref<1x1x8x384xf32, #tpu.memory_space<hbm>> -> memref<8x384xf32, #tpu.memory_space<hbm>>
      %dma_start3A_1668 = arith.constant 40 : i32
      %dma_start3A_1669 = arith.constant 0 : i32
      %dma_start3A_1670 = tpu.memref_slice %arg4[%add3A_1629, %dma_start3A_1660, %dma_start3A_1668, %dma_start3A_1669] : memref<56x4x56x384xf32, #tpu.memory_space<hbm>> -> memref<1x1x8x384xf32, #tpu.memory_space<hbm>>
      %dma_start3A_1671 = tpu.memref_squeeze %dma_start3A_1670 : memref<1x1x8x384xf32, #tpu.memory_space<hbm>> -> memref<8x384xf32, #tpu.memory_space<hbm>>
      %dma_start3A_1672 = arith.constant 0 : i32
      %dma_start3A_1673 = arith.constant 768 : i32
      %dma_start3A_1674 = tpu.memref_slice %arg6[%dma_start3A_1672, %dma_start3A_1673] : memref<8x1536xf32, #tpu.memory_space<vmem>> -> memref<8x384xf32, #tpu.memory_space<vmem>>
      tpu.enqueue_dma source(%dma_start3A_1674 : memref<8x384xf32, #tpu.memory_space<vmem>>) target(%dma_start3A_1671 : memref<8x384xf32, #tpu.memory_space<hbm>>) target_semaphore(%arg10 : memref<!tpu.dma_semaphore, #tpu.memory_space<semaphore_mem>>)
      %dma_start3A_1675 = arith.constant 3 : i32
      %dma_start3A_1676 = arith.constant 0 : i32
      %dma_start3A_1677 = arith.constant 1152 : i32
      %dma_start3A_1678 = tpu.memref_slice %arg6[%dma_start3A_1676, %dma_start3A_1677] : memref<8x1536xf32, #tpu.memory_space<vmem>> -> memref<8x384xf32, #tpu.memory_space<vmem>>
      %dma_start3A_1679 = arith.constant 40 : i32
      %dma_start3A_1680 = arith.constant 0 : i32
      %dma_start3A_1681 = tpu.memref_slice %arg4[%add3A_1629, %dma_start3A_1675, %dma_start3A_1679, %dma_start3A_1680] : memref<56x4x56x384xf32, #tpu.memory_space<hbm>> -> memref<1x1x8x384xf32, #tpu.memory_space<hbm>>
      %dma_start3A_1682 = tpu.memref_squeeze %dma_start3A_1681 : memref<1x1x8x384xf32, #tpu.memory_space<hbm>> -> memref<8x384xf32, #tpu.memory_space<hbm>>
      %dma_start3A_1683 = arith.constant 40 : i32
      %dma_start3A_1684 = arith.constant 0 : i32
      %dma_start3A_1685 = tpu.memref_slice %arg4[%add3A_1629, %dma_start3A_1675, %dma_start3A_1683, %dma_start3A_1684] : memref<56x4x56x384xf32, #tpu.memory_space<hbm>> -> memref<1x1x8x384xf32, #tpu.memory_space<hbm>>
      %dma_start3A_1686 = tpu.memref_squeeze %dma_start3A_1685 : memref<1x1x8x384xf32, #tpu.memory_space<hbm>> -> memref<8x384xf32, #tpu.memory_space<hbm>>
      %dma_start3A_1687 = arith.constant 0 : i32
      %dma_start3A_1688 = arith.constant 1152 : i32
      %dma_start3A_1689 = tpu.memref_slice %arg6[%dma_start3A_1687, %dma_start3A_1688] : memref<8x1536xf32, #tpu.memory_space<vmem>> -> memref<8x384xf32, #tpu.memory_space<vmem>>
      tpu.enqueue_dma source(%dma_start3A_1689 : memref<8x384xf32, #tpu.memory_space<vmem>>) target(%dma_start3A_1686 : memref<8x384xf32, #tpu.memory_space<hbm>>) target_semaphore(%arg10 : memref<!tpu.dma_semaphore, #tpu.memory_space<semaphore_mem>>)
      %dma_wait3A_1690 = arith.constant 104 : i32
      %dma_wait3A_1691 = tpu.memref_slice %arg5[%dma_wait3A_1690] : memref<112xi32, #tpu.memory_space<vmem>> -> memref<8xi32, #tpu.memory_space<vmem>>
      %dma_wait3A_1692 = arith.constant 0 : i32
      %dma_wait3A_1693 = arith.constant 0 : i32
      %dma_wait3A_1694 = tpu.memref_slice %arg2[%dma_wait3A_1692, %dma_wait3A_1693] : memref<3136x1536xf32, #tpu.memory_space<hbm>> -> memref<3136x1536xf32, #tpu.memory_space<hbm>>
      tpu.wait_indirect_dma semaphore(%arg9 : memref<!tpu.dma_semaphore, #tpu.memory_space<semaphore_mem>>) src(%dma_wait3A_1694 : memref<3136x1536xf32, #tpu.memory_space<hbm>>) dst(%arg7 : memref<8x1536xf32, #tpu.memory_space<vmem>>)
      %mul3A_1695 = arith.constant 2 : i32
      %mul3A_1696 = arith.muli %mul3A_1695, %add3A : i32
      %add3A_1697 = arith.constant 1 : i32
      %add3A_1698 = arith.addi %mul3A_1696, %add3A_1697 : i32
      %dma_start3A_1699 = arith.constant 0 : i32
      %dma_start3A_1700 = arith.constant 0 : i32
      %dma_start3A_1701 = arith.constant 0 : i32
      %dma_start3A_1702 = tpu.memref_slice %arg7[%dma_start3A_1700, %dma_start3A_1701] : memref<8x1536xf32, #tpu.memory_space<vmem>> -> memref<8x384xf32, #tpu.memory_space<vmem>>
      %dma_start3A_1703 = arith.constant 48 : i32
      %dma_start3A_1704 = arith.constant 0 : i32
      %dma_start3A_1705 = tpu.memref_slice %arg4[%add3A_1698, %dma_start3A_1699, %dma_start3A_1703, %dma_start3A_1704] : memref<56x4x56x384xf32, #tpu.memory_space<hbm>> -> memref<1x1x8x384xf32, #tpu.memory_space<hbm>>
      %dma_start3A_1706 = tpu.memref_squeeze %dma_start3A_1705 : memref<1x1x8x384xf32, #tpu.memory_space<hbm>> -> memref<8x384xf32, #tpu.memory_space<hbm>>
      %dma_start3A_1707 = arith.constant 48 : i32
      %dma_start3A_1708 = arith.constant 0 : i32
      %dma_start3A_1709 = tpu.memref_slice %arg4[%add3A_1698, %dma_start3A_1699, %dma_start3A_1707, %dma_start3A_1708] : memref<56x4x56x384xf32, #tpu.memory_space<hbm>> -> memref<1x1x8x384xf32, #tpu.memory_space<hbm>>
      %dma_start3A_1710 = tpu.memref_squeeze %dma_start3A_1709 : memref<1x1x8x384xf32, #tpu.memory_space<hbm>> -> memref<8x384xf32, #tpu.memory_space<hbm>>
      %dma_start3A_1711 = arith.constant 0 : i32
      %dma_start3A_1712 = arith.constant 0 : i32
      %dma_start3A_1713 = tpu.memref_slice %arg7[%dma_start3A_1711, %dma_start3A_1712] : memref<8x1536xf32, #tpu.memory_space<vmem>> -> memref<8x384xf32, #tpu.memory_space<vmem>>
      tpu.enqueue_dma source(%dma_start3A_1713 : memref<8x384xf32, #tpu.memory_space<vmem>>) target(%dma_start3A_1710 : memref<8x384xf32, #tpu.memory_space<hbm>>) target_semaphore(%arg10 : memref<!tpu.dma_semaphore, #tpu.memory_space<semaphore_mem>>)
      %dma_start3A_1714 = arith.constant 1 : i32
      %dma_start3A_1715 = arith.constant 0 : i32
      %dma_start3A_1716 = arith.constant 384 : i32
      %dma_start3A_1717 = tpu.memref_slice %arg7[%dma_start3A_1715, %dma_start3A_1716] : memref<8x1536xf32, #tpu.memory_space<vmem>> -> memref<8x384xf32, #tpu.memory_space<vmem>>
      %dma_start3A_1718 = arith.constant 48 : i32
      %dma_start3A_1719 = arith.constant 0 : i32
      %dma_start3A_1720 = tpu.memref_slice %arg4[%add3A_1698, %dma_start3A_1714, %dma_start3A_1718, %dma_start3A_1719] : memref<56x4x56x384xf32, #tpu.memory_space<hbm>> -> memref<1x1x8x384xf32, #tpu.memory_space<hbm>>
      %dma_start3A_1721 = tpu.memref_squeeze %dma_start3A_1720 : memref<1x1x8x384xf32, #tpu.memory_space<hbm>> -> memref<8x384xf32, #tpu.memory_space<hbm>>
      %dma_start3A_1722 = arith.constant 48 : i32
      %dma_start3A_1723 = arith.constant 0 : i32
      %dma_start3A_1724 = tpu.memref_slice %arg4[%add3A_1698, %dma_start3A_1714, %dma_start3A_1722, %dma_start3A_1723] : memref<56x4x56x384xf32, #tpu.memory_space<hbm>> -> memref<1x1x8x384xf32, #tpu.memory_space<hbm>>
      %dma_start3A_1725 = tpu.memref_squeeze %dma_start3A_1724 : memref<1x1x8x384xf32, #tpu.memory_space<hbm>> -> memref<8x384xf32, #tpu.memory_space<hbm>>
      %dma_start3A_1726 = arith.constant 0 : i32
      %dma_start3A_1727 = arith.constant 384 : i32
      %dma_start3A_1728 = tpu.memref_slice %arg7[%dma_start3A_1726, %dma_start3A_1727] : memref<8x1536xf32, #tpu.memory_space<vmem>> -> memref<8x384xf32, #tpu.memory_space<vmem>>
      tpu.enqueue_dma source(%dma_start3A_1728 : memref<8x384xf32, #tpu.memory_space<vmem>>) target(%dma_start3A_1725 : memref<8x384xf32, #tpu.memory_space<hbm>>) target_semaphore(%arg10 : memref<!tpu.dma_semaphore, #tpu.memory_space<semaphore_mem>>)
      %dma_start3A_1729 = arith.constant 2 : i32
      %dma_start3A_1730 = arith.constant 0 : i32
      %dma_start3A_1731 = arith.constant 768 : i32
      %dma_start3A_1732 = tpu.memref_slice %arg7[%dma_start3A_1730, %dma_start3A_1731] : memref<8x1536xf32, #tpu.memory_space<vmem>> -> memref<8x384xf32, #tpu.memory_space<vmem>>
      %dma_start3A_1733 = arith.constant 48 : i32
      %dma_start3A_1734 = arith.constant 0 : i32
      %dma_start3A_1735 = tpu.memref_slice %arg4[%add3A_1698, %dma_start3A_1729, %dma_start3A_1733, %dma_start3A_1734] : memref<56x4x56x384xf32, #tpu.memory_space<hbm>> -> memref<1x1x8x384xf32, #tpu.memory_space<hbm>>
      %dma_start3A_1736 = tpu.memref_squeeze %dma_start3A_1735 : memref<1x1x8x384xf32, #tpu.memory_space<hbm>> -> memref<8x384xf32, #tpu.memory_space<hbm>>
      %dma_start3A_1737 = arith.constant 48 : i32
      %dma_start3A_1738 = arith.constant 0 : i32
      %dma_start3A_1739 = tpu.memref_slice %arg4[%add3A_1698, %dma_start3A_1729, %dma_start3A_1737, %dma_start3A_1738] : memref<56x4x56x384xf32, #tpu.memory_space<hbm>> -> memref<1x1x8x384xf32, #tpu.memory_space<hbm>>
      %dma_start3A_1740 = tpu.memref_squeeze %dma_start3A_1739 : memref<1x1x8x384xf32, #tpu.memory_space<hbm>> -> memref<8x384xf32, #tpu.memory_space<hbm>>
      %dma_start3A_1741 = arith.constant 0 : i32
      %dma_start3A_1742 = arith.constant 768 : i32
      %dma_start3A_1743 = tpu.memref_slice %arg7[%dma_start3A_1741, %dma_start3A_1742] : memref<8x1536xf32, #tpu.memory_space<vmem>> -> memref<8x384xf32, #tpu.memory_space<vmem>>
      tpu.enqueue_dma source(%dma_start3A_1743 : memref<8x384xf32, #tpu.memory_space<vmem>>) target(%dma_start3A_1740 : memref<8x384xf32, #tpu.memory_space<hbm>>) target_semaphore(%arg10 : memref<!tpu.dma_semaphore, #tpu.memory_space<semaphore_mem>>)
      %dma_start3A_1744 = arith.constant 3 : i32
      %dma_start3A_1745 = arith.constant 0 : i32
      %dma_start3A_1746 = arith.constant 1152 : i32
      %dma_start3A_1747 = tpu.memref_slice %arg7[%dma_start3A_1745, %dma_start3A_1746] : memref<8x1536xf32, #tpu.memory_space<vmem>> -> memref<8x384xf32, #tpu.memory_space<vmem>>
      %dma_start3A_1748 = arith.constant 48 : i32
      %dma_start3A_1749 = arith.constant 0 : i32
      %dma_start3A_1750 = tpu.memref_slice %arg4[%add3A_1698, %dma_start3A_1744, %dma_start3A_1748, %dma_start3A_1749] : memref<56x4x56x384xf32, #tpu.memory_space<hbm>> -> memref<1x1x8x384xf32, #tpu.memory_space<hbm>>
      %dma_start3A_1751 = tpu.memref_squeeze %dma_start3A_1750 : memref<1x1x8x384xf32, #tpu.memory_space<hbm>> -> memref<8x384xf32, #tpu.memory_space<hbm>>
      %dma_start3A_1752 = arith.constant 48 : i32
      %dma_start3A_1753 = arith.constant 0 : i32
      %dma_start3A_1754 = tpu.memref_slice %arg4[%add3A_1698, %dma_start3A_1744, %dma_start3A_1752, %dma_start3A_1753] : memref<56x4x56x384xf32, #tpu.memory_space<hbm>> -> memref<1x1x8x384xf32, #tpu.memory_space<hbm>>
      %dma_start3A_1755 = tpu.memref_squeeze %dma_start3A_1754 : memref<1x1x8x384xf32, #tpu.memory_space<hbm>> -> memref<8x384xf32, #tpu.memory_space<hbm>>
      %dma_start3A_1756 = arith.constant 0 : i32
      %dma_start3A_1757 = arith.constant 1152 : i32
      %dma_start3A_1758 = tpu.memref_slice %arg7[%dma_start3A_1756, %dma_start3A_1757] : memref<8x1536xf32, #tpu.memory_space<vmem>> -> memref<8x384xf32, #tpu.memory_space<vmem>>
      tpu.enqueue_dma source(%dma_start3A_1758 : memref<8x384xf32, #tpu.memory_space<vmem>>) target(%dma_start3A_1755 : memref<8x384xf32, #tpu.memory_space<hbm>>) target_semaphore(%arg10 : memref<!tpu.dma_semaphore, #tpu.memory_space<semaphore_mem>>)
      %dma_wait3A_1759 = arith.constant 0 : i32
      %dma_wait3A_1760 = arith.constant 0 : i32
      %dma_wait3A_1761 = arith.constant 0 : i32
      %dma_wait3A_1762 = tpu.memref_slice %arg6[%dma_wait3A_1760, %dma_wait3A_1761] : memref<8x1536xf32, #tpu.memory_space<vmem>> -> memref<8x384xf32, #tpu.memory_space<vmem>>
      %dma_wait3A_1763 = arith.constant 40 : i32
      %dma_wait3A_1764 = arith.constant 0 : i32
      %dma_wait3A_1765 = tpu.memref_slice %arg4[%add3A_1629, %dma_wait3A_1759, %dma_wait3A_1763, %dma_wait3A_1764] : memref<56x4x56x384xf32, #tpu.memory_space<hbm>> -> memref<1x1x8x384xf32, #tpu.memory_space<hbm>>
      %dma_wait3A_1766 = tpu.memref_squeeze %dma_wait3A_1765 : memref<1x1x8x384xf32, #tpu.memory_space<hbm>> -> memref<8x384xf32, #tpu.memory_space<hbm>>
      %dma_wait3A_1767 = arith.constant 40 : i32
      %dma_wait3A_1768 = arith.constant 0 : i32
      %dma_wait3A_1769 = tpu.memref_slice %arg4[%add3A_1629, %dma_wait3A_1759, %dma_wait3A_1767, %dma_wait3A_1768] : memref<56x4x56x384xf32, #tpu.memory_space<hbm>> -> memref<1x1x8x384xf32, #tpu.memory_space<hbm>>
      %dma_wait3A_1770 = tpu.memref_squeeze %dma_wait3A_1769 : memref<1x1x8x384xf32, #tpu.memory_space<hbm>> -> memref<8x384xf32, #tpu.memory_space<hbm>>
      %dma_wait3A_1771 = arith.constant 0 : i32
      %dma_wait3A_1772 = arith.constant 0 : i32
      %dma_wait3A_1773 = tpu.memref_slice %arg6[%dma_wait3A_1771, %dma_wait3A_1772] : memref<8x1536xf32, #tpu.memory_space<vmem>> -> memref<8x384xf32, #tpu.memory_space<vmem>>
      tpu.wait_dma2 semaphore(%arg10 : memref<!tpu.dma_semaphore, #tpu.memory_space<semaphore_mem>>) src(%dma_wait3A_1773 : memref<8x384xf32, #tpu.memory_space<vmem>>) dst(%dma_wait3A_1770 : memref<8x384xf32, #tpu.memory_space<hbm>>)
      %dma_wait3A_1774 = arith.constant 1 : i32
      %dma_wait3A_1775 = arith.constant 0 : i32
      %dma_wait3A_1776 = arith.constant 384 : i32
      %dma_wait3A_1777 = tpu.memref_slice %arg6[%dma_wait3A_1775, %dma_wait3A_1776] : memref<8x1536xf32, #tpu.memory_space<vmem>> -> memref<8x384xf32, #tpu.memory_space<vmem>>
      %dma_wait3A_1778 = arith.constant 40 : i32
      %dma_wait3A_1779 = arith.constant 0 : i32
      %dma_wait3A_1780 = tpu.memref_slice %arg4[%add3A_1629, %dma_wait3A_1774, %dma_wait3A_1778, %dma_wait3A_1779] : memref<56x4x56x384xf32, #tpu.memory_space<hbm>> -> memref<1x1x8x384xf32, #tpu.memory_space<hbm>>
      %dma_wait3A_1781 = tpu.memref_squeeze %dma_wait3A_1780 : memref<1x1x8x384xf32, #tpu.memory_space<hbm>> -> memref<8x384xf32, #tpu.memory_space<hbm>>
      %dma_wait3A_1782 = arith.constant 40 : i32
      %dma_wait3A_1783 = arith.constant 0 : i32
      %dma_wait3A_1784 = tpu.memref_slice %arg4[%add3A_1629, %dma_wait3A_1774, %dma_wait3A_1782, %dma_wait3A_1783] : memref<56x4x56x384xf32, #tpu.memory_space<hbm>> -> memref<1x1x8x384xf32, #tpu.memory_space<hbm>>
      %dma_wait3A_1785 = tpu.memref_squeeze %dma_wait3A_1784 : memref<1x1x8x384xf32, #tpu.memory_space<hbm>> -> memref<8x384xf32, #tpu.memory_space<hbm>>
      %dma_wait3A_1786 = arith.constant 0 : i32
      %dma_wait3A_1787 = arith.constant 384 : i32
      %dma_wait3A_1788 = tpu.memref_slice %arg6[%dma_wait3A_1786, %dma_wait3A_1787] : memref<8x1536xf32, #tpu.memory_space<vmem>> -> memref<8x384xf32, #tpu.memory_space<vmem>>
      tpu.wait_dma2 semaphore(%arg10 : memref<!tpu.dma_semaphore, #tpu.memory_space<semaphore_mem>>) src(%dma_wait3A_1788 : memref<8x384xf32, #tpu.memory_space<vmem>>) dst(%dma_wait3A_1785 : memref<8x384xf32, #tpu.memory_space<hbm>>)
      %dma_wait3A_1789 = arith.constant 2 : i32
      %dma_wait3A_1790 = arith.constant 0 : i32
      %dma_wait3A_1791 = arith.constant 768 : i32
      %dma_wait3A_1792 = tpu.memref_slice %arg6[%dma_wait3A_1790, %dma_wait3A_1791] : memref<8x1536xf32, #tpu.memory_space<vmem>> -> memref<8x384xf32, #tpu.memory_space<vmem>>
      %dma_wait3A_1793 = arith.constant 40 : i32
      %dma_wait3A_1794 = arith.constant 0 : i32
      %dma_wait3A_1795 = tpu.memref_slice %arg4[%add3A_1629, %dma_wait3A_1789, %dma_wait3A_1793, %dma_wait3A_1794] : memref<56x4x56x384xf32, #tpu.memory_space<hbm>> -> memref<1x1x8x384xf32, #tpu.memory_space<hbm>>
      %dma_wait3A_1796 = tpu.memref_squeeze %dma_wait3A_1795 : memref<1x1x8x384xf32, #tpu.memory_space<hbm>> -> memref<8x384xf32, #tpu.memory_space<hbm>>
      %dma_wait3A_1797 = arith.constant 40 : i32
      %dma_wait3A_1798 = arith.constant 0 : i32
      %dma_wait3A_1799 = tpu.memref_slice %arg4[%add3A_1629, %dma_wait3A_1789, %dma_wait3A_1797, %dma_wait3A_1798] : memref<56x4x56x384xf32, #tpu.memory_space<hbm>> -> memref<1x1x8x384xf32, #tpu.memory_space<hbm>>
      %dma_wait3A_1800 = tpu.memref_squeeze %dma_wait3A_1799 : memref<1x1x8x384xf32, #tpu.memory_space<hbm>> -> memref<8x384xf32, #tpu.memory_space<hbm>>
      %dma_wait3A_1801 = arith.constant 0 : i32
      %dma_wait3A_1802 = arith.constant 768 : i32
      %dma_wait3A_1803 = tpu.memref_slice %arg6[%dma_wait3A_1801, %dma_wait3A_1802] : memref<8x1536xf32, #tpu.memory_space<vmem>> -> memref<8x384xf32, #tpu.memory_space<vmem>>
      tpu.wait_dma2 semaphore(%arg10 : memref<!tpu.dma_semaphore, #tpu.memory_space<semaphore_mem>>) src(%dma_wait3A_1803 : memref<8x384xf32, #tpu.memory_space<vmem>>) dst(%dma_wait3A_1800 : memref<8x384xf32, #tpu.memory_space<hbm>>)
      %dma_wait3A_1804 = arith.constant 3 : i32
      %dma_wait3A_1805 = arith.constant 0 : i32
      %dma_wait3A_1806 = arith.constant 1152 : i32
      %dma_wait3A_1807 = tpu.memref_slice %arg6[%dma_wait3A_1805, %dma_wait3A_1806] : memref<8x1536xf32, #tpu.memory_space<vmem>> -> memref<8x384xf32, #tpu.memory_space<vmem>>
      %dma_wait3A_1808 = arith.constant 40 : i32
      %dma_wait3A_1809 = arith.constant 0 : i32
      %dma_wait3A_1810 = tpu.memref_slice %arg4[%add3A_1629, %dma_wait3A_1804, %dma_wait3A_1808, %dma_wait3A_1809] : memref<56x4x56x384xf32, #tpu.memory_space<hbm>> -> memref<1x1x8x384xf32, #tpu.memory_space<hbm>>
      %dma_wait3A_1811 = tpu.memref_squeeze %dma_wait3A_1810 : memref<1x1x8x384xf32, #tpu.memory_space<hbm>> -> memref<8x384xf32, #tpu.memory_space<hbm>>
      %dma_wait3A_1812 = arith.constant 40 : i32
      %dma_wait3A_1813 = arith.constant 0 : i32
      %dma_wait3A_1814 = tpu.memref_slice %arg4[%add3A_1629, %dma_wait3A_1804, %dma_wait3A_1812, %dma_wait3A_1813] : memref<56x4x56x384xf32, #tpu.memory_space<hbm>> -> memref<1x1x8x384xf32, #tpu.memory_space<hbm>>
      %dma_wait3A_1815 = tpu.memref_squeeze %dma_wait3A_1814 : memref<1x1x8x384xf32, #tpu.memory_space<hbm>> -> memref<8x384xf32, #tpu.memory_space<hbm>>
      %dma_wait3A_1816 = arith.constant 0 : i32
      %dma_wait3A_1817 = arith.constant 1152 : i32
      %dma_wait3A_1818 = tpu.memref_slice %arg6[%dma_wait3A_1816, %dma_wait3A_1817] : memref<8x1536xf32, #tpu.memory_space<vmem>> -> memref<8x384xf32, #tpu.memory_space<vmem>>
      tpu.wait_dma2 semaphore(%arg10 : memref<!tpu.dma_semaphore, #tpu.memory_space<semaphore_mem>>) src(%dma_wait3A_1818 : memref<8x384xf32, #tpu.memory_space<vmem>>) dst(%dma_wait3A_1815 : memref<8x384xf32, #tpu.memory_space<hbm>>)
      %dma_wait3A_1819 = arith.constant 0 : i32
      %dma_wait3A_1820 = arith.constant 0 : i32
      %dma_wait3A_1821 = arith.constant 0 : i32
      %dma_wait3A_1822 = tpu.memref_slice %arg7[%dma_wait3A_1820, %dma_wait3A_1821] : memref<8x1536xf32, #tpu.memory_space<vmem>> -> memref<8x384xf32, #tpu.memory_space<vmem>>
      %dma_wait3A_1823 = arith.constant 48 : i32
      %dma_wait3A_1824 = arith.constant 0 : i32
      %dma_wait3A_1825 = tpu.memref_slice %arg4[%add3A_1698, %dma_wait3A_1819, %dma_wait3A_1823, %dma_wait3A_1824] : memref<56x4x56x384xf32, #tpu.memory_space<hbm>> -> memref<1x1x8x384xf32, #tpu.memory_space<hbm>>
      %dma_wait3A_1826 = tpu.memref_squeeze %dma_wait3A_1825 : memref<1x1x8x384xf32, #tpu.memory_space<hbm>> -> memref<8x384xf32, #tpu.memory_space<hbm>>
      %dma_wait3A_1827 = arith.constant 48 : i32
      %dma_wait3A_1828 = arith.constant 0 : i32
      %dma_wait3A_1829 = tpu.memref_slice %arg4[%add3A_1698, %dma_wait3A_1819, %dma_wait3A_1827, %dma_wait3A_1828] : memref<56x4x56x384xf32, #tpu.memory_space<hbm>> -> memref<1x1x8x384xf32, #tpu.memory_space<hbm>>
      %dma_wait3A_1830 = tpu.memref_squeeze %dma_wait3A_1829 : memref<1x1x8x384xf32, #tpu.memory_space<hbm>> -> memref<8x384xf32, #tpu.memory_space<hbm>>
      %dma_wait3A_1831 = arith.constant 0 : i32
      %dma_wait3A_1832 = arith.constant 0 : i32
      %dma_wait3A_1833 = tpu.memref_slice %arg7[%dma_wait3A_1831, %dma_wait3A_1832] : memref<8x1536xf32, #tpu.memory_space<vmem>> -> memref<8x384xf32, #tpu.memory_space<vmem>>
      tpu.wait_dma2 semaphore(%arg10 : memref<!tpu.dma_semaphore, #tpu.memory_space<semaphore_mem>>) src(%dma_wait3A_1833 : memref<8x384xf32, #tpu.memory_space<vmem>>) dst(%dma_wait3A_1830 : memref<8x384xf32, #tpu.memory_space<hbm>>)
      %dma_wait3A_1834 = arith.constant 1 : i32
      %dma_wait3A_1835 = arith.constant 0 : i32
      %dma_wait3A_1836 = arith.constant 384 : i32
      %dma_wait3A_1837 = tpu.memref_slice %arg7[%dma_wait3A_1835, %dma_wait3A_1836] : memref<8x1536xf32, #tpu.memory_space<vmem>> -> memref<8x384xf32, #tpu.memory_space<vmem>>
      %dma_wait3A_1838 = arith.constant 48 : i32
      %dma_wait3A_1839 = arith.constant 0 : i32
      %dma_wait3A_1840 = tpu.memref_slice %arg4[%add3A_1698, %dma_wait3A_1834, %dma_wait3A_1838, %dma_wait3A_1839] : memref<56x4x56x384xf32, #tpu.memory_space<hbm>> -> memref<1x1x8x384xf32, #tpu.memory_space<hbm>>
      %dma_wait3A_1841 = tpu.memref_squeeze %dma_wait3A_1840 : memref<1x1x8x384xf32, #tpu.memory_space<hbm>> -> memref<8x384xf32, #tpu.memory_space<hbm>>
      %dma_wait3A_1842 = arith.constant 48 : i32
      %dma_wait3A_1843 = arith.constant 0 : i32
      %dma_wait3A_1844 = tpu.memref_slice %arg4[%add3A_1698, %dma_wait3A_1834, %dma_wait3A_1842, %dma_wait3A_1843] : memref<56x4x56x384xf32, #tpu.memory_space<hbm>> -> memref<1x1x8x384xf32, #tpu.memory_space<hbm>>
      %dma_wait3A_1845 = tpu.memref_squeeze %dma_wait3A_1844 : memref<1x1x8x384xf32, #tpu.memory_space<hbm>> -> memref<8x384xf32, #tpu.memory_space<hbm>>
      %dma_wait3A_1846 = arith.constant 0 : i32
      %dma_wait3A_1847 = arith.constant 384 : i32
      %dma_wait3A_1848 = tpu.memref_slice %arg7[%dma_wait3A_1846, %dma_wait3A_1847] : memref<8x1536xf32, #tpu.memory_space<vmem>> -> memref<8x384xf32, #tpu.memory_space<vmem>>
      tpu.wait_dma2 semaphore(%arg10 : memref<!tpu.dma_semaphore, #tpu.memory_space<semaphore_mem>>) src(%dma_wait3A_1848 : memref<8x384xf32, #tpu.memory_space<vmem>>) dst(%dma_wait3A_1845 : memref<8x384xf32, #tpu.memory_space<hbm>>)
      %dma_wait3A_1849 = arith.constant 2 : i32
      %dma_wait3A_1850 = arith.constant 0 : i32
      %dma_wait3A_1851 = arith.constant 768 : i32
      %dma_wait3A_1852 = tpu.memref_slice %arg7[%dma_wait3A_1850, %dma_wait3A_1851] : memref<8x1536xf32, #tpu.memory_space<vmem>> -> memref<8x384xf32, #tpu.memory_space<vmem>>
      %dma_wait3A_1853 = arith.constant 48 : i32
      %dma_wait3A_1854 = arith.constant 0 : i32
      %dma_wait3A_1855 = tpu.memref_slice %arg4[%add3A_1698, %dma_wait3A_1849, %dma_wait3A_1853, %dma_wait3A_1854] : memref<56x4x56x384xf32, #tpu.memory_space<hbm>> -> memref<1x1x8x384xf32, #tpu.memory_space<hbm>>
      %dma_wait3A_1856 = tpu.memref_squeeze %dma_wait3A_1855 : memref<1x1x8x384xf32, #tpu.memory_space<hbm>> -> memref<8x384xf32, #tpu.memory_space<hbm>>
      %dma_wait3A_1857 = arith.constant 48 : i32
      %dma_wait3A_1858 = arith.constant 0 : i32
      %dma_wait3A_1859 = tpu.memref_slice %arg4[%add3A_1698, %dma_wait3A_1849, %dma_wait3A_1857, %dma_wait3A_1858] : memref<56x4x56x384xf32, #tpu.memory_space<hbm>> -> memref<1x1x8x384xf32, #tpu.memory_space<hbm>>
      %dma_wait3A_1860 = tpu.memref_squeeze %dma_wait3A_1859 : memref<1x1x8x384xf32, #tpu.memory_space<hbm>> -> memref<8x384xf32, #tpu.memory_space<hbm>>
      %dma_wait3A_1861 = arith.constant 0 : i32
      %dma_wait3A_1862 = arith.constant 768 : i32
      %dma_wait3A_1863 = tpu.memref_slice %arg7[%dma_wait3A_1861, %dma_wait3A_1862] : memref<8x1536xf32, #tpu.memory_space<vmem>> -> memref<8x384xf32, #tpu.memory_space<vmem>>
      tpu.wait_dma2 semaphore(%arg10 : memref<!tpu.dma_semaphore, #tpu.memory_space<semaphore_mem>>) src(%dma_wait3A_1863 : memref<8x384xf32, #tpu.memory_space<vmem>>) dst(%dma_wait3A_1860 : memref<8x384xf32, #tpu.memory_space<hbm>>)
      %dma_wait3A_1864 = arith.constant 3 : i32
      %dma_wait3A_1865 = arith.constant 0 : i32
      %dma_wait3A_1866 = arith.constant 1152 : i32
      %dma_wait3A_1867 = tpu.memref_slice %arg7[%dma_wait3A_1865, %dma_wait3A_1866] : memref<8x1536xf32, #tpu.memory_space<vmem>> -> memref<8x384xf32, #tpu.memory_space<vmem>>
      %dma_wait3A_1868 = arith.constant 48 : i32
      %dma_wait3A_1869 = arith.constant 0 : i32
      %dma_wait3A_1870 = tpu.memref_slice %arg4[%add3A_1698, %dma_wait3A_1864, %dma_wait3A_1868, %dma_wait3A_1869] : memref<56x4x56x384xf32, #tpu.memory_space<hbm>> -> memref<1x1x8x384xf32, #tpu.memory_space<hbm>>
      %dma_wait3A_1871 = tpu.memref_squeeze %dma_wait3A_1870 : memref<1x1x8x384xf32, #tpu.memory_space<hbm>> -> memref<8x384xf32, #tpu.memory_space<hbm>>
      %dma_wait3A_1872 = arith.constant 48 : i32
      %dma_wait3A_1873 = arith.constant 0 : i32
      %dma_wait3A_1874 = tpu.memref_slice %arg4[%add3A_1698, %dma_wait3A_1864, %dma_wait3A_1872, %dma_wait3A_1873] : memref<56x4x56x384xf32, #tpu.memory_space<hbm>> -> memref<1x1x8x384xf32, #tpu.memory_space<hbm>>
      %dma_wait3A_1875 = tpu.memref_squeeze %dma_wait3A_1874 : memref<1x1x8x384xf32, #tpu.memory_space<hbm>> -> memref<8x384xf32, #tpu.memory_space<hbm>>
      %dma_wait3A_1876 = arith.constant 0 : i32
      %dma_wait3A_1877 = arith.constant 1152 : i32
      %dma_wait3A_1878 = tpu.memref_slice %arg7[%dma_wait3A_1876, %dma_wait3A_1877] : memref<8x1536xf32, #tpu.memory_space<vmem>> -> memref<8x384xf32, #tpu.memory_space<vmem>>
      tpu.wait_dma2 semaphore(%arg10 : memref<!tpu.dma_semaphore, #tpu.memory_space<semaphore_mem>>) src(%dma_wait3A_1878 : memref<8x384xf32, #tpu.memory_space<vmem>>) dst(%dma_wait3A_1875 : memref<8x384xf32, #tpu.memory_space<hbm>>)
    } else {
    }
    return
  }
}

module attributes {stable_mosaic.version = 14 : i64} {
  func.func @_sim_body(%arg0: i32, %arg1: i32, %arg2: memref<1x56x96x224xf32, #tpu.memory_space<vmem>>, %arg3: memref<224x224xf32, #tpu.memory_space<vmem>>, %arg4: memref<448x1536xf32, #tpu.memory_space<vmem>>, %arg5: memref<784x1xi32, #tpu.memory_space<vmem>>, %arg6: memref<1x1xf32, #tpu.memory_space<vmem>>, %arg7: memref<784x1536xf32, #tpu.memory_space<vmem>>, %arg8: memref<784x1xf32, #tpu.memory_space<vmem>>, %arg9: memref<784x1xi32, #tpu.memory_space<vmem>>, %arg10: memref<1x1xf32, #tpu.memory_space<smem>>) attributes {dimension_semantics = [#tpu.dimension_semantics<arbitrary>, #tpu.dimension_semantics<arbitrary>], iteration_bounds = array<i64: 4, 7>, scalar_prefetch = 0 : i64, scratch_operands = 4 : i64, tpu.core_type = #tpu.core_type<tc>, window_params = [{transform_indices = @transform_0, window_bounds = array<i64: 1, 56, 96, 224>}, {pipeline_mode = #tpu.pipeline_mode<synchronous>, transform_indices = @transform_1, window_bounds = array<i64: 224, 224>}, {transform_indices = @transform_2, window_bounds = array<i64: 448, 1536>}, {transform_indices = @transform_3, window_bounds = array<i64: 784, 1>}, {pipeline_mode = #tpu.pipeline_mode<synchronous>, transform_indices = @transform_4, window_bounds = array<i64: 1, 1>}]} {
    %eq3A = arith.constant 0 : i32
    %eq3A_0 = arith.cmpi eq, %arg1, %eq3A : i32
    %convert_element_type3A = arith.extui %eq3A_0 : i1 to i32
    %cond3A = arith.constant 0 : i32
    %cond3A_1 = arith.cmpi ne, %convert_element_type3A, %cond3A : i32
    scf.if %cond3A_1 {
      %get3A_37 = arith.constant 0 : index
      %get3A_38 = arith.constant 0 : index
      %get3A_39 = arith.constant 0 : index
      %get3A_40 = arith.constant 0 : index
      %get3A_41 = vector.load %arg2[%get3A_37, %get3A_38, %get3A_39, %get3A_40] : memref<1x56x96x224xf32, #tpu.memory_space<vmem>>, vector<1x56x96x224xf32>
      %get3A_42 = vector.shape_cast %get3A_41 : vector<1x56x96x224xf32> to vector<56x96x224xf32>
      %reshape3A = vector.shape_cast %get3A_42 : vector<56x96x224xf32> to vector<14x4x96x224xf32>
      %slice3A = vector.extract_strided_slice %reshape3A {offsets = [0, 0, 0, 0], sizes = [14, 1, 96, 224], strides = [1, 1, 1, 1]} : vector<14x4x96x224xf32> to vector<14x1x96x224xf32>
      %squeeze3A = vector.shape_cast %slice3A : vector<14x1x96x224xf32> to vector<14x96x224xf32>
      %reshape3A_43 = vector.shape_cast %squeeze3A : vector<14x96x224xf32> to vector<1344x224xf32>
      %get3A_44 = arith.constant 0 : index
      %get3A_45 = arith.constant 0 : index
      %get3A_46 = vector.load %arg3[%get3A_44, %get3A_45] : memref<224x224xf32, #tpu.memory_space<vmem>>, vector<224x224xf32>
      %dot_general3A_47 = arith.constant dense<0.000000e+00> : vector<1344x224xf32>
      %dot_general3A_48 = tpu.matmul %reshape3A_43, %get3A_46, %dot_general3A_47 {dimension_numbers = #tpu.dot_dimension_numbers<[1], [0], [0], [1], [0, 0, 1, 1], [], []>, precision = #tpu.contract_precision<fp32>, transpose_lhs_hint = false} : vector<1344x224xf32>, vector<224x224xf32>, vector<1344x224xf32> -> vector<1344x224xf32>
      %reshape3A_49 = vector.shape_cast %dot_general3A_48 : vector<1344x224xf32> to vector<14x96x224xf32>
      %transpose3A = tpu.transpose %reshape3A_49, [0, 2, 1] : vector<14x96x224xf32> -> vector<14x224x96xf32>
      %reshape3A_50 = vector.shape_cast %transpose3A : vector<14x224x96xf32> to vector<14x4x56x96xf32>
      %slice3A_51 = vector.extract_strided_slice %reshape3A_50 {offsets = [0, 0, 0, 0], sizes = [14, 1, 56, 96], strides = [1, 1, 1, 1]} : vector<14x4x56x96xf32> to vector<14x1x56x96xf32>
      %squeeze3A_52 = vector.shape_cast %slice3A_51 : vector<14x1x56x96xf32> to vector<14x56x96xf32>
      %reshape3A_53 = vector.shape_cast %squeeze3A_52 : vector<14x56x96xf32> to vector<784x96xf32>
      %slice3A_54 = vector.extract_strided_slice %reshape3A_50 {offsets = [0, 1, 0, 0], sizes = [14, 1, 56, 96], strides = [1, 1, 1, 1]} : vector<14x4x56x96xf32> to vector<14x1x56x96xf32>
      %squeeze3A_55 = vector.shape_cast %slice3A_54 : vector<14x1x56x96xf32> to vector<14x56x96xf32>
      %reshape3A_56 = vector.shape_cast %squeeze3A_55 : vector<14x56x96xf32> to vector<784x96xf32>
      %slice3A_57 = vector.extract_strided_slice %reshape3A_50 {offsets = [0, 2, 0, 0], sizes = [14, 1, 56, 96], strides = [1, 1, 1, 1]} : vector<14x4x56x96xf32> to vector<14x1x56x96xf32>
      %squeeze3A_58 = vector.shape_cast %slice3A_57 : vector<14x1x56x96xf32> to vector<14x56x96xf32>
      %reshape3A_59 = vector.shape_cast %squeeze3A_58 : vector<14x56x96xf32> to vector<784x96xf32>
      %slice3A_60 = vector.extract_strided_slice %reshape3A_50 {offsets = [0, 3, 0, 0], sizes = [14, 1, 56, 96], strides = [1, 1, 1, 1]} : vector<14x4x56x96xf32> to vector<14x1x56x96xf32>
      %squeeze3A_61 = vector.shape_cast %slice3A_60 : vector<14x1x56x96xf32> to vector<14x56x96xf32>
      %reshape3A_62 = vector.shape_cast %squeeze3A_61 : vector<14x56x96xf32> to vector<784x96xf32>
      %slice3A_63 = vector.extract_strided_slice %reshape3A {offsets = [0, 1, 0, 0], sizes = [14, 1, 96, 224], strides = [1, 1, 1, 1]} : vector<14x4x96x224xf32> to vector<14x1x96x224xf32>
      %squeeze3A_64 = vector.shape_cast %slice3A_63 : vector<14x1x96x224xf32> to vector<14x96x224xf32>
      %reshape3A_65 = vector.shape_cast %squeeze3A_64 : vector<14x96x224xf32> to vector<1344x224xf32>
      %get3A_66 = arith.constant 0 : index
      %get3A_67 = arith.constant 0 : index
      %get3A_68 = vector.load %arg3[%get3A_66, %get3A_67] : memref<224x224xf32, #tpu.memory_space<vmem>>, vector<224x224xf32>
      %dot_general3A_69 = arith.constant dense<0.000000e+00> : vector<1344x224xf32>
      %dot_general3A_70 = tpu.matmul %reshape3A_65, %get3A_68, %dot_general3A_69 {dimension_numbers = #tpu.dot_dimension_numbers<[1], [0], [0], [1], [0, 0, 1, 1], [], []>, precision = #tpu.contract_precision<fp32>, transpose_lhs_hint = false} : vector<1344x224xf32>, vector<224x224xf32>, vector<1344x224xf32> -> vector<1344x224xf32>
      %reshape3A_71 = vector.shape_cast %dot_general3A_70 : vector<1344x224xf32> to vector<14x96x224xf32>
      %transpose3A_72 = tpu.transpose %reshape3A_71, [0, 2, 1] : vector<14x96x224xf32> -> vector<14x224x96xf32>
      %reshape3A_73 = vector.shape_cast %transpose3A_72 : vector<14x224x96xf32> to vector<14x4x56x96xf32>
      %slice3A_74 = vector.extract_strided_slice %reshape3A_73 {offsets = [0, 0, 0, 0], sizes = [14, 1, 56, 96], strides = [1, 1, 1, 1]} : vector<14x4x56x96xf32> to vector<14x1x56x96xf32>
      %squeeze3A_75 = vector.shape_cast %slice3A_74 : vector<14x1x56x96xf32> to vector<14x56x96xf32>
      %reshape3A_76 = vector.shape_cast %squeeze3A_75 : vector<14x56x96xf32> to vector<784x96xf32>
      %slice3A_77 = vector.extract_strided_slice %reshape3A_73 {offsets = [0, 1, 0, 0], sizes = [14, 1, 56, 96], strides = [1, 1, 1, 1]} : vector<14x4x56x96xf32> to vector<14x1x56x96xf32>
      %squeeze3A_78 = vector.shape_cast %slice3A_77 : vector<14x1x56x96xf32> to vector<14x56x96xf32>
      %reshape3A_79 = vector.shape_cast %squeeze3A_78 : vector<14x56x96xf32> to vector<784x96xf32>
      %slice3A_80 = vector.extract_strided_slice %reshape3A_73 {offsets = [0, 2, 0, 0], sizes = [14, 1, 56, 96], strides = [1, 1, 1, 1]} : vector<14x4x56x96xf32> to vector<14x1x56x96xf32>
      %squeeze3A_81 = vector.shape_cast %slice3A_80 : vector<14x1x56x96xf32> to vector<14x56x96xf32>
      %reshape3A_82 = vector.shape_cast %squeeze3A_81 : vector<14x56x96xf32> to vector<784x96xf32>
      %slice3A_83 = vector.extract_strided_slice %reshape3A_73 {offsets = [0, 3, 0, 0], sizes = [14, 1, 56, 96], strides = [1, 1, 1, 1]} : vector<14x4x56x96xf32> to vector<14x1x56x96xf32>
      %squeeze3A_84 = vector.shape_cast %slice3A_83 : vector<14x1x56x96xf32> to vector<14x56x96xf32>
      %reshape3A_85 = vector.shape_cast %squeeze3A_84 : vector<14x56x96xf32> to vector<784x96xf32>
      %slice3A_86 = vector.extract_strided_slice %reshape3A {offsets = [0, 2, 0, 0], sizes = [14, 1, 96, 224], strides = [1, 1, 1, 1]} : vector<14x4x96x224xf32> to vector<14x1x96x224xf32>
      %squeeze3A_87 = vector.shape_cast %slice3A_86 : vector<14x1x96x224xf32> to vector<14x96x224xf32>
      %reshape3A_88 = vector.shape_cast %squeeze3A_87 : vector<14x96x224xf32> to vector<1344x224xf32>
      %get3A_89 = arith.constant 0 : index
      %get3A_90 = arith.constant 0 : index
      %get3A_91 = vector.load %arg3[%get3A_89, %get3A_90] : memref<224x224xf32, #tpu.memory_space<vmem>>, vector<224x224xf32>
      %dot_general3A_92 = arith.constant dense<0.000000e+00> : vector<1344x224xf32>
      %dot_general3A_93 = tpu.matmul %reshape3A_88, %get3A_91, %dot_general3A_92 {dimension_numbers = #tpu.dot_dimension_numbers<[1], [0], [0], [1], [0, 0, 1, 1], [], []>, precision = #tpu.contract_precision<fp32>, transpose_lhs_hint = false} : vector<1344x224xf32>, vector<224x224xf32>, vector<1344x224xf32> -> vector<1344x224xf32>
      %reshape3A_94 = vector.shape_cast %dot_general3A_93 : vector<1344x224xf32> to vector<14x96x224xf32>
      %transpose3A_95 = tpu.transpose %reshape3A_94, [0, 2, 1] : vector<14x96x224xf32> -> vector<14x224x96xf32>
      %reshape3A_96 = vector.shape_cast %transpose3A_95 : vector<14x224x96xf32> to vector<14x4x56x96xf32>
      %slice3A_97 = vector.extract_strided_slice %reshape3A_96 {offsets = [0, 0, 0, 0], sizes = [14, 1, 56, 96], strides = [1, 1, 1, 1]} : vector<14x4x56x96xf32> to vector<14x1x56x96xf32>
      %squeeze3A_98 = vector.shape_cast %slice3A_97 : vector<14x1x56x96xf32> to vector<14x56x96xf32>
      %reshape3A_99 = vector.shape_cast %squeeze3A_98 : vector<14x56x96xf32> to vector<784x96xf32>
      %slice3A_100 = vector.extract_strided_slice %reshape3A_96 {offsets = [0, 1, 0, 0], sizes = [14, 1, 56, 96], strides = [1, 1, 1, 1]} : vector<14x4x56x96xf32> to vector<14x1x56x96xf32>
      %squeeze3A_101 = vector.shape_cast %slice3A_100 : vector<14x1x56x96xf32> to vector<14x56x96xf32>
      %reshape3A_102 = vector.shape_cast %squeeze3A_101 : vector<14x56x96xf32> to vector<784x96xf32>
      %slice3A_103 = vector.extract_strided_slice %reshape3A_96 {offsets = [0, 2, 0, 0], sizes = [14, 1, 56, 96], strides = [1, 1, 1, 1]} : vector<14x4x56x96xf32> to vector<14x1x56x96xf32>
      %squeeze3A_104 = vector.shape_cast %slice3A_103 : vector<14x1x56x96xf32> to vector<14x56x96xf32>
      %reshape3A_105 = vector.shape_cast %squeeze3A_104 : vector<14x56x96xf32> to vector<784x96xf32>
      %slice3A_106 = vector.extract_strided_slice %reshape3A_96 {offsets = [0, 3, 0, 0], sizes = [14, 1, 56, 96], strides = [1, 1, 1, 1]} : vector<14x4x56x96xf32> to vector<14x1x56x96xf32>
      %squeeze3A_107 = vector.shape_cast %slice3A_106 : vector<14x1x56x96xf32> to vector<14x56x96xf32>
      %reshape3A_108 = vector.shape_cast %squeeze3A_107 : vector<14x56x96xf32> to vector<784x96xf32>
      %slice3A_109 = vector.extract_strided_slice %reshape3A {offsets = [0, 3, 0, 0], sizes = [14, 1, 96, 224], strides = [1, 1, 1, 1]} : vector<14x4x96x224xf32> to vector<14x1x96x224xf32>
      %squeeze3A_110 = vector.shape_cast %slice3A_109 : vector<14x1x96x224xf32> to vector<14x96x224xf32>
      %reshape3A_111 = vector.shape_cast %squeeze3A_110 : vector<14x96x224xf32> to vector<1344x224xf32>
      %get3A_112 = arith.constant 0 : index
      %get3A_113 = arith.constant 0 : index
      %get3A_114 = vector.load %arg3[%get3A_112, %get3A_113] : memref<224x224xf32, #tpu.memory_space<vmem>>, vector<224x224xf32>
      %dot_general3A_115 = arith.constant dense<0.000000e+00> : vector<1344x224xf32>
      %dot_general3A_116 = tpu.matmul %reshape3A_111, %get3A_114, %dot_general3A_115 {dimension_numbers = #tpu.dot_dimension_numbers<[1], [0], [0], [1], [0, 0, 1, 1], [], []>, precision = #tpu.contract_precision<fp32>, transpose_lhs_hint = false} : vector<1344x224xf32>, vector<224x224xf32>, vector<1344x224xf32> -> vector<1344x224xf32>
      %reshape3A_117 = vector.shape_cast %dot_general3A_116 : vector<1344x224xf32> to vector<14x96x224xf32>
      %transpose3A_118 = tpu.transpose %reshape3A_117, [0, 2, 1] : vector<14x96x224xf32> -> vector<14x224x96xf32>
      %reshape3A_119 = vector.shape_cast %transpose3A_118 : vector<14x224x96xf32> to vector<14x4x56x96xf32>
      %slice3A_120 = vector.extract_strided_slice %reshape3A_119 {offsets = [0, 0, 0, 0], sizes = [14, 1, 56, 96], strides = [1, 1, 1, 1]} : vector<14x4x56x96xf32> to vector<14x1x56x96xf32>
      %squeeze3A_121 = vector.shape_cast %slice3A_120 : vector<14x1x56x96xf32> to vector<14x56x96xf32>
      %reshape3A_122 = vector.shape_cast %squeeze3A_121 : vector<14x56x96xf32> to vector<784x96xf32>
      %slice3A_123 = vector.extract_strided_slice %reshape3A_119 {offsets = [0, 1, 0, 0], sizes = [14, 1, 56, 96], strides = [1, 1, 1, 1]} : vector<14x4x56x96xf32> to vector<14x1x56x96xf32>
      %squeeze3A_124 = vector.shape_cast %slice3A_123 : vector<14x1x56x96xf32> to vector<14x56x96xf32>
      %reshape3A_125 = vector.shape_cast %squeeze3A_124 : vector<14x56x96xf32> to vector<784x96xf32>
      %slice3A_126 = vector.extract_strided_slice %reshape3A_119 {offsets = [0, 2, 0, 0], sizes = [14, 1, 56, 96], strides = [1, 1, 1, 1]} : vector<14x4x56x96xf32> to vector<14x1x56x96xf32>
      %squeeze3A_127 = vector.shape_cast %slice3A_126 : vector<14x1x56x96xf32> to vector<14x56x96xf32>
      %reshape3A_128 = vector.shape_cast %squeeze3A_127 : vector<14x56x96xf32> to vector<784x96xf32>
      %slice3A_129 = vector.extract_strided_slice %reshape3A_119 {offsets = [0, 3, 0, 0], sizes = [14, 1, 56, 96], strides = [1, 1, 1, 1]} : vector<14x4x56x96xf32> to vector<14x1x56x96xf32>
      %squeeze3A_130 = vector.shape_cast %slice3A_129 : vector<14x1x56x96xf32> to vector<14x56x96xf32>
      %reshape3A_131 = vector.shape_cast %squeeze3A_130 : vector<14x56x96xf32> to vector<784x96xf32>
      %reduce_sum3A = arith.constant dense<0.000000e+00> : vector<784xf32>
      %reduce_sum3A_132 = vector.multi_reduction <add>, %reshape3A_53, %reduce_sum3A [1] : vector<784x96xf32> to vector<784xf32>
      %broadcast_in_dim3A_133 = vector.shape_cast %reduce_sum3A_132 : vector<784xf32> to vector<784x1xf32>
      %reduce_sum3A_134 = arith.constant dense<0.000000e+00> : vector<784xf32>
      %reduce_sum3A_135 = vector.multi_reduction <add>, %reshape3A_56, %reduce_sum3A_134 [1] : vector<784x96xf32> to vector<784xf32>
      %broadcast_in_dim3A_136 = vector.shape_cast %reduce_sum3A_135 : vector<784xf32> to vector<784x1xf32>
      %add3A_137 = arith.addf %broadcast_in_dim3A_133, %broadcast_in_dim3A_136 : vector<784x1xf32>
      %reduce_sum3A_138 = arith.constant dense<0.000000e+00> : vector<784xf32>
      %reduce_sum3A_139 = vector.multi_reduction <add>, %reshape3A_59, %reduce_sum3A_138 [1] : vector<784x96xf32> to vector<784xf32>
      %broadcast_in_dim3A_140 = vector.shape_cast %reduce_sum3A_139 : vector<784xf32> to vector<784x1xf32>
      %add3A_141 = arith.addf %add3A_137, %broadcast_in_dim3A_140 : vector<784x1xf32>
      %reduce_sum3A_142 = arith.constant dense<0.000000e+00> : vector<784xf32>
      %reduce_sum3A_143 = vector.multi_reduction <add>, %reshape3A_62, %reduce_sum3A_142 [1] : vector<784x96xf32> to vector<784xf32>
      %broadcast_in_dim3A_144 = vector.shape_cast %reduce_sum3A_143 : vector<784xf32> to vector<784x1xf32>
      %add3A_145 = arith.addf %add3A_141, %broadcast_in_dim3A_144 : vector<784x1xf32>
      %reduce_sum3A_146 = arith.constant dense<0.000000e+00> : vector<784xf32>
      %reduce_sum3A_147 = vector.multi_reduction <add>, %reshape3A_76, %reduce_sum3A_146 [1] : vector<784x96xf32> to vector<784xf32>
      %broadcast_in_dim3A_148 = vector.shape_cast %reduce_sum3A_147 : vector<784xf32> to vector<784x1xf32>
      %add3A_149 = arith.addf %add3A_145, %broadcast_in_dim3A_148 : vector<784x1xf32>
      %reduce_sum3A_150 = arith.constant dense<0.000000e+00> : vector<784xf32>
      %reduce_sum3A_151 = vector.multi_reduction <add>, %reshape3A_79, %reduce_sum3A_150 [1] : vector<784x96xf32> to vector<784xf32>
      %broadcast_in_dim3A_152 = vector.shape_cast %reduce_sum3A_151 : vector<784xf32> to vector<784x1xf32>
      %add3A_153 = arith.addf %add3A_149, %broadcast_in_dim3A_152 : vector<784x1xf32>
      %reduce_sum3A_154 = arith.constant dense<0.000000e+00> : vector<784xf32>
      %reduce_sum3A_155 = vector.multi_reduction <add>, %reshape3A_82, %reduce_sum3A_154 [1] : vector<784x96xf32> to vector<784xf32>
      %broadcast_in_dim3A_156 = vector.shape_cast %reduce_sum3A_155 : vector<784xf32> to vector<784x1xf32>
      %add3A_157 = arith.addf %add3A_153, %broadcast_in_dim3A_156 : vector<784x1xf32>
      %reduce_sum3A_158 = arith.constant dense<0.000000e+00> : vector<784xf32>
      %reduce_sum3A_159 = vector.multi_reduction <add>, %reshape3A_85, %reduce_sum3A_158 [1] : vector<784x96xf32> to vector<784xf32>
      %broadcast_in_dim3A_160 = vector.shape_cast %reduce_sum3A_159 : vector<784xf32> to vector<784x1xf32>
      %add3A_161 = arith.addf %add3A_157, %broadcast_in_dim3A_160 : vector<784x1xf32>
      %reduce_sum3A_162 = arith.constant dense<0.000000e+00> : vector<784xf32>
      %reduce_sum3A_163 = vector.multi_reduction <add>, %reshape3A_99, %reduce_sum3A_162 [1] : vector<784x96xf32> to vector<784xf32>
      %broadcast_in_dim3A_164 = vector.shape_cast %reduce_sum3A_163 : vector<784xf32> to vector<784x1xf32>
      %add3A_165 = arith.addf %add3A_161, %broadcast_in_dim3A_164 : vector<784x1xf32>
      %reduce_sum3A_166 = arith.constant dense<0.000000e+00> : vector<784xf32>
      %reduce_sum3A_167 = vector.multi_reduction <add>, %reshape3A_102, %reduce_sum3A_166 [1] : vector<784x96xf32> to vector<784xf32>
      %broadcast_in_dim3A_168 = vector.shape_cast %reduce_sum3A_167 : vector<784xf32> to vector<784x1xf32>
      %add3A_169 = arith.addf %add3A_165, %broadcast_in_dim3A_168 : vector<784x1xf32>
      %reduce_sum3A_170 = arith.constant dense<0.000000e+00> : vector<784xf32>
      %reduce_sum3A_171 = vector.multi_reduction <add>, %reshape3A_105, %reduce_sum3A_170 [1] : vector<784x96xf32> to vector<784xf32>
      %broadcast_in_dim3A_172 = vector.shape_cast %reduce_sum3A_171 : vector<784xf32> to vector<784x1xf32>
      %add3A_173 = arith.addf %add3A_169, %broadcast_in_dim3A_172 : vector<784x1xf32>
      %reduce_sum3A_174 = arith.constant dense<0.000000e+00> : vector<784xf32>
      %reduce_sum3A_175 = vector.multi_reduction <add>, %reshape3A_108, %reduce_sum3A_174 [1] : vector<784x96xf32> to vector<784xf32>
      %broadcast_in_dim3A_176 = vector.shape_cast %reduce_sum3A_175 : vector<784xf32> to vector<784x1xf32>
      %add3A_177 = arith.addf %add3A_173, %broadcast_in_dim3A_176 : vector<784x1xf32>
      %reduce_sum3A_178 = arith.constant dense<0.000000e+00> : vector<784xf32>
      %reduce_sum3A_179 = vector.multi_reduction <add>, %reshape3A_122, %reduce_sum3A_178 [1] : vector<784x96xf32> to vector<784xf32>
      %broadcast_in_dim3A_180 = vector.shape_cast %reduce_sum3A_179 : vector<784xf32> to vector<784x1xf32>
      %add3A_181 = arith.addf %add3A_177, %broadcast_in_dim3A_180 : vector<784x1xf32>
      %reduce_sum3A_182 = arith.constant dense<0.000000e+00> : vector<784xf32>
      %reduce_sum3A_183 = vector.multi_reduction <add>, %reshape3A_125, %reduce_sum3A_182 [1] : vector<784x96xf32> to vector<784xf32>
      %broadcast_in_dim3A_184 = vector.shape_cast %reduce_sum3A_183 : vector<784xf32> to vector<784x1xf32>
      %add3A_185 = arith.addf %add3A_181, %broadcast_in_dim3A_184 : vector<784x1xf32>
      %reduce_sum3A_186 = arith.constant dense<0.000000e+00> : vector<784xf32>
      %reduce_sum3A_187 = vector.multi_reduction <add>, %reshape3A_128, %reduce_sum3A_186 [1] : vector<784x96xf32> to vector<784xf32>
      %broadcast_in_dim3A_188 = vector.shape_cast %reduce_sum3A_187 : vector<784xf32> to vector<784x1xf32>
      %add3A_189 = arith.addf %add3A_185, %broadcast_in_dim3A_188 : vector<784x1xf32>
      %reduce_sum3A_190 = arith.constant dense<0.000000e+00> : vector<784xf32>
      %reduce_sum3A_191 = vector.multi_reduction <add>, %reshape3A_131, %reduce_sum3A_190 [1] : vector<784x96xf32> to vector<784xf32>
      %broadcast_in_dim3A_192 = vector.shape_cast %reduce_sum3A_191 : vector<784xf32> to vector<784x1xf32>
      %add3A_193 = arith.addf %add3A_189, %broadcast_in_dim3A_192 : vector<784x1xf32>
      %mul3A_194 = arith.constant 6.51041686E-4 : f32
      %mul3A_195 = vector.broadcast %mul3A_194 : f32 to vector<784x1xf32>
      %mul3A_196 = arith.mulf %add3A_193, %mul3A_195 : vector<784x1xf32>
      %sub3A = vector.broadcast %mul3A_196 : vector<784x1xf32> to vector<784x96xf32>
      %sub3A_197 = arith.subf %reshape3A_53, %sub3A : vector<784x96xf32>
      %mul3A_198 = arith.mulf %sub3A_197, %sub3A_197 : vector<784x96xf32>
      %reduce_sum3A_199 = arith.constant dense<0.000000e+00> : vector<784xf32>
      %reduce_sum3A_200 = vector.multi_reduction <add>, %mul3A_198, %reduce_sum3A_199 [1] : vector<784x96xf32> to vector<784xf32>
      %broadcast_in_dim3A_201 = vector.shape_cast %reduce_sum3A_200 : vector<784xf32> to vector<784x1xf32>
      %sub3A_202 = vector.broadcast %mul3A_196 : vector<784x1xf32> to vector<784x96xf32>
      %sub3A_203 = arith.subf %reshape3A_56, %sub3A_202 : vector<784x96xf32>
      %mul3A_204 = arith.mulf %sub3A_203, %sub3A_203 : vector<784x96xf32>
      %reduce_sum3A_205 = arith.constant dense<0.000000e+00> : vector<784xf32>
      %reduce_sum3A_206 = vector.multi_reduction <add>, %mul3A_204, %reduce_sum3A_205 [1] : vector<784x96xf32> to vector<784xf32>
      %broadcast_in_dim3A_207 = vector.shape_cast %reduce_sum3A_206 : vector<784xf32> to vector<784x1xf32>
      %add3A_208 = arith.addf %broadcast_in_dim3A_201, %broadcast_in_dim3A_207 : vector<784x1xf32>
      %sub3A_209 = vector.broadcast %mul3A_196 : vector<784x1xf32> to vector<784x96xf32>
      %sub3A_210 = arith.subf %reshape3A_59, %sub3A_209 : vector<784x96xf32>
      %mul3A_211 = arith.mulf %sub3A_210, %sub3A_210 : vector<784x96xf32>
      %reduce_sum3A_212 = arith.constant dense<0.000000e+00> : vector<784xf32>
      %reduce_sum3A_213 = vector.multi_reduction <add>, %mul3A_211, %reduce_sum3A_212 [1] : vector<784x96xf32> to vector<784xf32>
      %broadcast_in_dim3A_214 = vector.shape_cast %reduce_sum3A_213 : vector<784xf32> to vector<784x1xf32>
      %add3A_215 = arith.addf %add3A_208, %broadcast_in_dim3A_214 : vector<784x1xf32>
      %sub3A_216 = vector.broadcast %mul3A_196 : vector<784x1xf32> to vector<784x96xf32>
      %sub3A_217 = arith.subf %reshape3A_62, %sub3A_216 : vector<784x96xf32>
      %mul3A_218 = arith.mulf %sub3A_217, %sub3A_217 : vector<784x96xf32>
      %reduce_sum3A_219 = arith.constant dense<0.000000e+00> : vector<784xf32>
      %reduce_sum3A_220 = vector.multi_reduction <add>, %mul3A_218, %reduce_sum3A_219 [1] : vector<784x96xf32> to vector<784xf32>
      %broadcast_in_dim3A_221 = vector.shape_cast %reduce_sum3A_220 : vector<784xf32> to vector<784x1xf32>
      %add3A_222 = arith.addf %add3A_215, %broadcast_in_dim3A_221 : vector<784x1xf32>
      %sub3A_223 = vector.broadcast %mul3A_196 : vector<784x1xf32> to vector<784x96xf32>
      %sub3A_224 = arith.subf %reshape3A_76, %sub3A_223 : vector<784x96xf32>
      %mul3A_225 = arith.mulf %sub3A_224, %sub3A_224 : vector<784x96xf32>
      %reduce_sum3A_226 = arith.constant dense<0.000000e+00> : vector<784xf32>
      %reduce_sum3A_227 = vector.multi_reduction <add>, %mul3A_225, %reduce_sum3A_226 [1] : vector<784x96xf32> to vector<784xf32>
      %broadcast_in_dim3A_228 = vector.shape_cast %reduce_sum3A_227 : vector<784xf32> to vector<784x1xf32>
      %add3A_229 = arith.addf %add3A_222, %broadcast_in_dim3A_228 : vector<784x1xf32>
      %sub3A_230 = vector.broadcast %mul3A_196 : vector<784x1xf32> to vector<784x96xf32>
      %sub3A_231 = arith.subf %reshape3A_79, %sub3A_230 : vector<784x96xf32>
      %mul3A_232 = arith.mulf %sub3A_231, %sub3A_231 : vector<784x96xf32>
      %reduce_sum3A_233 = arith.constant dense<0.000000e+00> : vector<784xf32>
      %reduce_sum3A_234 = vector.multi_reduction <add>, %mul3A_232, %reduce_sum3A_233 [1] : vector<784x96xf32> to vector<784xf32>
      %broadcast_in_dim3A_235 = vector.shape_cast %reduce_sum3A_234 : vector<784xf32> to vector<784x1xf32>
      %add3A_236 = arith.addf %add3A_229, %broadcast_in_dim3A_235 : vector<784x1xf32>
      %sub3A_237 = vector.broadcast %mul3A_196 : vector<784x1xf32> to vector<784x96xf32>
      %sub3A_238 = arith.subf %reshape3A_82, %sub3A_237 : vector<784x96xf32>
      %mul3A_239 = arith.mulf %sub3A_238, %sub3A_238 : vector<784x96xf32>
      %reduce_sum3A_240 = arith.constant dense<0.000000e+00> : vector<784xf32>
      %reduce_sum3A_241 = vector.multi_reduction <add>, %mul3A_239, %reduce_sum3A_240 [1] : vector<784x96xf32> to vector<784xf32>
      %broadcast_in_dim3A_242 = vector.shape_cast %reduce_sum3A_241 : vector<784xf32> to vector<784x1xf32>
      %add3A_243 = arith.addf %add3A_236, %broadcast_in_dim3A_242 : vector<784x1xf32>
      %sub3A_244 = vector.broadcast %mul3A_196 : vector<784x1xf32> to vector<784x96xf32>
      %sub3A_245 = arith.subf %reshape3A_85, %sub3A_244 : vector<784x96xf32>
      %mul3A_246 = arith.mulf %sub3A_245, %sub3A_245 : vector<784x96xf32>
      %reduce_sum3A_247 = arith.constant dense<0.000000e+00> : vector<784xf32>
      %reduce_sum3A_248 = vector.multi_reduction <add>, %mul3A_246, %reduce_sum3A_247 [1] : vector<784x96xf32> to vector<784xf32>
      %broadcast_in_dim3A_249 = vector.shape_cast %reduce_sum3A_248 : vector<784xf32> to vector<784x1xf32>
      %add3A_250 = arith.addf %add3A_243, %broadcast_in_dim3A_249 : vector<784x1xf32>
      %sub3A_251 = vector.broadcast %mul3A_196 : vector<784x1xf32> to vector<784x96xf32>
      %sub3A_252 = arith.subf %reshape3A_99, %sub3A_251 : vector<784x96xf32>
      %mul3A_253 = arith.mulf %sub3A_252, %sub3A_252 : vector<784x96xf32>
      %reduce_sum3A_254 = arith.constant dense<0.000000e+00> : vector<784xf32>
      %reduce_sum3A_255 = vector.multi_reduction <add>, %mul3A_253, %reduce_sum3A_254 [1] : vector<784x96xf32> to vector<784xf32>
      %broadcast_in_dim3A_256 = vector.shape_cast %reduce_sum3A_255 : vector<784xf32> to vector<784x1xf32>
      %add3A_257 = arith.addf %add3A_250, %broadcast_in_dim3A_256 : vector<784x1xf32>
      %sub3A_258 = vector.broadcast %mul3A_196 : vector<784x1xf32> to vector<784x96xf32>
      %sub3A_259 = arith.subf %reshape3A_102, %sub3A_258 : vector<784x96xf32>
      %mul3A_260 = arith.mulf %sub3A_259, %sub3A_259 : vector<784x96xf32>
      %reduce_sum3A_261 = arith.constant dense<0.000000e+00> : vector<784xf32>
      %reduce_sum3A_262 = vector.multi_reduction <add>, %mul3A_260, %reduce_sum3A_261 [1] : vector<784x96xf32> to vector<784xf32>
      %broadcast_in_dim3A_263 = vector.shape_cast %reduce_sum3A_262 : vector<784xf32> to vector<784x1xf32>
      %add3A_264 = arith.addf %add3A_257, %broadcast_in_dim3A_263 : vector<784x1xf32>
      %sub3A_265 = vector.broadcast %mul3A_196 : vector<784x1xf32> to vector<784x96xf32>
      %sub3A_266 = arith.subf %reshape3A_105, %sub3A_265 : vector<784x96xf32>
      %mul3A_267 = arith.mulf %sub3A_266, %sub3A_266 : vector<784x96xf32>
      %reduce_sum3A_268 = arith.constant dense<0.000000e+00> : vector<784xf32>
      %reduce_sum3A_269 = vector.multi_reduction <add>, %mul3A_267, %reduce_sum3A_268 [1] : vector<784x96xf32> to vector<784xf32>
      %broadcast_in_dim3A_270 = vector.shape_cast %reduce_sum3A_269 : vector<784xf32> to vector<784x1xf32>
      %add3A_271 = arith.addf %add3A_264, %broadcast_in_dim3A_270 : vector<784x1xf32>
      %sub3A_272 = vector.broadcast %mul3A_196 : vector<784x1xf32> to vector<784x96xf32>
      %sub3A_273 = arith.subf %reshape3A_108, %sub3A_272 : vector<784x96xf32>
      %mul3A_274 = arith.mulf %sub3A_273, %sub3A_273 : vector<784x96xf32>
      %reduce_sum3A_275 = arith.constant dense<0.000000e+00> : vector<784xf32>
      %reduce_sum3A_276 = vector.multi_reduction <add>, %mul3A_274, %reduce_sum3A_275 [1] : vector<784x96xf32> to vector<784xf32>
      %broadcast_in_dim3A_277 = vector.shape_cast %reduce_sum3A_276 : vector<784xf32> to vector<784x1xf32>
      %add3A_278 = arith.addf %add3A_271, %broadcast_in_dim3A_277 : vector<784x1xf32>
      %sub3A_279 = vector.broadcast %mul3A_196 : vector<784x1xf32> to vector<784x96xf32>
      %sub3A_280 = arith.subf %reshape3A_122, %sub3A_279 : vector<784x96xf32>
      %mul3A_281 = arith.mulf %sub3A_280, %sub3A_280 : vector<784x96xf32>
      %reduce_sum3A_282 = arith.constant dense<0.000000e+00> : vector<784xf32>
      %reduce_sum3A_283 = vector.multi_reduction <add>, %mul3A_281, %reduce_sum3A_282 [1] : vector<784x96xf32> to vector<784xf32>
      %broadcast_in_dim3A_284 = vector.shape_cast %reduce_sum3A_283 : vector<784xf32> to vector<784x1xf32>
      %add3A_285 = arith.addf %add3A_278, %broadcast_in_dim3A_284 : vector<784x1xf32>
      %sub3A_286 = vector.broadcast %mul3A_196 : vector<784x1xf32> to vector<784x96xf32>
      %sub3A_287 = arith.subf %reshape3A_125, %sub3A_286 : vector<784x96xf32>
      %mul3A_288 = arith.mulf %sub3A_287, %sub3A_287 : vector<784x96xf32>
      %reduce_sum3A_289 = arith.constant dense<0.000000e+00> : vector<784xf32>
      %reduce_sum3A_290 = vector.multi_reduction <add>, %mul3A_288, %reduce_sum3A_289 [1] : vector<784x96xf32> to vector<784xf32>
      %broadcast_in_dim3A_291 = vector.shape_cast %reduce_sum3A_290 : vector<784xf32> to vector<784x1xf32>
      %add3A_292 = arith.addf %add3A_285, %broadcast_in_dim3A_291 : vector<784x1xf32>
      %sub3A_293 = vector.broadcast %mul3A_196 : vector<784x1xf32> to vector<784x96xf32>
      %sub3A_294 = arith.subf %reshape3A_128, %sub3A_293 : vector<784x96xf32>
      %mul3A_295 = arith.mulf %sub3A_294, %sub3A_294 : vector<784x96xf32>
      %reduce_sum3A_296 = arith.constant dense<0.000000e+00> : vector<784xf32>
      %reduce_sum3A_297 = vector.multi_reduction <add>, %mul3A_295, %reduce_sum3A_296 [1] : vector<784x96xf32> to vector<784xf32>
      %broadcast_in_dim3A_298 = vector.shape_cast %reduce_sum3A_297 : vector<784xf32> to vector<784x1xf32>
      %add3A_299 = arith.addf %add3A_292, %broadcast_in_dim3A_298 : vector<784x1xf32>
      %sub3A_300 = vector.broadcast %mul3A_196 : vector<784x1xf32> to vector<784x96xf32>
      %sub3A_301 = arith.subf %reshape3A_131, %sub3A_300 : vector<784x96xf32>
      %mul3A_302 = arith.mulf %sub3A_301, %sub3A_301 : vector<784x96xf32>
      %reduce_sum3A_303 = arith.constant dense<0.000000e+00> : vector<784xf32>
      %reduce_sum3A_304 = vector.multi_reduction <add>, %mul3A_302, %reduce_sum3A_303 [1] : vector<784x96xf32> to vector<784xf32>
      %broadcast_in_dim3A_305 = vector.shape_cast %reduce_sum3A_304 : vector<784xf32> to vector<784x1xf32>
      %add3A_306 = arith.addf %add3A_299, %broadcast_in_dim3A_305 : vector<784x1xf32>
      %sqrt3A = math.sqrt %add3A_306 : vector<784x1xf32>
      %add3A_307 = arith.constant 9.99999974E-6 : f32
      %add3A_308 = vector.broadcast %add3A_307 : f32 to vector<784x1xf32>
      %add3A_309 = arith.addf %sqrt3A, %add3A_308 : vector<784x1xf32>
      %div3A = arith.constant 1.000000e+00 : f32
      %div3A_310 = vector.broadcast %div3A : f32 to vector<784x1xf32>
      %div3A_311 = arith.divf %div3A_310, %add3A_309 : vector<784x1xf32>
      %sub3A_312 = vector.broadcast %mul3A_196 : vector<784x1xf32> to vector<784x96xf32>
      %sub3A_313 = arith.subf %reshape3A_53, %sub3A_312 : vector<784x96xf32>
      %mul3A_314 = vector.broadcast %div3A_311 : vector<784x1xf32> to vector<784x96xf32>
      %mul3A_315 = arith.mulf %sub3A_313, %mul3A_314 : vector<784x96xf32>
      %sub3A_316 = vector.broadcast %mul3A_196 : vector<784x1xf32> to vector<784x96xf32>
      %sub3A_317 = arith.subf %reshape3A_56, %sub3A_316 : vector<784x96xf32>
      %mul3A_318 = vector.broadcast %div3A_311 : vector<784x1xf32> to vector<784x96xf32>
      %mul3A_319 = arith.mulf %sub3A_317, %mul3A_318 : vector<784x96xf32>
      %sub3A_320 = vector.broadcast %mul3A_196 : vector<784x1xf32> to vector<784x96xf32>
      %sub3A_321 = arith.subf %reshape3A_59, %sub3A_320 : vector<784x96xf32>
      %mul3A_322 = vector.broadcast %div3A_311 : vector<784x1xf32> to vector<784x96xf32>
      %mul3A_323 = arith.mulf %sub3A_321, %mul3A_322 : vector<784x96xf32>
      %sub3A_324 = vector.broadcast %mul3A_196 : vector<784x1xf32> to vector<784x96xf32>
      %sub3A_325 = arith.subf %reshape3A_62, %sub3A_324 : vector<784x96xf32>
      %mul3A_326 = vector.broadcast %div3A_311 : vector<784x1xf32> to vector<784x96xf32>
      %mul3A_327 = arith.mulf %sub3A_325, %mul3A_326 : vector<784x96xf32>
      %sub3A_328 = vector.broadcast %mul3A_196 : vector<784x1xf32> to vector<784x96xf32>
      %sub3A_329 = arith.subf %reshape3A_76, %sub3A_328 : vector<784x96xf32>
      %mul3A_330 = vector.broadcast %div3A_311 : vector<784x1xf32> to vector<784x96xf32>
      %mul3A_331 = arith.mulf %sub3A_329, %mul3A_330 : vector<784x96xf32>
      %sub3A_332 = vector.broadcast %mul3A_196 : vector<784x1xf32> to vector<784x96xf32>
      %sub3A_333 = arith.subf %reshape3A_79, %sub3A_332 : vector<784x96xf32>
      %mul3A_334 = vector.broadcast %div3A_311 : vector<784x1xf32> to vector<784x96xf32>
      %mul3A_335 = arith.mulf %sub3A_333, %mul3A_334 : vector<784x96xf32>
      %sub3A_336 = vector.broadcast %mul3A_196 : vector<784x1xf32> to vector<784x96xf32>
      %sub3A_337 = arith.subf %reshape3A_82, %sub3A_336 : vector<784x96xf32>
      %mul3A_338 = vector.broadcast %div3A_311 : vector<784x1xf32> to vector<784x96xf32>
      %mul3A_339 = arith.mulf %sub3A_337, %mul3A_338 : vector<784x96xf32>
      %sub3A_340 = vector.broadcast %mul3A_196 : vector<784x1xf32> to vector<784x96xf32>
      %sub3A_341 = arith.subf %reshape3A_85, %sub3A_340 : vector<784x96xf32>
      %mul3A_342 = vector.broadcast %div3A_311 : vector<784x1xf32> to vector<784x96xf32>
      %mul3A_343 = arith.mulf %sub3A_341, %mul3A_342 : vector<784x96xf32>
      %sub3A_344 = vector.broadcast %mul3A_196 : vector<784x1xf32> to vector<784x96xf32>
      %sub3A_345 = arith.subf %reshape3A_99, %sub3A_344 : vector<784x96xf32>
      %mul3A_346 = vector.broadcast %div3A_311 : vector<784x1xf32> to vector<784x96xf32>
      %mul3A_347 = arith.mulf %sub3A_345, %mul3A_346 : vector<784x96xf32>
      %sub3A_348 = vector.broadcast %mul3A_196 : vector<784x1xf32> to vector<784x96xf32>
      %sub3A_349 = arith.subf %reshape3A_102, %sub3A_348 : vector<784x96xf32>
      %mul3A_350 = vector.broadcast %div3A_311 : vector<784x1xf32> to vector<784x96xf32>
      %mul3A_351 = arith.mulf %sub3A_349, %mul3A_350 : vector<784x96xf32>
      %sub3A_352 = vector.broadcast %mul3A_196 : vector<784x1xf32> to vector<784x96xf32>
      %sub3A_353 = arith.subf %reshape3A_105, %sub3A_352 : vector<784x96xf32>
      %mul3A_354 = vector.broadcast %div3A_311 : vector<784x1xf32> to vector<784x96xf32>
      %mul3A_355 = arith.mulf %sub3A_353, %mul3A_354 : vector<784x96xf32>
      %sub3A_356 = vector.broadcast %mul3A_196 : vector<784x1xf32> to vector<784x96xf32>
      %sub3A_357 = arith.subf %reshape3A_108, %sub3A_356 : vector<784x96xf32>
      %mul3A_358 = vector.broadcast %div3A_311 : vector<784x1xf32> to vector<784x96xf32>
      %mul3A_359 = arith.mulf %sub3A_357, %mul3A_358 : vector<784x96xf32>
      %sub3A_360 = vector.broadcast %mul3A_196 : vector<784x1xf32> to vector<784x96xf32>
      %sub3A_361 = arith.subf %reshape3A_122, %sub3A_360 : vector<784x96xf32>
      %mul3A_362 = vector.broadcast %div3A_311 : vector<784x1xf32> to vector<784x96xf32>
      %mul3A_363 = arith.mulf %sub3A_361, %mul3A_362 : vector<784x96xf32>
      %sub3A_364 = vector.broadcast %mul3A_196 : vector<784x1xf32> to vector<784x96xf32>
      %sub3A_365 = arith.subf %reshape3A_125, %sub3A_364 : vector<784x96xf32>
      %mul3A_366 = vector.broadcast %div3A_311 : vector<784x1xf32> to vector<784x96xf32>
      %mul3A_367 = arith.mulf %sub3A_365, %mul3A_366 : vector<784x96xf32>
      %sub3A_368 = vector.broadcast %mul3A_196 : vector<784x1xf32> to vector<784x96xf32>
      %sub3A_369 = arith.subf %reshape3A_128, %sub3A_368 : vector<784x96xf32>
      %mul3A_370 = vector.broadcast %div3A_311 : vector<784x1xf32> to vector<784x96xf32>
      %mul3A_371 = arith.mulf %sub3A_369, %mul3A_370 : vector<784x96xf32>
      %sub3A_372 = vector.broadcast %mul3A_196 : vector<784x1xf32> to vector<784x96xf32>
      %sub3A_373 = arith.subf %reshape3A_131, %sub3A_372 : vector<784x96xf32>
      %mul3A_374 = vector.broadcast %div3A_311 : vector<784x1xf32> to vector<784x96xf32>
      %mul3A_375 = arith.mulf %sub3A_373, %mul3A_374 : vector<784x96xf32>
      %concatenate3A = tpu.concatenate %mul3A_315, %mul3A_319, %mul3A_323, %mul3A_327, %mul3A_331, %mul3A_335, %mul3A_339, %mul3A_343, %mul3A_347, %mul3A_351, %mul3A_355, %mul3A_359, %mul3A_363, %mul3A_367, %mul3A_371, %mul3A_375 in 1 : vector<784x96xf32>, vector<784x96xf32>, vector<784x96xf32>, vector<784x96xf32>, vector<784x96xf32>, vector<784x96xf32>, vector<784x96xf32>, vector<784x96xf32>, vector<784x96xf32>, vector<784x96xf32>, vector<784x96xf32>, vector<784x96xf32>, vector<784x96xf32>, vector<784x96xf32>, vector<784x96xf32>, vector<784x96xf32> -> vector<784x1536xf32>
      %swap3A_376 = arith.constant 0 : index
      %swap3A_377 = arith.constant 0 : index
      %swap3A_378 = vector.load %arg7[%swap3A_376, %swap3A_377] : memref<784x1536xf32, #tpu.memory_space<vmem>>, vector<784x1536xf32>
      tpu.vector_store %arg7[%swap3A_376, %swap3A_377], %concatenate3A {strides = array<i32>} : memref<784x1536xf32, #tpu.memory_space<vmem>>, vector<784x1536xf32>,
      %broadcast_in_dim3A_379 = arith.constant -3.000000e+38 : f32
      %broadcast_in_dim3A_380 = vector.broadcast %broadcast_in_dim3A_379 : f32 to vector<784x1xf32>
      %swap3A_381 = arith.constant 0 : index
      %swap3A_382 = arith.constant 0 : index
      %swap3A_383 = vector.load %arg8[%swap3A_381, %swap3A_382] : memref<784x1xf32, #tpu.memory_space<vmem>>, vector<784x1xf32>
      tpu.vector_store %arg8[%swap3A_381, %swap3A_382], %broadcast_in_dim3A_380 {strides = array<i32>} : memref<784x1xf32, #tpu.memory_space<vmem>>, vector<784x1xf32>,
      %broadcast_in_dim3A_384 = arith.constant 0 : i32
      %broadcast_in_dim3A_385 = vector.broadcast %broadcast_in_dim3A_384 : i32 to vector<784x1xi32>
      %swap3A_386 = arith.constant 0 : index
      %swap3A_387 = arith.constant 0 : index
      %swap3A_388 = vector.load %arg9[%swap3A_386, %swap3A_387] : memref<784x1xi32, #tpu.memory_space<vmem>>, vector<784x1xi32>
      tpu.vector_store %arg9[%swap3A_386, %swap3A_387], %broadcast_in_dim3A_385 {strides = array<i32>} : memref<784x1xi32, #tpu.memory_space<vmem>>, vector<784x1xi32>,
    } else {
    }
    %get3A = arith.constant 0 : index
    %get3A_2 = arith.constant 0 : index
    %get3A_3 = vector.load %arg7[%get3A, %get3A_2] : memref<784x1536xf32, #tpu.memory_space<vmem>>, vector<784x1536xf32>
    %get3A_4 = arith.constant 0 : index
    %get3A_5 = arith.constant 0 : index
    %get3A_6 = vector.load %arg4[%get3A_4, %get3A_5] : memref<448x1536xf32, #tpu.memory_space<vmem>>, vector<448x1536xf32>
    %dot_general3A = arith.constant dense<0.000000e+00> : vector<784x448xf32>
    %dot_general3A_7 = tpu.matmul %get3A_3, %get3A_6, %dot_general3A {dimension_numbers = #tpu.dot_dimension_numbers<[1], [1], [0], [0], [0, 0, 1, 0], [], []>, transpose_lhs_hint = false} : vector<784x1536xf32>, vector<448x1536xf32>, vector<784x448xf32> -> vector<784x448xf32>
    %mul3A = arith.constant 448 : i32
    %mul3A_8 = arith.muli %arg1, %mul3A : i32
    %iota3A = tpu.iota {dimensions = array<i32: 1>} : vector<784x448xi32>
    %add3A = vector.broadcast %mul3A_8 : i32 to vector<784x448xi32>
    %add3A_9 = arith.addi %add3A, %iota3A : vector<784x448xi32>
    %reduce_max3A = arith.constant dense<0xFF800000> : vector<784xf32>
    %reduce_max3A_10 = vector.multi_reduction <maximumf>, %dot_general3A_7, %reduce_max3A [1] : vector<784x448xf32> to vector<784xf32>
    %broadcast_in_dim3A = vector.shape_cast %reduce_max3A_10 : vector<784xf32> to vector<784x1xf32>
    %eq3A_11 = vector.broadcast %broadcast_in_dim3A : vector<784x1xf32> to vector<784x448xf32>
    %eq3A_12 = arith.cmpf oeq, %dot_general3A_7, %eq3A_11 : vector<784x448xf32>
    %jit3A = arith.constant 2147483647 : i32
    %broadcast_in_dim3A_13 = vector.broadcast %jit3A : i32 to vector<784x448xi32>
    %select_n3A = arith.select %eq3A_12, %add3A_9, %broadcast_in_dim3A_13 : vector<784x448xi1>, vector<784x448xi32>
    %reduce_min3A = arith.constant dense<2147483647> : vector<784xi32>
    %reduce_min3A_14 = vector.multi_reduction <minsi>, %select_n3A, %reduce_min3A [1] : vector<784x448xi32> to vector<784xi32>
    %broadcast_in_dim3A_15 = vector.shape_cast %reduce_min3A_14 : vector<784xi32> to vector<784x1xi32>
    %get3A_16 = arith.constant 0 : index
    %get3A_17 = arith.constant 0 : index
    %get3A_18 = vector.load %arg8[%get3A_16, %get3A_17] : memref<784x1xf32, #tpu.memory_space<vmem>>, vector<784x1xf32>
    %gt3A = arith.cmpf ogt, %broadcast_in_dim3A, %get3A_18 : vector<784x1xf32>
    %get3A_19 = arith.constant 0 : index
    %get3A_20 = arith.constant 0 : index
    %get3A_21 = vector.load %arg9[%get3A_19, %get3A_20] : memref<784x1xi32, #tpu.memory_space<vmem>>, vector<784x1xi32>
    %select_n3A_22 = arith.select %gt3A, %broadcast_in_dim3A_15, %get3A_21 : vector<784x1xi1>, vector<784x1xi32>
    %swap3A = arith.constant 0 : index
    %swap3A_23 = arith.constant 0 : index
    %swap3A_24 = vector.load %arg9[%swap3A, %swap3A_23] : memref<784x1xi32, #tpu.memory_space<vmem>>, vector<784x1xi32>
    tpu.vector_store %arg9[%swap3A, %swap3A_23], %select_n3A_22 {strides = array<i32>} : memref<784x1xi32, #tpu.memory_space<vmem>>, vector<784x1xi32>,
    %get3A_25 = arith.constant 0 : index
    %get3A_26 = arith.constant 0 : index
    %get3A_27 = vector.load %arg8[%get3A_25, %get3A_26] : memref<784x1xf32, #tpu.memory_space<vmem>>, vector<784x1xf32>
    %select_n3A_28 = arith.select %gt3A, %broadcast_in_dim3A, %get3A_27 : vector<784x1xi1>, vector<784x1xf32>
    %swap3A_29 = arith.constant 0 : index
    %swap3A_30 = arith.constant 0 : index
    %swap3A_31 = vector.load %arg8[%swap3A_29, %swap3A_30] : memref<784x1xf32, #tpu.memory_space<vmem>>, vector<784x1xf32>
    tpu.vector_store %arg8[%swap3A_29, %swap3A_30], %select_n3A_28 {strides = array<i32>} : memref<784x1xf32, #tpu.memory_space<vmem>>, vector<784x1xf32>,
    %eq3A_32 = arith.constant 6 : i32
    %eq3A_33 = arith.cmpi eq, %arg1, %eq3A_32 : i32
    %convert_element_type3A_34 = arith.extui %eq3A_33 : i1 to i32
    %cond3A_35 = arith.constant 0 : i32
    %cond3A_36 = arith.cmpi ne, %convert_element_type3A_34, %cond3A_35 : i32
    scf.if %cond3A_36 {
      %get3A_37 = arith.constant 0 : index
      %get3A_38 = arith.constant 0 : index
      %get3A_39 = vector.load %arg9[%get3A_37, %get3A_38] : memref<784x1xi32, #tpu.memory_space<vmem>>, vector<784x1xi32>
      %swap3A_40 = arith.constant 0 : index
      %swap3A_41 = arith.constant 0 : index
      %swap3A_42 = vector.load %arg5[%swap3A_40, %swap3A_41] : memref<784x1xi32, #tpu.memory_space<vmem>>, vector<784x1xi32>
      tpu.vector_store %arg5[%swap3A_40, %swap3A_41], %get3A_39 {strides = array<i32>} : memref<784x1xi32, #tpu.memory_space<vmem>>, vector<784x1xi32>,
      %eq3A_43 = arith.constant 0 : i32
      %eq3A_44 = arith.cmpi eq, %arg0, %eq3A_43 : i32
      %convert_element_type3A_45 = arith.extui %eq3A_44 : i1 to i32
      %cond3A_46 = arith.constant 0 : i32
      %cond3A_47 = arith.cmpi ne, %convert_element_type3A_45, %cond3A_46 : i32
      scf.if %cond3A_47 {
        %swap3A_69 = arith.constant 0.000000e+00 : f32
        %swap3A_70 = arith.constant 0 : index
        %swap3A_71 = arith.constant 0 : index
        %swap3A_72 = memref.load %arg10[%swap3A_70, %swap3A_71] : memref<1x1xf32, #tpu.memory_space<smem>>
        memref.store %swap3A_69, %arg10[%swap3A_70, %swap3A_71] : memref<1x1xf32, #tpu.memory_space<smem>>
      } else {
      }
      %get3A_48 = arith.constant 0 : index
      %get3A_49 = arith.constant 0 : index
      %get3A_50 = memref.load %arg10[%get3A_48, %get3A_49] : memref<1x1xf32, #tpu.memory_space<smem>>
      %get3A_51 = arith.constant 0 : index
      %get3A_52 = arith.constant 0 : index
      %get3A_53 = vector.load %arg8[%get3A_51, %get3A_52] : memref<784x1xf32, #tpu.memory_space<vmem>>, vector<784x1xf32>
      %sub3A = arith.constant 1.000000e+00 : f32
      %sub3A_54 = vector.broadcast %sub3A : f32 to vector<784x1xf32>
      %sub3A_55 = arith.subf %sub3A_54, %get3A_53 : vector<784x1xf32>
      %reduce_sum3A = vector.shape_cast %sub3A_55 : vector<784x1xf32> to vector<1x784x1xf32>
      %reduce_sum3A_56 = arith.constant dense<0.000000e+00> : vector<1xf32>
      %reduce_sum3A_57 = vector.multi_reduction <add>, %reduce_sum3A, %reduce_sum3A_56 [1, 2] : vector<1x784x1xf32> to vector<1xf32>
      %reduce_sum3A_58 = vector.shape_cast %reduce_sum3A_57 : vector<1xf32> to vector<1x1x1xf32>
      %reduce_sum3A_59 = vector.extract %reduce_sum3A_58[0, 0, 0] : f32 from vector<1x1x1xf32>
      %add3A_60 = arith.addf %get3A_50, %reduce_sum3A_59 : f32
      %swap3A_61 = arith.constant 0 : index
      %swap3A_62 = arith.constant 0 : index
      %swap3A_63 = memref.load %arg10[%swap3A_61, %swap3A_62] : memref<1x1xf32, #tpu.memory_space<smem>>
      memref.store %add3A_60, %arg10[%swap3A_61, %swap3A_62] : memref<1x1xf32, #tpu.memory_space<smem>>
      %eq3A_64 = arith.constant 3 : i32
      %eq3A_65 = arith.cmpi eq, %arg0, %eq3A_64 : i32
      %convert_element_type3A_66 = arith.extui %eq3A_65 : i1 to i32
      %cond3A_67 = arith.constant 0 : i32
      %cond3A_68 = arith.cmpi ne, %convert_element_type3A_66, %cond3A_67 : i32
      scf.if %cond3A_68 {
        %get3A_69 = arith.constant 0 : index
        %get3A_70 = arith.constant 0 : index
        %get3A_71 = memref.load %arg10[%get3A_69, %get3A_70] : memref<1x1xf32, #tpu.memory_space<smem>>
        %div3A = arith.constant 3.136000e+03 : f32
        %div3A_72 = arith.divf %get3A_71, %div3A : f32
        %broadcast_in_dim3A_73 = vector.broadcast %div3A_72 : f32 to vector<1x1xf32>
        %swap3A_74 = arith.constant 0 : index
        %swap3A_75 = arith.constant 0 : index
        %swap3A_76 = vector.load %arg6[%swap3A_74, %swap3A_75] : memref<1x1xf32, #tpu.memory_space<vmem>>, vector<1x1xf32>
        tpu.vector_store %arg6[%swap3A_74, %swap3A_75], %broadcast_in_dim3A_73 {strides = array<i32>} : memref<1x1xf32, #tpu.memory_space<vmem>>, vector<1x1xf32>,
      } else {
      }
    } else {
    }
    return
  }
  func.func @transform_0(%arg0: i32, %arg1: i32) -> (i32, i32, i32, i32) {
    %c0_i32 = arith.constant 0 : i32
    %c0_i32_0 = arith.constant 0 : i32
    %c0_i32_1 = arith.constant 0 : i32
    %c0_i32_2 = arith.constant 0 : i32
    return %arg0, %c0_i32, %c0_i32_0, %c0_i32_1 : i32, i32, i32, i32
  }
  func.func @transform_1(%arg0: i32, %arg1: i32) -> (i32, i32) {
    %c0_i32 = arith.constant 0 : i32
    %c0_i32_0 = arith.constant 0 : i32
    %c0_i32_1 = arith.constant 0 : i32
    return %c0_i32, %c0_i32_0 : i32, i32
  }
  func.func @transform_2(%arg0: i32, %arg1: i32) -> (i32, i32) {
    %c0_i32 = arith.constant 0 : i32
    %c0_i32_0 = arith.constant 0 : i32
    return %arg1, %c0_i32 : i32, i32
  }
  func.func @transform_3(%arg0: i32, %arg1: i32) -> (i32, i32) {
    %c0_i32 = arith.constant 0 : i32
    %c0_i32_0 = arith.constant 0 : i32
    return %arg0, %c0_i32 : i32, i32
  }
  func.func @transform_4(%arg0: i32, %arg1: i32) -> (i32, i32) {
    %c0_i32 = arith.constant 0 : i32
    %c0_i32_0 = arith.constant 0 : i32
    %c0_i32_1 = arith.constant 0 : i32
    return %c0_i32, %c0_i32_0 : i32, i32
  }
}

module attributes {stable_mosaic.version = 14 : i64} {
  func.func @_ynorm_body(%arg0: i32, %arg1: memref<1x32x96x224xf32, #tpu.memory_space<vmem>>, %arg2: memref<224x224xf32, #tpu.memory_space<vmem>>, %arg3: memref<448x1536xf32, #tpu.memory_space<vmem>>) attributes {dimension_semantics = [#tpu.dimension_semantics<arbitrary>], iteration_bounds = array<i64: 7>, scalar_prefetch = 0 : i64, scratch_operands = 0 : i64, tpu.core_type = #tpu.core_type<tc>, window_params = [{transform_indices = @transform_0, window_bounds = array<i64: 1, 32, 96, 224>}, {pipeline_mode = #tpu.pipeline_mode<synchronous>, transform_indices = @transform_1, window_bounds = array<i64: 224, 224>}, {transform_indices = @transform_2, window_bounds = array<i64: 448, 1536>}]} {
    %get3A = arith.constant 0 : index
    %get3A_0 = arith.constant 0 : index
    %get3A_1 = arith.constant 0 : index
    %get3A_2 = arith.constant 0 : index
    %get3A_3 = vector.load %arg1[%get3A, %get3A_0, %get3A_1, %get3A_2] : memref<1x32x96x224xf32, #tpu.memory_space<vmem>>, vector<1x32x96x224xf32>
    %get3A_4 = vector.shape_cast %get3A_3 : vector<1x32x96x224xf32> to vector<32x96x224xf32>
    %reshape3A = vector.shape_cast %get3A_4 : vector<32x96x224xf32> to vector<8x4x96x224xf32>
    %slice3A = vector.extract_strided_slice %reshape3A {offsets = [0, 0, 0, 0], sizes = [8, 1, 96, 224], strides = [1, 1, 1, 1]} : vector<8x4x96x224xf32> to vector<8x1x96x224xf32>
    %squeeze3A = vector.shape_cast %slice3A : vector<8x1x96x224xf32> to vector<8x96x224xf32>
    %reshape3A_5 = vector.shape_cast %squeeze3A : vector<8x96x224xf32> to vector<768x224xf32>
    %get3A_6 = arith.constant 0 : index
    %get3A_7 = arith.constant 0 : index
    %get3A_8 = vector.load %arg2[%get3A_6, %get3A_7] : memref<224x224xf32, #tpu.memory_space<vmem>>, vector<224x224xf32>
    %dot_general3A = arith.constant dense<0.000000e+00> : vector<768x224xf32>
    %dot_general3A_9 = tpu.matmul %reshape3A_5, %get3A_8, %dot_general3A {dimension_numbers = #tpu.dot_dimension_numbers<[1], [0], [0], [1], [0, 0, 1, 1], [], []>, precision = #tpu.contract_precision<fp32>, transpose_lhs_hint = false} : vector<768x224xf32>, vector<224x224xf32>, vector<768x224xf32> -> vector<768x224xf32>
    %reshape3A_10 = vector.shape_cast %dot_general3A_9 : vector<768x224xf32> to vector<8x96x224xf32>
    %transpose3A = tpu.transpose %reshape3A_10, [0, 2, 1] : vector<8x96x224xf32> -> vector<8x224x96xf32>
    %reshape3A_11 = vector.shape_cast %transpose3A : vector<8x224x96xf32> to vector<8x4x56x96xf32>
    %slice3A_12 = vector.extract_strided_slice %reshape3A_11 {offsets = [0, 0, 0, 0], sizes = [8, 1, 56, 96], strides = [1, 1, 1, 1]} : vector<8x4x56x96xf32> to vector<8x1x56x96xf32>
    %squeeze3A_13 = vector.shape_cast %slice3A_12 : vector<8x1x56x96xf32> to vector<8x56x96xf32>
    %reshape3A_14 = vector.shape_cast %squeeze3A_13 : vector<8x56x96xf32> to vector<448x96xf32>
    %slice3A_15 = vector.extract_strided_slice %reshape3A_11 {offsets = [0, 1, 0, 0], sizes = [8, 1, 56, 96], strides = [1, 1, 1, 1]} : vector<8x4x56x96xf32> to vector<8x1x56x96xf32>
    %squeeze3A_16 = vector.shape_cast %slice3A_15 : vector<8x1x56x96xf32> to vector<8x56x96xf32>
    %reshape3A_17 = vector.shape_cast %squeeze3A_16 : vector<8x56x96xf32> to vector<448x96xf32>
    %slice3A_18 = vector.extract_strided_slice %reshape3A_11 {offsets = [0, 2, 0, 0], sizes = [8, 1, 56, 96], strides = [1, 1, 1, 1]} : vector<8x4x56x96xf32> to vector<8x1x56x96xf32>
    %squeeze3A_19 = vector.shape_cast %slice3A_18 : vector<8x1x56x96xf32> to vector<8x56x96xf32>
    %reshape3A_20 = vector.shape_cast %squeeze3A_19 : vector<8x56x96xf32> to vector<448x96xf32>
    %slice3A_21 = vector.extract_strided_slice %reshape3A_11 {offsets = [0, 3, 0, 0], sizes = [8, 1, 56, 96], strides = [1, 1, 1, 1]} : vector<8x4x56x96xf32> to vector<8x1x56x96xf32>
    %squeeze3A_22 = vector.shape_cast %slice3A_21 : vector<8x1x56x96xf32> to vector<8x56x96xf32>
    %reshape3A_23 = vector.shape_cast %squeeze3A_22 : vector<8x56x96xf32> to vector<448x96xf32>
    %slice3A_24 = vector.extract_strided_slice %reshape3A {offsets = [0, 1, 0, 0], sizes = [8, 1, 96, 224], strides = [1, 1, 1, 1]} : vector<8x4x96x224xf32> to vector<8x1x96x224xf32>
    %squeeze3A_25 = vector.shape_cast %slice3A_24 : vector<8x1x96x224xf32> to vector<8x96x224xf32>
    %reshape3A_26 = vector.shape_cast %squeeze3A_25 : vector<8x96x224xf32> to vector<768x224xf32>
    %get3A_27 = arith.constant 0 : index
    %get3A_28 = arith.constant 0 : index
    %get3A_29 = vector.load %arg2[%get3A_27, %get3A_28] : memref<224x224xf32, #tpu.memory_space<vmem>>, vector<224x224xf32>
    %dot_general3A_30 = arith.constant dense<0.000000e+00> : vector<768x224xf32>
    %dot_general3A_31 = tpu.matmul %reshape3A_26, %get3A_29, %dot_general3A_30 {dimension_numbers = #tpu.dot_dimension_numbers<[1], [0], [0], [1], [0, 0, 1, 1], [], []>, precision = #tpu.contract_precision<fp32>, transpose_lhs_hint = false} : vector<768x224xf32>, vector<224x224xf32>, vector<768x224xf32> -> vector<768x224xf32>
    %reshape3A_32 = vector.shape_cast %dot_general3A_31 : vector<768x224xf32> to vector<8x96x224xf32>
    %transpose3A_33 = tpu.transpose %reshape3A_32, [0, 2, 1] : vector<8x96x224xf32> -> vector<8x224x96xf32>
    %reshape3A_34 = vector.shape_cast %transpose3A_33 : vector<8x224x96xf32> to vector<8x4x56x96xf32>
    %slice3A_35 = vector.extract_strided_slice %reshape3A_34 {offsets = [0, 0, 0, 0], sizes = [8, 1, 56, 96], strides = [1, 1, 1, 1]} : vector<8x4x56x96xf32> to vector<8x1x56x96xf32>
    %squeeze3A_36 = vector.shape_cast %slice3A_35 : vector<8x1x56x96xf32> to vector<8x56x96xf32>
    %reshape3A_37 = vector.shape_cast %squeeze3A_36 : vector<8x56x96xf32> to vector<448x96xf32>
    %slice3A_38 = vector.extract_strided_slice %reshape3A_34 {offsets = [0, 1, 0, 0], sizes = [8, 1, 56, 96], strides = [1, 1, 1, 1]} : vector<8x4x56x96xf32> to vector<8x1x56x96xf32>
    %squeeze3A_39 = vector.shape_cast %slice3A_38 : vector<8x1x56x96xf32> to vector<8x56x96xf32>
    %reshape3A_40 = vector.shape_cast %squeeze3A_39 : vector<8x56x96xf32> to vector<448x96xf32>
    %slice3A_41 = vector.extract_strided_slice %reshape3A_34 {offsets = [0, 2, 0, 0], sizes = [8, 1, 56, 96], strides = [1, 1, 1, 1]} : vector<8x4x56x96xf32> to vector<8x1x56x96xf32>
    %squeeze3A_42 = vector.shape_cast %slice3A_41 : vector<8x1x56x96xf32> to vector<8x56x96xf32>
    %reshape3A_43 = vector.shape_cast %squeeze3A_42 : vector<8x56x96xf32> to vector<448x96xf32>
    %slice3A_44 = vector.extract_strided_slice %reshape3A_34 {offsets = [0, 3, 0, 0], sizes = [8, 1, 56, 96], strides = [1, 1, 1, 1]} : vector<8x4x56x96xf32> to vector<8x1x56x96xf32>
    %squeeze3A_45 = vector.shape_cast %slice3A_44 : vector<8x1x56x96xf32> to vector<8x56x96xf32>
    %reshape3A_46 = vector.shape_cast %squeeze3A_45 : vector<8x56x96xf32> to vector<448x96xf32>
    %slice3A_47 = vector.extract_strided_slice %reshape3A {offsets = [0, 2, 0, 0], sizes = [8, 1, 96, 224], strides = [1, 1, 1, 1]} : vector<8x4x96x224xf32> to vector<8x1x96x224xf32>
    %squeeze3A_48 = vector.shape_cast %slice3A_47 : vector<8x1x96x224xf32> to vector<8x96x224xf32>
    %reshape3A_49 = vector.shape_cast %squeeze3A_48 : vector<8x96x224xf32> to vector<768x224xf32>
    %get3A_50 = arith.constant 0 : index
    %get3A_51 = arith.constant 0 : index
    %get3A_52 = vector.load %arg2[%get3A_50, %get3A_51] : memref<224x224xf32, #tpu.memory_space<vmem>>, vector<224x224xf32>
    %dot_general3A_53 = arith.constant dense<0.000000e+00> : vector<768x224xf32>
    %dot_general3A_54 = tpu.matmul %reshape3A_49, %get3A_52, %dot_general3A_53 {dimension_numbers = #tpu.dot_dimension_numbers<[1], [0], [0], [1], [0, 0, 1, 1], [], []>, precision = #tpu.contract_precision<fp32>, transpose_lhs_hint = false} : vector<768x224xf32>, vector<224x224xf32>, vector<768x224xf32> -> vector<768x224xf32>
    %reshape3A_55 = vector.shape_cast %dot_general3A_54 : vector<768x224xf32> to vector<8x96x224xf32>
    %transpose3A_56 = tpu.transpose %reshape3A_55, [0, 2, 1] : vector<8x96x224xf32> -> vector<8x224x96xf32>
    %reshape3A_57 = vector.shape_cast %transpose3A_56 : vector<8x224x96xf32> to vector<8x4x56x96xf32>
    %slice3A_58 = vector.extract_strided_slice %reshape3A_57 {offsets = [0, 0, 0, 0], sizes = [8, 1, 56, 96], strides = [1, 1, 1, 1]} : vector<8x4x56x96xf32> to vector<8x1x56x96xf32>
    %squeeze3A_59 = vector.shape_cast %slice3A_58 : vector<8x1x56x96xf32> to vector<8x56x96xf32>
    %reshape3A_60 = vector.shape_cast %squeeze3A_59 : vector<8x56x96xf32> to vector<448x96xf32>
    %slice3A_61 = vector.extract_strided_slice %reshape3A_57 {offsets = [0, 1, 0, 0], sizes = [8, 1, 56, 96], strides = [1, 1, 1, 1]} : vector<8x4x56x96xf32> to vector<8x1x56x96xf32>
    %squeeze3A_62 = vector.shape_cast %slice3A_61 : vector<8x1x56x96xf32> to vector<8x56x96xf32>
    %reshape3A_63 = vector.shape_cast %squeeze3A_62 : vector<8x56x96xf32> to vector<448x96xf32>
    %slice3A_64 = vector.extract_strided_slice %reshape3A_57 {offsets = [0, 2, 0, 0], sizes = [8, 1, 56, 96], strides = [1, 1, 1, 1]} : vector<8x4x56x96xf32> to vector<8x1x56x96xf32>
    %squeeze3A_65 = vector.shape_cast %slice3A_64 : vector<8x1x56x96xf32> to vector<8x56x96xf32>
    %reshape3A_66 = vector.shape_cast %squeeze3A_65 : vector<8x56x96xf32> to vector<448x96xf32>
    %slice3A_67 = vector.extract_strided_slice %reshape3A_57 {offsets = [0, 3, 0, 0], sizes = [8, 1, 56, 96], strides = [1, 1, 1, 1]} : vector<8x4x56x96xf32> to vector<8x1x56x96xf32>
    %squeeze3A_68 = vector.shape_cast %slice3A_67 : vector<8x1x56x96xf32> to vector<8x56x96xf32>
    %reshape3A_69 = vector.shape_cast %squeeze3A_68 : vector<8x56x96xf32> to vector<448x96xf32>
    %slice3A_70 = vector.extract_strided_slice %reshape3A {offsets = [0, 3, 0, 0], sizes = [8, 1, 96, 224], strides = [1, 1, 1, 1]} : vector<8x4x96x224xf32> to vector<8x1x96x224xf32>
    %squeeze3A_71 = vector.shape_cast %slice3A_70 : vector<8x1x96x224xf32> to vector<8x96x224xf32>
    %reshape3A_72 = vector.shape_cast %squeeze3A_71 : vector<8x96x224xf32> to vector<768x224xf32>
    %get3A_73 = arith.constant 0 : index
    %get3A_74 = arith.constant 0 : index
    %get3A_75 = vector.load %arg2[%get3A_73, %get3A_74] : memref<224x224xf32, #tpu.memory_space<vmem>>, vector<224x224xf32>
    %dot_general3A_76 = arith.constant dense<0.000000e+00> : vector<768x224xf32>
    %dot_general3A_77 = tpu.matmul %reshape3A_72, %get3A_75, %dot_general3A_76 {dimension_numbers = #tpu.dot_dimension_numbers<[1], [0], [0], [1], [0, 0, 1, 1], [], []>, precision = #tpu.contract_precision<fp32>, transpose_lhs_hint = false} : vector<768x224xf32>, vector<224x224xf32>, vector<768x224xf32> -> vector<768x224xf32>
    %reshape3A_78 = vector.shape_cast %dot_general3A_77 : vector<768x224xf32> to vector<8x96x224xf32>
    %transpose3A_79 = tpu.transpose %reshape3A_78, [0, 2, 1] : vector<8x96x224xf32> -> vector<8x224x96xf32>
    %reshape3A_80 = vector.shape_cast %transpose3A_79 : vector<8x224x96xf32> to vector<8x4x56x96xf32>
    %slice3A_81 = vector.extract_strided_slice %reshape3A_80 {offsets = [0, 0, 0, 0], sizes = [8, 1, 56, 96], strides = [1, 1, 1, 1]} : vector<8x4x56x96xf32> to vector<8x1x56x96xf32>
    %squeeze3A_82 = vector.shape_cast %slice3A_81 : vector<8x1x56x96xf32> to vector<8x56x96xf32>
    %reshape3A_83 = vector.shape_cast %squeeze3A_82 : vector<8x56x96xf32> to vector<448x96xf32>
    %slice3A_84 = vector.extract_strided_slice %reshape3A_80 {offsets = [0, 1, 0, 0], sizes = [8, 1, 56, 96], strides = [1, 1, 1, 1]} : vector<8x4x56x96xf32> to vector<8x1x56x96xf32>
    %squeeze3A_85 = vector.shape_cast %slice3A_84 : vector<8x1x56x96xf32> to vector<8x56x96xf32>
    %reshape3A_86 = vector.shape_cast %squeeze3A_85 : vector<8x56x96xf32> to vector<448x96xf32>
    %slice3A_87 = vector.extract_strided_slice %reshape3A_80 {offsets = [0, 2, 0, 0], sizes = [8, 1, 56, 96], strides = [1, 1, 1, 1]} : vector<8x4x56x96xf32> to vector<8x1x56x96xf32>
    %squeeze3A_88 = vector.shape_cast %slice3A_87 : vector<8x1x56x96xf32> to vector<8x56x96xf32>
    %reshape3A_89 = vector.shape_cast %squeeze3A_88 : vector<8x56x96xf32> to vector<448x96xf32>
    %slice3A_90 = vector.extract_strided_slice %reshape3A_80 {offsets = [0, 3, 0, 0], sizes = [8, 1, 56, 96], strides = [1, 1, 1, 1]} : vector<8x4x56x96xf32> to vector<8x1x56x96xf32>
    %squeeze3A_91 = vector.shape_cast %slice3A_90 : vector<8x1x56x96xf32> to vector<8x56x96xf32>
    %reshape3A_92 = vector.shape_cast %squeeze3A_91 : vector<8x56x96xf32> to vector<448x96xf32>
    %reduce_sum3A = arith.constant dense<0.000000e+00> : vector<448xf32>
    %reduce_sum3A_93 = vector.multi_reduction <add>, %reshape3A_14, %reduce_sum3A [1] : vector<448x96xf32> to vector<448xf32>
    %broadcast_in_dim3A = vector.shape_cast %reduce_sum3A_93 : vector<448xf32> to vector<448x1xf32>
    %reduce_sum3A_94 = arith.constant dense<0.000000e+00> : vector<448xf32>
    %reduce_sum3A_95 = vector.multi_reduction <add>, %reshape3A_17, %reduce_sum3A_94 [1] : vector<448x96xf32> to vector<448xf32>
    %broadcast_in_dim3A_96 = vector.shape_cast %reduce_sum3A_95 : vector<448xf32> to vector<448x1xf32>
    %add3A = arith.addf %broadcast_in_dim3A, %broadcast_in_dim3A_96 : vector<448x1xf32>
    %reduce_sum3A_97 = arith.constant dense<0.000000e+00> : vector<448xf32>
    %reduce_sum3A_98 = vector.multi_reduction <add>, %reshape3A_20, %reduce_sum3A_97 [1] : vector<448x96xf32> to vector<448xf32>
    %broadcast_in_dim3A_99 = vector.shape_cast %reduce_sum3A_98 : vector<448xf32> to vector<448x1xf32>
    %add3A_100 = arith.addf %add3A, %broadcast_in_dim3A_99 : vector<448x1xf32>
    %reduce_sum3A_101 = arith.constant dense<0.000000e+00> : vector<448xf32>
    %reduce_sum3A_102 = vector.multi_reduction <add>, %reshape3A_23, %reduce_sum3A_101 [1] : vector<448x96xf32> to vector<448xf32>
    %broadcast_in_dim3A_103 = vector.shape_cast %reduce_sum3A_102 : vector<448xf32> to vector<448x1xf32>
    %add3A_104 = arith.addf %add3A_100, %broadcast_in_dim3A_103 : vector<448x1xf32>
    %reduce_sum3A_105 = arith.constant dense<0.000000e+00> : vector<448xf32>
    %reduce_sum3A_106 = vector.multi_reduction <add>, %reshape3A_37, %reduce_sum3A_105 [1] : vector<448x96xf32> to vector<448xf32>
    %broadcast_in_dim3A_107 = vector.shape_cast %reduce_sum3A_106 : vector<448xf32> to vector<448x1xf32>
    %add3A_108 = arith.addf %add3A_104, %broadcast_in_dim3A_107 : vector<448x1xf32>
    %reduce_sum3A_109 = arith.constant dense<0.000000e+00> : vector<448xf32>
    %reduce_sum3A_110 = vector.multi_reduction <add>, %reshape3A_40, %reduce_sum3A_109 [1] : vector<448x96xf32> to vector<448xf32>
    %broadcast_in_dim3A_111 = vector.shape_cast %reduce_sum3A_110 : vector<448xf32> to vector<448x1xf32>
    %add3A_112 = arith.addf %add3A_108, %broadcast_in_dim3A_111 : vector<448x1xf32>
    %reduce_sum3A_113 = arith.constant dense<0.000000e+00> : vector<448xf32>
    %reduce_sum3A_114 = vector.multi_reduction <add>, %reshape3A_43, %reduce_sum3A_113 [1] : vector<448x96xf32> to vector<448xf32>
    %broadcast_in_dim3A_115 = vector.shape_cast %reduce_sum3A_114 : vector<448xf32> to vector<448x1xf32>
    %add3A_116 = arith.addf %add3A_112, %broadcast_in_dim3A_115 : vector<448x1xf32>
    %reduce_sum3A_117 = arith.constant dense<0.000000e+00> : vector<448xf32>
    %reduce_sum3A_118 = vector.multi_reduction <add>, %reshape3A_46, %reduce_sum3A_117 [1] : vector<448x96xf32> to vector<448xf32>
    %broadcast_in_dim3A_119 = vector.shape_cast %reduce_sum3A_118 : vector<448xf32> to vector<448x1xf32>
    %add3A_120 = arith.addf %add3A_116, %broadcast_in_dim3A_119 : vector<448x1xf32>
    %reduce_sum3A_121 = arith.constant dense<0.000000e+00> : vector<448xf32>
    %reduce_sum3A_122 = vector.multi_reduction <add>, %reshape3A_60, %reduce_sum3A_121 [1] : vector<448x96xf32> to vector<448xf32>
    %broadcast_in_dim3A_123 = vector.shape_cast %reduce_sum3A_122 : vector<448xf32> to vector<448x1xf32>
    %add3A_124 = arith.addf %add3A_120, %broadcast_in_dim3A_123 : vector<448x1xf32>
    %reduce_sum3A_125 = arith.constant dense<0.000000e+00> : vector<448xf32>
    %reduce_sum3A_126 = vector.multi_reduction <add>, %reshape3A_63, %reduce_sum3A_125 [1] : vector<448x96xf32> to vector<448xf32>
    %broadcast_in_dim3A_127 = vector.shape_cast %reduce_sum3A_126 : vector<448xf32> to vector<448x1xf32>
    %add3A_128 = arith.addf %add3A_124, %broadcast_in_dim3A_127 : vector<448x1xf32>
    %reduce_sum3A_129 = arith.constant dense<0.000000e+00> : vector<448xf32>
    %reduce_sum3A_130 = vector.multi_reduction <add>, %reshape3A_66, %reduce_sum3A_129 [1] : vector<448x96xf32> to vector<448xf32>
    %broadcast_in_dim3A_131 = vector.shape_cast %reduce_sum3A_130 : vector<448xf32> to vector<448x1xf32>
    %add3A_132 = arith.addf %add3A_128, %broadcast_in_dim3A_131 : vector<448x1xf32>
    %reduce_sum3A_133 = arith.constant dense<0.000000e+00> : vector<448xf32>
    %reduce_sum3A_134 = vector.multi_reduction <add>, %reshape3A_69, %reduce_sum3A_133 [1] : vector<448x96xf32> to vector<448xf32>
    %broadcast_in_dim3A_135 = vector.shape_cast %reduce_sum3A_134 : vector<448xf32> to vector<448x1xf32>
    %add3A_136 = arith.addf %add3A_132, %broadcast_in_dim3A_135 : vector<448x1xf32>
    %reduce_sum3A_137 = arith.constant dense<0.000000e+00> : vector<448xf32>
    %reduce_sum3A_138 = vector.multi_reduction <add>, %reshape3A_83, %reduce_sum3A_137 [1] : vector<448x96xf32> to vector<448xf32>
    %broadcast_in_dim3A_139 = vector.shape_cast %reduce_sum3A_138 : vector<448xf32> to vector<448x1xf32>
    %add3A_140 = arith.addf %add3A_136, %broadcast_in_dim3A_139 : vector<448x1xf32>
    %reduce_sum3A_141 = arith.constant dense<0.000000e+00> : vector<448xf32>
    %reduce_sum3A_142 = vector.multi_reduction <add>, %reshape3A_86, %reduce_sum3A_141 [1] : vector<448x96xf32> to vector<448xf32>
    %broadcast_in_dim3A_143 = vector.shape_cast %reduce_sum3A_142 : vector<448xf32> to vector<448x1xf32>
    %add3A_144 = arith.addf %add3A_140, %broadcast_in_dim3A_143 : vector<448x1xf32>
    %reduce_sum3A_145 = arith.constant dense<0.000000e+00> : vector<448xf32>
    %reduce_sum3A_146 = vector.multi_reduction <add>, %reshape3A_89, %reduce_sum3A_145 [1] : vector<448x96xf32> to vector<448xf32>
    %broadcast_in_dim3A_147 = vector.shape_cast %reduce_sum3A_146 : vector<448xf32> to vector<448x1xf32>
    %add3A_148 = arith.addf %add3A_144, %broadcast_in_dim3A_147 : vector<448x1xf32>
    %reduce_sum3A_149 = arith.constant dense<0.000000e+00> : vector<448xf32>
    %reduce_sum3A_150 = vector.multi_reduction <add>, %reshape3A_92, %reduce_sum3A_149 [1] : vector<448x96xf32> to vector<448xf32>
    %broadcast_in_dim3A_151 = vector.shape_cast %reduce_sum3A_150 : vector<448xf32> to vector<448x1xf32>
    %add3A_152 = arith.addf %add3A_148, %broadcast_in_dim3A_151 : vector<448x1xf32>
    %mul3A = arith.constant 6.51041686E-4 : f32
    %mul3A_153 = vector.broadcast %mul3A : f32 to vector<448x1xf32>
    %mul3A_154 = arith.mulf %add3A_152, %mul3A_153 : vector<448x1xf32>
    %sub3A = vector.broadcast %mul3A_154 : vector<448x1xf32> to vector<448x96xf32>
    %sub3A_155 = arith.subf %reshape3A_14, %sub3A : vector<448x96xf32>
    %mul3A_156 = arith.mulf %sub3A_155, %sub3A_155 : vector<448x96xf32>
    %reduce_sum3A_157 = arith.constant dense<0.000000e+00> : vector<448xf32>
    %reduce_sum3A_158 = vector.multi_reduction <add>, %mul3A_156, %reduce_sum3A_157 [1] : vector<448x96xf32> to vector<448xf32>
    %broadcast_in_dim3A_159 = vector.shape_cast %reduce_sum3A_158 : vector<448xf32> to vector<448x1xf32>
    %sub3A_160 = vector.broadcast %mul3A_154 : vector<448x1xf32> to vector<448x96xf32>
    %sub3A_161 = arith.subf %reshape3A_17, %sub3A_160 : vector<448x96xf32>
    %mul3A_162 = arith.mulf %sub3A_161, %sub3A_161 : vector<448x96xf32>
    %reduce_sum3A_163 = arith.constant dense<0.000000e+00> : vector<448xf32>
    %reduce_sum3A_164 = vector.multi_reduction <add>, %mul3A_162, %reduce_sum3A_163 [1] : vector<448x96xf32> to vector<448xf32>
    %broadcast_in_dim3A_165 = vector.shape_cast %reduce_sum3A_164 : vector<448xf32> to vector<448x1xf32>
    %add3A_166 = arith.addf %broadcast_in_dim3A_159, %broadcast_in_dim3A_165 : vector<448x1xf32>
    %sub3A_167 = vector.broadcast %mul3A_154 : vector<448x1xf32> to vector<448x96xf32>
    %sub3A_168 = arith.subf %reshape3A_20, %sub3A_167 : vector<448x96xf32>
    %mul3A_169 = arith.mulf %sub3A_168, %sub3A_168 : vector<448x96xf32>
    %reduce_sum3A_170 = arith.constant dense<0.000000e+00> : vector<448xf32>
    %reduce_sum3A_171 = vector.multi_reduction <add>, %mul3A_169, %reduce_sum3A_170 [1] : vector<448x96xf32> to vector<448xf32>
    %broadcast_in_dim3A_172 = vector.shape_cast %reduce_sum3A_171 : vector<448xf32> to vector<448x1xf32>
    %add3A_173 = arith.addf %add3A_166, %broadcast_in_dim3A_172 : vector<448x1xf32>
    %sub3A_174 = vector.broadcast %mul3A_154 : vector<448x1xf32> to vector<448x96xf32>
    %sub3A_175 = arith.subf %reshape3A_23, %sub3A_174 : vector<448x96xf32>
    %mul3A_176 = arith.mulf %sub3A_175, %sub3A_175 : vector<448x96xf32>
    %reduce_sum3A_177 = arith.constant dense<0.000000e+00> : vector<448xf32>
    %reduce_sum3A_178 = vector.multi_reduction <add>, %mul3A_176, %reduce_sum3A_177 [1] : vector<448x96xf32> to vector<448xf32>
    %broadcast_in_dim3A_179 = vector.shape_cast %reduce_sum3A_178 : vector<448xf32> to vector<448x1xf32>
    %add3A_180 = arith.addf %add3A_173, %broadcast_in_dim3A_179 : vector<448x1xf32>
    %sub3A_181 = vector.broadcast %mul3A_154 : vector<448x1xf32> to vector<448x96xf32>
    %sub3A_182 = arith.subf %reshape3A_37, %sub3A_181 : vector<448x96xf32>
    %mul3A_183 = arith.mulf %sub3A_182, %sub3A_182 : vector<448x96xf32>
    %reduce_sum3A_184 = arith.constant dense<0.000000e+00> : vector<448xf32>
    %reduce_sum3A_185 = vector.multi_reduction <add>, %mul3A_183, %reduce_sum3A_184 [1] : vector<448x96xf32> to vector<448xf32>
    %broadcast_in_dim3A_186 = vector.shape_cast %reduce_sum3A_185 : vector<448xf32> to vector<448x1xf32>
    %add3A_187 = arith.addf %add3A_180, %broadcast_in_dim3A_186 : vector<448x1xf32>
    %sub3A_188 = vector.broadcast %mul3A_154 : vector<448x1xf32> to vector<448x96xf32>
    %sub3A_189 = arith.subf %reshape3A_40, %sub3A_188 : vector<448x96xf32>
    %mul3A_190 = arith.mulf %sub3A_189, %sub3A_189 : vector<448x96xf32>
    %reduce_sum3A_191 = arith.constant dense<0.000000e+00> : vector<448xf32>
    %reduce_sum3A_192 = vector.multi_reduction <add>, %mul3A_190, %reduce_sum3A_191 [1] : vector<448x96xf32> to vector<448xf32>
    %broadcast_in_dim3A_193 = vector.shape_cast %reduce_sum3A_192 : vector<448xf32> to vector<448x1xf32>
    %add3A_194 = arith.addf %add3A_187, %broadcast_in_dim3A_193 : vector<448x1xf32>
    %sub3A_195 = vector.broadcast %mul3A_154 : vector<448x1xf32> to vector<448x96xf32>
    %sub3A_196 = arith.subf %reshape3A_43, %sub3A_195 : vector<448x96xf32>
    %mul3A_197 = arith.mulf %sub3A_196, %sub3A_196 : vector<448x96xf32>
    %reduce_sum3A_198 = arith.constant dense<0.000000e+00> : vector<448xf32>
    %reduce_sum3A_199 = vector.multi_reduction <add>, %mul3A_197, %reduce_sum3A_198 [1] : vector<448x96xf32> to vector<448xf32>
    %broadcast_in_dim3A_200 = vector.shape_cast %reduce_sum3A_199 : vector<448xf32> to vector<448x1xf32>
    %add3A_201 = arith.addf %add3A_194, %broadcast_in_dim3A_200 : vector<448x1xf32>
    %sub3A_202 = vector.broadcast %mul3A_154 : vector<448x1xf32> to vector<448x96xf32>
    %sub3A_203 = arith.subf %reshape3A_46, %sub3A_202 : vector<448x96xf32>
    %mul3A_204 = arith.mulf %sub3A_203, %sub3A_203 : vector<448x96xf32>
    %reduce_sum3A_205 = arith.constant dense<0.000000e+00> : vector<448xf32>
    %reduce_sum3A_206 = vector.multi_reduction <add>, %mul3A_204, %reduce_sum3A_205 [1] : vector<448x96xf32> to vector<448xf32>
    %broadcast_in_dim3A_207 = vector.shape_cast %reduce_sum3A_206 : vector<448xf32> to vector<448x1xf32>
    %add3A_208 = arith.addf %add3A_201, %broadcast_in_dim3A_207 : vector<448x1xf32>
    %sub3A_209 = vector.broadcast %mul3A_154 : vector<448x1xf32> to vector<448x96xf32>
    %sub3A_210 = arith.subf %reshape3A_60, %sub3A_209 : vector<448x96xf32>
    %mul3A_211 = arith.mulf %sub3A_210, %sub3A_210 : vector<448x96xf32>
    %reduce_sum3A_212 = arith.constant dense<0.000000e+00> : vector<448xf32>
    %reduce_sum3A_213 = vector.multi_reduction <add>, %mul3A_211, %reduce_sum3A_212 [1] : vector<448x96xf32> to vector<448xf32>
    %broadcast_in_dim3A_214 = vector.shape_cast %reduce_sum3A_213 : vector<448xf32> to vector<448x1xf32>
    %add3A_215 = arith.addf %add3A_208, %broadcast_in_dim3A_214 : vector<448x1xf32>
    %sub3A_216 = vector.broadcast %mul3A_154 : vector<448x1xf32> to vector<448x96xf32>
    %sub3A_217 = arith.subf %reshape3A_63, %sub3A_216 : vector<448x96xf32>
    %mul3A_218 = arith.mulf %sub3A_217, %sub3A_217 : vector<448x96xf32>
    %reduce_sum3A_219 = arith.constant dense<0.000000e+00> : vector<448xf32>
    %reduce_sum3A_220 = vector.multi_reduction <add>, %mul3A_218, %reduce_sum3A_219 [1] : vector<448x96xf32> to vector<448xf32>
    %broadcast_in_dim3A_221 = vector.shape_cast %reduce_sum3A_220 : vector<448xf32> to vector<448x1xf32>
    %add3A_222 = arith.addf %add3A_215, %broadcast_in_dim3A_221 : vector<448x1xf32>
    %sub3A_223 = vector.broadcast %mul3A_154 : vector<448x1xf32> to vector<448x96xf32>
    %sub3A_224 = arith.subf %reshape3A_66, %sub3A_223 : vector<448x96xf32>
    %mul3A_225 = arith.mulf %sub3A_224, %sub3A_224 : vector<448x96xf32>
    %reduce_sum3A_226 = arith.constant dense<0.000000e+00> : vector<448xf32>
    %reduce_sum3A_227 = vector.multi_reduction <add>, %mul3A_225, %reduce_sum3A_226 [1] : vector<448x96xf32> to vector<448xf32>
    %broadcast_in_dim3A_228 = vector.shape_cast %reduce_sum3A_227 : vector<448xf32> to vector<448x1xf32>
    %add3A_229 = arith.addf %add3A_222, %broadcast_in_dim3A_228 : vector<448x1xf32>
    %sub3A_230 = vector.broadcast %mul3A_154 : vector<448x1xf32> to vector<448x96xf32>
    %sub3A_231 = arith.subf %reshape3A_69, %sub3A_230 : vector<448x96xf32>
    %mul3A_232 = arith.mulf %sub3A_231, %sub3A_231 : vector<448x96xf32>
    %reduce_sum3A_233 = arith.constant dense<0.000000e+00> : vector<448xf32>
    %reduce_sum3A_234 = vector.multi_reduction <add>, %mul3A_232, %reduce_sum3A_233 [1] : vector<448x96xf32> to vector<448xf32>
    %broadcast_in_dim3A_235 = vector.shape_cast %reduce_sum3A_234 : vector<448xf32> to vector<448x1xf32>
    %add3A_236 = arith.addf %add3A_229, %broadcast_in_dim3A_235 : vector<448x1xf32>
    %sub3A_237 = vector.broadcast %mul3A_154 : vector<448x1xf32> to vector<448x96xf32>
    %sub3A_238 = arith.subf %reshape3A_83, %sub3A_237 : vector<448x96xf32>
    %mul3A_239 = arith.mulf %sub3A_238, %sub3A_238 : vector<448x96xf32>
    %reduce_sum3A_240 = arith.constant dense<0.000000e+00> : vector<448xf32>
    %reduce_sum3A_241 = vector.multi_reduction <add>, %mul3A_239, %reduce_sum3A_240 [1] : vector<448x96xf32> to vector<448xf32>
    %broadcast_in_dim3A_242 = vector.shape_cast %reduce_sum3A_241 : vector<448xf32> to vector<448x1xf32>
    %add3A_243 = arith.addf %add3A_236, %broadcast_in_dim3A_242 : vector<448x1xf32>
    %sub3A_244 = vector.broadcast %mul3A_154 : vector<448x1xf32> to vector<448x96xf32>
    %sub3A_245 = arith.subf %reshape3A_86, %sub3A_244 : vector<448x96xf32>
    %mul3A_246 = arith.mulf %sub3A_245, %sub3A_245 : vector<448x96xf32>
    %reduce_sum3A_247 = arith.constant dense<0.000000e+00> : vector<448xf32>
    %reduce_sum3A_248 = vector.multi_reduction <add>, %mul3A_246, %reduce_sum3A_247 [1] : vector<448x96xf32> to vector<448xf32>
    %broadcast_in_dim3A_249 = vector.shape_cast %reduce_sum3A_248 : vector<448xf32> to vector<448x1xf32>
    %add3A_250 = arith.addf %add3A_243, %broadcast_in_dim3A_249 : vector<448x1xf32>
    %sub3A_251 = vector.broadcast %mul3A_154 : vector<448x1xf32> to vector<448x96xf32>
    %sub3A_252 = arith.subf %reshape3A_89, %sub3A_251 : vector<448x96xf32>
    %mul3A_253 = arith.mulf %sub3A_252, %sub3A_252 : vector<448x96xf32>
    %reduce_sum3A_254 = arith.constant dense<0.000000e+00> : vector<448xf32>
    %reduce_sum3A_255 = vector.multi_reduction <add>, %mul3A_253, %reduce_sum3A_254 [1] : vector<448x96xf32> to vector<448xf32>
    %broadcast_in_dim3A_256 = vector.shape_cast %reduce_sum3A_255 : vector<448xf32> to vector<448x1xf32>
    %add3A_257 = arith.addf %add3A_250, %broadcast_in_dim3A_256 : vector<448x1xf32>
    %sub3A_258 = vector.broadcast %mul3A_154 : vector<448x1xf32> to vector<448x96xf32>
    %sub3A_259 = arith.subf %reshape3A_92, %sub3A_258 : vector<448x96xf32>
    %mul3A_260 = arith.mulf %sub3A_259, %sub3A_259 : vector<448x96xf32>
    %reduce_sum3A_261 = arith.constant dense<0.000000e+00> : vector<448xf32>
    %reduce_sum3A_262 = vector.multi_reduction <add>, %mul3A_260, %reduce_sum3A_261 [1] : vector<448x96xf32> to vector<448xf32>
    %broadcast_in_dim3A_263 = vector.shape_cast %reduce_sum3A_262 : vector<448xf32> to vector<448x1xf32>
    %add3A_264 = arith.addf %add3A_257, %broadcast_in_dim3A_263 : vector<448x1xf32>
    %sqrt3A = math.sqrt %add3A_264 : vector<448x1xf32>
    %add3A_265 = arith.constant 9.99999974E-6 : f32
    %add3A_266 = vector.broadcast %add3A_265 : f32 to vector<448x1xf32>
    %add3A_267 = arith.addf %sqrt3A, %add3A_266 : vector<448x1xf32>
    %div3A = arith.constant 1.000000e+00 : f32
    %div3A_268 = vector.broadcast %div3A : f32 to vector<448x1xf32>
    %div3A_269 = arith.divf %div3A_268, %add3A_267 : vector<448x1xf32>
    %sub3A_270 = vector.broadcast %mul3A_154 : vector<448x1xf32> to vector<448x96xf32>
    %sub3A_271 = arith.subf %reshape3A_14, %sub3A_270 : vector<448x96xf32>
    %mul3A_272 = vector.broadcast %div3A_269 : vector<448x1xf32> to vector<448x96xf32>
    %mul3A_273 = arith.mulf %sub3A_271, %mul3A_272 : vector<448x96xf32>
    %sub3A_274 = vector.broadcast %mul3A_154 : vector<448x1xf32> to vector<448x96xf32>
    %sub3A_275 = arith.subf %reshape3A_17, %sub3A_274 : vector<448x96xf32>
    %mul3A_276 = vector.broadcast %div3A_269 : vector<448x1xf32> to vector<448x96xf32>
    %mul3A_277 = arith.mulf %sub3A_275, %mul3A_276 : vector<448x96xf32>
    %sub3A_278 = vector.broadcast %mul3A_154 : vector<448x1xf32> to vector<448x96xf32>
    %sub3A_279 = arith.subf %reshape3A_20, %sub3A_278 : vector<448x96xf32>
    %mul3A_280 = vector.broadcast %div3A_269 : vector<448x1xf32> to vector<448x96xf32>
    %mul3A_281 = arith.mulf %sub3A_279, %mul3A_280 : vector<448x96xf32>
    %sub3A_282 = vector.broadcast %mul3A_154 : vector<448x1xf32> to vector<448x96xf32>
    %sub3A_283 = arith.subf %reshape3A_23, %sub3A_282 : vector<448x96xf32>
    %mul3A_284 = vector.broadcast %div3A_269 : vector<448x1xf32> to vector<448x96xf32>
    %mul3A_285 = arith.mulf %sub3A_283, %mul3A_284 : vector<448x96xf32>
    %sub3A_286 = vector.broadcast %mul3A_154 : vector<448x1xf32> to vector<448x96xf32>
    %sub3A_287 = arith.subf %reshape3A_37, %sub3A_286 : vector<448x96xf32>
    %mul3A_288 = vector.broadcast %div3A_269 : vector<448x1xf32> to vector<448x96xf32>
    %mul3A_289 = arith.mulf %sub3A_287, %mul3A_288 : vector<448x96xf32>
    %sub3A_290 = vector.broadcast %mul3A_154 : vector<448x1xf32> to vector<448x96xf32>
    %sub3A_291 = arith.subf %reshape3A_40, %sub3A_290 : vector<448x96xf32>
    %mul3A_292 = vector.broadcast %div3A_269 : vector<448x1xf32> to vector<448x96xf32>
    %mul3A_293 = arith.mulf %sub3A_291, %mul3A_292 : vector<448x96xf32>
    %sub3A_294 = vector.broadcast %mul3A_154 : vector<448x1xf32> to vector<448x96xf32>
    %sub3A_295 = arith.subf %reshape3A_43, %sub3A_294 : vector<448x96xf32>
    %mul3A_296 = vector.broadcast %div3A_269 : vector<448x1xf32> to vector<448x96xf32>
    %mul3A_297 = arith.mulf %sub3A_295, %mul3A_296 : vector<448x96xf32>
    %sub3A_298 = vector.broadcast %mul3A_154 : vector<448x1xf32> to vector<448x96xf32>
    %sub3A_299 = arith.subf %reshape3A_46, %sub3A_298 : vector<448x96xf32>
    %mul3A_300 = vector.broadcast %div3A_269 : vector<448x1xf32> to vector<448x96xf32>
    %mul3A_301 = arith.mulf %sub3A_299, %mul3A_300 : vector<448x96xf32>
    %sub3A_302 = vector.broadcast %mul3A_154 : vector<448x1xf32> to vector<448x96xf32>
    %sub3A_303 = arith.subf %reshape3A_60, %sub3A_302 : vector<448x96xf32>
    %mul3A_304 = vector.broadcast %div3A_269 : vector<448x1xf32> to vector<448x96xf32>
    %mul3A_305 = arith.mulf %sub3A_303, %mul3A_304 : vector<448x96xf32>
    %sub3A_306 = vector.broadcast %mul3A_154 : vector<448x1xf32> to vector<448x96xf32>
    %sub3A_307 = arith.subf %reshape3A_63, %sub3A_306 : vector<448x96xf32>
    %mul3A_308 = vector.broadcast %div3A_269 : vector<448x1xf32> to vector<448x96xf32>
    %mul3A_309 = arith.mulf %sub3A_307, %mul3A_308 : vector<448x96xf32>
    %sub3A_310 = vector.broadcast %mul3A_154 : vector<448x1xf32> to vector<448x96xf32>
    %sub3A_311 = arith.subf %reshape3A_66, %sub3A_310 : vector<448x96xf32>
    %mul3A_312 = vector.broadcast %div3A_269 : vector<448x1xf32> to vector<448x96xf32>
    %mul3A_313 = arith.mulf %sub3A_311, %mul3A_312 : vector<448x96xf32>
    %sub3A_314 = vector.broadcast %mul3A_154 : vector<448x1xf32> to vector<448x96xf32>
    %sub3A_315 = arith.subf %reshape3A_69, %sub3A_314 : vector<448x96xf32>
    %mul3A_316 = vector.broadcast %div3A_269 : vector<448x1xf32> to vector<448x96xf32>
    %mul3A_317 = arith.mulf %sub3A_315, %mul3A_316 : vector<448x96xf32>
    %sub3A_318 = vector.broadcast %mul3A_154 : vector<448x1xf32> to vector<448x96xf32>
    %sub3A_319 = arith.subf %reshape3A_83, %sub3A_318 : vector<448x96xf32>
    %mul3A_320 = vector.broadcast %div3A_269 : vector<448x1xf32> to vector<448x96xf32>
    %mul3A_321 = arith.mulf %sub3A_319, %mul3A_320 : vector<448x96xf32>
    %sub3A_322 = vector.broadcast %mul3A_154 : vector<448x1xf32> to vector<448x96xf32>
    %sub3A_323 = arith.subf %reshape3A_86, %sub3A_322 : vector<448x96xf32>
    %mul3A_324 = vector.broadcast %div3A_269 : vector<448x1xf32> to vector<448x96xf32>
    %mul3A_325 = arith.mulf %sub3A_323, %mul3A_324 : vector<448x96xf32>
    %sub3A_326 = vector.broadcast %mul3A_154 : vector<448x1xf32> to vector<448x96xf32>
    %sub3A_327 = arith.subf %reshape3A_89, %sub3A_326 : vector<448x96xf32>
    %mul3A_328 = vector.broadcast %div3A_269 : vector<448x1xf32> to vector<448x96xf32>
    %mul3A_329 = arith.mulf %sub3A_327, %mul3A_328 : vector<448x96xf32>
    %sub3A_330 = vector.broadcast %mul3A_154 : vector<448x1xf32> to vector<448x96xf32>
    %sub3A_331 = arith.subf %reshape3A_92, %sub3A_330 : vector<448x96xf32>
    %mul3A_332 = vector.broadcast %div3A_269 : vector<448x1xf32> to vector<448x96xf32>
    %mul3A_333 = arith.mulf %sub3A_331, %mul3A_332 : vector<448x96xf32>
    %concatenate3A = tpu.concatenate %mul3A_273, %mul3A_277, %mul3A_281, %mul3A_285, %mul3A_289, %mul3A_293, %mul3A_297, %mul3A_301, %mul3A_305, %mul3A_309, %mul3A_313, %mul3A_317, %mul3A_321, %mul3A_325, %mul3A_329, %mul3A_333 in 1 : vector<448x96xf32>, vector<448x96xf32>, vector<448x96xf32>, vector<448x96xf32>, vector<448x96xf32>, vector<448x96xf32>, vector<448x96xf32>, vector<448x96xf32>, vector<448x96xf32>, vector<448x96xf32>, vector<448x96xf32>, vector<448x96xf32>, vector<448x96xf32>, vector<448x96xf32>, vector<448x96xf32>, vector<448x96xf32> -> vector<448x1536xf32>
    %swap3A = arith.constant 0 : index
    %swap3A_334 = arith.constant 0 : index
    %swap3A_335 = vector.load %arg3[%swap3A, %swap3A_334] : memref<448x1536xf32, #tpu.memory_space<vmem>>, vector<448x1536xf32>
    tpu.vector_store %arg3[%swap3A, %swap3A_334], %concatenate3A {strides = array<i32>} : memref<448x1536xf32, #tpu.memory_space<vmem>>, vector<448x1536xf32>,
    return
  }
  func.func @transform_0(%arg0: i32) -> (i32, i32, i32, i32) {
    %c0_i32 = arith.constant 0 : i32
    %c0_i32_0 = arith.constant 0 : i32
    %c0_i32_1 = arith.constant 0 : i32
    %c0_i32_2 = arith.constant 0 : i32
    return %arg0, %c0_i32, %c0_i32_0, %c0_i32_1 : i32, i32, i32, i32
  }
  func.func @transform_1(%arg0: i32) -> (i32, i32) {
    %c0_i32 = arith.constant 0 : i32
    %c0_i32_0 = arith.constant 0 : i32
    %c0_i32_1 = arith.constant 0 : i32
    return %c0_i32, %c0_i32_0 : i32, i32
  }
  func.func @transform_2(%arg0: i32) -> (i32, i32) {
    %c0_i32 = arith.constant 0 : i32
    %c0_i32_0 = arith.constant 0 : i32
    return %arg0, %c0_i32 : i32, i32
  }
}

</mosaic_0001>

<sc_bundles>
// kernel: kernel.5.cloned.1.call-start
scs
__scs_entry_jumppad:
0x0: {  	(pc) =	sbr.rel $0x88, $3  }
0x1: {  	(tag) =	ssettag $0x0;
	lr =	simm.s32 $0x1  }
0x2: {  	[smem:$0x3F9F] =	sst lr;
	_ =	strace $0xD0000000  }
0x3: {  	_ = 	snop  }
0x4: {  	_ = 	snop  }
0x5: {  	_ = 	snop  }
0x6: {  	_ = 	snop  }
0x7: {  	_ = 	snop  }
__scs_overlays_trampoline_lowered:
0x8: {  	[smem:$0x3FAE] =	sst s0  }
0x9: {  	[smem:$0x3FAF] =	sst s1  }
0xa: {  	[smem:$0x3FB0] =	sst s2  }
0xb: {  	[smem:$0x3FB1] =	sst s3  }
0xc: {  	[smem:$0x3FB2] =	sst s4  }
0xd: {  	[smem:$0x3FB3] =	sst s5  }
0xe: {  	[smem:$0x3FB4] =	sst s6  }
0xf: {  	[smem:$0x3FB5] =	sst s7  }
0x10: {  	[smem:$0x3FB6] =	sst s8  }
0x11: {  	[smem:$0x3FB7] =	sst s9;
	s0 =	simm.s32 @!p0 $0x0  }
0x12: {  	s1 =	sld [smem:$0x3F9D];
	s0 =	simm.s32 @p0 $0x1  }
0x13: {  	[smem:$0x3FB8] =	sst s0;
	s0 =	simm.s32 @!p1 $0x0  }
0x14: {  	s2 =	sld [smem:$0x3F9C];
	s0 =	simm.s32 @p1 $0x1  }
0x15: {  	[smem:$0x3FB9] =	sst s0;
	s0 =	simm.s32 @!p2 $0x0  }
0x16: {  	s3 =	sld [smem:$0x3FDB];
	s0 =	simm.s32 @p2 $0x1  }
0x17: {  	s4 =	simm.s32 $0x1BF5;
	[smem:$0x3FBB] =	sst s0  }
0x18: {  	s0 =	sld [smem:$0x3F9E];
	_ =	swait.ge [sflag:s4], $0x0  }
0x19: {  	s7 =	sld [smem:$0x3F9F]  }
0x1a: {  	s8 =	sadd.s32 $0xFFFFE003, lr  }
0x1b: {  	s9 =	sadd.s32 $0xFFFFFEF7, lr;
	s5 =	simm.s32 $0xFFFFFFFF;
	p2 =	slt.u32 s8, $0xFFFFF086  }
0x1c: {  	p1 =	slt.u32 s9, $0xF7A;
	s5 =	simm.s32 @!p2 $0x0  }
0x1d: {  	s5 =	simm.s32 @p1 $0x1;
	p0 =	seq.s32 s7, s2  }
0x1e: {  	s7 =	smul.u32 @!p0 $0xF7A, s2;
	p2 =	seq.s32 @!p0 s5, $0x0  }
0x1f: {  	s9 =	smul.u32 $0xF7A, s1;
	s8 =	simm.s32 @!p0 $0x1BF5;
	p2 =	por !p2, p0  }
0x20: {  	[sflag:s8] =	ssyncset.s32 @!p0 $0xFFFFF086;
	s6 =	sadd.s32 @!p0 s3, s7;
	s7 =	simm.s32 @!p0 $0x108  }
0x21: {  	s3 =	sadd.s32 s3, s9;
	s6 =	sadd.s32 @!p0 $0x88, s6;
	s7 =	simm.s32 @p2 $0x1082  }
0x22: {  	[simem:s7], [sflag:s8] =	dma.local @!p0 [hbm:s6], $0xF7A  }
0x23: {  	s9 =	sor.u32 $0xD0000000, s2;
	s6 =	simm.s32 $0x108;
	_ =	swait.ge @!p0 [sflag:s8], $0x0  }
0x24: {  	s3 =	sadd.s32 $0x88, s3;
	s6 =	simm.s32 @!p1 $0x1082;
	[sflag:s4] =	ssyncset.s32 $0xFFFFF086  }
0x25: {  	[simem:s6], [sflag:s4] =	dma.local [hbm:s3], $0xF7A  }
0x26: {  	[smem:$0x3F9F] =	sst s1;
	(tag) =	ssettag s2;
	_ =	strace s9  }
0x27: {  	s1 =	sld [smem:$0x3FAF]  }
0x28: {  	s2 =	sld [smem:$0x3FB0]  }
0x29: {  	s4 =	sld [smem:$0x3FB2]  }
0x2a: {  	p0 =	seq.s32 s5, $0x0;
	s5 =	sld [smem:$0x3FB3]  }
0x2b: {  	s6 =	sld [smem:$0x3FB4]  }
0x2c: {  	s7 =	sld [smem:$0x3FB5]  }
0x2d: {  	s3 =	simm.s32 $0x108;
	s8 =	sld [smem:$0x3FB6]  }
0x2e: {  	s3 =	simm.s32 @!p0 $0x1082;
	s9 =	sld [smem:$0x3FB7]  }
0x2f: {  	lr =	sadd.s32 s0, s3;
	s0 =	sld [smem:$0x3FAE]  }
0x30: {  	s3 =	sld [smem:$0x3FB1]  }
0x31: {  	[smem:$0x3FBA] =	sst s10  }
0x32: {  	s10 =	sld [smem:$0x3FB8];
	_ =	sdelay $0x3  }
0x33: {  	p0 =	seq.s32 s10, $0x1;
	s10 =	sld [smem:$0x3FBA];
	_ =	sdelay $0x3  }
0x34: {  	[smem:$0x3FBA] =	sst s10  }
0x35: {  	s10 =	sld [smem:$0x3FB9];
	_ =	sdelay $0x3  }
0x36: {  	p1 =	seq.s32 s10, $0x1;
	s10 =	sld [smem:$0x3FBA];
	_ =	sdelay $0x3  }
0x37: {  	[smem:$0x3FBA] =	sst s10  }
0x38: {  	s10 =	sld [smem:$0x3FBB]  }
0x39: {  	_ = 	snop;
	(pc) =	sbr.ind lr, $3  }
0x3a: {  	_ = 	snop  }
0x3b: {  	_ = 	snop  }
0x3c: {  	p2 =	seq.s32 s10, $0x1;
	s10 =	sld [smem:$0x3FBA]  }
0x3d: {  	_ =	shalt  }
0x3e: {  	_ =	shalt  }
0x3f: {  	_ =	shalt  }
0x40: {  	_ =	shalt  }
0x41: {  	_ =	shalt  }
0x42: {  	_ =	shalt  }
0x43: {  	_ =	shalt  }
0x44: {  	_ =	shalt  }
0x45: {  	_ =	shalt  }
0x46: {  	_ =	shalt  }
0x47: {  	_ =	shalt  }
0x48: {  	_ =	shalt  }
0x49: {  	_ =	shalt  }
0x4a: {  	_ =	shalt  }
0x4b: {  	_ =	shalt  }
0x4c: {  	_ =	shalt  }
0x4d: {  	_ =	shalt  }
0x4e: {  	_ =	shalt  }
0x4f: {  	_ =	shalt  }
0x50: {  	_ =	shalt  }
0x51: {  	_ =	shalt  }
0x52: {  	_ =	shalt  }
0x53: {  	_ =	shalt  }
0x54: {  	_ =	shalt  }
0x55: {  	_ =	shalt  }
0x56: {  	_ =	shalt  }
0x57: {  	_ =	shalt  }
0x58: {  	_ =	shalt  }
0x59: {  	_ =	shalt  }
0x5a: {  	_ =	shalt  }
0x5b: {  	_ =	shalt  }
0x5c: {  	_ =	shalt  }
0x5d: {  	_ =	shalt  }
0x5e: {  	_ =	shalt  }
0x5f: {  	_ =	shalt  }
0x60: {  	_ =	shalt  }
0x61: {  	_ =	shalt  }
0x62: {  	_ =	shalt  }
0x63: {  	_ =	shalt  }
0x64: {  	_ =	shalt  }
0x65: {  	_ =	shalt  }
0x66: {  	_ =	shalt  }
0x67: {  	_ =	shalt  }
0x68: {  	_ =	shalt  }
0x69: {  	_ =	shalt  }
0x6a: {  	_ =	shalt  }
0x6b: {  	_ =	shalt  }
0x6c: {  	_ =	shalt  }
0x6d: {  	_ =	shalt  }
0x6e: {  	_ =	shalt  }
0x6f: {  	_ =	shalt  }
0x70: {  	_ =	shalt  }
0x71: {  	_ =	shalt  }
0x72: {  	_ =	shalt  }
0x73: {  	_ =	shalt  }
0x74: {  	_ =	shalt  }
0x75: {  	_ =	shalt  }
0x76: {  	_ =	shalt  }
0x77: {  	_ =	shalt  }
0x78: {  	_ =	shalt  }
0x79: {  	_ =	shalt  }
0x7a: {  	_ =	shalt  }
0x7b: {  	_ =	shalt  }
0x7c: {  	_ =	shalt  }
0x7d: {  	_ =	shalt  }
0x7e: {  	_ =	shalt  }
0x7f: {  	_ =	shalt  }
0x80: {  	_ =	shalt  }
0x81: {  	_ =	shalt  }
0x82: {  	_ =	shalt  }
0x83: {  	_ =	shalt  }
0x84: {  	_ =	shalt  }
0x85: {  	_ =	shalt  }
0x86: {  	_ =	shalt  }
0x87: {  	_ =	shalt  }
.Lfunc_end0:
.L_simem_size_0:
called_computation_lowered:
.L_overlay_start_0:
0x88: {  	s2 =	sld [smem:$0x3FD9]  }
0x89: {  	s3 =	sld [smem:$0x3FFE];
	_ =	sdelay $0x1  }
0x8a: {  	s1 =	srdreg.scid  }
0x8b: {  	s0 =	sand.u32 $0x1, s1  }
0x8c: {  	s14 =	sshll.u32 s0, $0xA;
	s2 =	sadd.s32 s3, s2  }
0x8d: {  	s2 =	sadd.s32 s2, s14  }
0x8e: {  	[smem:$0x3FC6] =	sst s2  }
0x8f: {  	_ = 	snop  }
0x90: {  	s2 =	sld [smem:$0x3FD0];
	_ =	sdelay $0x2  }
0x91: {  	s15 =	simm.s32 $0xA;
	s4 =	simm.s32 $0x10  }
0x92: {  	[smem:s4], [sflag:s15] =	dma.local [hbm:s2], $0x1  }
0x93: {  	_ =	swait.eq [sflag:s15], $0x1  }
0x94: {  	[sflag:s15] =	ssyncset.done $0x0  }
0x95: {  	[sflag:s15] =	ssyncadd.s32 $0xFFFFFFFF  }
0x96: {  	s16 =	sld [smem:$0x11];
	(tm) =	ssettm $0x1  }
0x97: {  	s17 =	sld [smem:$0x3FFB];
	_ =	sdelay $0x3  }
0x98: {  	_ =	strace s17  }
0x99: {  	s3 =	sld [smem:$0x3FFC];
	_ =	sdelay $0x3  }
0x9a: {  	_ =	strace s3  }
0x9b: {  	s3 =	sld [smem:$0x3FFD];
	_ =	sdelay $0x3  }
0x9c: {  	_ =	strace s3  }
0x9d: {  	_ =	strace $0x8FFFFFFF  }
0x9e: {  	s18 =	sld [smem:$0x3FDB];
	_ =	sdelay $0x1  }
0x9f: {  	s19 =	simm.s32 $_scs_section_size  }
0xa0: {  	s5 =	simm.s32 $_size__tile_overlayer_lowered;
	s6 =	simm.s32 $_tile_overlayer_lowered  }
0xa1: {  	s22 =	simm.s32 $0x1BFF;
	s21 =	sshll.u32 s6, $0x1;
	s3 =	sadd.s32 s19, s18  }
0xa2: {  	s7 =	simm.s32 $0x0;
	s20 =	sshll.u32 s5, $0x1;
	s5 =	sadd.s32 s21, s3  }
0xa3: {  	[timem:s7], [sflag:s22] =	dma.local [hbm:s5], s20  }
0xa4: {  	_ =	swait.ge [sflag:s22], s20  }
0xa5: {  	s4 =	ssub.s32 $0x0, s20;
	[sflag:s22] =	ssyncset.done $0x0  }
0xa6: {  	[sflag:s22] =	ssyncadd.s32 s4;
	_ =	sdelay $0x1  }
0xa7: {  	s23 =	simm.s32 $0x1B8B  }
0xa8: {  	_ =	swait.ge [sflag:s23], $0x1  }
0xa9: {  	[sflag:s23] =	ssyncset.done $0x0  }
0xaa: {  	s25 =	simm.s32 $0x1B8E;
	s24 =	sld [smem:$0x3FFE];
	[sflag:s23] =	ssyncadd.s32 $0xFFFFFFFF  }
0xab: {  	s26 =	simm.s32 $execute0_lowered;
	[smem:$0x3FD2] =	sst s25  }
0xac: {  	s5 =	sshll.u32 s26, $0x1;
	_ =	strace $0x80000046;
	[dreg:$0x1] =	wrdreg $0xFFFFFFFF  }
0xad: {  	s28 =	simm.s32 $_size_execute0_lowered;
	s3 =	sadd.s32 s3, s5;
	[dreg:$0x0] =	wrdreg $0x0  }
0xae: {  	s5 =	sshll.u32 s28, $0x1;
	[dreg:$0x2] =	wrdreg s3  }
0xaf: {  	[dreg:$0x3] =	wrdreg s5  }
0xb0: {  	[dreg:$0x4] =	wrdreg $0xC0  }
0xb1: {  	_ =	task [dreg:s7], $0x5FFFF  }
0xb2: {  	[dreg:$0x1] =	wrdreg $0xFFFFFFFF  }
0xb3: {  	[dreg:$0x0] =	wrdreg $0x60  }
0xb4: {  	[dreg:$0x2] =	wrdreg s16  }
0xb5: {  	[dreg:$0x3] =	wrdreg s24  }
0xb6: {  	[dreg:$0x4] =	wrdreg $0x9  }
0xb7: {  	_ =	task.clear_ibuf [dreg:s7], $0x5FFFF;
	_ =	strace $0x90000046  }
0xb8: {  	s29 =	simm.s32 $0x9;
	_ =	strace $0x80000048  }
0xb9: {  	_ =	swait.ge [sflag:s29], $0x1  }
0xba: {  	[sflag:s29] =	ssyncadd.s32 $0xFFFFFFFF  }
0xbb: {  	_ =	strace $0x90000048  }
0xbc: {  	_ =	sfence  }
0xbd: {  	s30 =	sld [smem:$0x0];
	_ =	sdelay $0x2  }
0xbe: {  	s31 =	sshll.u32 s1, $0xD;
	s1 =	sshrl.u32 s1, $0x2  }
0xbf: {  	s3 =	sand.u32 $0x4000, s31;
	s1 =	sadd.s32 s1, s30  }
0xc0: {  	s0 =	sor.u32 s3, s0;
	s1 =	sshll.u32 s1, $0x11  }
0xc1: {  	s0 =	sor.u32 s1, s0  }
0xc2: {  	s0 =	sadd.s32 $0x8F2B, s0  }
0xc3: {  	[sflag:s0] =	ssyncadd.remote.s32 $0x1  }
0xc4: {  	_ =	sfence.sel $0xFFFF  }
0xc5: {  	[dreg:$0x0] =	wrdreg $0xFFFFFFFF;
	(pc) =	sbr.abs _section_cstart, $3  }
0xc6: {  	[dreg:$0x1] =	wrdreg $0xFFFFFFFF  }
0xc7: {  	_ =	task.clear_ibuf [dreg:s7], $0x2FFFF;
	_ =	strace $0x9FFFFFFF  }
0xc8: {  	(tm) =	ssettm $0x7FFFFFFF  }
0xc9: {  	_ =	shalt  }
tec
execute0_lowered:
.L_overlay_start_1:
0x0: {  	(tag) =	ssettag $0x1  }
0x1: {  	s0 =	stileid.u32  }
0x2: {  	p0 =	sgt.u32 s0, $0xD  }
.Ltmp0:
0x3: {  	_ = 	snop;
	(pc) =	sbr.rel @p0 .LBB2_3-.Ltmp0, $4  }
0x4: {  	_ = 	snop  }
0x5: {  	s2 =	rddreg [dreg:$0x0];
	s3 =	simm.s32 $0x0  }
0x6: {  	[smem:$0x7FF] =	sst s3  }
0x7: {  	s4 =	rddreg [dreg:$0x1];
	_ =	strace $0x80000047  }
0x8: {  	s0 =	srdreg.scid;
	s1 =	stileid.u32  }
0x9: {  	s0 =	sand.u32 $0x1, s0;
	s5 =	sshll.u32 s1, $0x1  }
0xa: {  	s8 =	sor.u32 s0, s5  }
0xb: {  	s5 =	smul.u32 $0x2A000, s8;
	_ =	sdelay $0x1  }
0xc: {  	s5 =	sshrl.u32 s5, $0x3  }
0xd: {  	s9 =	sadd.s32 s5, s4  }
0xe: {  	s5 =	sadd.s32 $0x600, s9  }
0xf: {  	s13 =	sadd.s32 $0x1080, s9;
	[dreg:$0x3] =	wrdreg s5  }
0x10: {  	s14 =	sadd.s32 $0x1B00, s9;
	[dreg:$0x4] =	wrdreg s13  }
0x11: {  	s15 =	sadd.s32 $0x2580, s9;
	[dreg:$0x5] =	wrdreg s14  }
0x12: {  	s16 =	sadd.s32 $0x780, s9;
	[dreg:$0x6] =	wrdreg s15  }
0x13: {  	s17 =	sadd.s32 $0x1200, s9;
	[dreg:$0x7] =	wrdreg s16  }
0x14: {  	s18 =	sadd.s32 $0x1C80, s9;
	[dreg:$0x8] =	wrdreg s17  }
0x15: {  	s19 =	sadd.s32 $0x2700, s9;
	[dreg:$0x9] =	wrdreg s18  }
0x16: {  	s20 =	sadd.s32 $0x900, s9;
	[dreg:$0xa] =	wrdreg s19  }
0x17: {  	s21 =	sadd.s32 $0x1380, s9;
	[dreg:$0xb] =	wrdreg s20  }
0x18: {  	s22 =	sadd.s32 $0x1E00, s9;
	[dreg:$0xc] =	wrdreg s21  }
0x19: {  	s23 =	sadd.s32 $0x2880, s9;
	[dreg:$0xd] =	wrdreg s22  }
0x1a: {  	s24 =	sadd.s32 $0xA80, s9;
	[dreg:$0xe] =	wrdreg s23  }
0x1b: {  	s25 =	sadd.s32 $0x1500, s9;
	[dreg:$0xf] =	wrdreg s24  }
0x1c: {  	s26 =	sadd.s32 $0x1F80, s9;
	[dreg:$0x10] =	wrdreg s25  }
0x1d: {  	s1 =	sadd.s32 $0x2A00, s9;
	[dreg:$0x11] =	wrdreg s26  }
0x1e: {  	s6 =	sadd.s32 $0xC00, s9;
	[dreg:$0x12] =	wrdreg s1  }
0x1f: {  	s7 =	sadd.s32 $0x1680, s9;
	[dreg:$0x13] =	wrdreg s6  }
0x20: {  	s10 =	sadd.s32 $0x2100, s9;
	[dreg:$0x14] =	wrdreg s7  }
0x21: {  	s11 =	sadd.s32 $0x2B80, s9;
	[dreg:$0x15] =	wrdreg s10  }
0x22: {  	s12 =	sadd.s32 $0xD80, s9;
	[dreg:$0x16] =	wrdreg s11  }
0x23: {  	[dreg:$0x17] =	wrdreg s12;
	s13 =	sadd.s32 $0x1800, s9  }
0x24: {  	s14 =	sadd.s32 $0x2280, s9;
	[dreg:$0x18] =	wrdreg s13  }
0x25: {  	s15 =	sadd.s32 $0x2D00, s9;
	[dreg:$0x19] =	wrdreg s14  }
0x26: {  	s16 =	sadd.s32 $0xF00, s9;
	[dreg:$0x1a] =	wrdreg s15  }
0x27: {  	s17 =	sadd.s32 $0x1980, s9;
	[dreg:$0x1b] =	wrdreg s16  }
0x28: {  	s18 =	sadd.s32 $0x2400, s9;
	[dreg:$0x1c] =	wrdreg s17  }
0x29: {  	s19 =	sadd.s32 $0x2E80, s9;
	[dreg:$0x1d] =	wrdreg s18  }
0x2a: {  	s20 =	sadd.s32 $0x3000, s9;
	[dreg:$0x1e] =	wrdreg s19  }
0x2b: {  	s21 =	sadd.s32 $0x3A80, s9;
	[dreg:$0x1f] =	wrdreg s20  }
0x2c: {  	s22 =	sadd.s32 $0x4500, s9;
	[smem:$0x7E3] =	sst s21  }
0x2d: {  	s23 =	sadd.s32 $0x4F80, s9;
	[smem:$0x7E4] =	sst s22  }
0x2e: {  	s24 =	sadd.s32 $0x3180, s9;
	[smem:$0x7E5] =	sst s23  }
0x2f: {  	s25 =	sadd.s32 $0x3C00, s9;
	[smem:$0x7E6] =	sst s24  }
0x30: {  	s26 =	sadd.s32 $0x4680, s9;
	[smem:$0x7E7] =	sst s25  }
0x31: {  	s1 =	sadd.s32 $0x5100, s9;
	[smem:$0x7E8] =	sst s26  }
0x32: {  	s6 =	sadd.s32 $0x3300, s9;
	[smem:$0x7E9] =	sst s1  }
0x33: {  	s7 =	sadd.s32 $0x3D80, s9;
	[smem:$0x7EA] =	sst s6  }
0x34: {  	s10 =	sadd.s32 $0x4800, s9;
	[smem:$0x7EB] =	sst s7  }
0x35: {  	s11 =	sadd.s32 $0x5280, s9;
	[smem:$0x7EC] =	sst s10  }
0x36: {  	s12 =	sadd.s32 $0x3480, s9;
	[smem:$0x7ED] =	sst s11  }
0x37: {  	[smem:$0x7EE] =	sst s12;
	s13 =	sadd.s32 $0x3F00, s9  }
0x38: {  	s14 =	sadd.s32 $0x4980, s9;
	[smem:$0x7EF] =	sst s13  }
0x39: {  	s15 =	sadd.s32 $0x5400, s9;
	[smem:$0x7F0] =	sst s14  }
0x3a: {  	s28 =	simm.s32 $0x2480;
	s16 =	sadd.s32 $0x3600, s9;
	[smem:$0x7F1] =	sst s15  }
0x3b: {  	s29 =	simm.s32 $0x2;
	s17 =	sadd.s32 $0x4080, s9;
	[smem:$0x7F2] =	sst s16  }
0x3c: {  	s30 =	simm.s32 $0x3;
	s18 =	sadd.s32 $0x4B00, s9;
	[smem:$0x7F3] =	sst s17  }
0x3d: {  	s31 =	simm.s32 $0x3C80;
	s19 =	sadd.s32 $0x5580, s9;
	[smem:$0x7F4] =	sst s18  }
0x3e: {  	s0 =	ssub.s32 $0x2, s0;
	s20 =	sadd.s32 $0x3780, s9;
	[smem:$0x7F5] =	sst s19  }
0x3f: {  	s5 =	sadd.s32 $0x200, s2;
	s21 =	sadd.s32 $0x4200, s9;
	[smem:$0x7F6] =	sst s20  }
0x40: {  	s22 =	sadd.s32 $0x4C80, s9;
	s10 =	sadd.s32 $0x400, s4;
	[smem:$0x7F7] =	sst s21  }
0x41: {  	s23 =	sadd.s32 $0x5700, s9;
	s4 =	sadd.s32 $0x100, s2;
	[smem:$0x7F8] =	sst s22  }
0x42: {  	s6 =	sadd.s32 $0x3900, s9;
	s11 =	sadd.s32 $0x4380, s9;
	[smem:$0x7F9] =	sst s23  }
0x43: {  	s7 =	sadd.s32 $0x400, s2;
	s24 =	sadd.s32 $0x4E00, s9;
	[smem:$0x7FA] =	sst s6  }
0x44: {  	s12 =	smul.u32 $0xE, s8;
	s8 =	sadd.s32 $0x500, s2;
	[smem:$0x7FB] =	sst s11  }
0x45: {  	s25 =	sshrl.u32 s0, $0x1;
	s26 =	sadd.s32 $0x5880, s9;
	[smem:$0x7FC] =	sst s24  }
0x46: {  	s6 =	sadd.s32 $0x300, s2;
	[smem:$0x7FD] =	sst s26;
	s0 =	ssub.s32 s0, s25  }
0x47: {  	s13 =	simm.s32 $0x80;
	s14 =	simm.s32 $0x880;
	s15 =	simm.s32 $0x1080  }
0x48: {  	s16 =	simm.s32 $0x1880;
	s17 =	simm.s32 $0x2080;
	s18 =	simm.s32 $0x2880  }
0x49: {  	s19 =	simm.s32 $0x1;
	s20 =	simm.s32 $0x3080;
	s21 =	simm.s32 $0x3880  }
0x4a: {  	v0 =	vlaneseq.u32;
	s22 =	simm.s32 $0x4080;
	s23 =	simm.s32 $0x4880;
	s24 =	simm.s32 $0x5080  }
0x4b: {  	v1 =	vshrl.u32 v0, $0x3;
	s25 =	simm.s32 $0x5880;
	s26 =	simm.s32 $0xC80;
	s10 =	sadd.s32 s10, s12  }
0x4c: {  	vm0 =	vmmov $0xffff;
	v0 =	vand.u32 $0x7, v0;
	v1 =	vmul.u32 $0x8, v1;
	s11 =	smax.u32 s0, $0x1;
	s12 =	simm.s32 $0x4;
	s0 =	simm.s32 $0x5480  }
.LBB2_2:
0x4d: {  	[tilespmem:s3], [sflag:$0x4] =	stream.linear.gather [hbm4b:s10+s3], $0x70, $0x38;
	[tilespmem:$0x6080] =	vst v63  }
0x4e: {  	_ =	swait.ge [sflag:s12], $0x70  }
0x4f: {  	[sflag:s12] =	ssyncset.done $0x0  }
0x50: {  	[sflag:s12] =	ssyncadd.s32 $0xFFFFFF90  }
0x51: {  	v2 =	vld.msk [tilespmem:$0x0], $0xff;
	_ =	sdelay $0x4  }
0x52: {  	v3 =	vshrl.u32 v2, $0x3  }
0x53: {  	v3 =	vmul.u32 $0x60, v3  }
0x54: {  	v2 =	vand.u32 $0x7, v2  }
0x55: {  	v2 =	vor.u32 v2, v3  }
0x56: {  	v2 =	vperm.xlane v2, v0;
	_ =	sdelay $0x1  }
0x57: {  	v2 =	vadd.s32 v1, v2;
	_ =	sdelay $0x4  }
0x58: {  	[tilespmem:s13], [sflag:$0x1] =	stream.indirect_vreg.gather [hbm4b:s2+s3], $0x80, v2, vm0, $0xb8;
	[tilespmem:$0x6080] =	vst v63  }
0x59: {  	_ = 	snop  }
0x5a: {  	[tilespmem:s14], [sflag:$0x1] =	stream.indirect_vreg.gather [hbm4b:s4+s3], $0x80, v2, vm0, $0xb8;
	[tilespmem:$0x6080] =	vst v63  }
0x5b: {  	_ = 	snop  }
0x5c: {  	[tilespmem:s15], [sflag:$0x1] =	stream.indirect_vreg.gather [hbm4b:s5+s3], $0x80, v2, vm0, $0xb8;
	[tilespmem:$0x6080] =	vst v63  }
0x5d: {  	_ = 	snop  }
0x5e: {  	[tilespmem:s16], [sflag:$0x1] =	stream.indirect_vreg.gather [hbm4b:s6+s3], $0x80, v2, vm0, $0xb8;
	[tilespmem:$0x6080] =	vst v63  }
0x5f: {  	_ = 	snop  }
0x60: {  	[tilespmem:s17], [sflag:$0x1] =	stream.indirect_vreg.gather [hbm4b:s7+s3], $0x80, v2, vm0, $0xb8;
	[tilespmem:$0x6080] =	vst v63  }
0x61: {  	_ = 	snop  }
0x62: {  	[tilespmem:s18], [sflag:$0x1] =	stream.indirect_vreg.gather [hbm4b:s8+s3], $0x80, v2, vm0, $0xb8;
	[tilespmem:$0x6080] =	vst v63  }
0x63: {  	_ =	swait.ge [sflag:s19], $0x3000  }
0x64: {  	[sflag:s19] =	ssyncset.done $0x0  }
0x65: {  	[sflag:s19] =	ssyncadd.s32 $0xFFFFD000  }
0x66: {  	v2 =	vld.msk [tilespmem:$0x8], $0xff;
	_ =	sdelay $0x4  }
0x67: {  	v3 =	vshrl.u32 v2, $0x3  }
0x68: {  	v3 =	vmul.u32 $0x60, v3  }
0x69: {  	v2 =	vand.u32 $0x7, v2  }
0x6a: {  	v2 =	vor.u32 v2, v3  }
0x6b: {  	v2 =	vperm.xlane v2, v0;
	_ =	sdelay $0x1  }
0x6c: {  	v2 =	vadd.s32 v1, v2;
	_ =	sdelay $0x4  }
0x6d: {  	[tilespmem:s20], [sflag:$0x2] =	stream.indirect_vreg.gather [hbm4b:s2+s3], $0x80, v2, vm0, $0xb8;
	[tilespmem:$0x6080] =	vst v63  }
0x6e: {  	_ = 	snop  }
0x6f: {  	[tilespmem:s21], [sflag:$0x2] =	stream.indirect_vreg.gather [hbm4b:s4+s3], $0x80, v2, vm0, $0xb8;
	[tilespmem:$0x6080] =	vst v63  }
0x70: {  	_ = 	snop  }
0x71: {  	[tilespmem:s22], [sflag:$0x2] =	stream.indirect_vreg.gather [hbm4b:s5+s3], $0x80, v2, vm0, $0xb8;
	[tilespmem:$0x6080] =	vst v63  }
0x72: {  	_ = 	snop  }
0x73: {  	[tilespmem:s23], [sflag:$0x2] =	stream.indirect_vreg.gather [hbm4b:s6+s3], $0x80, v2, vm0, $0xb8;
	[tilespmem:$0x6080] =	vst v63  }
0x74: {  	_ = 	snop  }
0x75: {  	[tilespmem:s24], [sflag:$0x2] =	stream.indirect_vreg.gather [hbm4b:s7+s3], $0x80, v2, vm0, $0xb8;
	[tilespmem:$0x6080] =	vst v63  }
0x76: {  	_ = 	snop  }
0x77: {  	[tilespmem:s25], [sflag:$0x2] =	stream.indirect_vreg.gather [hbm4b:s8+s3], $0x80, v2, vm0, $0xb8;
	[tilespmem:$0x6080] =	vst v63  }
0x78: {  	s1 =	rddreg [dreg:$0x3]  }
0x79: {  	[hbm4b:s1+s3] =	stream.linear.scatter [tilespmem:s13], [sflag:$0x3], $0xC00, $0x38;
	[tilespmem:$0x6080] =	vst v63  }
0x7a: {  	s9 =	rddreg [dreg:$0x4]  }
0x7b: {  	[hbm4b:s9+s3] =	stream.linear.scatter [tilespmem:s26], [sflag:$0x3], $0xC00, $0x38;
	[tilespmem:$0x6080] =	vst v63  }
0x7c: {  	s1 =	rddreg [dreg:$0x5]  }
0x7d: {  	[hbm4b:s1+s3] =	stream.linear.scatter [tilespmem:s16], [sflag:$0x3], $0xC00, $0x38;
	[tilespmem:$0x6080] =	vst v63  }
0x7e: {  	s9 =	rddreg [dreg:$0x6]  }
0x7f: {  	[hbm4b:s9+s3] =	stream.linear.scatter [tilespmem:s28], [sflag:$0x3], $0xC00, $0x38;
	[tilespmem:$0x6080] =	vst v63  }
0x80: {  	_ =	swait.ge [sflag:s29], $0x3000  }
0x81: {  	[sflag:s29] =	ssyncset.done $0x0  }
0x82: {  	[sflag:s29] =	ssyncadd.s32 $0xFFFFD000  }
0x83: {  	_ =	swait.ge [sflag:s30], $0xC00  }
0x84: {  	[sflag:s30] =	ssyncset.done $0x0  }
0x85: {  	[sflag:s30] =	ssyncadd.s32 $0xFFFFF400  }
0x86: {  	_ =	swait.ge [sflag:s30], $0xC00  }
0x87: {  	[sflag:s30] =	ssyncset.done $0x0  }
0x88: {  	[sflag:s30] =	ssyncadd.s32 $0xFFFFF400  }
0x89: {  	_ =	swait.ge [sflag:s30], $0xC00  }
0x8a: {  	[sflag:s30] =	ssyncset.done $0x0  }
0x8b: {  	[sflag:s30] =	ssyncadd.s32 $0xFFFFF400  }
0x8c: {  	_ =	swait.ge [sflag:s30], $0xC00  }
0x8d: {  	[sflag:s30] =	ssyncset.done $0x0  }
0x8e: {  	[sflag:s30] =	ssyncadd.s32 $0xFFFFF400  }
0x8f: {  	v2 =	vld.msk [tilespmem:$0x10], $0xff;
	_ =	sdelay $0x4  }
0x90: {  	v3 =	vshrl.u32 v2, $0x3  }
0x91: {  	v3 =	vmul.u32 $0x60, v3  }
0x92: {  	v2 =	vand.u32 $0x7, v2  }
0x93: {  	v2 =	vor.u32 v2, v3  }
0x94: {  	v2 =	vperm.xlane v2, v0;
	_ =	sdelay $0x1  }
0x95: {  	v2 =	vadd.s32 v1, v2;
	_ =	sdelay $0x4  }
0x96: {  	[tilespmem:s13], [sflag:$0x1] =	stream.indirect_vreg.gather [hbm4b:s2+s3], $0x80, v2, vm0, $0xb8;
	[tilespmem:$0x6080] =	vst v63  }
0x97: {  	_ = 	snop  }
0x98: {  	[tilespmem:s14], [sflag:$0x1] =	stream.indirect_vreg.gather [hbm4b:s4+s3], $0x80, v2, vm0, $0xb8;
	[tilespmem:$0x6080] =	vst v63  }
0x99: {  	_ = 	snop  }
0x9a: {  	[tilespmem:s15], [sflag:$0x1] =	stream.indirect_vreg.gather [hbm4b:s5+s3], $0x80, v2, vm0, $0xb8;
	[tilespmem:$0x6080] =	vst v63  }
0x9b: {  	_ = 	snop  }
0x9c: {  	[tilespmem:s16], [sflag:$0x1] =	stream.indirect_vreg.gather [hbm4b:s6+s3], $0x80, v2, vm0, $0xb8;
	[tilespmem:$0x6080] =	vst v63  }
0x9d: {  	_ = 	snop  }
0x9e: {  	[tilespmem:s17], [sflag:$0x1] =	stream.indirect_vreg.gather [hbm4b:s7+s3], $0x80, v2, vm0, $0xb8;
	[tilespmem:$0x6080] =	vst v63  }
0x9f: {  	_ = 	snop  }
0xa0: {  	[tilespmem:s18], [sflag:$0x1] =	stream.indirect_vreg.gather [hbm4b:s8+s3], $0x80, v2, vm0, $0xb8;
	[tilespmem:$0x6080] =	vst v63  }
0xa1: {  	s1 =	rddreg [dreg:$0x7]  }
0xa2: {  	[hbm4b:s1+s3] =	stream.linear.scatter [tilespmem:s20], [sflag:$0x3], $0xC00, $0x38;
	[tilespmem:$0x6080] =	vst v63  }
0xa3: {  	s9 =	rddreg [dreg:$0x8]  }
0xa4: {  	[hbm4b:s9+s3] =	stream.linear.scatter [tilespmem:s31], [sflag:$0x3], $0xC00, $0x38;
	[tilespmem:$0x6080] =	vst v63  }
0xa5: {  	s1 =	rddreg [dreg:$0x9]  }
0xa6: {  	[hbm4b:s1+s3] =	stream.linear.scatter [tilespmem:s23], [sflag:$0x3], $0xC00, $0x38;
	[tilespmem:$0x6080] =	vst v63  }
0xa7: {  	s9 =	rddreg [dreg:$0xa]  }
0xa8: {  	[hbm4b:s9+s3] =	stream.linear.scatter [tilespmem:s0], [sflag:$0x3], $0xC00, $0x38;
	[tilespmem:$0x6080] =	vst v63  }
0xa9: {  	_ =	swait.ge [sflag:s19], $0x3000  }
0xaa: {  	[sflag:s19] =	ssyncset.done $0x0  }
0xab: {  	[sflag:s19] =	ssyncadd.s32 $0xFFFFD000  }
0xac: {  	_ =	swait.ge [sflag:s30], $0xC00  }
0xad: {  	[sflag:s30] =	ssyncset.done $0x0  }
0xae: {  	[sflag:s30] =	ssyncadd.s32 $0xFFFFF400  }
0xaf: {  	_ =	swait.ge [sflag:s30], $0xC00  }
0xb0: {  	[sflag:s30] =	ssyncset.done $0x0  }
0xb1: {  	[sflag:s30] =	ssyncadd.s32 $0xFFFFF400  }
0xb2: {  	_ =	swait.ge [sflag:s30], $0xC00  }
0xb3: {  	[sflag:s30] =	ssyncset.done $0x0  }
0xb4: {  	[sflag:s30] =	ssyncadd.s32 $0xFFFFF400  }
0xb5: {  	_ =	swait.ge [sflag:s30], $0xC00  }
0xb6: {  	[sflag:s30] =	ssyncset.done $0x0  }
0xb7: {  	[sflag:s30] =	ssyncadd.s32 $0xFFFFF400  }
0xb8: {  	v2 =	vld.msk [tilespmem:$0x18], $0xff;
	_ =	sdelay $0x4  }
0xb9: {  	v3 =	vshrl.u32 v2, $0x3  }
0xba: {  	v3 =	vmul.u32 $0x60, v3  }
0xbb: {  	v2 =	vand.u32 $0x7, v2  }
0xbc: {  	v2 =	vor.u32 v2, v3  }
0xbd: {  	v2 =	vperm.xlane v2, v0;
	_ =	sdelay $0x1  }
0xbe: {  	v2 =	vadd.s32 v1, v2;
	_ =	sdelay $0x4  }
0xbf: {  	[tilespmem:s20], [sflag:$0x2] =	stream.indirect_vreg.gather [hbm4b:s2+s3], $0x80, v2, vm0, $0xb8;
	[tilespmem:$0x6080] =	vst v63  }
0xc0: {  	_ = 	snop  }
0xc1: {  	[tilespmem:s21], [sflag:$0x2] =	stream.indirect_vreg.gather [hbm4b:s4+s3], $0x80, v2, vm0, $0xb8;
	[tilespmem:$0x6080] =	vst v63  }
0xc2: {  	_ = 	snop  }
0xc3: {  	[tilespmem:s22], [sflag:$0x2] =	stream.indirect_vreg.gather [hbm4b:s5+s3], $0x80, v2, vm0, $0xb8;
	[tilespmem:$0x6080] =	vst v63  }
0xc4: {  	_ = 	snop  }
0xc5: {  	[tilespmem:s23], [sflag:$0x2] =	stream.indirect_vreg.gather [hbm4b:s6+s3], $0x80, v2, vm0, $0xb8;
	[tilespmem:$0x6080] =	vst v63  }
0xc6: {  	_ = 	snop  }
0xc7: {  	[tilespmem:s24], [sflag:$0x2] =	stream.indirect_vreg.gather [hbm4b:s7+s3], $0x80, v2, vm0, $0xb8;
	[tilespmem:$0x6080] =	vst v63  }
0xc8: {  	_ = 	snop  }
0xc9: {  	[tilespmem:s25], [sflag:$0x2] =	stream.indirect_vreg.gather [hbm4b:s8+s3], $0x80, v2, vm0, $0xb8;
	[tilespmem:$0x6080] =	vst v63  }
0xca: {  	s1 =	rddreg [dreg:$0xb]  }
0xcb: {  	[hbm4b:s1+s3] =	stream.linear.scatter [tilespmem:s13], [sflag:$0x3], $0xC00, $0x38;
	[tilespmem:$0x6080] =	vst v63  }
0xcc: {  	s9 =	rddreg [dreg:$0xc]  }
0xcd: {  	[hbm4b:s9+s3] =	stream.linear.scatter [tilespmem:s26], [sflag:$0x3], $0xC00, $0x38;
	[tilespmem:$0x6080] =	vst v63  }
0xce: {  	s1 =	rddreg [dreg:$0xd]  }
0xcf: {  	[hbm4b:s1+s3] =	stream.linear.scatter [tilespmem:s16], [sflag:$0x3], $0xC00, $0x38;
	[tilespmem:$0x6080] =	vst v63  }
0xd0: {  	s9 =	rddreg [dreg:$0xe]  }
0xd1: {  	[hbm4b:s9+s3] =	stream.linear.scatter [tilespmem:s28], [sflag:$0x3], $0xC00, $0x38;
	[tilespmem:$0x6080] =	vst v63  }
0xd2: {  	_ =	swait.ge [sflag:s29], $0x3000  }
0xd3: {  	[sflag:s29] =	ssyncset.done $0x0  }
0xd4: {  	[sflag:s29] =	ssyncadd.s32 $0xFFFFD000  }
0xd5: {  	_ =	swait.ge [sflag:s30], $0xC00  }
0xd6: {  	[sflag:s30] =	ssyncset.done $0x0  }
0xd7: {  	[sflag:s30] =	ssyncadd.s32 $0xFFFFF400  }
0xd8: {  	_ =	swait.ge [sflag:s30], $0xC00  }
0xd9: {  	[sflag:s30] =	ssyncset.done $0x0  }
0xda: {  	[sflag:s30] =	ssyncadd.s32 $0xFFFFF400  }
0xdb: {  	_ =	swait.ge [sflag:s30], $0xC00  }
0xdc: {  	[sflag:s30] =	ssyncset.done $0x0  }
0xdd: {  	[sflag:s30] =	ssyncadd.s32 $0xFFFFF400  }
0xde: {  	_ =	swait.ge [sflag:s30], $0xC00  }
0xdf: {  	[sflag:s30] =	ssyncset.done $0x0  }
0xe0: {  	[sflag:s30] =	ssyncadd.s32 $0xFFFFF400  }
0xe1: {  	v2 =	vld.msk [tilespmem:$0x20], $0xff;
	_ =	sdelay $0x4  }
0xe2: {  	v3 =	vshrl.u32 v2, $0x3  }
0xe3: {  	v3 =	vmul.u32 $0x60, v3  }
0xe4: {  	v2 =	vand.u32 $0x7, v2  }
0xe5: {  	v2 =	vor.u32 v2, v3  }
0xe6: {  	v2 =	vperm.xlane v2, v0;
	_ =	sdelay $0x1  }
0xe7: {  	v2 =	vadd.s32 v1, v2;
	_ =	sdelay $0x4  }
0xe8: {  	[tilespmem:s13], [sflag:$0x1] =	stream.indirect_vreg.gather [hbm4b:s2+s3], $0x80, v2, vm0, $0xb8;
	[tilespmem:$0x6080] =	vst v63  }
0xe9: {  	_ = 	snop  }
0xea: {  	[tilespmem:s14], [sflag:$0x1] =	stream.indirect_vreg.gather [hbm4b:s4+s3], $0x80, v2, vm0, $0xb8;
	[tilespmem:$0x6080] =	vst v63  }
0xeb: {  	_ = 	snop  }
0xec: {  	[tilespmem:s15], [sflag:$0x1] =	stream.indirect_vreg.gather [hbm4b:s5+s3], $0x80, v2, vm0, $0xb8;
	[tilespmem:$0x6080] =	vst v63  }
0xed: {  	_ = 	snop  }
0xee: {  	[tilespmem:s16], [sflag:$0x1] =	stream.indirect_vreg.gather [hbm4b:s6+s3], $0x80, v2, vm0, $0xb8;
	[tilespmem:$0x6080] =	vst v63  }
0xef: {  	_ = 	snop  }
0xf0: {  	[tilespmem:s17], [sflag:$0x1] =	stream.indirect_vreg.gather [hbm4b:s7+s3], $0x80, v2, vm0, $0xb8;
	[tilespmem:$0x6080] =	vst v63  }
0xf1: {  	_ = 	snop  }
0xf2: {  	[tilespmem:s18], [sflag:$0x1] =	stream.indirect_vreg.gather [hbm4b:s8+s3], $0x80, v2, vm0, $0xb8;
	[tilespmem:$0x6080] =	vst v63  }
0xf3: {  	s1 =	rddreg [dreg:$0xf]  }
0xf4: {  	[hbm4b:s1+s3] =	stream.linear.scatter [tilespmem:s20], [sflag:$0x3], $0xC00, $0x38;
	[tilespmem:$0x6080] =	vst v63  }
0xf5: {  	s9 =	rddreg [dreg:$0x10]  }
0xf6: {  	[hbm4b:s9+s3] =	stream.linear.scatter [tilespmem:s31], [sflag:$0x3], $0xC00, $0x38;
	[tilespmem:$0x6080] =	vst v63  }
0xf7: {  	s1 =	rddreg [dreg:$0x11]  }
0xf8: {  	[hbm4b:s1+s3] =	stream.linear.scatter [tilespmem:s23], [sflag:$0x3], $0xC00, $0x38;
	[tilespmem:$0x6080] =	vst v63  }
0xf9: {  	s9 =	rddreg [dreg:$0x12]  }
0xfa: {  	[hbm4b:s9+s3] =	stream.linear.scatter [tilespmem:s0], [sflag:$0x3], $0xC00, $0x38;
	[tilespmem:$0x6080] =	vst v63  }
0xfb: {  	_ =	swait.ge [sflag:s19], $0x3000  }
0xfc: {  	[sflag:s19] =	ssyncset.done $0x0  }
0xfd: {  	[sflag:s19] =	ssyncadd.s32 $0xFFFFD000  }
0xfe: {  	_ =	swait.ge [sflag:s30], $0xC00  }
0xff: {  	[sflag:s30] =	ssyncset.done $0x0  }
0x100: {  	[sflag:s30] =	ssyncadd.s32 $0xFFFFF400  }
0x101: {  	_ =	swait.ge [sflag:s30], $0xC00  }
0x102: {  	[sflag:s30] =	ssyncset.done $0x0  }
0x103: {  	[sflag:s30] =	ssyncadd.s32 $0xFFFFF400  }
0x104: {  	_ =	swait.ge [sflag:s30], $0xC00  }
0x105: {  	[sflag:s30] =	ssyncset.done $0x0  }
0x106: {  	[sflag:s30] =	ssyncadd.s32 $0xFFFFF400  }
0x107: {  	_ =	swait.ge [sflag:s30], $0xC00  }
0x108: {  	[sflag:s30] =	ssyncset.done $0x0  }
0x109: {  	[sflag:s30] =	ssyncadd.s32 $0xFFFFF400  }
0x10a: {  	v2 =	vld.msk [tilespmem:$0x28], $0xff;
	_ =	sdelay $0x4  }
0x10b: {  	v3 =	vshrl.u32 v2, $0x3  }
0x10c: {  	v3 =	vmul.u32 $0x60, v3  }
0x10d: {  	v2 =	vand.u32 $0x7, v2  }
0x10e: {  	v2 =	vor.u32 v2, v3  }
0x10f: {  	v2 =	vperm.xlane v2, v0;
	_ =	sdelay $0x1  }
0x110: {  	v2 =	vadd.s32 v1, v2;
	_ =	sdelay $0x4  }
0x111: {  	[tilespmem:s20], [sflag:$0x2] =	stream.indirect_vreg.gather [hbm4b:s2+s3], $0x80, v2, vm0, $0xb8;
	[tilespmem:$0x6080] =	vst v63  }
0x112: {  	_ = 	snop  }
0x113: {  	[tilespmem:s21], [sflag:$0x2] =	stream.indirect_vreg.gather [hbm4b:s4+s3], $0x80, v2, vm0, $0xb8;
	[tilespmem:$0x6080] =	vst v63  }
0x114: {  	_ = 	snop  }
0x115: {  	[tilespmem:s22], [sflag:$0x2] =	stream.indirect_vreg.gather [hbm4b:s5+s3], $0x80, v2, vm0, $0xb8;
	[tilespmem:$0x6080] =	vst v63  }
0x116: {  	_ = 	snop  }
0x117: {  	[tilespmem:s23], [sflag:$0x2] =	stream.indirect_vreg.gather [hbm4b:s6+s3], $0x80, v2, vm0, $0xb8;
	[tilespmem:$0x6080] =	vst v63  }
0x118: {  	_ = 	snop  }
0x119: {  	[tilespmem:s24], [sflag:$0x2] =	stream.indirect_vreg.gather [hbm4b:s7+s3], $0x80, v2, vm0, $0xb8;
	[tilespmem:$0x6080] =	vst v63  }
0x11a: {  	_ = 	snop  }
0x11b: {  	[tilespmem:s25], [sflag:$0x2] =	stream.indirect_vreg.gather [hbm4b:s8+s3], $0x80, v2, vm0, $0xb8;
	[tilespmem:$0x6080] =	vst v63  }
0x11c: {  	s1 =	rddreg [dreg:$0x13]  }
0x11d: {  	[hbm4b:s1+s3] =	stream.linear.scatter [tilespmem:s13], [sflag:$0x3], $0xC00, $0x38;
	[tilespmem:$0x6080] =	vst v63  }
0x11e: {  	s9 =	rddreg [dreg:$0x14]  }
0x11f: {  	[hbm4b:s9+s3] =	stream.linear.scatter [tilespmem:s26], [sflag:$0x3], $0xC00, $0x38;
	[tilespmem:$0x6080] =	vst v63  }
0x120: {  	s1 =	rddreg [dreg:$0x15]  }
0x121: {  	[hbm4b:s1+s3] =	stream.linear.scatter [tilespmem:s16], [sflag:$0x3], $0xC00, $0x38;
	[tilespmem:$0x6080] =	vst v63  }
0x122: {  	s9 =	rddreg [dreg:$0x16]  }
0x123: {  	[hbm4b:s9+s3] =	stream.linear.scatter [tilespmem:s28], [sflag:$0x3], $0xC00, $0x38;
	[tilespmem:$0x6080] =	vst v63  }
0x124: {  	_ =	swait.ge [sflag:s29], $0x3000  }
0x125: {  	[sflag:s29] =	ssyncset.done $0x0  }
0x126: {  	[sflag:s29] =	ssyncadd.s32 $0xFFFFD000  }
0x127: {  	_ =	swait.ge [sflag:s30], $0xC00  }
0x128: {  	[sflag:s30] =	ssyncset.done $0x0  }
0x129: {  	[sflag:s30] =	ssyncadd.s32 $0xFFFFF400  }
0x12a: {  	_ =	swait.ge [sflag:s30], $0xC00  }
0x12b: {  	[sflag:s30] =	ssyncset.done $0x0  }
0x12c: {  	[sflag:s30] =	ssyncadd.s32 $0xFFFFF400  }
0x12d: {  	_ =	swait.ge [sflag:s30], $0xC00  }
0x12e: {  	[sflag:s30] =	ssyncset.done $0x0  }
0x12f: {  	[sflag:s30] =	ssyncadd.s32 $0xFFFFF400  }
0x130: {  	_ =	swait.ge [sflag:s30], $0xC00  }
0x131: {  	[sflag:s30] =	ssyncset.done $0x0  }
0x132: {  	[sflag:s30] =	ssyncadd.s32 $0xFFFFF400  }
0x133: {  	v2 =	vld.msk [tilespmem:$0x30], $0xff;
	_ =	sdelay $0x4  }
0x134: {  	v3 =	vshrl.u32 v2, $0x3  }
0x135: {  	v3 =	vmul.u32 $0x60, v3  }
0x136: {  	v2 =	vand.u32 $0x7, v2  }
0x137: {  	v2 =	vor.u32 v2, v3  }
0x138: {  	v2 =	vperm.xlane v2, v0;
	_ =	sdelay $0x1  }
0x139: {  	v2 =	vadd.s32 v1, v2;
	_ =	sdelay $0x4  }
0x13a: {  	[tilespmem:s13], [sflag:$0x1] =	stream.indirect_vreg.gather [hbm4b:s2+s3], $0x80, v2, vm0, $0xb8;
	[tilespmem:$0x6080] =	vst v63  }
0x13b: {  	_ = 	snop  }
0x13c: {  	[tilespmem:s14], [sflag:$0x1] =	stream.indirect_vreg.gather [hbm4b:s4+s3], $0x80, v2, vm0, $0xb8;
	[tilespmem:$0x6080] =	vst v63  }
0x13d: {  	_ = 	snop  }
0x13e: {  	[tilespmem:s15], [sflag:$0x1] =	stream.indirect_vreg.gather [hbm4b:s5+s3], $0x80, v2, vm0, $0xb8;
	[tilespmem:$0x6080] =	vst v63  }
0x13f: {  	_ = 	snop  }
0x140: {  	[tilespmem:s16], [sflag:$0x1] =	stream.indirect_vreg.gather [hbm4b:s6+s3], $0x80, v2, vm0, $0xb8;
	[tilespmem:$0x6080] =	vst v63  }
0x141: {  	_ = 	snop  }
0x142: {  	[tilespmem:s17], [sflag:$0x1] =	stream.indirect_vreg.gather [hbm4b:s7+s3], $0x80, v2, vm0, $0xb8;
	[tilespmem:$0x6080] =	vst v63  }
0x143: {  	_ = 	snop  }
0x144: {  	[tilespmem:s18], [sflag:$0x1] =	stream.indirect_vreg.gather [hbm4b:s8+s3], $0x80, v2, vm0, $0xb8;
	[tilespmem:$0x6080] =	vst v63  }
0x145: {  	s1 =	rddreg [dreg:$0x17]  }
0x146: {  	[hbm4b:s1+s3] =	stream.linear.scatter [tilespmem:s20], [sflag:$0x3], $0xC00, $0x38;
	[tilespmem:$0x6080] =	vst v63  }
0x147: {  	s9 =	rddreg [dreg:$0x18]  }
0x148: {  	[hbm4b:s9+s3] =	stream.linear.scatter [tilespmem:s31], [sflag:$0x3], $0xC00, $0x38;
	[tilespmem:$0x6080] =	vst v63  }
0x149: {  	s1 =	rddreg [dreg:$0x19]  }
0x14a: {  	[hbm4b:s1+s3] =	stream.linear.scatter [tilespmem:s23], [sflag:$0x3], $0xC00, $0x38;
	[tilespmem:$0x6080] =	vst v63  }
0x14b: {  	s9 =	rddreg [dreg:$0x1a]  }
0x14c: {  	[hbm4b:s9+s3] =	stream.linear.scatter [tilespmem:s0], [sflag:$0x3], $0xC00, $0x38;
	[tilespmem:$0x6080] =	vst v63  }
0x14d: {  	_ =	swait.ge [sflag:s19], $0x3000  }
0x14e: {  	[sflag:s19] =	ssyncset.done $0x0  }
0x14f: {  	[sflag:s19] =	ssyncadd.s32 $0xFFFFD000  }
0x150: {  	_ =	swait.ge [sflag:s30], $0xC00  }
0x151: {  	[sflag:s30] =	ssyncset.done $0x0  }
0x152: {  	[sflag:s30] =	ssyncadd.s32 $0xFFFFF400  }
0x153: {  	_ =	swait.ge [sflag:s30], $0xC00  }
0x154: {  	[sflag:s30] =	ssyncset.done $0x0  }
0x155: {  	[sflag:s30] =	ssyncadd.s32 $0xFFFFF400  }
0x156: {  	_ =	swait.ge [sflag:s30], $0xC00  }
0x157: {  	[sflag:s30] =	ssyncset.done $0x0  }
0x158: {  	[sflag:s30] =	ssyncadd.s32 $0xFFFFF400  }
0x159: {  	_ =	swait.ge [sflag:s30], $0xC00  }
0x15a: {  	[sflag:s30] =	ssyncset.done $0x0  }
0x15b: {  	[sflag:s30] =	ssyncadd.s32 $0xFFFFF400  }
0x15c: {  	v2 =	vld.msk [tilespmem:$0x38], $0xff;
	_ =	sdelay $0x4  }
0x15d: {  	v3 =	vshrl.u32 v2, $0x3  }
0x15e: {  	v3 =	vmul.u32 $0x60, v3  }
0x15f: {  	v2 =	vand.u32 $0x7, v2  }
0x160: {  	v2 =	vor.u32 v2, v3  }
0x161: {  	v2 =	vperm.xlane v2, v0;
	_ =	sdelay $0x1  }
0x162: {  	v2 =	vadd.s32 v1, v2;
	_ =	sdelay $0x4  }
0x163: {  	[tilespmem:s20], [sflag:$0x2] =	stream.indirect_vreg.gather [hbm4b:s2+s3], $0x80, v2, vm0, $0xb8;
	[tilespmem:$0x6080] =	vst v63  }
0x164: {  	_ = 	snop  }
0x165: {  	[tilespmem:s21], [sflag:$0x2] =	stream.indirect_vreg.gather [hbm4b:s4+s3], $0x80, v2, vm0, $0xb8;
	[tilespmem:$0x6080] =	vst v63  }
0x166: {  	_ = 	snop  }
0x167: {  	[tilespmem:s22], [sflag:$0x2] =	stream.indirect_vreg.gather [hbm4b:s5+s3], $0x80, v2, vm0, $0xb8;
	[tilespmem:$0x6080] =	vst v63  }
0x168: {  	_ = 	snop  }
0x169: {  	[tilespmem:s23], [sflag:$0x2] =	stream.indirect_vreg.gather [hbm4b:s6+s3], $0x80, v2, vm0, $0xb8;
	[tilespmem:$0x6080] =	vst v63  }
0x16a: {  	_ = 	snop  }
0x16b: {  	[tilespmem:s24], [sflag:$0x2] =	stream.indirect_vreg.gather [hbm4b:s7+s3], $0x80, v2, vm0, $0xb8;
	[tilespmem:$0x6080] =	vst v63  }
0x16c: {  	_ = 	snop  }
0x16d: {  	[tilespmem:s25], [sflag:$0x2] =	stream.indirect_vreg.gather [hbm4b:s8+s3], $0x80, v2, vm0, $0xb8;
	[tilespmem:$0x6080] =	vst v63  }
0x16e: {  	s1 =	rddreg [dreg:$0x1b]  }
0x16f: {  	[hbm4b:s1+s3] =	stream.linear.scatter [tilespmem:s13], [sflag:$0x3], $0xC00, $0x38;
	[tilespmem:$0x6080] =	vst v63  }
0x170: {  	s9 =	rddreg [dreg:$0x1c]  }
0x171: {  	[hbm4b:s9+s3] =	stream.linear.scatter [tilespmem:s26], [sflag:$0x3], $0xC00, $0x38;
	[tilespmem:$0x6080] =	vst v63  }
0x172: {  	s1 =	rddreg [dreg:$0x1d]  }
0x173: {  	[hbm4b:s1+s3] =	stream.linear.scatter [tilespmem:s16], [sflag:$0x3], $0xC00, $0x38;
	[tilespmem:$0x6080] =	vst v63  }
0x174: {  	s9 =	rddreg [dreg:$0x1e]  }
0x175: {  	[hbm4b:s9+s3] =	stream.linear.scatter [tilespmem:s28], [sflag:$0x3], $0xC00, $0x38;
	[tilespmem:$0x6080] =	vst v63  }
0x176: {  	_ =	swait.ge [sflag:s29], $0x3000  }
0x177: {  	[sflag:s29] =	ssyncset.done $0x0  }
0x178: {  	[sflag:s29] =	ssyncadd.s32 $0xFFFFD000  }
0x179: {  	_ =	swait.ge [sflag:s30], $0xC00  }
0x17a: {  	[sflag:s30] =	ssyncset.done $0x0  }
0x17b: {  	[sflag:s30] =	ssyncadd.s32 $0xFFFFF400  }
0x17c: {  	_ =	swait.ge [sflag:s30], $0xC00  }
0x17d: {  	[sflag:s30] =	ssyncset.done $0x0  }
0x17e: {  	[sflag:s30] =	ssyncadd.s32 $0xFFFFF400  }
0x17f: {  	_ =	swait.ge [sflag:s30], $0xC00  }
0x180: {  	[sflag:s30] =	ssyncset.done $0x0  }
0x181: {  	[sflag:s30] =	ssyncadd.s32 $0xFFFFF400  }
0x182: {  	_ =	swait.ge [sflag:s30], $0xC00  }
0x183: {  	[sflag:s30] =	ssyncset.done $0x0  }
0x184: {  	[sflag:s30] =	ssyncadd.s32 $0xFFFFF400  }
0x185: {  	v2 =	vld.msk [tilespmem:$0x40], $0xff;
	_ =	sdelay $0x4  }
0x186: {  	v3 =	vshrl.u32 v2, $0x3  }
0x187: {  	v3 =	vmul.u32 $0x60, v3  }
0x188: {  	v2 =	vand.u32 $0x7, v2  }
0x189: {  	v2 =	vor.u32 v2, v3  }
0x18a: {  	v2 =	vperm.xlane v2, v0;
	_ =	sdelay $0x1  }
0x18b: {  	v2 =	vadd.s32 v1, v2;
	_ =	sdelay $0x4  }
0x18c: {  	[tilespmem:s13], [sflag:$0x1] =	stream.indirect_vreg.gather [hbm4b:s2+s3], $0x80, v2, vm0, $0xb8;
	[tilespmem:$0x6080] =	vst v63  }
0x18d: {  	_ = 	snop  }
0x18e: {  	[tilespmem:s14], [sflag:$0x1] =	stream.indirect_vreg.gather [hbm4b:s4+s3], $0x80, v2, vm0, $0xb8;
	[tilespmem:$0x6080] =	vst v63  }
0x18f: {  	_ = 	snop  }
0x190: {  	[tilespmem:s15], [sflag:$0x1] =	stream.indirect_vreg.gather [hbm4b:s5+s3], $0x80, v2, vm0, $0xb8;
	[tilespmem:$0x6080] =	vst v63  }
0x191: {  	_ = 	snop  }
0x192: {  	[tilespmem:s16], [sflag:$0x1] =	stream.indirect_vreg.gather [hbm4b:s6+s3], $0x80, v2, vm0, $0xb8;
	[tilespmem:$0x6080] =	vst v63  }
0x193: {  	_ = 	snop  }
0x194: {  	[tilespmem:s17], [sflag:$0x1] =	stream.indirect_vreg.gather [hbm4b:s7+s3], $0x80, v2, vm0, $0xb8;
	[tilespmem:$0x6080] =	vst v63  }
0x195: {  	s1 =	rddreg [dreg:$0x1f]  }
0x196: {  	[tilespmem:s18], [sflag:$0x1] =	stream.indirect_vreg.gather [hbm4b:s8+s3], $0x80, v2, vm0, $0xb8;
	[tilespmem:$0x6080] =	vst v63  }
0x197: {  	s9 =	sld [smem:$0x7E3]  }
0x198: {  	[hbm4b:s1+s3] =	stream.linear.scatter [tilespmem:s20], [sflag:$0x3], $0xC00, $0x38;
	[tilespmem:$0x6080] =	vst v63  }
0x199: {  	s1 =	sld [smem:$0x7E4]  }
0x19a: {  	[hbm4b:s9+s3] =	stream.linear.scatter [tilespmem:s31], [sflag:$0x3], $0xC00, $0x38;
	[tilespmem:$0x6080] =	vst v63  }
0x19b: {  	s9 =	sld [smem:$0x7E5]  }
0x19c: {  	[hbm4b:s1+s3] =	stream.linear.scatter [tilespmem:s23], [sflag:$0x3], $0xC00, $0x38;
	[tilespmem:$0x6080] =	vst v63  }
0x19d: {  	_ = 	snop  }
0x19e: {  	[hbm4b:s9+s3] =	stream.linear.scatter [tilespmem:s0], [sflag:$0x3], $0xC00, $0x38;
	[tilespmem:$0x6080] =	vst v63  }
0x19f: {  	_ =	swait.ge [sflag:s19], $0x3000  }
0x1a0: {  	[sflag:s19] =	ssyncset.done $0x0  }
0x1a1: {  	[sflag:s19] =	ssyncadd.s32 $0xFFFFD000  }
0x1a2: {  	_ =	swait.ge [sflag:s30], $0xC00  }
0x1a3: {  	[sflag:s30] =	ssyncset.done $0x0  }
0x1a4: {  	[sflag:s30] =	ssyncadd.s32 $0xFFFFF400  }
0x1a5: {  	_ =	swait.ge [sflag:s30], $0xC00  }
0x1a6: {  	[sflag:s30] =	ssyncset.done $0x0  }
0x1a7: {  	[sflag:s30] =	ssyncadd.s32 $0xFFFFF400  }
0x1a8: {  	_ =	swait.ge [sflag:s30], $0xC00  }
0x1a9: {  	[sflag:s30] =	ssyncset.done $0x0  }
0x1aa: {  	[sflag:s30] =	ssyncadd.s32 $0xFFFFF400  }
0x1ab: {  	_ =	swait.ge [sflag:s30], $0xC00  }
0x1ac: {  	[sflag:s30] =	ssyncset.done $0x0  }
0x1ad: {  	[sflag:s30] =	ssyncadd.s32 $0xFFFFF400  }
0x1ae: {  	v2 =	vld.msk [tilespmem:$0x48], $0xff;
	_ =	sdelay $0x4  }
0x1af: {  	v3 =	vshrl.u32 v2, $0x3  }
0x1b0: {  	v3 =	vmul.u32 $0x60, v3  }
0x1b1: {  	v2 =	vand.u32 $0x7, v2  }
0x1b2: {  	v2 =	vor.u32 v2, v3  }
0x1b3: {  	v2 =	vperm.xlane v2, v0;
	_ =	sdelay $0x1  }
0x1b4: {  	v2 =	vadd.s32 v1, v2;
	_ =	sdelay $0x4  }
0x1b5: {  	[tilespmem:s20], [sflag:$0x2] =	stream.indirect_vreg.gather [hbm4b:s2+s3], $0x80, v2, vm0, $0xb8;
	[tilespmem:$0x6080] =	vst v63  }
0x1b6: {  	_ = 	snop  }
0x1b7: {  	[tilespmem:s21], [sflag:$0x2] =	stream.indirect_vreg.gather [hbm4b:s4+s3], $0x80, v2, vm0, $0xb8;
	[tilespmem:$0x6080] =	vst v63  }
0x1b8: {  	_ = 	snop  }
0x1b9: {  	[tilespmem:s22], [sflag:$0x2] =	stream.indirect_vreg.gather [hbm4b:s5+s3], $0x80, v2, vm0, $0xb8;
	[tilespmem:$0x6080] =	vst v63  }
0x1ba: {  	_ = 	snop  }
0x1bb: {  	[tilespmem:s23], [sflag:$0x2] =	stream.indirect_vreg.gather [hbm4b:s6+s3], $0x80, v2, vm0, $0xb8;
	[tilespmem:$0x6080] =	vst v63  }
0x1bc: {  	_ = 	snop  }
0x1bd: {  	[tilespmem:s24], [sflag:$0x2] =	stream.indirect_vreg.gather [hbm4b:s7+s3], $0x80, v2, vm0, $0xb8;
	[tilespmem:$0x6080] =	vst v63  }
0x1be: {  	s1 =	sld [smem:$0x7E6]  }
0x1bf: {  	[tilespmem:s25], [sflag:$0x2] =	stream.indirect_vreg.gather [hbm4b:s8+s3], $0x80, v2, vm0, $0xb8;
	[tilespmem:$0x6080] =	vst v63  }
0x1c0: {  	s9 =	sld [smem:$0x7E7]  }
0x1c1: {  	[hbm4b:s1+s3] =	stream.linear.scatter [tilespmem:s13], [sflag:$0x3], $0xC00, $0x38;
	[tilespmem:$0x6080] =	vst v63  }
0x1c2: {  	s1 =	sld [smem:$0x7E8]  }
0x1c3: {  	[hbm4b:s9+s3] =	stream.linear.scatter [tilespmem:s26], [sflag:$0x3], $0xC00, $0x38;
	[tilespmem:$0x6080] =	vst v63  }
0x1c4: {  	s9 =	sld [smem:$0x7E9]  }
0x1c5: {  	[hbm4b:s1+s3] =	stream.linear.scatter [tilespmem:s16], [sflag:$0x3], $0xC00, $0x38;
	[tilespmem:$0x6080] =	vst v63  }
0x1c6: {  	_ = 	snop  }
0x1c7: {  	[hbm4b:s9+s3] =	stream.linear.scatter [tilespmem:s28], [sflag:$0x3], $0xC00, $0x38;
	[tilespmem:$0x6080] =	vst v63  }
0x1c8: {  	_ =	swait.ge [sflag:s29], $0x3000  }
0x1c9: {  	[sflag:s29] =	ssyncset.done $0x0  }
0x1ca: {  	[sflag:s29] =	ssyncadd.s32 $0xFFFFD000  }
0x1cb: {  	_ =	swait.ge [sflag:s30], $0xC00  }
0x1cc: {  	[sflag:s30] =	ssyncset.done $0x0  }
0x1cd: {  	[sflag:s30] =	ssyncadd.s32 $0xFFFFF400  }
0x1ce: {  	_ =	swait.ge [sflag:s30], $0xC00  }
0x1cf: {  	[sflag:s30] =	ssyncset.done $0x0  }
0x1d0: {  	[sflag:s30] =	ssyncadd.s32 $0xFFFFF400  }
0x1d1: {  	_ =	swait.ge [sflag:s30], $0xC00  }
0x1d2: {  	[sflag:s30] =	ssyncset.done $0x0  }
0x1d3: {  	[sflag:s30] =	ssyncadd.s32 $0xFFFFF400  }
0x1d4: {  	_ =	swait.ge [sflag:s30], $0xC00  }
0x1d5: {  	[sflag:s30] =	ssyncset.done $0x0  }
0x1d6: {  	[sflag:s30] =	ssyncadd.s32 $0xFFFFF400  }
0x1d7: {  	v2 =	vld.msk [tilespmem:$0x50], $0xff;
	_ =	sdelay $0x4  }
0x1d8: {  	v3 =	vshrl.u32 v2, $0x3  }
0x1d9: {  	v3 =	vmul.u32 $0x60, v3  }
0x1da: {  	v2 =	vand.u32 $0x7, v2  }
0x1db: {  	v2 =	vor.u32 v2, v3  }
0x1dc: {  	v2 =	vperm.xlane v2, v0;
	_ =	sdelay $0x1  }
0x1dd: {  	v2 =	vadd.s32 v1, v2;
	_ =	sdelay $0x4  }
0x1de: {  	[tilespmem:s13], [sflag:$0x1] =	stream.indirect_vreg.gather [hbm4b:s2+s3], $0x80, v2, vm0, $0xb8;
	[tilespmem:$0x6080] =	vst v63  }
0x1df: {  	_ = 	snop  }
0x1e0: {  	[tilespmem:s14], [sflag:$0x1] =	stream.indirect_vreg.gather [hbm4b:s4+s3], $0x80, v2, vm0, $0xb8;
	[tilespmem:$0x6080] =	vst v63  }
0x1e1: {  	_ = 	snop  }
0x1e2: {  	[tilespmem:s15], [sflag:$0x1] =	stream.indirect_vreg.gather [hbm4b:s5+s3], $0x80, v2, vm0, $0xb8;
	[tilespmem:$0x6080] =	vst v63  }
0x1e3: {  	_ = 	snop  }
0x1e4: {  	[tilespmem:s16], [sflag:$0x1] =	stream.indirect_vreg.gather [hbm4b:s6+s3], $0x80, v2, vm0, $0xb8;
	[tilespmem:$0x6080] =	vst v63  }
0x1e5: {  	_ = 	snop  }
0x1e6: {  	[tilespmem:s17], [sflag:$0x1] =	stream.indirect_vreg.gather [hbm4b:s7+s3], $0x80, v2, vm0, $0xb8;
	[tilespmem:$0x6080] =	vst v63  }
0x1e7: {  	s1 =	sld [smem:$0x7EA]  }
0x1e8: {  	[tilespmem:s18], [sflag:$0x1] =	stream.indirect_vreg.gather [hbm4b:s8+s3], $0x80, v2, vm0, $0xb8;
	[tilespmem:$0x6080] =	vst v63  }
0x1e9: {  	s9 =	sld [smem:$0x7EB]  }
0x1ea: {  	[hbm4b:s1+s3] =	stream.linear.scatter [tilespmem:s20], [sflag:$0x3], $0xC00, $0x38;
	[tilespmem:$0x6080] =	vst v63  }
0x1eb: {  	s1 =	sld [smem:$0x7EC]  }
0x1ec: {  	[hbm4b:s9+s3] =	stream.linear.scatter [tilespmem:s31], [sflag:$0x3], $0xC00, $0x38;
	[tilespmem:$0x6080] =	vst v63  }
0x1ed: {  	s9 =	sld [smem:$0x7ED]  }
0x1ee: {  	[hbm4b:s1+s3] =	stream.linear.scatter [tilespmem:s23], [sflag:$0x3], $0xC00, $0x38;
	[tilespmem:$0x6080] =	vst v63  }
0x1ef: {  	_ = 	snop  }
0x1f0: {  	[hbm4b:s9+s3] =	stream.linear.scatter [tilespmem:s0], [sflag:$0x3], $0xC00, $0x38;
	[tilespmem:$0x6080] =	vst v63  }
0x1f1: {  	_ =	swait.ge [sflag:s19], $0x3000  }
0x1f2: {  	[sflag:s19] =	ssyncset.done $0x0  }
0x1f3: {  	[sflag:s19] =	ssyncadd.s32 $0xFFFFD000  }
0x1f4: {  	_ =	swait.ge [sflag:s30], $0xC00  }
0x1f5: {  	[sflag:s30] =	ssyncset.done $0x0  }
0x1f6: {  	[sflag:s30] =	ssyncadd.s32 $0xFFFFF400  }
0x1f7: {  	_ =	swait.ge [sflag:s30], $0xC00  }
0x1f8: {  	[sflag:s30] =	ssyncset.done $0x0  }
0x1f9: {  	[sflag:s30] =	ssyncadd.s32 $0xFFFFF400  }
0x1fa: {  	_ =	swait.ge [sflag:s30], $0xC00  }
0x1fb: {  	[sflag:s30] =	ssyncset.done $0x0  }
0x1fc: {  	[sflag:s30] =	ssyncadd.s32 $0xFFFFF400  }
0x1fd: {  	_ =	swait.ge [sflag:s30], $0xC00  }
0x1fe: {  	[sflag:s30] =	ssyncset.done $0x0  }
0x1ff: {  	[sflag:s30] =	ssyncadd.s32 $0xFFFFF400  }
0x200: {  	v2 =	vld.msk [tilespmem:$0x58], $0xff;
	_ =	sdelay $0x4  }
0x201: {  	v3 =	vshrl.u32 v2, $0x3  }
0x202: {  	v3 =	vmul.u32 $0x60, v3  }
0x203: {  	v2 =	vand.u32 $0x7, v2  }
0x204: {  	v2 =	vor.u32 v2, v3  }
0x205: {  	v2 =	vperm.xlane v2, v0;
	_ =	sdelay $0x1  }
0x206: {  	v2 =	vadd.s32 v1, v2;
	_ =	sdelay $0x4  }
0x207: {  	[tilespmem:s20], [sflag:$0x2] =	stream.indirect_vreg.gather [hbm4b:s2+s3], $0x80, v2, vm0, $0xb8;
	[tilespmem:$0x6080] =	vst v63  }
0x208: {  	_ = 	snop  }
0x209: {  	[tilespmem:s21], [sflag:$0x2] =	stream.indirect_vreg.gather [hbm4b:s4+s3], $0x80, v2, vm0, $0xb8;
	[tilespmem:$0x6080] =	vst v63  }
0x20a: {  	_ = 	snop  }
0x20b: {  	[tilespmem:s22], [sflag:$0x2] =	stream.indirect_vreg.gather [hbm4b:s5+s3], $0x80, v2, vm0, $0xb8;
	[tilespmem:$0x6080] =	vst v63  }
0x20c: {  	_ = 	snop  }
0x20d: {  	[tilespmem:s23], [sflag:$0x2] =	stream.indirect_vreg.gather [hbm4b:s6+s3], $0x80, v2, vm0, $0xb8;
	[tilespmem:$0x6080] =	vst v63  }
0x20e: {  	_ = 	snop  }
0x20f: {  	[tilespmem:s24], [sflag:$0x2] =	stream.indirect_vreg.gather [hbm4b:s7+s3], $0x80, v2, vm0, $0xb8;
	[tilespmem:$0x6080] =	vst v63  }
0x210: {  	s1 =	sld [smem:$0x7EE]  }
0x211: {  	[tilespmem:s25], [sflag:$0x2] =	stream.indirect_vreg.gather [hbm4b:s8+s3], $0x80, v2, vm0, $0xb8;
	[tilespmem:$0x6080] =	vst v63  }
0x212: {  	s9 =	sld [smem:$0x7EF]  }
0x213: {  	[hbm4b:s1+s3] =	stream.linear.scatter [tilespmem:s13], [sflag:$0x3], $0xC00, $0x38;
	[tilespmem:$0x6080] =	vst v63  }
0x214: {  	s1 =	sld [smem:$0x7F0]  }
0x215: {  	[hbm4b:s9+s3] =	stream.linear.scatter [tilespmem:s26], [sflag:$0x3], $0xC00, $0x38;
	[tilespmem:$0x6080] =	vst v63  }
0x216: {  	s9 =	sld [smem:$0x7F1]  }
0x217: {  	[hbm4b:s1+s3] =	stream.linear.scatter [tilespmem:s16], [sflag:$0x3], $0xC00, $0x38;
	[tilespmem:$0x6080] =	vst v63  }
0x218: {  	_ = 	snop  }
0x219: {  	[hbm4b:s9+s3] =	stream.linear.scatter [tilespmem:s28], [sflag:$0x3], $0xC00, $0x38;
	[tilespmem:$0x6080] =	vst v63  }
0x21a: {  	_ =	swait.ge [sflag:s29], $0x3000  }
0x21b: {  	[sflag:s29] =	ssyncset.done $0x0  }
0x21c: {  	[sflag:s29] =	ssyncadd.s32 $0xFFFFD000  }
0x21d: {  	_ =	swait.ge [sflag:s30], $0xC00  }
0x21e: {  	[sflag:s30] =	ssyncset.done $0x0  }
0x21f: {  	[sflag:s30] =	ssyncadd.s32 $0xFFFFF400  }
0x220: {  	_ =	swait.ge [sflag:s30], $0xC00  }
0x221: {  	[sflag:s30] =	ssyncset.done $0x0  }
0x222: {  	[sflag:s30] =	ssyncadd.s32 $0xFFFFF400  }
0x223: {  	_ =	swait.ge [sflag:s30], $0xC00  }
0x224: {  	[sflag:s30] =	ssyncset.done $0x0  }
0x225: {  	[sflag:s30] =	ssyncadd.s32 $0xFFFFF400  }
0x226: {  	_ =	swait.ge [sflag:s30], $0xC00  }
0x227: {  	[sflag:s30] =	ssyncset.done $0x0  }
0x228: {  	[sflag:s30] =	ssyncadd.s32 $0xFFFFF400  }
0x229: {  	v2 =	vld.msk [tilespmem:$0x60], $0xff;
	_ =	sdelay $0x4  }
0x22a: {  	v3 =	vshrl.u32 v2, $0x3  }
0x22b: {  	v3 =	vmul.u32 $0x60, v3  }
0x22c: {  	v2 =	vand.u32 $0x7, v2  }
0x22d: {  	v2 =	vor.u32 v2, v3  }
0x22e: {  	v2 =	vperm.xlane v2, v0;
	_ =	sdelay $0x1  }
0x22f: {  	v2 =	vadd.s32 v1, v2;
	_ =	sdelay $0x4  }
0x230: {  	[tilespmem:s13], [sflag:$0x1] =	stream.indirect_vreg.gather [hbm4b:s2+s3], $0x80, v2, vm0, $0xb8;
	[tilespmem:$0x6080] =	vst v63  }
0x231: {  	_ = 	snop  }
0x232: {  	[tilespmem:s14], [sflag:$0x1] =	stream.indirect_vreg.gather [hbm4b:s4+s3], $0x80, v2, vm0, $0xb8;
	[tilespmem:$0x6080] =	vst v63  }
0x233: {  	_ = 	snop  }
0x234: {  	[tilespmem:s15], [sflag:$0x1] =	stream.indirect_vreg.gather [hbm4b:s5+s3], $0x80, v2, vm0, $0xb8;
	[tilespmem:$0x6080] =	vst v63  }
0x235: {  	_ = 	snop  }
0x236: {  	[tilespmem:s16], [sflag:$0x1] =	stream.indirect_vreg.gather [hbm4b:s6+s3], $0x80, v2, vm0, $0xb8;
	[tilespmem:$0x6080] =	vst v63  }
0x237: {  	_ = 	snop  }
0x238: {  	[tilespmem:s17], [sflag:$0x1] =	stream.indirect_vreg.gather [hbm4b:s7+s3], $0x80, v2, vm0, $0xb8;
	[tilespmem:$0x6080] =	vst v63  }
0x239: {  	s1 =	sld [smem:$0x7F2]  }
0x23a: {  	[tilespmem:s18], [sflag:$0x1] =	stream.indirect_vreg.gather [hbm4b:s8+s3], $0x80, v2, vm0, $0xb8;
	[tilespmem:$0x6080] =	vst v63  }
0x23b: {  	s9 =	sld [smem:$0x7F3]  }
0x23c: {  	[hbm4b:s1+s3] =	stream.linear.scatter [tilespmem:s20], [sflag:$0x3], $0xC00, $0x38;
	[tilespmem:$0x6080] =	vst v63  }
0x23d: {  	s1 =	sld [smem:$0x7F4]  }
0x23e: {  	[hbm4b:s9+s3] =	stream.linear.scatter [tilespmem:s31], [sflag:$0x3], $0xC00, $0x38;
	[tilespmem:$0x6080] =	vst v63  }
0x23f: {  	s9 =	sld [smem:$0x7F5]  }
0x240: {  	[hbm4b:s1+s3] =	stream.linear.scatter [tilespmem:s23], [sflag:$0x3], $0xC00, $0x38;
	[tilespmem:$0x6080] =	vst v63  }
0x241: {  	_ = 	snop  }
0x242: {  	[hbm4b:s9+s3] =	stream.linear.scatter [tilespmem:s0], [sflag:$0x3], $0xC00, $0x38;
	[tilespmem:$0x6080] =	vst v63  }
0x243: {  	_ =	swait.ge [sflag:s19], $0x3000  }
0x244: {  	[sflag:s19] =	ssyncset.done $0x0  }
0x245: {  	[sflag:s19] =	ssyncadd.s32 $0xFFFFD000  }
0x246: {  	_ =	swait.ge [sflag:s30], $0xC00  }
0x247: {  	[sflag:s30] =	ssyncset.done $0x0  }
0x248: {  	[sflag:s30] =	ssyncadd.s32 $0xFFFFF400  }
0x249: {  	_ =	swait.ge [sflag:s30], $0xC00  }
0x24a: {  	[sflag:s30] =	ssyncset.done $0x0  }
0x24b: {  	[sflag:s30] =	ssyncadd.s32 $0xFFFFF400  }
0x24c: {  	_ =	swait.ge [sflag:s30], $0xC00  }
0x24d: {  	[sflag:s30] =	ssyncset.done $0x0  }
0x24e: {  	[sflag:s30] =	ssyncadd.s32 $0xFFFFF400  }
0x24f: {  	_ =	swait.ge [sflag:s30], $0xC00  }
0x250: {  	[sflag:s30] =	ssyncset.done $0x0  }
0x251: {  	[sflag:s30] =	ssyncadd.s32 $0xFFFFF400  }
0x252: {  	v2 =	vld.msk [tilespmem:$0x68], $0xff;
	_ =	sdelay $0x4  }
0x253: {  	v3 =	vshrl.u32 v2, $0x3  }
0x254: {  	v3 =	vmul.u32 $0x60, v3  }
0x255: {  	v2 =	vand.u32 $0x7, v2  }
0x256: {  	v2 =	vor.u32 v2, v3  }
0x257: {  	v2 =	vperm.xlane v2, v0;
	_ =	sdelay $0x1  }
0x258: {  	v2 =	vadd.s32 v1, v2;
	_ =	sdelay $0x4  }
0x259: {  	[tilespmem:s20], [sflag:$0x2] =	stream.indirect_vreg.gather [hbm4b:s2+s3], $0x80, v2, vm0, $0xb8;
	[tilespmem:$0x6080] =	vst v63  }
0x25a: {  	_ = 	snop  }
0x25b: {  	[tilespmem:s21], [sflag:$0x2] =	stream.indirect_vreg.gather [hbm4b:s4+s3], $0x80, v2, vm0, $0xb8;
	[tilespmem:$0x6080] =	vst v63  }
0x25c: {  	_ = 	snop  }
0x25d: {  	[tilespmem:s22], [sflag:$0x2] =	stream.indirect_vreg.gather [hbm4b:s5+s3], $0x80, v2, vm0, $0xb8;
	[tilespmem:$0x6080] =	vst v63  }
0x25e: {  	_ = 	snop  }
0x25f: {  	[tilespmem:s23], [sflag:$0x2] =	stream.indirect_vreg.gather [hbm4b:s6+s3], $0x80, v2, vm0, $0xb8;
	[tilespmem:$0x6080] =	vst v63  }
0x260: {  	_ = 	snop  }
0x261: {  	[tilespmem:s24], [sflag:$0x2] =	stream.indirect_vreg.gather [hbm4b:s7+s3], $0x80, v2, vm0, $0xb8;
	[tilespmem:$0x6080] =	vst v63  }
0x262: {  	s1 =	sld [smem:$0x7F6]  }
0x263: {  	[tilespmem:s25], [sflag:$0x2] =	stream.indirect_vreg.gather [hbm4b:s8+s3], $0x80, v2, vm0, $0xb8;
	[tilespmem:$0x6080] =	vst v63  }
0x264: {  	s9 =	sld [smem:$0x7F7]  }
0x265: {  	[hbm4b:s1+s3] =	stream.linear.scatter [tilespmem:s13], [sflag:$0x3], $0xC00, $0x38;
	[tilespmem:$0x6080] =	vst v63  }
0x266: {  	s1 =	sld [smem:$0x7F8]  }
0x267: {  	[hbm4b:s9+s3] =	stream.linear.scatter [tilespmem:s26], [sflag:$0x3], $0xC00, $0x38;
	[tilespmem:$0x6080] =	vst v63  }
0x268: {  	s9 =	sld [smem:$0x7F9]  }
0x269: {  	[hbm4b:s1+s3] =	stream.linear.scatter [tilespmem:s16], [sflag:$0x3], $0xC00, $0x38;
	[tilespmem:$0x6080] =	vst v63  }
0x26a: {  	_ = 	snop  }
0x26b: {  	[hbm4b:s9+s3] =	stream.linear.scatter [tilespmem:s28], [sflag:$0x3], $0xC00, $0x38;
	[tilespmem:$0x6080] =	vst v63  }
0x26c: {  	_ =	swait.ge [sflag:s29], $0x3000  }
0x26d: {  	s1 =	sld [smem:$0x7FA]  }
0x26e: {  	[sflag:s29] =	ssyncset.done $0x0  }
0x26f: {  	s9 =	sld [smem:$0x7FB];
	[sflag:s29] =	ssyncadd.s32 $0xFFFFD000  }
0x270: {  	[hbm4b:s1+s3] =	stream.linear.scatter [tilespmem:s20], [sflag:$0x3], $0xC00, $0x38;
	[tilespmem:$0x6080] =	vst v63  }
0x271: {  	s1 =	sld [smem:$0x7FC]  }
0x272: {  	[hbm4b:s9+s3] =	stream.linear.scatter [tilespmem:s31], [sflag:$0x3], $0xC00, $0x38;
	[tilespmem:$0x6080] =	vst v63  }
0x273: {  	s9 =	sld [smem:$0x7FD]  }
0x274: {  	[hbm4b:s1+s3] =	stream.linear.scatter [tilespmem:s23], [sflag:$0x3], $0xC00, $0x38;
	[tilespmem:$0x6080] =	vst v63  }
0x275: {  	_ = 	snop  }
0x276: {  	[hbm4b:s9+s3] =	stream.linear.scatter [tilespmem:s0], [sflag:$0x3], $0xC00, $0x38;
	[tilespmem:$0x6080] =	vst v63  }
0x277: {  	_ =	swait.ge [sflag:s30], $0xC00  }
0x278: {  	[sflag:s30] =	ssyncset.done $0x0  }
0x279: {  	[sflag:s30] =	ssyncadd.s32 $0xFFFFF400  }
0x27a: {  	_ =	swait.ge [sflag:s30], $0xC00  }
0x27b: {  	[sflag:s30] =	ssyncset.done $0x0  }
0x27c: {  	[sflag:s30] =	ssyncadd.s32 $0xFFFFF400  }
0x27d: {  	_ =	swait.ge [sflag:s30], $0xC00  }
0x27e: {  	[sflag:s30] =	ssyncset.done $0x0  }
0x27f: {  	[sflag:s30] =	ssyncadd.s32 $0xFFFFF400  }
0x280: {  	_ =	swait.ge [sflag:s30], $0xC00  }
0x281: {  	[sflag:s30] =	ssyncset.done $0x0  }
0x282: {  	[sflag:s30] =	ssyncadd.s32 $0xFFFFF400  }
0x283: {  	_ =	swait.ge [sflag:s30], $0xC00  }
0x284: {  	[sflag:s30] =	ssyncset.done $0x0  }
0x285: {  	[sflag:s30] =	ssyncadd.s32 $0xFFFFF400  }
0x286: {  	_ =	swait.ge [sflag:s30], $0xC00  }
0x287: {  	[sflag:s30] =	ssyncset.done $0x0  }
0x288: {  	[sflag:s30] =	ssyncadd.s32 $0xFFFFF400  }
0x289: {  	p0 =	sne.s32 s11, $0x1;
	_ =	swait.ge [sflag:s30], $0xC00  }
.Ltmp1:
0x28a: {  	[sflag:s30] =	ssyncset.done $0x0;
	(pc) =	sbr.rel @p0 .LBB2_2-.Ltmp1, $4  }
0x28b: {  	[sflag:s30] =	ssyncadd.s32 $0xFFFFF400  }
0x28c: {  	_ =	swait.ge [sflag:s30], $0xC00  }
0x28d: {  	[sflag:s30] =	ssyncset.done $0x0  }
0x28e: {  	s11 =	sadd.s32 $0xFFFFFFFF, s11;
	[sflag:s30] =	ssyncadd.s32 $0xFFFFF400  }
.LBB2_3:
0x28f: {  	_ =	sfence.sel $0x180000  }
0x290: {  	[bflag:$0x0] =	sbarrier.arrive $0xFFFF  }
0x291: {  	_ =	strace $0x90000047  }
0x292: {  	s0 =	stileid.u32;
	[bflag:$0x2] =	sbarrier.arrive $0xFFFF  }
0x293: {  	p0 =	sne.s32 s0, $0x0;
	s0 =	rddreg [dreg:$0x2]  }
0x294: {  	s0 =	sadd.s32 @!p0 $0x100000, s0  }
0x295: {  	[sflag:s0] =	ssyncadd.tile.s32 @!p0 $0x1;
	_ =	shalt  }
.Lfunc_end2:
_tile_overlayer_lowered:
.L_overlay_start_2:
0x296: {  	(tag) =	ssettag $0x2  }
0x297: {  	s0 =	rddreg [dreg:$0x0];
	s2 =	stileid.u32  }
0x298: {  	s1 =	rddreg [dreg:$0x1];
	p0 =	sne.s32 s2, $0x0  }
0x299: {  	s3 =	rddreg [dreg:$0x2];
	[bflag:$0x3] =	sbarrier.arrive $0xFFFF;
	s2 =	simm.s32 @!p0 $0x1C04  }
0x29a: {  	[timem:s3], [sflag:s2] =	dma.local @!p0 [hbm:s0], s1  }
0x29b: {  	s0 =	simm.s32 @!p0 $0x4  }
0x29c: {  	_ =	swait.ge @!p0 [sflag:s0], s1  }
0x29d: {  	s1 =	ssub.s32 @!p0 $0x0, s1;
	[sflag:s0] =	ssyncset.done @!p0 $0x0  }
0x29e: {  	[sflag:s0] =	ssyncadd.s32 @!p0 s1  }
0x29f: {  	[bflag:$0x3] =	sbarrier.arrive $0xFFFF  }
0x2a0: {  	_ =	shalt  }

</sc_bundles>
